<compile_context>
chip_gen: v7x
topology: tpu7x:2x2x1
jax: 0.10.2.dev20260603
libtpu: 0.0.44.dev20260713+nightly
codegen_flags: <defaults>
</compile_context>

<pallas_src>
import functools

import jax
import jax.numpy as jnp
from jax import lax
from jax.experimental import pallas as pl
from jax.experimental.pallas import tpu as pltpu
from jax.experimental.pallas import tpu_sc as plsc

N = 10000
IN_C = 128
HID_C = 256
OUT_C = 128
E = 320000

NC = 2
NS = 16
NW = NC * NS
WIN = 64
STEPS = 160
EPT = WIN * STEPS
E_PAD = EPT * NW
N_PAD = 10240
DEG_W = 16
NBUF = 4


DEG_PACK = N_PAD * DEG_W // IN_C


@functools.cache
def _make_sc_degree():
    mesh = plsc.VectorSubcoreMesh(
        core_axis_name="core", subcore_axis_name="subcore")
    return pl.kernel(
        _sc_degree_body,
        out_type=jax.ShapeDtypeStruct((NC, DEG_PACK, IN_C), jnp.float32),
        mesh=mesh,
        scratch_types=[
            pltpu.VMEM_SHARED((N_PAD, DEG_W), jnp.float32),
            pltpu.VMEM((STEPS, WIN), jnp.int32),
            pltpu.VMEM((WIN, DEG_W), jnp.float32),
            pltpu.VMEM((N_PAD // NS, DEG_W), jnp.float32),
            pltpu.VMEM((DEG_PACK // NS, IN_C), jnp.float32),
        ],
    )


def _sc_degree_body(dst_hbm, out_hbm, acc, didx, ones, rbuf, stag):
    cid = lax.axis_index("core")
    sid = lax.axis_index("subcore")
    wid = cid * NS + sid
    rpt = N_PAD // NS
    r0 = sid * rpt
    pack = DEG_W // 16
    per = IN_C // DEG_W

    one_v = jnp.full((16,), 1.0, jnp.float32)
    zero_v = jnp.zeros((16,), jnp.float32)

    @pl.loop(0, WIN)
    def _(i):
        for c in range(pack):
            ones[i, pl.ds(c * 16, 16)] = one_v

    @pl.loop(0, rpt)
    def _(i):
        for c in range(pack):
            rbuf[i, pl.ds(c * 16, 16)] = zero_v

    pltpu.sync_copy(rbuf, acc.at[pl.ds(r0, rpt)])
    pltpu.sync_copy(dst_hbm.at[wid], didx)
    plsc.subcore_barrier()

    @pl.loop(0, STEPS)
    def _(t):
        pltpu.sync_copy(ones, acc.at[didx.at[t]], add=True)

    plsc.subcore_barrier()
    pltpu.sync_copy(acc.at[pl.ds(r0, rpt)], rbuf)

    @pl.loop(0, rpt // per)
    def _(r):
        for c in range(per):
            for k in range(pack):
                stag[r, pl.ds(c * DEG_W + k * 16, 16)] = (
                    rbuf[r * per + c, pl.ds(k * 16, 16)])

    pltpu.sync_copy(stag, out_hbm.at[cid, pl.ds(sid * (DEG_PACK // NS),
                                                DEG_PACK // NS)])


AGG_K = 4
CHUNKS = 4
CSTEPS = STEPS // CHUNKS


@functools.cache
def _make_sc_aggregate():
    mesh = plsc.VectorSubcoreMesh(
        core_axis_name="core", subcore_axis_name="subcore")
    return pl.kernel(
        _sc_aggregate_body,
        out_type=jax.ShapeDtypeStruct((NC, N_PAD, IN_C), jnp.float32),
        mesh=mesh,
        scratch_types=[
            pltpu.VMEM_SHARED((N_PAD, IN_C), jnp.float32),
            pltpu.VMEM((CSTEPS, 2, WIN), jnp.int32),
            pltpu.VMEM((AGG_K, WIN, IN_C), jnp.float32),
            pltpu.SemaphoreType.DMA((AGG_K,)),
        ],
    )


def _sc_aggregate_body(ed_hbm, g_hbm, z_hbm, out_hbm, acc, ebuf, rows, gsem):
    cid = lax.axis_index("core")
    sid = lax.axis_index("subcore")
    wid = cid * NS + sid
    rpt = N_PAD // NS
    r0 = sid * rpt
    pltpu.sync_copy(z_hbm.at[pl.ds(r0, rpt)], acc.at[pl.ds(r0, rpt)])
    plsc.subcore_barrier()

    for c in range(CHUNKS):
        pltpu.sync_copy(ed_hbm.at[wid, c], ebuf)

        @pl.loop(0, CSTEPS, step=AGG_K)
        def _(t0):
            for b in range(AGG_K):
                pltpu.async_copy(
                    g_hbm.at[ebuf.at[t0 + b, 0]], rows.at[b], gsem.at[b])
            for b in range(AGG_K):
                pltpu.make_async_copy(
                    g_hbm.at[ebuf.at[t0 + b, 0]], rows.at[b],
                    gsem.at[b]).wait()
            for b in range(AGG_K):
                pltpu.sync_copy(rows.at[b], acc.at[ebuf.at[t0 + b, 1]],
                                add=True)

    plsc.subcore_barrier()
    pltpu.sync_copy(acc.at[pl.ds(r0, rpt)], out_hbm.at[cid, pl.ds(r0, rpt)])



_BLK = 1000
_GRID = N // _BLK


def _dot(a, b):
    return jnp.dot(a, b, preferred_element_type=jnp.float32)


def _tc_pre_body(degp_ref, x_ref, fW1_ref, fb1_ref, fW2_ref, fb2_ref,
                 dinv_ref, g1_ref, x1_ref, y2_ref):
    deg = degp_ref[0, :, 0:1] + degp_ref[1, :, 0:1] + 1.0
    dinv_b = jnp.broadcast_to(lax.rsqrt(deg), (_BLK, IN_C))
    dinv_ref[...] = dinv_b
    x = x_ref[...]
    g1_ref[...] = x * dinv_b
    x1 = jnp.maximum(_dot(x, fW1_ref[...]) + fb1_ref[...], 0.0)
    x1_ref[...] = x1
    y2_ref[...] = _dot(x1, fW2_ref[...]) + fb2_ref[...]


def _tc_pre(degp, x, fW1, fb1, fW2, fb2):
    return pl.pallas_call(
        _tc_pre_body,
        grid=(_GRID,),
        in_specs=[
            pl.BlockSpec((NC, _BLK, DEG_W), lambda i: (0, i, 0)),
            pl.BlockSpec((_BLK, IN_C), lambda i: (i, 0)),
            pl.BlockSpec((IN_C, HID_C), lambda i: (0, 0)),
            pl.BlockSpec((1, HID_C), lambda i: (0, 0)),
            pl.BlockSpec((HID_C, OUT_C), lambda i: (0, 0)),
            pl.BlockSpec((1, OUT_C), lambda i: (0, 0)),
        ],
        out_specs=[
            pl.BlockSpec((_BLK, IN_C), lambda i: (i, 0)),
            pl.BlockSpec((_BLK, IN_C), lambda i: (i, 0)),
            pl.BlockSpec((_BLK, HID_C), lambda i: (i, 0)),
            pl.BlockSpec((_BLK, OUT_C), lambda i: (i, 0)),
        ],
        out_shape=[
            jax.ShapeDtypeStruct((N, IN_C), jnp.float32),
            jax.ShapeDtypeStruct((N, IN_C), jnp.float32),
            jax.ShapeDtypeStruct((N, HID_C), jnp.float32),
            jax.ShapeDtypeStruct((N, OUT_C), jnp.float32),
        ],
    )(degp, x, fW1, fb1, fW2, fb2)


def _tc_mid_body(s1p_ref, g1_ref, dinv_ref, x1_ref, W1_ref, b1_ref, W2_ref,
                 beta1_ref, g2_ref):
    dinv_b = dinv_ref[...]
    s1 = (s1p_ref[0] + s1p_ref[1] + g1_ref[...]) * dinv_b
    h = jnp.maximum(_dot(s1, W1_ref[...]) + b1_ref[...], 0.0)
    beta1 = beta1_ref[0, 0]
    h = beta1 * h + (1.0 - beta1) * x1_ref[...]
    g2_ref[...] = _dot(h, W2_ref[...]) * dinv_b


def _tc_mid(s1p, g1, dinv_b, x1, W1, b1, W2, beta1):
    return pl.pallas_call(
        _tc_mid_body,
        grid=(_GRID,),
        in_specs=[
            pl.BlockSpec((NC, _BLK, IN_C), lambda i: (0, i, 0)),
            pl.BlockSpec((_BLK, IN_C), lambda i: (i, 0)),
            pl.BlockSpec((_BLK, IN_C), lambda i: (i, 0)),
            pl.BlockSpec((_BLK, HID_C), lambda i: (i, 0)),
            pl.BlockSpec((IN_C, HID_C), lambda i: (0, 0)),
            pl.BlockSpec((1, HID_C), lambda i: (0, 0)),
            pl.BlockSpec((HID_C, OUT_C), lambda i: (0, 0)),
            pl.BlockSpec((1, 1), lambda i: (0, 0)),
        ],
        out_specs=pl.BlockSpec((_BLK, OUT_C), lambda i: (i, 0)),
        out_shape=jax.ShapeDtypeStruct((N, OUT_C), jnp.float32),
    )(s1p, g1, dinv_b, x1, W1, b1, W2, beta1)


def _tc_post_body(s2p_ref, g2_ref, dinv_ref, y2_ref, b2_ref, beta2_ref,
                  out_ref):
    dinv_b = dinv_ref[...]
    h2 = (s2p_ref[0] + s2p_ref[1] + g2_ref[...]) * dinv_b + b2_ref[...]
    beta2 = beta2_ref[0, 0]
    o = beta2 * h2 + (1.0 - beta2) * y2_ref[...]
    m = jnp.max(o, axis=1, keepdims=True)
    z = o - m
    lse = jnp.log(jnp.sum(jnp.exp(z), axis=1, keepdims=True))
    out_ref[...] = z - lse


def _tc_post(s2p, g2, dinv_b, y2, b2, beta2):
    return pl.pallas_call(
        _tc_post_body,
        grid=(_GRID,),
        in_specs=[
            pl.BlockSpec((NC, _BLK, OUT_C), lambda i: (0, i, 0)),
            pl.BlockSpec((_BLK, OUT_C), lambda i: (i, 0)),
            pl.BlockSpec((_BLK, IN_C), lambda i: (i, 0)),
            pl.BlockSpec((_BLK, OUT_C), lambda i: (i, 0)),
            pl.BlockSpec((1, OUT_C), lambda i: (0, 0)),
            pl.BlockSpec((1, 1), lambda i: (0, 0)),
        ],
        out_specs=pl.BlockSpec((_BLK, OUT_C), lambda i: (i, 0)),
        out_shape=jax.ShapeDtypeStruct((N, OUT_C), jnp.float32),
    )(s2p, g2, dinv_b, y2, b2, beta2)



def kernel(x, W1, b1, W2, b2, fW1, fb1, fW2, fb2, beta1, beta2, edge_index):
    src = edge_index[0]
    dst = edge_index[1]
    npad = E_PAD - E
    pad_i = jnp.arange(npad, dtype=jnp.int32)
    src_p = jnp.concatenate([src, pad_i % N]).reshape(NW, STEPS, 1, WIN)
    dst_p = jnp.concatenate([dst, N + pad_i % (N_PAD - N)]).reshape(
        NW, STEPS, 1, WIN)
    ed = jnp.concatenate([src_p, dst_p], axis=2).reshape(
        NW, CHUNKS, CSTEPS, 2, WIN)
    dst_w = dst_p.reshape(NW, STEPS, WIN)

    zeros_row = jnp.zeros((N_PAD, IN_C), jnp.float32)

    degp = _make_sc_degree()(dst_w).reshape(NC, N_PAD, DEG_W)
    dinv_b, g1, x1, y2 = _tc_pre(degp, x, fW1, fb1.reshape(1, HID_C),
                                 fW2, fb2.reshape(1, OUT_C))
    s1p = _make_sc_aggregate()(ed, g1, zeros_row)
    g2 = _tc_mid(s1p, g1, dinv_b, x1, W1, b1.reshape(1, HID_C),
                 W2, jnp.reshape(beta1, (1, 1)))
    s2p = _make_sc_aggregate()(ed, g2, zeros_row)
    out = _tc_post(s2p, g2, dinv_b, y2, b2.reshape(1, OUT_C),
                   jnp.reshape(beta2, (1, 1)))
    return out

# --- scband reference (transcript-rebuilt; emitter-appended) ---
"""Pipeline reference for scband-inter-layer-88905823027601 (READ-ONLY COPY).

The authoritative reference and input builder live on the scoring server;
editing this copy changes nothing except your own understanding.
"""

import jax, jax.numpy as jnp
import numpy as np

N = 10000
E = 320000
IN_C = 128
HID_C = 256
OUT_C = 128


def _gcn(x, edge_index, W, b):
    # PyG GCNConv: add self-loops, symmetric deg^{-1/2} normalization, then aggregate
    h = x @ W
    src = edge_index[0]
    dst = edge_index[1]
    loop = jnp.arange(N, dtype=src.dtype)
    src = jnp.concatenate([src, loop])
    dst = jnp.concatenate([dst, loop])
    deg = jnp.zeros((N,), dtype=h.dtype).at[dst].add(1.0)
    dinv = jnp.where(deg > 0, deg ** -0.5, 0.0)
    norm = dinv[src] * dinv[dst]
    msg = h[src] * norm[:, None]
    out = jnp.zeros((N, h.shape[1]), dtype=h.dtype).at[dst].add(msg)
    return out + b


def setup_inputs(seed: int = 0):
    key = jax.random.key(seed)
    ks = jax.random.split(key, 8)
    x = jax.random.normal(ks[0], (N, IN_C), dtype=jnp.float32)
    edge_index = jax.random.randint(ks[1], (2, E), 0, N, dtype=jnp.int32)
    W1 = jax.random.normal(ks[2], (IN_C, HID_C), dtype=jnp.float32) / np.sqrt(IN_C)
    b1 = jnp.zeros((HID_C,), dtype=jnp.float32)
    W2 = jax.random.normal(ks[3], (HID_C, OUT_C), dtype=jnp.float32) / np.sqrt(HID_C)
    b2 = jnp.zeros((OUT_C,), dtype=jnp.float32)
    fW1 = jax.random.normal(ks[4], (IN_C, HID_C), dtype=jnp.float32) / np.sqrt(IN_C)
    fb1 = jnp.zeros((HID_C,), dtype=jnp.float32)
    fW2 = jax.random.normal(ks[5], (HID_C, OUT_C), dtype=jnp.float32) / np.sqrt(HID_C)
    fb2 = jnp.zeros((OUT_C,), dtype=jnp.float32)
    beta1 = jnp.float32(0.5)
    beta2 = jnp.float32(0.5)
    return {"x": x, "W1": W1, "b1": b1, "W2": W2, "b2": b2, "fW1": fW1, "fb1": fb1, "fW2": fW2, "fb2": fb2, "beta1": beta1, "beta2": beta2, "edge_index": edge_index}


def reference(x, W1, b1, W2, b2, fW1, fb1, fW2, fb2, beta1, beta2, edge_index):
    # dropout is identity in eval mode
    x1 = x
    h = jax.nn.relu(_gcn(x, edge_index, W1, b1))
    x1 = jax.nn.relu(x1 @ fW1 + fb1)
    h = beta1 * h + (1.0 - beta1) * x1
    h2 = _gcn(h, edge_index, W2, b2)
    x1 = x1 @ fW2 + fb2
    out = beta2 * h2 + (1.0 - beta2) * x1
    return jax.nn.log_softmax(out, axis=1)

if __name__ == "__main__":
    import jax
    _d = setup_inputs()
    print(jax.jit(kernel)(*tuple(_d.values())))

</pallas_src>

<mosaic_0001>
#map = affine_map<(d0, d1) -> (0, 0, 0, 0, 0)>
#map1 = affine_map<(d0, d1) -> (0, 0)>
#map2 = affine_map<(d0, d1) -> (0, 0, 0)>
module attributes {stable_mosaic.version = 14 : i64} {
  func.func @_sc_aggregate_body(%arg0: i32, %arg1: i32, %arg2: memref<32x4x40x2x64xi32, #tpu.memory_space<hbm>>, %arg3: memref<10000x128xf32, #tpu.memory_space<hbm>>, %arg4: memref<10240x128xf32, #tpu.memory_space<hbm>>, %arg5: memref<2x10240x128xf32, #tpu.memory_space<hbm>>, %arg6: memref<10240x128xf32, #tpu.memory_space<vmem_shared>>, %arg7: memref<40x2x64xi32, #tpu.memory_space<vmem>>, %arg8: memref<4x64x128xf32, #tpu.memory_space<vmem>>, %arg9: memref<4x!tpu.dma_semaphore, #tpu.memory_space<semaphore_mem>>) attributes {dimension_semantics = [#tpu.dimension_semantics<core_parallel>, #tpu.dimension_semantics<subcore_parallel>], iteration_bounds = array<i64: 2, 16>, scalar_prefetch = 0 : i64, scratch_operands = 4 : i64, tpu.core_type = #tpu.core_type<sc_vector_subcore>, window_params = [{transform_indices = #map}, {transform_indices = #map1}, {transform_indices = #map1}, {transform_indices = #map2}]} {
    %mul3A = arith.constant 16 : i32
    %mul3A_0 = arith.muli %arg0, %mul3A : i32
    %add3A = arith.addi %mul3A_0, %arg1 : i32
    %mul3A_1 = arith.constant 640 : i32
    %mul3A_2 = arith.muli %arg1, %mul3A_1 : i32
    "tpu.region"() ({
      %run_scoped3A_26 = tpu.sem_alloc : memref<!tpu.dma_semaphore, #tpu.memory_space<semaphore_mem>>
      %dma_start3A = arith.constant 0 : i32
      %dma_start3A_27 = tpu.memref_slice %arg6[%mul3A_2, %dma_start3A] : memref<10240x128xf32, #tpu.memory_space<vmem_shared>> -> memref<640x128xf32, #tpu.memory_space<vmem_shared>>
      %dma_start3A_28 = arith.constant 0 : i32
      %dma_start3A_29 = tpu.memref_slice %arg4[%mul3A_2, %dma_start3A_28] : memref<10240x128xf32, #tpu.memory_space<hbm>> -> memref<640x128xf32, #tpu.memory_space<hbm>>
      tpu.enqueue_dma source(%dma_start3A_29 : memref<640x128xf32, #tpu.memory_space<hbm>>) target(%dma_start3A_27 : memref<640x128xf32, #tpu.memory_space<vmem_shared>>) target_semaphore(%run_scoped3A_26 : memref<!tpu.dma_semaphore, #tpu.memory_space<semaphore_mem>>)
      %dma_wait3A = arith.constant 0 : i32
      %dma_wait3A_30 = tpu.memref_slice %arg6[%mul3A_2, %dma_wait3A] : memref<10240x128xf32, #tpu.memory_space<vmem_shared>> -> memref<640x128xf32, #tpu.memory_space<vmem_shared>>
      %dma_wait3A_31 = arith.constant 0 : i32
      %dma_wait3A_32 = tpu.memref_slice %arg4[%mul3A_2, %dma_wait3A_31] : memref<10240x128xf32, #tpu.memory_space<hbm>> -> memref<640x128xf32, #tpu.memory_space<hbm>>
      tpu.wait_dma2 semaphore(%run_scoped3A_26 : memref<!tpu.dma_semaphore, #tpu.memory_space<semaphore_mem>>) src(%dma_wait3A_32 : memref<640x128xf32, #tpu.memory_space<hbm>>) dst(%dma_wait3A_30 : memref<640x128xf32, #tpu.memory_space<vmem_shared>>)
      tpu.yield
    }) : () -> ()
    %barrier3A = arith.constant 0 : index
    tpu.barrier barrier_id(%barrier3A)
    %run_scoped3A = arith.constant 0 : i32
    "tpu.region"() ({
      %run_scoped3A_26 = tpu.sem_alloc : memref<!tpu.dma_semaphore, #tpu.memory_space<semaphore_mem>>
      %dma_start3A = arith.constant 0 : i32
      %dma_start3A_27 = arith.constant 0 : i32
      %dma_start3A_28 = arith.constant 0 : i32
      %dma_start3A_29 = tpu.memref_slice %arg2[%add3A, %run_scoped3A, %dma_start3A, %dma_start3A_27, %dma_start3A_28] : memref<32x4x40x2x64xi32, #tpu.memory_space<hbm>> -> memref<1x1x40x2x64xi32, #tpu.memory_space<hbm>>
      %dma_start3A_30 = tpu.memref_squeeze %dma_start3A_29 : memref<1x1x40x2x64xi32, #tpu.memory_space<hbm>> -> memref<40x2x64xi32, #tpu.memory_space<hbm>>
      %dma_start3A_31 = arith.constant 0 : i32
      %dma_start3A_32 = arith.constant 0 : i32
      %dma_start3A_33 = arith.constant 0 : i32
      %dma_start3A_34 = tpu.memref_slice %arg2[%add3A, %run_scoped3A, %dma_start3A_31, %dma_start3A_32, %dma_start3A_33] : memref<32x4x40x2x64xi32, #tpu.memory_space<hbm>> -> memref<1x1x40x2x64xi32, #tpu.memory_space<hbm>>
      %dma_start3A_35 = tpu.memref_squeeze %dma_start3A_34 : memref<1x1x40x2x64xi32, #tpu.memory_space<hbm>> -> memref<40x2x64xi32, #tpu.memory_space<hbm>>
      tpu.enqueue_dma source(%dma_start3A_35 : memref<40x2x64xi32, #tpu.memory_space<hbm>>) target(%arg7 : memref<40x2x64xi32, #tpu.memory_space<vmem>>) target_semaphore(%run_scoped3A_26 : memref<!tpu.dma_semaphore, #tpu.memory_space<semaphore_mem>>)
      %dma_wait3A = arith.constant 0 : i32
      %dma_wait3A_36 = arith.constant 0 : i32
      %dma_wait3A_37 = arith.constant 0 : i32
      %dma_wait3A_38 = tpu.memref_slice %arg2[%add3A, %run_scoped3A, %dma_wait3A, %dma_wait3A_36, %dma_wait3A_37] : memref<32x4x40x2x64xi32, #tpu.memory_space<hbm>> -> memref<1x1x40x2x64xi32, #tpu.memory_space<hbm>>
      %dma_wait3A_39 = tpu.memref_squeeze %dma_wait3A_38 : memref<1x1x40x2x64xi32, #tpu.memory_space<hbm>> -> memref<40x2x64xi32, #tpu.memory_space<hbm>>
      %dma_wait3A_40 = arith.constant 0 : i32
      %dma_wait3A_41 = arith.constant 0 : i32
      %dma_wait3A_42 = arith.constant 0 : i32
      %dma_wait3A_43 = tpu.memref_slice %arg2[%add3A, %run_scoped3A, %dma_wait3A_40, %dma_wait3A_41, %dma_wait3A_42] : memref<32x4x40x2x64xi32, #tpu.memory_space<hbm>> -> memref<1x1x40x2x64xi32, #tpu.memory_space<hbm>>
      %dma_wait3A_44 = tpu.memref_squeeze %dma_wait3A_43 : memref<1x1x40x2x64xi32, #tpu.memory_space<hbm>> -> memref<40x2x64xi32, #tpu.memory_space<hbm>>
      tpu.wait_dma2 semaphore(%run_scoped3A_26 : memref<!tpu.dma_semaphore, #tpu.memory_space<semaphore_mem>>) src(%dma_wait3A_44 : memref<40x2x64xi32, #tpu.memory_space<hbm>>) dst(%arg7 : memref<40x2x64xi32, #tpu.memory_space<vmem>>)
      tpu.yield
    }) : () -> ()
    %scan3A = arith.constant 0 : i32
    %scan3A_3 = arith.constant 10 : i32
    %scan3A_4 = arith.addi %scan3A, %scan3A_3 : i32
    %scan3A_5 = arith.constant 1 : i32
    scf.for %scan3A_26 = %scan3A to %scan3A_4 step %scan3A_5  : i32 {
      %mul3A_27 = arith.constant 4 : i32
      %mul3A_28 = arith.muli %scan3A_26, %mul3A_27 : i32
      %add3A_29 = arith.constant 0 : i32
      %add3A_30 = arith.addi %add3A_29, %mul3A_28 : i32
      %add3A_31 = arith.constant 0 : i32
      %add3A_32 = arith.addi %add3A_30, %add3A_31 : i32
      %dma_start3A = arith.constant 0 : i32
      %dma_start3A_33 = arith.constant 0 : i32
      %dma_start3A_34 = arith.constant 0 : i32
      %dma_start3A_35 = arith.constant 0 : i32
      %dma_start3A_36 = arith.constant 0 : i32
      %dma_start3A_37 = tpu.memref_slice %arg8[%dma_start3A_33, %dma_start3A_35, %dma_start3A_36] : memref<4x64x128xf32, #tpu.memory_space<vmem>> -> memref<1x64x128xf32, #tpu.memory_space<vmem>>
      %dma_start3A_38 = tpu.memref_squeeze %dma_start3A_37 : memref<1x64x128xf32, #tpu.memory_space<vmem>> -> memref<64x128xf32, #tpu.memory_space<vmem>>
      %dma_start3A_39 = arith.constant 0 : i32
      %dma_start3A_40 = tpu.memref_slice %arg7[%add3A_32, %dma_start3A, %dma_start3A_39] : memref<40x2x64xi32, #tpu.memory_space<vmem>> -> memref<1x1x64xi32, #tpu.memory_space<vmem>>
      %dma_start3A_41 = tpu.memref_squeeze %dma_start3A_40 : memref<1x1x64xi32, #tpu.memory_space<vmem>> -> memref<64xi32, #tpu.memory_space<vmem>>
      %dma_start3A_42 = arith.constant 0 : i32
      %dma_start3A_43 = arith.constant 0 : i32
      %dma_start3A_44 = tpu.memref_slice %arg3[%dma_start3A_42, %dma_start3A_43] : memref<10000x128xf32, #tpu.memory_space<hbm>> -> memref<10000x128xf32, #tpu.memory_space<hbm>>
      %dma_start3A_45 = tpu.memref_slice %arg9[%dma_start3A_34] : memref<4x!tpu.dma_semaphore, #tpu.memory_space<semaphore_mem>> -> memref<1x!tpu.dma_semaphore, #tpu.memory_space<semaphore_mem>>
      %dma_start3A_46 = tpu.memref_squeeze %dma_start3A_45 : memref<1x!tpu.dma_semaphore, #tpu.memory_space<semaphore_mem>> -> memref<!tpu.dma_semaphore, #tpu.memory_space<semaphore_mem>>
      tpu.enqueue_indirect_dma source(%dma_start3A_44 : memref<10000x128xf32, #tpu.memory_space<hbm>>) target(%dma_start3A_38 : memref<64x128xf32, #tpu.memory_space<vmem>>) offsets(%dma_start3A_41 : memref<64xi32, #tpu.memory_space<vmem>>) semaphore(%dma_start3A_46 : memref<!tpu.dma_semaphore, #tpu.memory_space<semaphore_mem>>)
      %add3A_47 = arith.constant 1 : i32
      %add3A_48 = arith.addi %add3A_30, %add3A_47 : i32
      %dma_start3A_49 = arith.constant 0 : i32
      %dma_start3A_50 = arith.constant 1 : i32
      %dma_start3A_51 = arith.constant 1 : i32
      %dma_start3A_52 = arith.constant 0 : i32
      %dma_start3A_53 = arith.constant 0 : i32
      %dma_start3A_54 = tpu.memref_slice %arg8[%dma_start3A_50, %dma_start3A_52, %dma_start3A_53] : memref<4x64x128xf32, #tpu.memory_space<vmem>> -> memref<1x64x128xf32, #tpu.memory_space<vmem>>
      %dma_start3A_55 = tpu.memref_squeeze %dma_start3A_54 : memref<1x64x128xf32, #tpu.memory_space<vmem>> -> memref<64x128xf32, #tpu.memory_space<vmem>>
      %dma_start3A_56 = arith.constant 0 : i32
      %dma_start3A_57 = tpu.memref_slice %arg7[%add3A_48, %dma_start3A_49, %dma_start3A_56] : memref<40x2x64xi32, #tpu.memory_space<vmem>> -> memref<1x1x64xi32, #tpu.memory_space<vmem>>
      %dma_start3A_58 = tpu.memref_squeeze %dma_start3A_57 : memref<1x1x64xi32, #tpu.memory_space<vmem>> -> memref<64xi32, #tpu.memory_space<vmem>>
      %dma_start3A_59 = arith.constant 0 : i32
      %dma_start3A_60 = arith.constant 0 : i32
      %dma_start3A_61 = tpu.memref_slice %arg3[%dma_start3A_59, %dma_start3A_60] : memref<10000x128xf32, #tpu.memory_space<hbm>> -> memref<10000x128xf32, #tpu.memory_space<hbm>>
      %dma_start3A_62 = tpu.memref_slice %arg9[%dma_start3A_51] : memref<4x!tpu.dma_semaphore, #tpu.memory_space<semaphore_mem>> -> memref<1x!tpu.dma_semaphore, #tpu.memory_space<semaphore_mem>>
      %dma_start3A_63 = tpu.memref_squeeze %dma_start3A_62 : memref<1x!tpu.dma_semaphore, #tpu.memory_space<semaphore_mem>> -> memref<!tpu.dma_semaphore, #tpu.memory_space<semaphore_mem>>
      tpu.enqueue_indirect_dma source(%dma_start3A_61 : memref<10000x128xf32, #tpu.memory_space<hbm>>) target(%dma_start3A_55 : memref<64x128xf32, #tpu.memory_space<vmem>>) offsets(%dma_start3A_58 : memref<64xi32, #tpu.memory_space<vmem>>) semaphore(%dma_start3A_63 : memref<!tpu.dma_semaphore, #tpu.memory_space<semaphore_mem>>)
      %add3A_64 = arith.constant 2 : i32
      %add3A_65 = arith.addi %add3A_30, %add3A_64 : i32
      %dma_start3A_66 = arith.constant 0 : i32
      %dma_start3A_67 = arith.constant 2 : i32
      %dma_start3A_68 = arith.constant 2 : i32
      %dma_start3A_69 = arith.constant 0 : i32
      %dma_start3A_70 = arith.constant 0 : i32
      %dma_start3A_71 = tpu.memref_slice %arg8[%dma_start3A_67, %dma_start3A_69, %dma_start3A_70] : memref<4x64x128xf32, #tpu.memory_space<vmem>> -> memref<1x64x128xf32, #tpu.memory_space<vmem>>
      %dma_start3A_72 = tpu.memref_squeeze %dma_start3A_71 : memref<1x64x128xf32, #tpu.memory_space<vmem>> -> memref<64x128xf32, #tpu.memory_space<vmem>>
      %dma_start3A_73 = arith.constant 0 : i32
      %dma_start3A_74 = tpu.memref_slice %arg7[%add3A_65, %dma_start3A_66, %dma_start3A_73] : memref<40x2x64xi32, #tpu.memory_space<vmem>> -> memref<1x1x64xi32, #tpu.memory_space<vmem>>
      %dma_start3A_75 = tpu.memref_squeeze %dma_start3A_74 : memref<1x1x64xi32, #tpu.memory_space<vmem>> -> memref<64xi32, #tpu.memory_space<vmem>>
      %dma_start3A_76 = arith.constant 0 : i32
      %dma_start3A_77 = arith.constant 0 : i32
      %dma_start3A_78 = tpu.memref_slice %arg3[%dma_start3A_76, %dma_start3A_77] : memref<10000x128xf32, #tpu.memory_space<hbm>> -> memref<10000x128xf32, #tpu.memory_space<hbm>>
      %dma_start3A_79 = tpu.memref_slice %arg9[%dma_start3A_68] : memref<4x!tpu.dma_semaphore, #tpu.memory_space<semaphore_mem>> -> memref<1x!tpu.dma_semaphore, #tpu.memory_space<semaphore_mem>>
      %dma_start3A_80 = tpu.memref_squeeze %dma_start3A_79 : memref<1x!tpu.dma_semaphore, #tpu.memory_space<semaphore_mem>> -> memref<!tpu.dma_semaphore, #tpu.memory_space<semaphore_mem>>
      tpu.enqueue_indirect_dma source(%dma_start3A_78 : memref<10000x128xf32, #tpu.memory_space<hbm>>) target(%dma_start3A_72 : memref<64x128xf32, #tpu.memory_space<vmem>>) offsets(%dma_start3A_75 : memref<64xi32, #tpu.memory_space<vmem>>) semaphore(%dma_start3A_80 : memref<!tpu.dma_semaphore, #tpu.memory_space<semaphore_mem>>)
      %add3A_81 = arith.constant 3 : i32
      %add3A_82 = arith.addi %add3A_30, %add3A_81 : i32
      %dma_start3A_83 = arith.constant 0 : i32
      %dma_start3A_84 = arith.constant 3 : i32
      %dma_start3A_85 = arith.constant 3 : i32
      %dma_start3A_86 = arith.constant 0 : i32
      %dma_start3A_87 = arith.constant 0 : i32
      %dma_start3A_88 = tpu.memref_slice %arg8[%dma_start3A_84, %dma_start3A_86, %dma_start3A_87] : memref<4x64x128xf32, #tpu.memory_space<vmem>> -> memref<1x64x128xf32, #tpu.memory_space<vmem>>
      %dma_start3A_89 = tpu.memref_squeeze %dma_start3A_88 : memref<1x64x128xf32, #tpu.memory_space<vmem>> -> memref<64x128xf32, #tpu.memory_space<vmem>>
      %dma_start3A_90 = arith.constant 0 : i32
      %dma_start3A_91 = tpu.memref_slice %arg7[%add3A_82, %dma_start3A_83, %dma_start3A_90] : memref<40x2x64xi32, #tpu.memory_space<vmem>> -> memref<1x1x64xi32, #tpu.memory_space<vmem>>
      %dma_start3A_92 = tpu.memref_squeeze %dma_start3A_91 : memref<1x1x64xi32, #tpu.memory_space<vmem>> -> memref<64xi32, #tpu.memory_space<vmem>>
      %dma_start3A_93 = arith.constant 0 : i32
      %dma_start3A_94 = arith.constant 0 : i32
      %dma_start3A_95 = tpu.memref_slice %arg3[%dma_start3A_93, %dma_start3A_94] : memref<10000x128xf32, #tpu.memory_space<hbm>> -> memref<10000x128xf32, #tpu.memory_space<hbm>>
      %dma_start3A_96 = tpu.memref_slice %arg9[%dma_start3A_85] : memref<4x!tpu.dma_semaphore, #tpu.memory_space<semaphore_mem>> -> memref<1x!tpu.dma_semaphore, #tpu.memory_space<semaphore_mem>>
      %dma_start3A_97 = tpu.memref_squeeze %dma_start3A_96 : memref<1x!tpu.dma_semaphore, #tpu.memory_space<semaphore_mem>> -> memref<!tpu.dma_semaphore, #tpu.memory_space<semaphore_mem>>
      tpu.enqueue_indirect_dma source(%dma_start3A_95 : memref<10000x128xf32, #tpu.memory_space<hbm>>) target(%dma_start3A_89 : memref<64x128xf32, #tpu.memory_space<vmem>>) offsets(%dma_start3A_92 : memref<64xi32, #tpu.memory_space<vmem>>) semaphore(%dma_start3A_97 : memref<!tpu.dma_semaphore, #tpu.memory_space<semaphore_mem>>)
      %add3A_98 = arith.constant 0 : i32
      %add3A_99 = arith.addi %add3A_30, %add3A_98 : i32
      %dma_wait3A = arith.constant 0 : i32
      %dma_wait3A_100 = arith.constant 0 : i32
      %dma_wait3A_101 = arith.constant 0 : i32
      %dma_wait3A_102 = arith.constant 0 : i32
      %dma_wait3A_103 = arith.constant 0 : i32
      %dma_wait3A_104 = tpu.memref_slice %arg8[%dma_wait3A_100, %dma_wait3A_102, %dma_wait3A_103] : memref<4x64x128xf32, #tpu.memory_space<vmem>> -> memref<1x64x128xf32, #tpu.memory_space<vmem>>
      %dma_wait3A_105 = tpu.memref_squeeze %dma_wait3A_104 : memref<1x64x128xf32, #tpu.memory_space<vmem>> -> memref<64x128xf32, #tpu.memory_space<vmem>>
      %dma_wait3A_106 = arith.constant 0 : i32
      %dma_wait3A_107 = tpu.memref_slice %arg7[%add3A_99, %dma_wait3A, %dma_wait3A_106] : memref<40x2x64xi32, #tpu.memory_space<vmem>> -> memref<1x1x64xi32, #tpu.memory_space<vmem>>
      %dma_wait3A_108 = tpu.memref_squeeze %dma_wait3A_107 : memref<1x1x64xi32, #tpu.memory_space<vmem>> -> memref<64xi32, #tpu.memory_space<vmem>>
      %dma_wait3A_109 = arith.constant 0 : i32
      %dma_wait3A_110 = arith.constant 0 : i32
      %dma_wait3A_111 = tpu.memref_slice %arg3[%dma_wait3A_109, %dma_wait3A_110] : memref<10000x128xf32, #tpu.memory_space<hbm>> -> memref<10000x128xf32, #tpu.memory_space<hbm>>
      %dma_wait3A_112 = tpu.memref_slice %arg9[%dma_wait3A_101] : memref<4x!tpu.dma_semaphore, #tpu.memory_space<semaphore_mem>> -> memref<1x!tpu.dma_semaphore, #tpu.memory_space<semaphore_mem>>
      %dma_wait3A_113 = tpu.memref_squeeze %dma_wait3A_112 : memref<1x!tpu.dma_semaphore, #tpu.memory_space<semaphore_mem>> -> memref<!tpu.dma_semaphore, #tpu.memory_space<semaphore_mem>>
      tpu.wait_indirect_dma semaphore(%dma_wait3A_113 : memref<!tpu.dma_semaphore, #tpu.memory_space<semaphore_mem>>) src(%dma_wait3A_111 : memref<10000x128xf32, #tpu.memory_space<hbm>>) dst(%dma_wait3A_105 : memref<64x128xf32, #tpu.memory_space<vmem>>)
      %add3A_114 = arith.constant 1 : i32
      %add3A_115 = arith.addi %add3A_30, %add3A_114 : i32
      %dma_wait3A_116 = arith.constant 0 : i32
      %dma_wait3A_117 = arith.constant 1 : i32
      %dma_wait3A_118 = arith.constant 1 : i32
      %dma_wait3A_119 = arith.constant 0 : i32
      %dma_wait3A_120 = arith.constant 0 : i32
      %dma_wait3A_121 = tpu.memref_slice %arg8[%dma_wait3A_117, %dma_wait3A_119, %dma_wait3A_120] : memref<4x64x128xf32, #tpu.memory_space<vmem>> -> memref<1x64x128xf32, #tpu.memory_space<vmem>>
      %dma_wait3A_122 = tpu.memref_squeeze %dma_wait3A_121 : memref<1x64x128xf32, #tpu.memory_space<vmem>> -> memref<64x128xf32, #tpu.memory_space<vmem>>
      %dma_wait3A_123 = arith.constant 0 : i32
      %dma_wait3A_124 = tpu.memref_slice %arg7[%add3A_115, %dma_wait3A_116, %dma_wait3A_123] : memref<40x2x64xi32, #tpu.memory_space<vmem>> -> memref<1x1x64xi32, #tpu.memory_space<vmem>>
      %dma_wait3A_125 = tpu.memref_squeeze %dma_wait3A_124 : memref<1x1x64xi32, #tpu.memory_space<vmem>> -> memref<64xi32, #tpu.memory_space<vmem>>
      %dma_wait3A_126 = arith.constant 0 : i32
      %dma_wait3A_127 = arith.constant 0 : i32
      %dma_wait3A_128 = tpu.memref_slice %arg3[%dma_wait3A_126, %dma_wait3A_127] : memref<10000x128xf32, #tpu.memory_space<hbm>> -> memref<10000x128xf32, #tpu.memory_space<hbm>>
      %dma_wait3A_129 = tpu.memref_slice %arg9[%dma_wait3A_118] : memref<4x!tpu.dma_semaphore, #tpu.memory_space<semaphore_mem>> -> memref<1x!tpu.dma_semaphore, #tpu.memory_space<semaphore_mem>>
      %dma_wait3A_130 = tpu.memref_squeeze %dma_wait3A_129 : memref<1x!tpu.dma_semaphore, #tpu.memory_space<semaphore_mem>> -> memref<!tpu.dma_semaphore, #tpu.memory_space<semaphore_mem>>
      tpu.wait_indirect_dma semaphore(%dma_wait3A_130 : memref<!tpu.dma_semaphore, #tpu.memory_space<semaphore_mem>>) src(%dma_wait3A_128 : memref<10000x128xf32, #tpu.memory_space<hbm>>) dst(%dma_wait3A_122 : memref<64x128xf32, #tpu.memory_space<vmem>>)
      %add3A_131 = arith.constant 2 : i32
      %add3A_132 = arith.addi %add3A_30, %add3A_131 : i32
      %dma_wait3A_133 = arith.constant 0 : i32
      %dma_wait3A_134 = arith.constant 2 : i32
      %dma_wait3A_135 = arith.constant 2 : i32
      %dma_wait3A_136 = arith.constant 0 : i32
      %dma_wait3A_137 = arith.constant 0 : i32
      %dma_wait3A_138 = tpu.memref_slice %arg8[%dma_wait3A_134, %dma_wait3A_136, %dma_wait3A_137] : memref<4x64x128xf32, #tpu.memory_space<vmem>> -> memref<1x64x128xf32, #tpu.memory_space<vmem>>
      %dma_wait3A_139 = tpu.memref_squeeze %dma_wait3A_138 : memref<1x64x128xf32, #tpu.memory_space<vmem>> -> memref<64x128xf32, #tpu.memory_space<vmem>>
      %dma_wait3A_140 = arith.constant 0 : i32
      %dma_wait3A_141 = tpu.memref_slice %arg7[%add3A_132, %dma_wait3A_133, %dma_wait3A_140] : memref<40x2x64xi32, #tpu.memory_space<vmem>> -> memref<1x1x64xi32, #tpu.memory_space<vmem>>
      %dma_wait3A_142 = tpu.memref_squeeze %dma_wait3A_141 : memref<1x1x64xi32, #tpu.memory_space<vmem>> -> memref<64xi32, #tpu.memory_space<vmem>>
      %dma_wait3A_143 = arith.constant 0 : i32
      %dma_wait3A_144 = arith.constant 0 : i32
      %dma_wait3A_145 = tpu.memref_slice %arg3[%dma_wait3A_143, %dma_wait3A_144] : memref<10000x128xf32, #tpu.memory_space<hbm>> -> memref<10000x128xf32, #tpu.memory_space<hbm>>
      %dma_wait3A_146 = tpu.memref_slice %arg9[%dma_wait3A_135] : memref<4x!tpu.dma_semaphore, #tpu.memory_space<semaphore_mem>> -> memref<1x!tpu.dma_semaphore, #tpu.memory_space<semaphore_mem>>
      %dma_wait3A_147 = tpu.memref_squeeze %dma_wait3A_146 : memref<1x!tpu.dma_semaphore, #tpu.memory_space<semaphore_mem>> -> memref<!tpu.dma_semaphore, #tpu.memory_space<semaphore_mem>>
      tpu.wait_indirect_dma semaphore(%dma_wait3A_147 : memref<!tpu.dma_semaphore, #tpu.memory_space<semaphore_mem>>) src(%dma_wait3A_145 : memref<10000x128xf32, #tpu.memory_space<hbm>>) dst(%dma_wait3A_139 : memref<64x128xf32, #tpu.memory_space<vmem>>)
      %add3A_148 = arith.constant 3 : i32
      %add3A_149 = arith.addi %add3A_30, %add3A_148 : i32
      %dma_wait3A_150 = arith.constant 0 : i32
      %dma_wait3A_151 = arith.constant 3 : i32
      %dma_wait3A_152 = arith.constant 3 : i32
      %dma_wait3A_153 = arith.constant 0 : i32
      %dma_wait3A_154 = arith.constant 0 : i32
      %dma_wait3A_155 = tpu.memref_slice %arg8[%dma_wait3A_151, %dma_wait3A_153, %dma_wait3A_154] : memref<4x64x128xf32, #tpu.memory_space<vmem>> -> memref<1x64x128xf32, #tpu.memory_space<vmem>>
      %dma_wait3A_156 = tpu.memref_squeeze %dma_wait3A_155 : memref<1x64x128xf32, #tpu.memory_space<vmem>> -> memref<64x128xf32, #tpu.memory_space<vmem>>
      %dma_wait3A_157 = arith.constant 0 : i32
      %dma_wait3A_158 = tpu.memref_slice %arg7[%add3A_149, %dma_wait3A_150, %dma_wait3A_157] : memref<40x2x64xi32, #tpu.memory_space<vmem>> -> memref<1x1x64xi32, #tpu.memory_space<vmem>>
      %dma_wait3A_159 = tpu.memref_squeeze %dma_wait3A_158 : memref<1x1x64xi32, #tpu.memory_space<vmem>> -> memref<64xi32, #tpu.memory_space<vmem>>
      %dma_wait3A_160 = arith.constant 0 : i32
      %dma_wait3A_161 = arith.constant 0 : i32
      %dma_wait3A_162 = tpu.memref_slice %arg3[%dma_wait3A_160, %dma_wait3A_161] : memref<10000x128xf32, #tpu.memory_space<hbm>> -> memref<10000x128xf32, #tpu.memory_space<hbm>>
      %dma_wait3A_163 = tpu.memref_slice %arg9[%dma_wait3A_152] : memref<4x!tpu.dma_semaphore, #tpu.memory_space<semaphore_mem>> -> memref<1x!tpu.dma_semaphore, #tpu.memory_space<semaphore_mem>>
      %dma_wait3A_164 = tpu.memref_squeeze %dma_wait3A_163 : memref<1x!tpu.dma_semaphore, #tpu.memory_space<semaphore_mem>> -> memref<!tpu.dma_semaphore, #tpu.memory_space<semaphore_mem>>
      tpu.wait_indirect_dma semaphore(%dma_wait3A_164 : memref<!tpu.dma_semaphore, #tpu.memory_space<semaphore_mem>>) src(%dma_wait3A_162 : memref<10000x128xf32, #tpu.memory_space<hbm>>) dst(%dma_wait3A_156 : memref<64x128xf32, #tpu.memory_space<vmem>>)
      %add3A_165 = arith.constant 0 : i32
      %add3A_166 = arith.addi %add3A_30, %add3A_165 : i32
      %run_scoped3A_167 = arith.constant 0 : i32
      %run_scoped3A_168 = arith.constant 1 : i32
      "tpu.region"() ({
        %run_scoped3A_181 = tpu.sem_alloc : memref<!tpu.dma_semaphore, #tpu.memory_space<semaphore_mem>>
        %dma_start3A_182 = arith.constant 0 : i32
        %dma_start3A_183 = arith.constant 0 : i32
        %dma_start3A_184 = tpu.memref_slice %arg8[%run_scoped3A_167, %dma_start3A_182, %dma_start3A_183] : memref<4x64x128xf32, #tpu.memory_space<vmem>> -> memref<1x64x128xf32, #tpu.memory_space<vmem>>
        %dma_start3A_185 = tpu.memref_squeeze %dma_start3A_184 : memref<1x64x128xf32, #tpu.memory_space<vmem>> -> memref<64x128xf32, #tpu.memory_space<vmem>>
        %dma_start3A_186 = arith.constant 0 : i32
        %dma_start3A_187 = tpu.memref_slice %arg7[%add3A_166, %run_scoped3A_168, %dma_start3A_186] : memref<40x2x64xi32, #tpu.memory_space<vmem>> -> memref<1x1x64xi32, #tpu.memory_space<vmem>>
        %dma_start3A_188 = tpu.memref_squeeze %dma_start3A_187 : memref<1x1x64xi32, #tpu.memory_space<vmem>> -> memref<64xi32, #tpu.memory_space<vmem>>
        %dma_start3A_189 = arith.constant 0 : i32
        %dma_start3A_190 = arith.constant 0 : i32
        %dma_start3A_191 = tpu.memref_slice %arg6[%dma_start3A_189, %dma_start3A_190] : memref<10240x128xf32, #tpu.memory_space<vmem_shared>> -> memref<10240x128xf32, #tpu.memory_space<vmem_shared>>
        tpu.enqueue_indirect_dma source(%dma_start3A_185 : memref<64x128xf32, #tpu.memory_space<vmem>>) target(%dma_start3A_191 : memref<10240x128xf32, #tpu.memory_space<vmem_shared>>) offsets(%dma_start3A_188 : memref<64xi32, #tpu.memory_space<vmem>>) semaphore(%run_scoped3A_181 : memref<!tpu.dma_semaphore, #tpu.memory_space<semaphore_mem>>) {add = true}
        %dma_wait3A_192 = arith.constant 0 : i32
        %dma_wait3A_193 = arith.constant 0 : i32
        %dma_wait3A_194 = tpu.memref_slice %arg8[%run_scoped3A_167, %dma_wait3A_192, %dma_wait3A_193] : memref<4x64x128xf32, #tpu.memory_space<vmem>> -> memref<1x64x128xf32, #tpu.memory_space<vmem>>
        %dma_wait3A_195 = tpu.memref_squeeze %dma_wait3A_194 : memref<1x64x128xf32, #tpu.memory_space<vmem>> -> memref<64x128xf32, #tpu.memory_space<vmem>>
        %dma_wait3A_196 = arith.constant 0 : i32
        %dma_wait3A_197 = tpu.memref_slice %arg7[%add3A_166, %run_scoped3A_168, %dma_wait3A_196] : memref<40x2x64xi32, #tpu.memory_space<vmem>> -> memref<1x1x64xi32, #tpu.memory_space<vmem>>
        %dma_wait3A_198 = tpu.memref_squeeze %dma_wait3A_197 : memref<1x1x64xi32, #tpu.memory_space<vmem>> -> memref<64xi32, #tpu.memory_space<vmem>>
        %dma_wait3A_199 = arith.constant 0 : i32
        %dma_wait3A_200 = arith.constant 0 : i32
        %dma_wait3A_201 = tpu.memref_slice %arg6[%dma_wait3A_199, %dma_wait3A_200] : memref<10240x128xf32, #tpu.memory_space<vmem_shared>> -> memref<10240x128xf32, #tpu.memory_space<vmem_shared>>
        tpu.wait_indirect_dma semaphore(%run_scoped3A_181 : memref<!tpu.dma_semaphore, #tpu.memory_space<semaphore_mem>>) src(%dma_wait3A_195 : memref<64x128xf32, #tpu.memory_space<vmem>>) dst(%dma_wait3A_201 : memref<10240x128xf32, #tpu.memory_space<vmem_shared>>)
        tpu.yield
      }) : () -> ()
      %add3A_169 = arith.constant 1 : i32
      %add3A_170 = arith.addi %add3A_30, %add3A_169 : i32
      %run_scoped3A_171 = arith.constant 1 : i32
      %run_scoped3A_172 = arith.constant 1 : i32
      "tpu.region"() ({
        %run_scoped3A_181 = tpu.sem_alloc : memref<!tpu.dma_semaphore, #tpu.memory_space<semaphore_mem>>
        %dma_start3A_182 = arith.constant 0 : i32
        %dma_start3A_183 = arith.constant 0 : i32
        %dma_start3A_184 = tpu.memref_slice %arg8[%run_scoped3A_171, %dma_start3A_182, %dma_start3A_183] : memref<4x64x128xf32, #tpu.memory_space<vmem>> -> memref<1x64x128xf32, #tpu.memory_space<vmem>>
        %dma_start3A_185 = tpu.memref_squeeze %dma_start3A_184 : memref<1x64x128xf32, #tpu.memory_space<vmem>> -> memref<64x128xf32, #tpu.memory_space<vmem>>
        %dma_start3A_186 = arith.constant 0 : i32
        %dma_start3A_187 = tpu.memref_slice %arg7[%add3A_170, %run_scoped3A_172, %dma_start3A_186] : memref<40x2x64xi32, #tpu.memory_space<vmem>> -> memref<1x1x64xi32, #tpu.memory_space<vmem>>
        %dma_start3A_188 = tpu.memref_squeeze %dma_start3A_187 : memref<1x1x64xi32, #tpu.memory_space<vmem>> -> memref<64xi32, #tpu.memory_space<vmem>>
        %dma_start3A_189 = arith.constant 0 : i32
        %dma_start3A_190 = arith.constant 0 : i32
        %dma_start3A_191 = tpu.memref_slice %arg6[%dma_start3A_189, %dma_start3A_190] : memref<10240x128xf32, #tpu.memory_space<vmem_shared>> -> memref<10240x128xf32, #tpu.memory_space<vmem_shared>>
        tpu.enqueue_indirect_dma source(%dma_start3A_185 : memref<64x128xf32, #tpu.memory_space<vmem>>) target(%dma_start3A_191 : memref<10240x128xf32, #tpu.memory_space<vmem_shared>>) offsets(%dma_start3A_188 : memref<64xi32, #tpu.memory_space<vmem>>) semaphore(%run_scoped3A_181 : memref<!tpu.dma_semaphore, #tpu.memory_space<semaphore_mem>>) {add = true}
        %dma_wait3A_192 = arith.constant 0 : i32
        %dma_wait3A_193 = arith.constant 0 : i32
        %dma_wait3A_194 = tpu.memref_slice %arg8[%run_scoped3A_171, %dma_wait3A_192, %dma_wait3A_193] : memref<4x64x128xf32, #tpu.memory_space<vmem>> -> memref<1x64x128xf32, #tpu.memory_space<vmem>>
        %dma_wait3A_195 = tpu.memref_squeeze %dma_wait3A_194 : memref<1x64x128xf32, #tpu.memory_space<vmem>> -> memref<64x128xf32, #tpu.memory_space<vmem>>
        %dma_wait3A_196 = arith.constant 0 : i32
        %dma_wait3A_197 = tpu.memref_slice %arg7[%add3A_170, %run_scoped3A_172, %dma_wait3A_196] : memref<40x2x64xi32, #tpu.memory_space<vmem>> -> memref<1x1x64xi32, #tpu.memory_space<vmem>>
        %dma_wait3A_198 = tpu.memref_squeeze %dma_wait3A_197 : memref<1x1x64xi32, #tpu.memory_space<vmem>> -> memref<64xi32, #tpu.memory_space<vmem>>
        %dma_wait3A_199 = arith.constant 0 : i32
        %dma_wait3A_200 = arith.constant 0 : i32
        %dma_wait3A_201 = tpu.memref_slice %arg6[%dma_wait3A_199, %dma_wait3A_200] : memref<10240x128xf32, #tpu.memory_space<vmem_shared>> -> memref<10240x128xf32, #tpu.memory_space<vmem_shared>>
        tpu.wait_indirect_dma semaphore(%run_scoped3A_181 : memref<!tpu.dma_semaphore, #tpu.memory_space<semaphore_mem>>) src(%dma_wait3A_195 : memref<64x128xf32, #tpu.memory_space<vmem>>) dst(%dma_wait3A_201 : memref<10240x128xf32, #tpu.memory_space<vmem_shared>>)
        tpu.yield
      }) : () -> ()
      %add3A_173 = arith.constant 2 : i32
      %add3A_174 = arith.addi %add3A_30, %add3A_173 : i32
      %run_scoped3A_175 = arith.constant 2 : i32
      %run_scoped3A_176 = arith.constant 1 : i32
      "tpu.region"() ({
        %run_scoped3A_181 = tpu.sem_alloc : memref<!tpu.dma_semaphore, #tpu.memory_space<semaphore_mem>>
        %dma_start3A_182 = arith.constant 0 : i32
        %dma_start3A_183 = arith.constant 0 : i32
        %dma_start3A_184 = tpu.memref_slice %arg8[%run_scoped3A_175, %dma_start3A_182, %dma_start3A_183] : memref<4x64x128xf32, #tpu.memory_space<vmem>> -> memref<1x64x128xf32, #tpu.memory_space<vmem>>
        %dma_start3A_185 = tpu.memref_squeeze %dma_start3A_184 : memref<1x64x128xf32, #tpu.memory_space<vmem>> -> memref<64x128xf32, #tpu.memory_space<vmem>>
        %dma_start3A_186 = arith.constant 0 : i32
        %dma_start3A_187 = tpu.memref_slice %arg7[%add3A_174, %run_scoped3A_176, %dma_start3A_186] : memref<40x2x64xi32, #tpu.memory_space<vmem>> -> memref<1x1x64xi32, #tpu.memory_space<vmem>>
        %dma_start3A_188 = tpu.memref_squeeze %dma_start3A_187 : memref<1x1x64xi32, #tpu.memory_space<vmem>> -> memref<64xi32, #tpu.memory_space<vmem>>
        %dma_start3A_189 = arith.constant 0 : i32
        %dma_start3A_190 = arith.constant 0 : i32
        %dma_start3A_191 = tpu.memref_slice %arg6[%dma_start3A_189, %dma_start3A_190] : memref<10240x128xf32, #tpu.memory_space<vmem_shared>> -> memref<10240x128xf32, #tpu.memory_space<vmem_shared>>
        tpu.enqueue_indirect_dma source(%dma_start3A_185 : memref<64x128xf32, #tpu.memory_space<vmem>>) target(%dma_start3A_191 : memref<10240x128xf32, #tpu.memory_space<vmem_shared>>) offsets(%dma_start3A_188 : memref<64xi32, #tpu.memory_space<vmem>>) semaphore(%run_scoped3A_181 : memref<!tpu.dma_semaphore, #tpu.memory_space<semaphore_mem>>) {add = true}
        %dma_wait3A_192 = arith.constant 0 : i32
        %dma_wait3A_193 = arith.constant 0 : i32
        %dma_wait3A_194 = tpu.memref_slice %arg8[%run_scoped3A_175, %dma_wait3A_192, %dma_wait3A_193] : memref<4x64x128xf32, #tpu.memory_space<vmem>> -> memref<1x64x128xf32, #tpu.memory_space<vmem>>
        %dma_wait3A_195 = tpu.memref_squeeze %dma_wait3A_194 : memref<1x64x128xf32, #tpu.memory_space<vmem>> -> memref<64x128xf32, #tpu.memory_space<vmem>>
        %dma_wait3A_196 = arith.constant 0 : i32
        %dma_wait3A_197 = tpu.memref_slice %arg7[%add3A_174, %run_scoped3A_176, %dma_wait3A_196] : memref<40x2x64xi32, #tpu.memory_space<vmem>> -> memref<1x1x64xi32, #tpu.memory_space<vmem>>
        %dma_wait3A_198 = tpu.memref_squeeze %dma_wait3A_197 : memref<1x1x64xi32, #tpu.memory_space<vmem>> -> memref<64xi32, #tpu.memory_space<vmem>>
        %dma_wait3A_199 = arith.constant 0 : i32
        %dma_wait3A_200 = arith.constant 0 : i32
        %dma_wait3A_201 = tpu.memref_slice %arg6[%dma_wait3A_199, %dma_wait3A_200] : memref<10240x128xf32, #tpu.memory_space<vmem_shared>> -> memref<10240x128xf32, #tpu.memory_space<vmem_shared>>
        tpu.wait_indirect_dma semaphore(%run_scoped3A_181 : memref<!tpu.dma_semaphore, #tpu.memory_space<semaphore_mem>>) src(%dma_wait3A_195 : memref<64x128xf32, #tpu.memory_space<vmem>>) dst(%dma_wait3A_201 : memref<10240x128xf32, #tpu.memory_space<vmem_shared>>)
        tpu.yield
      }) : () -> ()
      %add3A_177 = arith.constant 3 : i32
      %add3A_178 = arith.addi %add3A_30, %add3A_177 : i32
      %run_scoped3A_179 = arith.constant 3 : i32
      %run_scoped3A_180 = arith.constant 1 : i32
      "tpu.region"() ({
        %run_scoped3A_181 = tpu.sem_alloc : memref<!tpu.dma_semaphore, #tpu.memory_space<semaphore_mem>>
        %dma_start3A_182 = arith.constant 0 : i32
        %dma_start3A_183 = arith.constant 0 : i32
        %dma_start3A_184 = tpu.memref_slice %arg8[%run_scoped3A_179, %dma_start3A_182, %dma_start3A_183] : memref<4x64x128xf32, #tpu.memory_space<vmem>> -> memref<1x64x128xf32, #tpu.memory_space<vmem>>
        %dma_start3A_185 = tpu.memref_squeeze %dma_start3A_184 : memref<1x64x128xf32, #tpu.memory_space<vmem>> -> memref<64x128xf32, #tpu.memory_space<vmem>>
        %dma_start3A_186 = arith.constant 0 : i32
        %dma_start3A_187 = tpu.memref_slice %arg7[%add3A_178, %run_scoped3A_180, %dma_start3A_186] : memref<40x2x64xi32, #tpu.memory_space<vmem>> -> memref<1x1x64xi32, #tpu.memory_space<vmem>>
        %dma_start3A_188 = tpu.memref_squeeze %dma_start3A_187 : memref<1x1x64xi32, #tpu.memory_space<vmem>> -> memref<64xi32, #tpu.memory_space<vmem>>
        %dma_start3A_189 = arith.constant 0 : i32
        %dma_start3A_190 = arith.constant 0 : i32
        %dma_start3A_191 = tpu.memref_slice %arg6[%dma_start3A_189, %dma_start3A_190] : memref<10240x128xf32, #tpu.memory_space<vmem_shared>> -> memref<10240x128xf32, #tpu.memory_space<vmem_shared>>
        tpu.enqueue_indirect_dma source(%dma_start3A_185 : memref<64x128xf32, #tpu.memory_space<vmem>>) target(%dma_start3A_191 : memref<10240x128xf32, #tpu.memory_space<vmem_shared>>) offsets(%dma_start3A_188 : memref<64xi32, #tpu.memory_space<vmem>>) semaphore(%run_scoped3A_181 : memref<!tpu.dma_semaphore, #tpu.memory_space<semaphore_mem>>) {add = true}
        %dma_wait3A_192 = arith.constant 0 : i32
        %dma_wait3A_193 = arith.constant 0 : i32
        %dma_wait3A_194 = tpu.memref_slice %arg8[%run_scoped3A_179, %dma_wait3A_192, %dma_wait3A_193] : memref<4x64x128xf32, #tpu.memory_space<vmem>> -> memref<1x64x128xf32, #tpu.memory_space<vmem>>
        %dma_wait3A_195 = tpu.memref_squeeze %dma_wait3A_194 : memref<1x64x128xf32, #tpu.memory_space<vmem>> -> memref<64x128xf32, #tpu.memory_space<vmem>>
        %dma_wait3A_196 = arith.constant 0 : i32
        %dma_wait3A_197 = tpu.memref_slice %arg7[%add3A_178, %run_scoped3A_180, %dma_wait3A_196] : memref<40x2x64xi32, #tpu.memory_space<vmem>> -> memref<1x1x64xi32, #tpu.memory_space<vmem>>
        %dma_wait3A_198 = tpu.memref_squeeze %dma_wait3A_197 : memref<1x1x64xi32, #tpu.memory_space<vmem>> -> memref<64xi32, #tpu.memory_space<vmem>>
        %dma_wait3A_199 = arith.constant 0 : i32
        %dma_wait3A_200 = arith.constant 0 : i32
        %dma_wait3A_201 = tpu.memref_slice %arg6[%dma_wait3A_199, %dma_wait3A_200] : memref<10240x128xf32, #tpu.memory_space<vmem_shared>> -> memref<10240x128xf32, #tpu.memory_space<vmem_shared>>
        tpu.wait_indirect_dma semaphore(%run_scoped3A_181 : memref<!tpu.dma_semaphore, #tpu.memory_space<semaphore_mem>>) src(%dma_wait3A_195 : memref<64x128xf32, #tpu.memory_space<vmem>>) dst(%dma_wait3A_201 : memref<10240x128xf32, #tpu.memory_space<vmem_shared>>)
        tpu.yield
      }) : () -> ()
    }
    %scan3A_6 = arith.constant 10 : i32
    %run_scoped3A_7 = arith.constant 1 : i32
    "tpu.region"() ({
      %run_scoped3A_26 = tpu.sem_alloc : memref<!tpu.dma_semaphore, #tpu.memory_space<semaphore_mem>>
      %dma_start3A = arith.constant 0 : i32
      %dma_start3A_27 = arith.constant 0 : i32
      %dma_start3A_28 = arith.constant 0 : i32
      %dma_start3A_29 = tpu.memref_slice %arg2[%add3A, %run_scoped3A_7, %dma_start3A, %dma_start3A_27, %dma_start3A_28] : memref<32x4x40x2x64xi32, #tpu.memory_space<hbm>> -> memref<1x1x40x2x64xi32, #tpu.memory_space<hbm>>
      %dma_start3A_30 = tpu.memref_squeeze %dma_start3A_29 : memref<1x1x40x2x64xi32, #tpu.memory_space<hbm>> -> memref<40x2x64xi32, #tpu.memory_space<hbm>>
      %dma_start3A_31 = arith.constant 0 : i32
      %dma_start3A_32 = arith.constant 0 : i32
      %dma_start3A_33 = arith.constant 0 : i32
      %dma_start3A_34 = tpu.memref_slice %arg2[%add3A, %run_scoped3A_7, %dma_start3A_31, %dma_start3A_32, %dma_start3A_33] : memref<32x4x40x2x64xi32, #tpu.memory_space<hbm>> -> memref<1x1x40x2x64xi32, #tpu.memory_space<hbm>>
      %dma_start3A_35 = tpu.memref_squeeze %dma_start3A_34 : memref<1x1x40x2x64xi32, #tpu.memory_space<hbm>> -> memref<40x2x64xi32, #tpu.memory_space<hbm>>
      tpu.enqueue_dma source(%dma_start3A_35 : memref<40x2x64xi32, #tpu.memory_space<hbm>>) target(%arg7 : memref<40x2x64xi32, #tpu.memory_space<vmem>>) target_semaphore(%run_scoped3A_26 : memref<!tpu.dma_semaphore, #tpu.memory_space<semaphore_mem>>)
      %dma_wait3A = arith.constant 0 : i32
      %dma_wait3A_36 = arith.constant 0 : i32
      %dma_wait3A_37 = arith.constant 0 : i32
      %dma_wait3A_38 = tpu.memref_slice %arg2[%add3A, %run_scoped3A_7, %dma_wait3A, %dma_wait3A_36, %dma_wait3A_37] : memref<32x4x40x2x64xi32, #tpu.memory_space<hbm>> -> memref<1x1x40x2x64xi32, #tpu.memory_space<hbm>>
      %dma_wait3A_39 = tpu.memref_squeeze %dma_wait3A_38 : memref<1x1x40x2x64xi32, #tpu.memory_space<hbm>> -> memref<40x2x64xi32, #tpu.memory_space<hbm>>
      %dma_wait3A_40 = arith.constant 0 : i32
      %dma_wait3A_41 = arith.constant 0 : i32
      %dma_wait3A_42 = arith.constant 0 : i32
      %dma_wait3A_43 = tpu.memref_slice %arg2[%add3A, %run_scoped3A_7, %dma_wait3A_40, %dma_wait3A_41, %dma_wait3A_42] : memref<32x4x40x2x64xi32, #tpu.memory_space<hbm>> -> memref<1x1x40x2x64xi32, #tpu.memory_space<hbm>>
      %dma_wait3A_44 = tpu.memref_squeeze %dma_wait3A_43 : memref<1x1x40x2x64xi32, #tpu.memory_space<hbm>> -> memref<40x2x64xi32, #tpu.memory_space<hbm>>
      tpu.wait_dma2 semaphore(%run_scoped3A_26 : memref<!tpu.dma_semaphore, #tpu.memory_space<semaphore_mem>>) src(%dma_wait3A_44 : memref<40x2x64xi32, #tpu.memory_space<hbm>>) dst(%arg7 : memref<40x2x64xi32, #tpu.memory_space<vmem>>)
      tpu.yield
    }) : () -> ()
    %scan3A_8 = arith.constant 0 : i32
    %scan3A_9 = arith.constant 10 : i32
    %scan3A_10 = arith.addi %scan3A_8, %scan3A_9 : i32
    %scan3A_11 = arith.constant 1 : i32
    scf.for %scan3A_26 = %scan3A_8 to %scan3A_10 step %scan3A_11  : i32 {
      %mul3A_27 = arith.constant 4 : i32
      %mul3A_28 = arith.muli %scan3A_26, %mul3A_27 : i32
      %add3A_29 = arith.constant 0 : i32
      %add3A_30 = arith.addi %add3A_29, %mul3A_28 : i32
      %add3A_31 = arith.constant 0 : i32
      %add3A_32 = arith.addi %add3A_30, %add3A_31 : i32
      %dma_start3A = arith.constant 0 : i32
      %dma_start3A_33 = arith.constant 0 : i32
      %dma_start3A_34 = arith.constant 0 : i32
      %dma_start3A_35 = arith.constant 0 : i32
      %dma_start3A_36 = arith.constant 0 : i32
      %dma_start3A_37 = tpu.memref_slice %arg8[%dma_start3A_33, %dma_start3A_35, %dma_start3A_36] : memref<4x64x128xf32, #tpu.memory_space<vmem>> -> memref<1x64x128xf32, #tpu.memory_space<vmem>>
      %dma_start3A_38 = tpu.memref_squeeze %dma_start3A_37 : memref<1x64x128xf32, #tpu.memory_space<vmem>> -> memref<64x128xf32, #tpu.memory_space<vmem>>
      %dma_start3A_39 = arith.constant 0 : i32
      %dma_start3A_40 = tpu.memref_slice %arg7[%add3A_32, %dma_start3A, %dma_start3A_39] : memref<40x2x64xi32, #tpu.memory_space<vmem>> -> memref<1x1x64xi32, #tpu.memory_space<vmem>>
      %dma_start3A_41 = tpu.memref_squeeze %dma_start3A_40 : memref<1x1x64xi32, #tpu.memory_space<vmem>> -> memref<64xi32, #tpu.memory_space<vmem>>
      %dma_start3A_42 = arith.constant 0 : i32
      %dma_start3A_43 = arith.constant 0 : i32
      %dma_start3A_44 = tpu.memref_slice %arg3[%dma_start3A_42, %dma_start3A_43] : memref<10000x128xf32, #tpu.memory_space<hbm>> -> memref<10000x128xf32, #tpu.memory_space<hbm>>
      %dma_start3A_45 = tpu.memref_slice %arg9[%dma_start3A_34] : memref<4x!tpu.dma_semaphore, #tpu.memory_space<semaphore_mem>> -> memref<1x!tpu.dma_semaphore, #tpu.memory_space<semaphore_mem>>
      %dma_start3A_46 = tpu.memref_squeeze %dma_start3A_45 : memref<1x!tpu.dma_semaphore, #tpu.memory_space<semaphore_mem>> -> memref<!tpu.dma_semaphore, #tpu.memory_space<semaphore_mem>>
      tpu.enqueue_indirect_dma source(%dma_start3A_44 : memref<10000x128xf32, #tpu.memory_space<hbm>>) target(%dma_start3A_38 : memref<64x128xf32, #tpu.memory_space<vmem>>) offsets(%dma_start3A_41 : memref<64xi32, #tpu.memory_space<vmem>>) semaphore(%dma_start3A_46 : memref<!tpu.dma_semaphore, #tpu.memory_space<semaphore_mem>>)
      %add3A_47 = arith.constant 1 : i32
      %add3A_48 = arith.addi %add3A_30, %add3A_47 : i32
      %dma_start3A_49 = arith.constant 0 : i32
      %dma_start3A_50 = arith.constant 1 : i32
      %dma_start3A_51 = arith.constant 1 : i32
      %dma_start3A_52 = arith.constant 0 : i32
      %dma_start3A_53 = arith.constant 0 : i32
      %dma_start3A_54 = tpu.memref_slice %arg8[%dma_start3A_50, %dma_start3A_52, %dma_start3A_53] : memref<4x64x128xf32, #tpu.memory_space<vmem>> -> memref<1x64x128xf32, #tpu.memory_space<vmem>>
      %dma_start3A_55 = tpu.memref_squeeze %dma_start3A_54 : memref<1x64x128xf32, #tpu.memory_space<vmem>> -> memref<64x128xf32, #tpu.memory_space<vmem>>
      %dma_start3A_56 = arith.constant 0 : i32
      %dma_start3A_57 = tpu.memref_slice %arg7[%add3A_48, %dma_start3A_49, %dma_start3A_56] : memref<40x2x64xi32, #tpu.memory_space<vmem>> -> memref<1x1x64xi32, #tpu.memory_space<vmem>>
      %dma_start3A_58 = tpu.memref_squeeze %dma_start3A_57 : memref<1x1x64xi32, #tpu.memory_space<vmem>> -> memref<64xi32, #tpu.memory_space<vmem>>
      %dma_start3A_59 = arith.constant 0 : i32
      %dma_start3A_60 = arith.constant 0 : i32
      %dma_start3A_61 = tpu.memref_slice %arg3[%dma_start3A_59, %dma_start3A_60] : memref<10000x128xf32, #tpu.memory_space<hbm>> -> memref<10000x128xf32, #tpu.memory_space<hbm>>
      %dma_start3A_62 = tpu.memref_slice %arg9[%dma_start3A_51] : memref<4x!tpu.dma_semaphore, #tpu.memory_space<semaphore_mem>> -> memref<1x!tpu.dma_semaphore, #tpu.memory_space<semaphore_mem>>
      %dma_start3A_63 = tpu.memref_squeeze %dma_start3A_62 : memref<1x!tpu.dma_semaphore, #tpu.memory_space<semaphore_mem>> -> memref<!tpu.dma_semaphore, #tpu.memory_space<semaphore_mem>>
      tpu.enqueue_indirect_dma source(%dma_start3A_61 : memref<10000x128xf32, #tpu.memory_space<hbm>>) target(%dma_start3A_55 : memref<64x128xf32, #tpu.memory_space<vmem>>) offsets(%dma_start3A_58 : memref<64xi32, #tpu.memory_space<vmem>>) semaphore(%dma_start3A_63 : memref<!tpu.dma_semaphore, #tpu.memory_space<semaphore_mem>>)
      %add3A_64 = arith.constant 2 : i32
      %add3A_65 = arith.addi %add3A_30, %add3A_64 : i32
      %dma_start3A_66 = arith.constant 0 : i32
      %dma_start3A_67 = arith.constant 2 : i32
      %dma_start3A_68 = arith.constant 2 : i32
      %dma_start3A_69 = arith.constant 0 : i32
      %dma_start3A_70 = arith.constant 0 : i32
      %dma_start3A_71 = tpu.memref_slice %arg8[%dma_start3A_67, %dma_start3A_69, %dma_start3A_70] : memref<4x64x128xf32, #tpu.memory_space<vmem>> -> memref<1x64x128xf32, #tpu.memory_space<vmem>>
      %dma_start3A_72 = tpu.memref_squeeze %dma_start3A_71 : memref<1x64x128xf32, #tpu.memory_space<vmem>> -> memref<64x128xf32, #tpu.memory_space<vmem>>
      %dma_start3A_73 = arith.constant 0 : i32
      %dma_start3A_74 = tpu.memref_slice %arg7[%add3A_65, %dma_start3A_66, %dma_start3A_73] : memref<40x2x64xi32, #tpu.memory_space<vmem>> -> memref<1x1x64xi32, #tpu.memory_space<vmem>>
      %dma_start3A_75 = tpu.memref_squeeze %dma_start3A_74 : memref<1x1x64xi32, #tpu.memory_space<vmem>> -> memref<64xi32, #tpu.memory_space<vmem>>
      %dma_start3A_76 = arith.constant 0 : i32
      %dma_start3A_77 = arith.constant 0 : i32
      %dma_start3A_78 = tpu.memref_slice %arg3[%dma_start3A_76, %dma_start3A_77] : memref<10000x128xf32, #tpu.memory_space<hbm>> -> memref<10000x128xf32, #tpu.memory_space<hbm>>
      %dma_start3A_79 = tpu.memref_slice %arg9[%dma_start3A_68] : memref<4x!tpu.dma_semaphore, #tpu.memory_space<semaphore_mem>> -> memref<1x!tpu.dma_semaphore, #tpu.memory_space<semaphore_mem>>
      %dma_start3A_80 = tpu.memref_squeeze %dma_start3A_79 : memref<1x!tpu.dma_semaphore, #tpu.memory_space<semaphore_mem>> -> memref<!tpu.dma_semaphore, #tpu.memory_space<semaphore_mem>>
      tpu.enqueue_indirect_dma source(%dma_start3A_78 : memref<10000x128xf32, #tpu.memory_space<hbm>>) target(%dma_start3A_72 : memref<64x128xf32, #tpu.memory_space<vmem>>) offsets(%dma_start3A_75 : memref<64xi32, #tpu.memory_space<vmem>>) semaphore(%dma_start3A_80 : memref<!tpu.dma_semaphore, #tpu.memory_space<semaphore_mem>>)
      %add3A_81 = arith.constant 3 : i32
      %add3A_82 = arith.addi %add3A_30, %add3A_81 : i32
      %dma_start3A_83 = arith.constant 0 : i32
      %dma_start3A_84 = arith.constant 3 : i32
      %dma_start3A_85 = arith.constant 3 : i32
      %dma_start3A_86 = arith.constant 0 : i32
      %dma_start3A_87 = arith.constant 0 : i32
      %dma_start3A_88 = tpu.memref_slice %arg8[%dma_start3A_84, %dma_start3A_86, %dma_start3A_87] : memref<4x64x128xf32, #tpu.memory_space<vmem>> -> memref<1x64x128xf32, #tpu.memory_space<vmem>>
      %dma_start3A_89 = tpu.memref_squeeze %dma_start3A_88 : memref<1x64x128xf32, #tpu.memory_space<vmem>> -> memref<64x128xf32, #tpu.memory_space<vmem>>
      %dma_start3A_90 = arith.constant 0 : i32
      %dma_start3A_91 = tpu.memref_slice %arg7[%add3A_82, %dma_start3A_83, %dma_start3A_90] : memref<40x2x64xi32, #tpu.memory_space<vmem>> -> memref<1x1x64xi32, #tpu.memory_space<vmem>>
      %dma_start3A_92 = tpu.memref_squeeze %dma_start3A_91 : memref<1x1x64xi32, #tpu.memory_space<vmem>> -> memref<64xi32, #tpu.memory_space<vmem>>
      %dma_start3A_93 = arith.constant 0 : i32
      %dma_start3A_94 = arith.constant 0 : i32
      %dma_start3A_95 = tpu.memref_slice %arg3[%dma_start3A_93, %dma_start3A_94] : memref<10000x128xf32, #tpu.memory_space<hbm>> -> memref<10000x128xf32, #tpu.memory_space<hbm>>
      %dma_start3A_96 = tpu.memref_slice %arg9[%dma_start3A_85] : memref<4x!tpu.dma_semaphore, #tpu.memory_space<semaphore_mem>> -> memref<1x!tpu.dma_semaphore, #tpu.memory_space<semaphore_mem>>
      %dma_start3A_97 = tpu.memref_squeeze %dma_start3A_96 : memref<1x!tpu.dma_semaphore, #tpu.memory_space<semaphore_mem>> -> memref<!tpu.dma_semaphore, #tpu.memory_space<semaphore_mem>>
      tpu.enqueue_indirect_dma source(%dma_start3A_95 : memref<10000x128xf32, #tpu.memory_space<hbm>>) target(%dma_start3A_89 : memref<64x128xf32, #tpu.memory_space<vmem>>) offsets(%dma_start3A_92 : memref<64xi32, #tpu.memory_space<vmem>>) semaphore(%dma_start3A_97 : memref<!tpu.dma_semaphore, #tpu.memory_space<semaphore_mem>>)
      %add3A_98 = arith.constant 0 : i32
      %add3A_99 = arith.addi %add3A_30, %add3A_98 : i32
      %dma_wait3A = arith.constant 0 : i32
      %dma_wait3A_100 = arith.constant 0 : i32
      %dma_wait3A_101 = arith.constant 0 : i32
      %dma_wait3A_102 = arith.constant 0 : i32
      %dma_wait3A_103 = arith.constant 0 : i32
      %dma_wait3A_104 = tpu.memref_slice %arg8[%dma_wait3A_100, %dma_wait3A_102, %dma_wait3A_103] : memref<4x64x128xf32, #tpu.memory_space<vmem>> -> memref<1x64x128xf32, #tpu.memory_space<vmem>>
      %dma_wait3A_105 = tpu.memref_squeeze %dma_wait3A_104 : memref<1x64x128xf32, #tpu.memory_space<vmem>> -> memref<64x128xf32, #tpu.memory_space<vmem>>
      %dma_wait3A_106 = arith.constant 0 : i32
      %dma_wait3A_107 = tpu.memref_slice %arg7[%add3A_99, %dma_wait3A, %dma_wait3A_106] : memref<40x2x64xi32, #tpu.memory_space<vmem>> -> memref<1x1x64xi32, #tpu.memory_space<vmem>>
      %dma_wait3A_108 = tpu.memref_squeeze %dma_wait3A_107 : memref<1x1x64xi32, #tpu.memory_space<vmem>> -> memref<64xi32, #tpu.memory_space<vmem>>
      %dma_wait3A_109 = arith.constant 0 : i32
      %dma_wait3A_110 = arith.constant 0 : i32
      %dma_wait3A_111 = tpu.memref_slice %arg3[%dma_wait3A_109, %dma_wait3A_110] : memref<10000x128xf32, #tpu.memory_space<hbm>> -> memref<10000x128xf32, #tpu.memory_space<hbm>>
      %dma_wait3A_112 = tpu.memref_slice %arg9[%dma_wait3A_101] : memref<4x!tpu.dma_semaphore, #tpu.memory_space<semaphore_mem>> -> memref<1x!tpu.dma_semaphore, #tpu.memory_space<semaphore_mem>>
      %dma_wait3A_113 = tpu.memref_squeeze %dma_wait3A_112 : memref<1x!tpu.dma_semaphore, #tpu.memory_space<semaphore_mem>> -> memref<!tpu.dma_semaphore, #tpu.memory_space<semaphore_mem>>
      tpu.wait_indirect_dma semaphore(%dma_wait3A_113 : memref<!tpu.dma_semaphore, #tpu.memory_space<semaphore_mem>>) src(%dma_wait3A_111 : memref<10000x128xf32, #tpu.memory_space<hbm>>) dst(%dma_wait3A_105 : memref<64x128xf32, #tpu.memory_space<vmem>>)
      %add3A_114 = arith.constant 1 : i32
      %add3A_115 = arith.addi %add3A_30, %add3A_114 : i32
      %dma_wait3A_116 = arith.constant 0 : i32
      %dma_wait3A_117 = arith.constant 1 : i32
      %dma_wait3A_118 = arith.constant 1 : i32
      %dma_wait3A_119 = arith.constant 0 : i32
      %dma_wait3A_120 = arith.constant 0 : i32
      %dma_wait3A_121 = tpu.memref_slice %arg8[%dma_wait3A_117, %dma_wait3A_119, %dma_wait3A_120] : memref<4x64x128xf32, #tpu.memory_space<vmem>> -> memref<1x64x128xf32, #tpu.memory_space<vmem>>
      %dma_wait3A_122 = tpu.memref_squeeze %dma_wait3A_121 : memref<1x64x128xf32, #tpu.memory_space<vmem>> -> memref<64x128xf32, #tpu.memory_space<vmem>>
      %dma_wait3A_123 = arith.constant 0 : i32
      %dma_wait3A_124 = tpu.memref_slice %arg7[%add3A_115, %dma_wait3A_116, %dma_wait3A_123] : memref<40x2x64xi32, #tpu.memory_space<vmem>> -> memref<1x1x64xi32, #tpu.memory_space<vmem>>
      %dma_wait3A_125 = tpu.memref_squeeze %dma_wait3A_124 : memref<1x1x64xi32, #tpu.memory_space<vmem>> -> memref<64xi32, #tpu.memory_space<vmem>>
      %dma_wait3A_126 = arith.constant 0 : i32
      %dma_wait3A_127 = arith.constant 0 : i32
      %dma_wait3A_128 = tpu.memref_slice %arg3[%dma_wait3A_126, %dma_wait3A_127] : memref<10000x128xf32, #tpu.memory_space<hbm>> -> memref<10000x128xf32, #tpu.memory_space<hbm>>
      %dma_wait3A_129 = tpu.memref_slice %arg9[%dma_wait3A_118] : memref<4x!tpu.dma_semaphore, #tpu.memory_space<semaphore_mem>> -> memref<1x!tpu.dma_semaphore, #tpu.memory_space<semaphore_mem>>
      %dma_wait3A_130 = tpu.memref_squeeze %dma_wait3A_129 : memref<1x!tpu.dma_semaphore, #tpu.memory_space<semaphore_mem>> -> memref<!tpu.dma_semaphore, #tpu.memory_space<semaphore_mem>>
      tpu.wait_indirect_dma semaphore(%dma_wait3A_130 : memref<!tpu.dma_semaphore, #tpu.memory_space<semaphore_mem>>) src(%dma_wait3A_128 : memref<10000x128xf32, #tpu.memory_space<hbm>>) dst(%dma_wait3A_122 : memref<64x128xf32, #tpu.memory_space<vmem>>)
      %add3A_131 = arith.constant 2 : i32
      %add3A_132 = arith.addi %add3A_30, %add3A_131 : i32
      %dma_wait3A_133 = arith.constant 0 : i32
      %dma_wait3A_134 = arith.constant 2 : i32
      %dma_wait3A_135 = arith.constant 2 : i32
      %dma_wait3A_136 = arith.constant 0 : i32
      %dma_wait3A_137 = arith.constant 0 : i32
      %dma_wait3A_138 = tpu.memref_slice %arg8[%dma_wait3A_134, %dma_wait3A_136, %dma_wait3A_137] : memref<4x64x128xf32, #tpu.memory_space<vmem>> -> memref<1x64x128xf32, #tpu.memory_space<vmem>>
      %dma_wait3A_139 = tpu.memref_squeeze %dma_wait3A_138 : memref<1x64x128xf32, #tpu.memory_space<vmem>> -> memref<64x128xf32, #tpu.memory_space<vmem>>
      %dma_wait3A_140 = arith.constant 0 : i32
      %dma_wait3A_141 = tpu.memref_slice %arg7[%add3A_132, %dma_wait3A_133, %dma_wait3A_140] : memref<40x2x64xi32, #tpu.memory_space<vmem>> -> memref<1x1x64xi32, #tpu.memory_space<vmem>>
      %dma_wait3A_142 = tpu.memref_squeeze %dma_wait3A_141 : memref<1x1x64xi32, #tpu.memory_space<vmem>> -> memref<64xi32, #tpu.memory_space<vmem>>
      %dma_wait3A_143 = arith.constant 0 : i32
      %dma_wait3A_144 = arith.constant 0 : i32
      %dma_wait3A_145 = tpu.memref_slice %arg3[%dma_wait3A_143, %dma_wait3A_144] : memref<10000x128xf32, #tpu.memory_space<hbm>> -> memref<10000x128xf32, #tpu.memory_space<hbm>>
      %dma_wait3A_146 = tpu.memref_slice %arg9[%dma_wait3A_135] : memref<4x!tpu.dma_semaphore, #tpu.memory_space<semaphore_mem>> -> memref<1x!tpu.dma_semaphore, #tpu.memory_space<semaphore_mem>>
      %dma_wait3A_147 = tpu.memref_squeeze %dma_wait3A_146 : memref<1x!tpu.dma_semaphore, #tpu.memory_space<semaphore_mem>> -> memref<!tpu.dma_semaphore, #tpu.memory_space<semaphore_mem>>
      tpu.wait_indirect_dma semaphore(%dma_wait3A_147 : memref<!tpu.dma_semaphore, #tpu.memory_space<semaphore_mem>>) src(%dma_wait3A_145 : memref<10000x128xf32, #tpu.memory_space<hbm>>) dst(%dma_wait3A_139 : memref<64x128xf32, #tpu.memory_space<vmem>>)
      %add3A_148 = arith.constant 3 : i32
      %add3A_149 = arith.addi %add3A_30, %add3A_148 : i32
      %dma_wait3A_150 = arith.constant 0 : i32
      %dma_wait3A_151 = arith.constant 3 : i32
      %dma_wait3A_152 = arith.constant 3 : i32
      %dma_wait3A_153 = arith.constant 0 : i32
      %dma_wait3A_154 = arith.constant 0 : i32
      %dma_wait3A_155 = tpu.memref_slice %arg8[%dma_wait3A_151, %dma_wait3A_153, %dma_wait3A_154] : memref<4x64x128xf32, #tpu.memory_space<vmem>> -> memref<1x64x128xf32, #tpu.memory_space<vmem>>
      %dma_wait3A_156 = tpu.memref_squeeze %dma_wait3A_155 : memref<1x64x128xf32, #tpu.memory_space<vmem>> -> memref<64x128xf32, #tpu.memory_space<vmem>>
      %dma_wait3A_157 = arith.constant 0 : i32
      %dma_wait3A_158 = tpu.memref_slice %arg7[%add3A_149, %dma_wait3A_150, %dma_wait3A_157] : memref<40x2x64xi32, #tpu.memory_space<vmem>> -> memref<1x1x64xi32, #tpu.memory_space<vmem>>
      %dma_wait3A_159 = tpu.memref_squeeze %dma_wait3A_158 : memref<1x1x64xi32, #tpu.memory_space<vmem>> -> memref<64xi32, #tpu.memory_space<vmem>>
      %dma_wait3A_160 = arith.constant 0 : i32
      %dma_wait3A_161 = arith.constant 0 : i32
      %dma_wait3A_162 = tpu.memref_slice %arg3[%dma_wait3A_160, %dma_wait3A_161] : memref<10000x128xf32, #tpu.memory_space<hbm>> -> memref<10000x128xf32, #tpu.memory_space<hbm>>
      %dma_wait3A_163 = tpu.memref_slice %arg9[%dma_wait3A_152] : memref<4x!tpu.dma_semaphore, #tpu.memory_space<semaphore_mem>> -> memref<1x!tpu.dma_semaphore, #tpu.memory_space<semaphore_mem>>
      %dma_wait3A_164 = tpu.memref_squeeze %dma_wait3A_163 : memref<1x!tpu.dma_semaphore, #tpu.memory_space<semaphore_mem>> -> memref<!tpu.dma_semaphore, #tpu.memory_space<semaphore_mem>>
      tpu.wait_indirect_dma semaphore(%dma_wait3A_164 : memref<!tpu.dma_semaphore, #tpu.memory_space<semaphore_mem>>) src(%dma_wait3A_162 : memref<10000x128xf32, #tpu.memory_space<hbm>>) dst(%dma_wait3A_156 : memref<64x128xf32, #tpu.memory_space<vmem>>)
      %add3A_165 = arith.constant 0 : i32
      %add3A_166 = arith.addi %add3A_30, %add3A_165 : i32
      %run_scoped3A_167 = arith.constant 0 : i32
      %run_scoped3A_168 = arith.constant 1 : i32
      "tpu.region"() ({
        %run_scoped3A_181 = tpu.sem_alloc : memref<!tpu.dma_semaphore, #tpu.memory_space<semaphore_mem>>
        %dma_start3A_182 = arith.constant 0 : i32
        %dma_start3A_183 = arith.constant 0 : i32
        %dma_start3A_184 = tpu.memref_slice %arg8[%run_scoped3A_167, %dma_start3A_182, %dma_start3A_183] : memref<4x64x128xf32, #tpu.memory_space<vmem>> -> memref<1x64x128xf32, #tpu.memory_space<vmem>>
        %dma_start3A_185 = tpu.memref_squeeze %dma_start3A_184 : memref<1x64x128xf32, #tpu.memory_space<vmem>> -> memref<64x128xf32, #tpu.memory_space<vmem>>
        %dma_start3A_186 = arith.constant 0 : i32
        %dma_start3A_187 = tpu.memref_slice %arg7[%add3A_166, %run_scoped3A_168, %dma_start3A_186] : memref<40x2x64xi32, #tpu.memory_space<vmem>> -> memref<1x1x64xi32, #tpu.memory_space<vmem>>
        %dma_start3A_188 = tpu.memref_squeeze %dma_start3A_187 : memref<1x1x64xi32, #tpu.memory_space<vmem>> -> memref<64xi32, #tpu.memory_space<vmem>>
        %dma_start3A_189 = arith.constant 0 : i32
        %dma_start3A_190 = arith.constant 0 : i32
        %dma_start3A_191 = tpu.memref_slice %arg6[%dma_start3A_189, %dma_start3A_190] : memref<10240x128xf32, #tpu.memory_space<vmem_shared>> -> memref<10240x128xf32, #tpu.memory_space<vmem_shared>>
        tpu.enqueue_indirect_dma source(%dma_start3A_185 : memref<64x128xf32, #tpu.memory_space<vmem>>) target(%dma_start3A_191 : memref<10240x128xf32, #tpu.memory_space<vmem_shared>>) offsets(%dma_start3A_188 : memref<64xi32, #tpu.memory_space<vmem>>) semaphore(%run_scoped3A_181 : memref<!tpu.dma_semaphore, #tpu.memory_space<semaphore_mem>>) {add = true}
        %dma_wait3A_192 = arith.constant 0 : i32
        %dma_wait3A_193 = arith.constant 0 : i32
        %dma_wait3A_194 = tpu.memref_slice %arg8[%run_scoped3A_167, %dma_wait3A_192, %dma_wait3A_193] : memref<4x64x128xf32, #tpu.memory_space<vmem>> -> memref<1x64x128xf32, #tpu.memory_space<vmem>>
        %dma_wait3A_195 = tpu.memref_squeeze %dma_wait3A_194 : memref<1x64x128xf32, #tpu.memory_space<vmem>> -> memref<64x128xf32, #tpu.memory_space<vmem>>
        %dma_wait3A_196 = arith.constant 0 : i32
        %dma_wait3A_197 = tpu.memref_slice %arg7[%add3A_166, %run_scoped3A_168, %dma_wait3A_196] : memref<40x2x64xi32, #tpu.memory_space<vmem>> -> memref<1x1x64xi32, #tpu.memory_space<vmem>>
        %dma_wait3A_198 = tpu.memref_squeeze %dma_wait3A_197 : memref<1x1x64xi32, #tpu.memory_space<vmem>> -> memref<64xi32, #tpu.memory_space<vmem>>
        %dma_wait3A_199 = arith.constant 0 : i32
        %dma_wait3A_200 = arith.constant 0 : i32
        %dma_wait3A_201 = tpu.memref_slice %arg6[%dma_wait3A_199, %dma_wait3A_200] : memref<10240x128xf32, #tpu.memory_space<vmem_shared>> -> memref<10240x128xf32, #tpu.memory_space<vmem_shared>>
        tpu.wait_indirect_dma semaphore(%run_scoped3A_181 : memref<!tpu.dma_semaphore, #tpu.memory_space<semaphore_mem>>) src(%dma_wait3A_195 : memref<64x128xf32, #tpu.memory_space<vmem>>) dst(%dma_wait3A_201 : memref<10240x128xf32, #tpu.memory_space<vmem_shared>>)
        tpu.yield
      }) : () -> ()
      %add3A_169 = arith.constant 1 : i32
      %add3A_170 = arith.addi %add3A_30, %add3A_169 : i32
      %run_scoped3A_171 = arith.constant 1 : i32
      %run_scoped3A_172 = arith.constant 1 : i32
      "tpu.region"() ({
        %run_scoped3A_181 = tpu.sem_alloc : memref<!tpu.dma_semaphore, #tpu.memory_space<semaphore_mem>>
        %dma_start3A_182 = arith.constant 0 : i32
        %dma_start3A_183 = arith.constant 0 : i32
        %dma_start3A_184 = tpu.memref_slice %arg8[%run_scoped3A_171, %dma_start3A_182, %dma_start3A_183] : memref<4x64x128xf32, #tpu.memory_space<vmem>> -> memref<1x64x128xf32, #tpu.memory_space<vmem>>
        %dma_start3A_185 = tpu.memref_squeeze %dma_start3A_184 : memref<1x64x128xf32, #tpu.memory_space<vmem>> -> memref<64x128xf32, #tpu.memory_space<vmem>>
        %dma_start3A_186 = arith.constant 0 : i32
        %dma_start3A_187 = tpu.memref_slice %arg7[%add3A_170, %run_scoped3A_172, %dma_start3A_186] : memref<40x2x64xi32, #tpu.memory_space<vmem>> -> memref<1x1x64xi32, #tpu.memory_space<vmem>>
        %dma_start3A_188 = tpu.memref_squeeze %dma_start3A_187 : memref<1x1x64xi32, #tpu.memory_space<vmem>> -> memref<64xi32, #tpu.memory_space<vmem>>
        %dma_start3A_189 = arith.constant 0 : i32
        %dma_start3A_190 = arith.constant 0 : i32
        %dma_start3A_191 = tpu.memref_slice %arg6[%dma_start3A_189, %dma_start3A_190] : memref<10240x128xf32, #tpu.memory_space<vmem_shared>> -> memref<10240x128xf32, #tpu.memory_space<vmem_shared>>
        tpu.enqueue_indirect_dma source(%dma_start3A_185 : memref<64x128xf32, #tpu.memory_space<vmem>>) target(%dma_start3A_191 : memref<10240x128xf32, #tpu.memory_space<vmem_shared>>) offsets(%dma_start3A_188 : memref<64xi32, #tpu.memory_space<vmem>>) semaphore(%run_scoped3A_181 : memref<!tpu.dma_semaphore, #tpu.memory_space<semaphore_mem>>) {add = true}
        %dma_wait3A_192 = arith.constant 0 : i32
        %dma_wait3A_193 = arith.constant 0 : i32
        %dma_wait3A_194 = tpu.memref_slice %arg8[%run_scoped3A_171, %dma_wait3A_192, %dma_wait3A_193] : memref<4x64x128xf32, #tpu.memory_space<vmem>> -> memref<1x64x128xf32, #tpu.memory_space<vmem>>
        %dma_wait3A_195 = tpu.memref_squeeze %dma_wait3A_194 : memref<1x64x128xf32, #tpu.memory_space<vmem>> -> memref<64x128xf32, #tpu.memory_space<vmem>>
        %dma_wait3A_196 = arith.constant 0 : i32
        %dma_wait3A_197 = tpu.memref_slice %arg7[%add3A_170, %run_scoped3A_172, %dma_wait3A_196] : memref<40x2x64xi32, #tpu.memory_space<vmem>> -> memref<1x1x64xi32, #tpu.memory_space<vmem>>
        %dma_wait3A_198 = tpu.memref_squeeze %dma_wait3A_197 : memref<1x1x64xi32, #tpu.memory_space<vmem>> -> memref<64xi32, #tpu.memory_space<vmem>>
        %dma_wait3A_199 = arith.constant 0 : i32
        %dma_wait3A_200 = arith.constant 0 : i32
        %dma_wait3A_201 = tpu.memref_slice %arg6[%dma_wait3A_199, %dma_wait3A_200] : memref<10240x128xf32, #tpu.memory_space<vmem_shared>> -> memref<10240x128xf32, #tpu.memory_space<vmem_shared>>
        tpu.wait_indirect_dma semaphore(%run_scoped3A_181 : memref<!tpu.dma_semaphore, #tpu.memory_space<semaphore_mem>>) src(%dma_wait3A_195 : memref<64x128xf32, #tpu.memory_space<vmem>>) dst(%dma_wait3A_201 : memref<10240x128xf32, #tpu.memory_space<vmem_shared>>)
        tpu.yield
      }) : () -> ()
      %add3A_173 = arith.constant 2 : i32
      %add3A_174 = arith.addi %add3A_30, %add3A_173 : i32
      %run_scoped3A_175 = arith.constant 2 : i32
      %run_scoped3A_176 = arith.constant 1 : i32
      "tpu.region"() ({
        %run_scoped3A_181 = tpu.sem_alloc : memref<!tpu.dma_semaphore, #tpu.memory_space<semaphore_mem>>
        %dma_start3A_182 = arith.constant 0 : i32
        %dma_start3A_183 = arith.constant 0 : i32
        %dma_start3A_184 = tpu.memref_slice %arg8[%run_scoped3A_175, %dma_start3A_182, %dma_start3A_183] : memref<4x64x128xf32, #tpu.memory_space<vmem>> -> memref<1x64x128xf32, #tpu.memory_space<vmem>>
        %dma_start3A_185 = tpu.memref_squeeze %dma_start3A_184 : memref<1x64x128xf32, #tpu.memory_space<vmem>> -> memref<64x128xf32, #tpu.memory_space<vmem>>
        %dma_start3A_186 = arith.constant 0 : i32
        %dma_start3A_187 = tpu.memref_slice %arg7[%add3A_174, %run_scoped3A_176, %dma_start3A_186] : memref<40x2x64xi32, #tpu.memory_space<vmem>> -> memref<1x1x64xi32, #tpu.memory_space<vmem>>
        %dma_start3A_188 = tpu.memref_squeeze %dma_start3A_187 : memref<1x1x64xi32, #tpu.memory_space<vmem>> -> memref<64xi32, #tpu.memory_space<vmem>>
        %dma_start3A_189 = arith.constant 0 : i32
        %dma_start3A_190 = arith.constant 0 : i32
        %dma_start3A_191 = tpu.memref_slice %arg6[%dma_start3A_189, %dma_start3A_190] : memref<10240x128xf32, #tpu.memory_space<vmem_shared>> -> memref<10240x128xf32, #tpu.memory_space<vmem_shared>>
        tpu.enqueue_indirect_dma source(%dma_start3A_185 : memref<64x128xf32, #tpu.memory_space<vmem>>) target(%dma_start3A_191 : memref<10240x128xf32, #tpu.memory_space<vmem_shared>>) offsets(%dma_start3A_188 : memref<64xi32, #tpu.memory_space<vmem>>) semaphore(%run_scoped3A_181 : memref<!tpu.dma_semaphore, #tpu.memory_space<semaphore_mem>>) {add = true}
        %dma_wait3A_192 = arith.constant 0 : i32
        %dma_wait3A_193 = arith.constant 0 : i32
        %dma_wait3A_194 = tpu.memref_slice %arg8[%run_scoped3A_175, %dma_wait3A_192, %dma_wait3A_193] : memref<4x64x128xf32, #tpu.memory_space<vmem>> -> memref<1x64x128xf32, #tpu.memory_space<vmem>>
        %dma_wait3A_195 = tpu.memref_squeeze %dma_wait3A_194 : memref<1x64x128xf32, #tpu.memory_space<vmem>> -> memref<64x128xf32, #tpu.memory_space<vmem>>
        %dma_wait3A_196 = arith.constant 0 : i32
        %dma_wait3A_197 = tpu.memref_slice %arg7[%add3A_174, %run_scoped3A_176, %dma_wait3A_196] : memref<40x2x64xi32, #tpu.memory_space<vmem>> -> memref<1x1x64xi32, #tpu.memory_space<vmem>>
        %dma_wait3A_198 = tpu.memref_squeeze %dma_wait3A_197 : memref<1x1x64xi32, #tpu.memory_space<vmem>> -> memref<64xi32, #tpu.memory_space<vmem>>
        %dma_wait3A_199 = arith.constant 0 : i32
        %dma_wait3A_200 = arith.constant 0 : i32
        %dma_wait3A_201 = tpu.memref_slice %arg6[%dma_wait3A_199, %dma_wait3A_200] : memref<10240x128xf32, #tpu.memory_space<vmem_shared>> -> memref<10240x128xf32, #tpu.memory_space<vmem_shared>>
        tpu.wait_indirect_dma semaphore(%run_scoped3A_181 : memref<!tpu.dma_semaphore, #tpu.memory_space<semaphore_mem>>) src(%dma_wait3A_195 : memref<64x128xf32, #tpu.memory_space<vmem>>) dst(%dma_wait3A_201 : memref<10240x128xf32, #tpu.memory_space<vmem_shared>>)
        tpu.yield
      }) : () -> ()
      %add3A_177 = arith.constant 3 : i32
      %add3A_178 = arith.addi %add3A_30, %add3A_177 : i32
      %run_scoped3A_179 = arith.constant 3 : i32
      %run_scoped3A_180 = arith.constant 1 : i32
      "tpu.region"() ({
        %run_scoped3A_181 = tpu.sem_alloc : memref<!tpu.dma_semaphore, #tpu.memory_space<semaphore_mem>>
        %dma_start3A_182 = arith.constant 0 : i32
        %dma_start3A_183 = arith.constant 0 : i32
        %dma_start3A_184 = tpu.memref_slice %arg8[%run_scoped3A_179, %dma_start3A_182, %dma_start3A_183] : memref<4x64x128xf32, #tpu.memory_space<vmem>> -> memref<1x64x128xf32, #tpu.memory_space<vmem>>
        %dma_start3A_185 = tpu.memref_squeeze %dma_start3A_184 : memref<1x64x128xf32, #tpu.memory_space<vmem>> -> memref<64x128xf32, #tpu.memory_space<vmem>>
        %dma_start3A_186 = arith.constant 0 : i32
        %dma_start3A_187 = tpu.memref_slice %arg7[%add3A_178, %run_scoped3A_180, %dma_start3A_186] : memref<40x2x64xi32, #tpu.memory_space<vmem>> -> memref<1x1x64xi32, #tpu.memory_space<vmem>>
        %dma_start3A_188 = tpu.memref_squeeze %dma_start3A_187 : memref<1x1x64xi32, #tpu.memory_space<vmem>> -> memref<64xi32, #tpu.memory_space<vmem>>
        %dma_start3A_189 = arith.constant 0 : i32
        %dma_start3A_190 = arith.constant 0 : i32
        %dma_start3A_191 = tpu.memref_slice %arg6[%dma_start3A_189, %dma_start3A_190] : memref<10240x128xf32, #tpu.memory_space<vmem_shared>> -> memref<10240x128xf32, #tpu.memory_space<vmem_shared>>
        tpu.enqueue_indirect_dma source(%dma_start3A_185 : memref<64x128xf32, #tpu.memory_space<vmem>>) target(%dma_start3A_191 : memref<10240x128xf32, #tpu.memory_space<vmem_shared>>) offsets(%dma_start3A_188 : memref<64xi32, #tpu.memory_space<vmem>>) semaphore(%run_scoped3A_181 : memref<!tpu.dma_semaphore, #tpu.memory_space<semaphore_mem>>) {add = true}
        %dma_wait3A_192 = arith.constant 0 : i32
        %dma_wait3A_193 = arith.constant 0 : i32
        %dma_wait3A_194 = tpu.memref_slice %arg8[%run_scoped3A_179, %dma_wait3A_192, %dma_wait3A_193] : memref<4x64x128xf32, #tpu.memory_space<vmem>> -> memref<1x64x128xf32, #tpu.memory_space<vmem>>
        %dma_wait3A_195 = tpu.memref_squeeze %dma_wait3A_194 : memref<1x64x128xf32, #tpu.memory_space<vmem>> -> memref<64x128xf32, #tpu.memory_space<vmem>>
        %dma_wait3A_196 = arith.constant 0 : i32
        %dma_wait3A_197 = tpu.memref_slice %arg7[%add3A_178, %run_scoped3A_180, %dma_wait3A_196] : memref<40x2x64xi32, #tpu.memory_space<vmem>> -> memref<1x1x64xi32, #tpu.memory_space<vmem>>
        %dma_wait3A_198 = tpu.memref_squeeze %dma_wait3A_197 : memref<1x1x64xi32, #tpu.memory_space<vmem>> -> memref<64xi32, #tpu.memory_space<vmem>>
        %dma_wait3A_199 = arith.constant 0 : i32
        %dma_wait3A_200 = arith.constant 0 : i32
        %dma_wait3A_201 = tpu.memref_slice %arg6[%dma_wait3A_199, %dma_wait3A_200] : memref<10240x128xf32, #tpu.memory_space<vmem_shared>> -> memref<10240x128xf32, #tpu.memory_space<vmem_shared>>
        tpu.wait_indirect_dma semaphore(%run_scoped3A_181 : memref<!tpu.dma_semaphore, #tpu.memory_space<semaphore_mem>>) src(%dma_wait3A_195 : memref<64x128xf32, #tpu.memory_space<vmem>>) dst(%dma_wait3A_201 : memref<10240x128xf32, #tpu.memory_space<vmem_shared>>)
        tpu.yield
      }) : () -> ()
    }
    %scan3A_12 = arith.constant 10 : i32
    %run_scoped3A_13 = arith.constant 2 : i32
    "tpu.region"() ({
      %run_scoped3A_26 = tpu.sem_alloc : memref<!tpu.dma_semaphore, #tpu.memory_space<semaphore_mem>>
      %dma_start3A = arith.constant 0 : i32
      %dma_start3A_27 = arith.constant 0 : i32
      %dma_start3A_28 = arith.constant 0 : i32
      %dma_start3A_29 = tpu.memref_slice %arg2[%add3A, %run_scoped3A_13, %dma_start3A, %dma_start3A_27, %dma_start3A_28] : memref<32x4x40x2x64xi32, #tpu.memory_space<hbm>> -> memref<1x1x40x2x64xi32, #tpu.memory_space<hbm>>
      %dma_start3A_30 = tpu.memref_squeeze %dma_start3A_29 : memref<1x1x40x2x64xi32, #tpu.memory_space<hbm>> -> memref<40x2x64xi32, #tpu.memory_space<hbm>>
      %dma_start3A_31 = arith.constant 0 : i32
      %dma_start3A_32 = arith.constant 0 : i32
      %dma_start3A_33 = arith.constant 0 : i32
      %dma_start3A_34 = tpu.memref_slice %arg2[%add3A, %run_scoped3A_13, %dma_start3A_31, %dma_start3A_32, %dma_start3A_33] : memref<32x4x40x2x64xi32, #tpu.memory_space<hbm>> -> memref<1x1x40x2x64xi32, #tpu.memory_space<hbm>>
      %dma_start3A_35 = tpu.memref_squeeze %dma_start3A_34 : memref<1x1x40x2x64xi32, #tpu.memory_space<hbm>> -> memref<40x2x64xi32, #tpu.memory_space<hbm>>
      tpu.enqueue_dma source(%dma_start3A_35 : memref<40x2x64xi32, #tpu.memory_space<hbm>>) target(%arg7 : memref<40x2x64xi32, #tpu.memory_space<vmem>>) target_semaphore(%run_scoped3A_26 : memref<!tpu.dma_semaphore, #tpu.memory_space<semaphore_mem>>)
      %dma_wait3A = arith.constant 0 : i32
      %dma_wait3A_36 = arith.constant 0 : i32
      %dma_wait3A_37 = arith.constant 0 : i32
      %dma_wait3A_38 = tpu.memref_slice %arg2[%add3A, %run_scoped3A_13, %dma_wait3A, %dma_wait3A_36, %dma_wait3A_37] : memref<32x4x40x2x64xi32, #tpu.memory_space<hbm>> -> memref<1x1x40x2x64xi32, #tpu.memory_space<hbm>>
      %dma_wait3A_39 = tpu.memref_squeeze %dma_wait3A_38 : memref<1x1x40x2x64xi32, #tpu.memory_space<hbm>> -> memref<40x2x64xi32, #tpu.memory_space<hbm>>
      %dma_wait3A_40 = arith.constant 0 : i32
      %dma_wait3A_41 = arith.constant 0 : i32
      %dma_wait3A_42 = arith.constant 0 : i32
      %dma_wait3A_43 = tpu.memref_slice %arg2[%add3A, %run_scoped3A_13, %dma_wait3A_40, %dma_wait3A_41, %dma_wait3A_42] : memref<32x4x40x2x64xi32, #tpu.memory_space<hbm>> -> memref<1x1x40x2x64xi32, #tpu.memory_space<hbm>>
      %dma_wait3A_44 = tpu.memref_squeeze %dma_wait3A_43 : memref<1x1x40x2x64xi32, #tpu.memory_space<hbm>> -> memref<40x2x64xi32, #tpu.memory_space<hbm>>
      tpu.wait_dma2 semaphore(%run_scoped3A_26 : memref<!tpu.dma_semaphore, #tpu.memory_space<semaphore_mem>>) src(%dma_wait3A_44 : memref<40x2x64xi32, #tpu.memory_space<hbm>>) dst(%arg7 : memref<40x2x64xi32, #tpu.memory_space<vmem>>)
      tpu.yield
    }) : () -> ()
    %scan3A_14 = arith.constant 0 : i32
    %scan3A_15 = arith.constant 10 : i32
    %scan3A_16 = arith.addi %scan3A_14, %scan3A_15 : i32
    %scan3A_17 = arith.constant 1 : i32
    scf.for %scan3A_26 = %scan3A_14 to %scan3A_16 step %scan3A_17  : i32 {
      %mul3A_27 = arith.constant 4 : i32
      %mul3A_28 = arith.muli %scan3A_26, %mul3A_27 : i32
      %add3A_29 = arith.constant 0 : i32
      %add3A_30 = arith.addi %add3A_29, %mul3A_28 : i32
      %add3A_31 = arith.constant 0 : i32
      %add3A_32 = arith.addi %add3A_30, %add3A_31 : i32
      %dma_start3A = arith.constant 0 : i32
      %dma_start3A_33 = arith.constant 0 : i32
      %dma_start3A_34 = arith.constant 0 : i32
      %dma_start3A_35 = arith.constant 0 : i32
      %dma_start3A_36 = arith.constant 0 : i32
      %dma_start3A_37 = tpu.memref_slice %arg8[%dma_start3A_33, %dma_start3A_35, %dma_start3A_36] : memref<4x64x128xf32, #tpu.memory_space<vmem>> -> memref<1x64x128xf32, #tpu.memory_space<vmem>>
      %dma_start3A_38 = tpu.memref_squeeze %dma_start3A_37 : memref<1x64x128xf32, #tpu.memory_space<vmem>> -> memref<64x128xf32, #tpu.memory_space<vmem>>
      %dma_start3A_39 = arith.constant 0 : i32
      %dma_start3A_40 = tpu.memref_slice %arg7[%add3A_32, %dma_start3A, %dma_start3A_39] : memref<40x2x64xi32, #tpu.memory_space<vmem>> -> memref<1x1x64xi32, #tpu.memory_space<vmem>>
      %dma_start3A_41 = tpu.memref_squeeze %dma_start3A_40 : memref<1x1x64xi32, #tpu.memory_space<vmem>> -> memref<64xi32, #tpu.memory_space<vmem>>
      %dma_start3A_42 = arith.constant 0 : i32
      %dma_start3A_43 = arith.constant 0 : i32
      %dma_start3A_44 = tpu.memref_slice %arg3[%dma_start3A_42, %dma_start3A_43] : memref<10000x128xf32, #tpu.memory_space<hbm>> -> memref<10000x128xf32, #tpu.memory_space<hbm>>
      %dma_start3A_45 = tpu.memref_slice %arg9[%dma_start3A_34] : memref<4x!tpu.dma_semaphore, #tpu.memory_space<semaphore_mem>> -> memref<1x!tpu.dma_semaphore, #tpu.memory_space<semaphore_mem>>
      %dma_start3A_46 = tpu.memref_squeeze %dma_start3A_45 : memref<1x!tpu.dma_semaphore, #tpu.memory_space<semaphore_mem>> -> memref<!tpu.dma_semaphore, #tpu.memory_space<semaphore_mem>>
      tpu.enqueue_indirect_dma source(%dma_start3A_44 : memref<10000x128xf32, #tpu.memory_space<hbm>>) target(%dma_start3A_38 : memref<64x128xf32, #tpu.memory_space<vmem>>) offsets(%dma_start3A_41 : memref<64xi32, #tpu.memory_space<vmem>>) semaphore(%dma_start3A_46 : memref<!tpu.dma_semaphore, #tpu.memory_space<semaphore_mem>>)
      %add3A_47 = arith.constant 1 : i32
      %add3A_48 = arith.addi %add3A_30, %add3A_47 : i32
      %dma_start3A_49 = arith.constant 0 : i32
      %dma_start3A_50 = arith.constant 1 : i32
      %dma_start3A_51 = arith.constant 1 : i32
      %dma_start3A_52 = arith.constant 0 : i32
      %dma_start3A_53 = arith.constant 0 : i32
      %dma_start3A_54 = tpu.memref_slice %arg8[%dma_start3A_50, %dma_start3A_52, %dma_start3A_53] : memref<4x64x128xf32, #tpu.memory_space<vmem>> -> memref<1x64x128xf32, #tpu.memory_space<vmem>>
      %dma_start3A_55 = tpu.memref_squeeze %dma_start3A_54 : memref<1x64x128xf32, #tpu.memory_space<vmem>> -> memref<64x128xf32, #tpu.memory_space<vmem>>
      %dma_start3A_56 = arith.constant 0 : i32
      %dma_start3A_57 = tpu.memref_slice %arg7[%add3A_48, %dma_start3A_49, %dma_start3A_56] : memref<40x2x64xi32, #tpu.memory_space<vmem>> -> memref<1x1x64xi32, #tpu.memory_space<vmem>>
      %dma_start3A_58 = tpu.memref_squeeze %dma_start3A_57 : memref<1x1x64xi32, #tpu.memory_space<vmem>> -> memref<64xi32, #tpu.memory_space<vmem>>
      %dma_start3A_59 = arith.constant 0 : i32
      %dma_start3A_60 = arith.constant 0 : i32
      %dma_start3A_61 = tpu.memref_slice %arg3[%dma_start3A_59, %dma_start3A_60] : memref<10000x128xf32, #tpu.memory_space<hbm>> -> memref<10000x128xf32, #tpu.memory_space<hbm>>
      %dma_start3A_62 = tpu.memref_slice %arg9[%dma_start3A_51] : memref<4x!tpu.dma_semaphore, #tpu.memory_space<semaphore_mem>> -> memref<1x!tpu.dma_semaphore, #tpu.memory_space<semaphore_mem>>
      %dma_start3A_63 = tpu.memref_squeeze %dma_start3A_62 : memref<1x!tpu.dma_semaphore, #tpu.memory_space<semaphore_mem>> -> memref<!tpu.dma_semaphore, #tpu.memory_space<semaphore_mem>>
      tpu.enqueue_indirect_dma source(%dma_start3A_61 : memref<10000x128xf32, #tpu.memory_space<hbm>>) target(%dma_start3A_55 : memref<64x128xf32, #tpu.memory_space<vmem>>) offsets(%dma_start3A_58 : memref<64xi32, #tpu.memory_space<vmem>>) semaphore(%dma_start3A_63 : memref<!tpu.dma_semaphore, #tpu.memory_space<semaphore_mem>>)
      %add3A_64 = arith.constant 2 : i32
      %add3A_65 = arith.addi %add3A_30, %add3A_64 : i32
      %dma_start3A_66 = arith.constant 0 : i32
      %dma_start3A_67 = arith.constant 2 : i32
      %dma_start3A_68 = arith.constant 2 : i32
      %dma_start3A_69 = arith.constant 0 : i32
      %dma_start3A_70 = arith.constant 0 : i32
      %dma_start3A_71 = tpu.memref_slice %arg8[%dma_start3A_67, %dma_start3A_69, %dma_start3A_70] : memref<4x64x128xf32, #tpu.memory_space<vmem>> -> memref<1x64x128xf32, #tpu.memory_space<vmem>>
      %dma_start3A_72 = tpu.memref_squeeze %dma_start3A_71 : memref<1x64x128xf32, #tpu.memory_space<vmem>> -> memref<64x128xf32, #tpu.memory_space<vmem>>
      %dma_start3A_73 = arith.constant 0 : i32
      %dma_start3A_74 = tpu.memref_slice %arg7[%add3A_65, %dma_start3A_66, %dma_start3A_73] : memref<40x2x64xi32, #tpu.memory_space<vmem>> -> memref<1x1x64xi32, #tpu.memory_space<vmem>>
      %dma_start3A_75 = tpu.memref_squeeze %dma_start3A_74 : memref<1x1x64xi32, #tpu.memory_space<vmem>> -> memref<64xi32, #tpu.memory_space<vmem>>
      %dma_start3A_76 = arith.constant 0 : i32
      %dma_start3A_77 = arith.constant 0 : i32
      %dma_start3A_78 = tpu.memref_slice %arg3[%dma_start3A_76, %dma_start3A_77] : memref<10000x128xf32, #tpu.memory_space<hbm>> -> memref<10000x128xf32, #tpu.memory_space<hbm>>
      %dma_start3A_79 = tpu.memref_slice %arg9[%dma_start3A_68] : memref<4x!tpu.dma_semaphore, #tpu.memory_space<semaphore_mem>> -> memref<1x!tpu.dma_semaphore, #tpu.memory_space<semaphore_mem>>
      %dma_start3A_80 = tpu.memref_squeeze %dma_start3A_79 : memref<1x!tpu.dma_semaphore, #tpu.memory_space<semaphore_mem>> -> memref<!tpu.dma_semaphore, #tpu.memory_space<semaphore_mem>>
      tpu.enqueue_indirect_dma source(%dma_start3A_78 : memref<10000x128xf32, #tpu.memory_space<hbm>>) target(%dma_start3A_72 : memref<64x128xf32, #tpu.memory_space<vmem>>) offsets(%dma_start3A_75 : memref<64xi32, #tpu.memory_space<vmem>>) semaphore(%dma_start3A_80 : memref<!tpu.dma_semaphore, #tpu.memory_space<semaphore_mem>>)
      %add3A_81 = arith.constant 3 : i32
      %add3A_82 = arith.addi %add3A_30, %add3A_81 : i32
      %dma_start3A_83 = arith.constant 0 : i32
      %dma_start3A_84 = arith.constant 3 : i32
      %dma_start3A_85 = arith.constant 3 : i32
      %dma_start3A_86 = arith.constant 0 : i32
      %dma_start3A_87 = arith.constant 0 : i32
      %dma_start3A_88 = tpu.memref_slice %arg8[%dma_start3A_84, %dma_start3A_86, %dma_start3A_87] : memref<4x64x128xf32, #tpu.memory_space<vmem>> -> memref<1x64x128xf32, #tpu.memory_space<vmem>>
      %dma_start3A_89 = tpu.memref_squeeze %dma_start3A_88 : memref<1x64x128xf32, #tpu.memory_space<vmem>> -> memref<64x128xf32, #tpu.memory_space<vmem>>
      %dma_start3A_90 = arith.constant 0 : i32
      %dma_start3A_91 = tpu.memref_slice %arg7[%add3A_82, %dma_start3A_83, %dma_start3A_90] : memref<40x2x64xi32, #tpu.memory_space<vmem>> -> memref<1x1x64xi32, #tpu.memory_space<vmem>>
      %dma_start3A_92 = tpu.memref_squeeze %dma_start3A_91 : memref<1x1x64xi32, #tpu.memory_space<vmem>> -> memref<64xi32, #tpu.memory_space<vmem>>
      %dma_start3A_93 = arith.constant 0 : i32
      %dma_start3A_94 = arith.constant 0 : i32
      %dma_start3A_95 = tpu.memref_slice %arg3[%dma_start3A_93, %dma_start3A_94] : memref<10000x128xf32, #tpu.memory_space<hbm>> -> memref<10000x128xf32, #tpu.memory_space<hbm>>
      %dma_start3A_96 = tpu.memref_slice %arg9[%dma_start3A_85] : memref<4x!tpu.dma_semaphore, #tpu.memory_space<semaphore_mem>> -> memref<1x!tpu.dma_semaphore, #tpu.memory_space<semaphore_mem>>
      %dma_start3A_97 = tpu.memref_squeeze %dma_start3A_96 : memref<1x!tpu.dma_semaphore, #tpu.memory_space<semaphore_mem>> -> memref<!tpu.dma_semaphore, #tpu.memory_space<semaphore_mem>>
      tpu.enqueue_indirect_dma source(%dma_start3A_95 : memref<10000x128xf32, #tpu.memory_space<hbm>>) target(%dma_start3A_89 : memref<64x128xf32, #tpu.memory_space<vmem>>) offsets(%dma_start3A_92 : memref<64xi32, #tpu.memory_space<vmem>>) semaphore(%dma_start3A_97 : memref<!tpu.dma_semaphore, #tpu.memory_space<semaphore_mem>>)
      %add3A_98 = arith.constant 0 : i32
      %add3A_99 = arith.addi %add3A_30, %add3A_98 : i32
      %dma_wait3A = arith.constant 0 : i32
      %dma_wait3A_100 = arith.constant 0 : i32
      %dma_wait3A_101 = arith.constant 0 : i32
      %dma_wait3A_102 = arith.constant 0 : i32
      %dma_wait3A_103 = arith.constant 0 : i32
      %dma_wait3A_104 = tpu.memref_slice %arg8[%dma_wait3A_100, %dma_wait3A_102, %dma_wait3A_103] : memref<4x64x128xf32, #tpu.memory_space<vmem>> -> memref<1x64x128xf32, #tpu.memory_space<vmem>>
      %dma_wait3A_105 = tpu.memref_squeeze %dma_wait3A_104 : memref<1x64x128xf32, #tpu.memory_space<vmem>> -> memref<64x128xf32, #tpu.memory_space<vmem>>
      %dma_wait3A_106 = arith.constant 0 : i32
      %dma_wait3A_107 = tpu.memref_slice %arg7[%add3A_99, %dma_wait3A, %dma_wait3A_106] : memref<40x2x64xi32, #tpu.memory_space<vmem>> -> memref<1x1x64xi32, #tpu.memory_space<vmem>>
      %dma_wait3A_108 = tpu.memref_squeeze %dma_wait3A_107 : memref<1x1x64xi32, #tpu.memory_space<vmem>> -> memref<64xi32, #tpu.memory_space<vmem>>
      %dma_wait3A_109 = arith.constant 0 : i32
      %dma_wait3A_110 = arith.constant 0 : i32
      %dma_wait3A_111 = tpu.memref_slice %arg3[%dma_wait3A_109, %dma_wait3A_110] : memref<10000x128xf32, #tpu.memory_space<hbm>> -> memref<10000x128xf32, #tpu.memory_space<hbm>>
      %dma_wait3A_112 = tpu.memref_slice %arg9[%dma_wait3A_101] : memref<4x!tpu.dma_semaphore, #tpu.memory_space<semaphore_mem>> -> memref<1x!tpu.dma_semaphore, #tpu.memory_space<semaphore_mem>>
      %dma_wait3A_113 = tpu.memref_squeeze %dma_wait3A_112 : memref<1x!tpu.dma_semaphore, #tpu.memory_space<semaphore_mem>> -> memref<!tpu.dma_semaphore, #tpu.memory_space<semaphore_mem>>
      tpu.wait_indirect_dma semaphore(%dma_wait3A_113 : memref<!tpu.dma_semaphore, #tpu.memory_space<semaphore_mem>>) src(%dma_wait3A_111 : memref<10000x128xf32, #tpu.memory_space<hbm>>) dst(%dma_wait3A_105 : memref<64x128xf32, #tpu.memory_space<vmem>>)
      %add3A_114 = arith.constant 1 : i32
      %add3A_115 = arith.addi %add3A_30, %add3A_114 : i32
      %dma_wait3A_116 = arith.constant 0 : i32
      %dma_wait3A_117 = arith.constant 1 : i32
      %dma_wait3A_118 = arith.constant 1 : i32
      %dma_wait3A_119 = arith.constant 0 : i32
      %dma_wait3A_120 = arith.constant 0 : i32
      %dma_wait3A_121 = tpu.memref_slice %arg8[%dma_wait3A_117, %dma_wait3A_119, %dma_wait3A_120] : memref<4x64x128xf32, #tpu.memory_space<vmem>> -> memref<1x64x128xf32, #tpu.memory_space<vmem>>
      %dma_wait3A_122 = tpu.memref_squeeze %dma_wait3A_121 : memref<1x64x128xf32, #tpu.memory_space<vmem>> -> memref<64x128xf32, #tpu.memory_space<vmem>>
      %dma_wait3A_123 = arith.constant 0 : i32
      %dma_wait3A_124 = tpu.memref_slice %arg7[%add3A_115, %dma_wait3A_116, %dma_wait3A_123] : memref<40x2x64xi32, #tpu.memory_space<vmem>> -> memref<1x1x64xi32, #tpu.memory_space<vmem>>
      %dma_wait3A_125 = tpu.memref_squeeze %dma_wait3A_124 : memref<1x1x64xi32, #tpu.memory_space<vmem>> -> memref<64xi32, #tpu.memory_space<vmem>>
      %dma_wait3A_126 = arith.constant 0 : i32
      %dma_wait3A_127 = arith.constant 0 : i32
      %dma_wait3A_128 = tpu.memref_slice %arg3[%dma_wait3A_126, %dma_wait3A_127] : memref<10000x128xf32, #tpu.memory_space<hbm>> -> memref<10000x128xf32, #tpu.memory_space<hbm>>
      %dma_wait3A_129 = tpu.memref_slice %arg9[%dma_wait3A_118] : memref<4x!tpu.dma_semaphore, #tpu.memory_space<semaphore_mem>> -> memref<1x!tpu.dma_semaphore, #tpu.memory_space<semaphore_mem>>
      %dma_wait3A_130 = tpu.memref_squeeze %dma_wait3A_129 : memref<1x!tpu.dma_semaphore, #tpu.memory_space<semaphore_mem>> -> memref<!tpu.dma_semaphore, #tpu.memory_space<semaphore_mem>>
      tpu.wait_indirect_dma semaphore(%dma_wait3A_130 : memref<!tpu.dma_semaphore, #tpu.memory_space<semaphore_mem>>) src(%dma_wait3A_128 : memref<10000x128xf32, #tpu.memory_space<hbm>>) dst(%dma_wait3A_122 : memref<64x128xf32, #tpu.memory_space<vmem>>)
      %add3A_131 = arith.constant 2 : i32
      %add3A_132 = arith.addi %add3A_30, %add3A_131 : i32
      %dma_wait3A_133 = arith.constant 0 : i32
      %dma_wait3A_134 = arith.constant 2 : i32
      %dma_wait3A_135 = arith.constant 2 : i32
      %dma_wait3A_136 = arith.constant 0 : i32
      %dma_wait3A_137 = arith.constant 0 : i32
      %dma_wait3A_138 = tpu.memref_slice %arg8[%dma_wait3A_134, %dma_wait3A_136, %dma_wait3A_137] : memref<4x64x128xf32, #tpu.memory_space<vmem>> -> memref<1x64x128xf32, #tpu.memory_space<vmem>>
      %dma_wait3A_139 = tpu.memref_squeeze %dma_wait3A_138 : memref<1x64x128xf32, #tpu.memory_space<vmem>> -> memref<64x128xf32, #tpu.memory_space<vmem>>
      %dma_wait3A_140 = arith.constant 0 : i32
      %dma_wait3A_141 = tpu.memref_slice %arg7[%add3A_132, %dma_wait3A_133, %dma_wait3A_140] : memref<40x2x64xi32, #tpu.memory_space<vmem>> -> memref<1x1x64xi32, #tpu.memory_space<vmem>>
      %dma_wait3A_142 = tpu.memref_squeeze %dma_wait3A_141 : memref<1x1x64xi32, #tpu.memory_space<vmem>> -> memref<64xi32, #tpu.memory_space<vmem>>
      %dma_wait3A_143 = arith.constant 0 : i32
      %dma_wait3A_144 = arith.constant 0 : i32
      %dma_wait3A_145 = tpu.memref_slice %arg3[%dma_wait3A_143, %dma_wait3A_144] : memref<10000x128xf32, #tpu.memory_space<hbm>> -> memref<10000x128xf32, #tpu.memory_space<hbm>>
      %dma_wait3A_146 = tpu.memref_slice %arg9[%dma_wait3A_135] : memref<4x!tpu.dma_semaphore, #tpu.memory_space<semaphore_mem>> -> memref<1x!tpu.dma_semaphore, #tpu.memory_space<semaphore_mem>>
      %dma_wait3A_147 = tpu.memref_squeeze %dma_wait3A_146 : memref<1x!tpu.dma_semaphore, #tpu.memory_space<semaphore_mem>> -> memref<!tpu.dma_semaphore, #tpu.memory_space<semaphore_mem>>
      tpu.wait_indirect_dma semaphore(%dma_wait3A_147 : memref<!tpu.dma_semaphore, #tpu.memory_space<semaphore_mem>>) src(%dma_wait3A_145 : memref<10000x128xf32, #tpu.memory_space<hbm>>) dst(%dma_wait3A_139 : memref<64x128xf32, #tpu.memory_space<vmem>>)
      %add3A_148 = arith.constant 3 : i32
      %add3A_149 = arith.addi %add3A_30, %add3A_148 : i32
      %dma_wait3A_150 = arith.constant 0 : i32
      %dma_wait3A_151 = arith.constant 3 : i32
      %dma_wait3A_152 = arith.constant 3 : i32
      %dma_wait3A_153 = arith.constant 0 : i32
      %dma_wait3A_154 = arith.constant 0 : i32
      %dma_wait3A_155 = tpu.memref_slice %arg8[%dma_wait3A_151, %dma_wait3A_153, %dma_wait3A_154] : memref<4x64x128xf32, #tpu.memory_space<vmem>> -> memref<1x64x128xf32, #tpu.memory_space<vmem>>
      %dma_wait3A_156 = tpu.memref_squeeze %dma_wait3A_155 : memref<1x64x128xf32, #tpu.memory_space<vmem>> -> memref<64x128xf32, #tpu.memory_space<vmem>>
      %dma_wait3A_157 = arith.constant 0 : i32
      %dma_wait3A_158 = tpu.memref_slice %arg7[%add3A_149, %dma_wait3A_150, %dma_wait3A_157] : memref<40x2x64xi32, #tpu.memory_space<vmem>> -> memref<1x1x64xi32, #tpu.memory_space<vmem>>
      %dma_wait3A_159 = tpu.memref_squeeze %dma_wait3A_158 : memref<1x1x64xi32, #tpu.memory_space<vmem>> -> memref<64xi32, #tpu.memory_space<vmem>>
      %dma_wait3A_160 = arith.constant 0 : i32
      %dma_wait3A_161 = arith.constant 0 : i32
      %dma_wait3A_162 = tpu.memref_slice %arg3[%dma_wait3A_160, %dma_wait3A_161] : memref<10000x128xf32, #tpu.memory_space<hbm>> -> memref<10000x128xf32, #tpu.memory_space<hbm>>
      %dma_wait3A_163 = tpu.memref_slice %arg9[%dma_wait3A_152] : memref<4x!tpu.dma_semaphore, #tpu.memory_space<semaphore_mem>> -> memref<1x!tpu.dma_semaphore, #tpu.memory_space<semaphore_mem>>
      %dma_wait3A_164 = tpu.memref_squeeze %dma_wait3A_163 : memref<1x!tpu.dma_semaphore, #tpu.memory_space<semaphore_mem>> -> memref<!tpu.dma_semaphore, #tpu.memory_space<semaphore_mem>>
      tpu.wait_indirect_dma semaphore(%dma_wait3A_164 : memref<!tpu.dma_semaphore, #tpu.memory_space<semaphore_mem>>) src(%dma_wait3A_162 : memref<10000x128xf32, #tpu.memory_space<hbm>>) dst(%dma_wait3A_156 : memref<64x128xf32, #tpu.memory_space<vmem>>)
      %add3A_165 = arith.constant 0 : i32
      %add3A_166 = arith.addi %add3A_30, %add3A_165 : i32
      %run_scoped3A_167 = arith.constant 0 : i32
      %run_scoped3A_168 = arith.constant 1 : i32
      "tpu.region"() ({
        %run_scoped3A_181 = tpu.sem_alloc : memref<!tpu.dma_semaphore, #tpu.memory_space<semaphore_mem>>
        %dma_start3A_182 = arith.constant 0 : i32
        %dma_start3A_183 = arith.constant 0 : i32
        %dma_start3A_184 = tpu.memref_slice %arg8[%run_scoped3A_167, %dma_start3A_182, %dma_start3A_183] : memref<4x64x128xf32, #tpu.memory_space<vmem>> -> memref<1x64x128xf32, #tpu.memory_space<vmem>>
        %dma_start3A_185 = tpu.memref_squeeze %dma_start3A_184 : memref<1x64x128xf32, #tpu.memory_space<vmem>> -> memref<64x128xf32, #tpu.memory_space<vmem>>
        %dma_start3A_186 = arith.constant 0 : i32
        %dma_start3A_187 = tpu.memref_slice %arg7[%add3A_166, %run_scoped3A_168, %dma_start3A_186] : memref<40x2x64xi32, #tpu.memory_space<vmem>> -> memref<1x1x64xi32, #tpu.memory_space<vmem>>
        %dma_start3A_188 = tpu.memref_squeeze %dma_start3A_187 : memref<1x1x64xi32, #tpu.memory_space<vmem>> -> memref<64xi32, #tpu.memory_space<vmem>>
        %dma_start3A_189 = arith.constant 0 : i32
        %dma_start3A_190 = arith.constant 0 : i32
        %dma_start3A_191 = tpu.memref_slice %arg6[%dma_start3A_189, %dma_start3A_190] : memref<10240x128xf32, #tpu.memory_space<vmem_shared>> -> memref<10240x128xf32, #tpu.memory_space<vmem_shared>>
        tpu.enqueue_indirect_dma source(%dma_start3A_185 : memref<64x128xf32, #tpu.memory_space<vmem>>) target(%dma_start3A_191 : memref<10240x128xf32, #tpu.memory_space<vmem_shared>>) offsets(%dma_start3A_188 : memref<64xi32, #tpu.memory_space<vmem>>) semaphore(%run_scoped3A_181 : memref<!tpu.dma_semaphore, #tpu.memory_space<semaphore_mem>>) {add = true}
        %dma_wait3A_192 = arith.constant 0 : i32
        %dma_wait3A_193 = arith.constant 0 : i32
        %dma_wait3A_194 = tpu.memref_slice %arg8[%run_scoped3A_167, %dma_wait3A_192, %dma_wait3A_193] : memref<4x64x128xf32, #tpu.memory_space<vmem>> -> memref<1x64x128xf32, #tpu.memory_space<vmem>>
        %dma_wait3A_195 = tpu.memref_squeeze %dma_wait3A_194 : memref<1x64x128xf32, #tpu.memory_space<vmem>> -> memref<64x128xf32, #tpu.memory_space<vmem>>
        %dma_wait3A_196 = arith.constant 0 : i32
        %dma_wait3A_197 = tpu.memref_slice %arg7[%add3A_166, %run_scoped3A_168, %dma_wait3A_196] : memref<40x2x64xi32, #tpu.memory_space<vmem>> -> memref<1x1x64xi32, #tpu.memory_space<vmem>>
        %dma_wait3A_198 = tpu.memref_squeeze %dma_wait3A_197 : memref<1x1x64xi32, #tpu.memory_space<vmem>> -> memref<64xi32, #tpu.memory_space<vmem>>
        %dma_wait3A_199 = arith.constant 0 : i32
        %dma_wait3A_200 = arith.constant 0 : i32
        %dma_wait3A_201 = tpu.memref_slice %arg6[%dma_wait3A_199, %dma_wait3A_200] : memref<10240x128xf32, #tpu.memory_space<vmem_shared>> -> memref<10240x128xf32, #tpu.memory_space<vmem_shared>>
        tpu.wait_indirect_dma semaphore(%run_scoped3A_181 : memref<!tpu.dma_semaphore, #tpu.memory_space<semaphore_mem>>) src(%dma_wait3A_195 : memref<64x128xf32, #tpu.memory_space<vmem>>) dst(%dma_wait3A_201 : memref<10240x128xf32, #tpu.memory_space<vmem_shared>>)
        tpu.yield
      }) : () -> ()
      %add3A_169 = arith.constant 1 : i32
      %add3A_170 = arith.addi %add3A_30, %add3A_169 : i32
      %run_scoped3A_171 = arith.constant 1 : i32
      %run_scoped3A_172 = arith.constant 1 : i32
      "tpu.region"() ({
        %run_scoped3A_181 = tpu.sem_alloc : memref<!tpu.dma_semaphore, #tpu.memory_space<semaphore_mem>>
        %dma_start3A_182 = arith.constant 0 : i32
        %dma_start3A_183 = arith.constant 0 : i32
        %dma_start3A_184 = tpu.memref_slice %arg8[%run_scoped3A_171, %dma_start3A_182, %dma_start3A_183] : memref<4x64x128xf32, #tpu.memory_space<vmem>> -> memref<1x64x128xf32, #tpu.memory_space<vmem>>
        %dma_start3A_185 = tpu.memref_squeeze %dma_start3A_184 : memref<1x64x128xf32, #tpu.memory_space<vmem>> -> memref<64x128xf32, #tpu.memory_space<vmem>>
        %dma_start3A_186 = arith.constant 0 : i32
        %dma_start3A_187 = tpu.memref_slice %arg7[%add3A_170, %run_scoped3A_172, %dma_start3A_186] : memref<40x2x64xi32, #tpu.memory_space<vmem>> -> memref<1x1x64xi32, #tpu.memory_space<vmem>>
        %dma_start3A_188 = tpu.memref_squeeze %dma_start3A_187 : memref<1x1x64xi32, #tpu.memory_space<vmem>> -> memref<64xi32, #tpu.memory_space<vmem>>
        %dma_start3A_189 = arith.constant 0 : i32
        %dma_start3A_190 = arith.constant 0 : i32
        %dma_start3A_191 = tpu.memref_slice %arg6[%dma_start3A_189, %dma_start3A_190] : memref<10240x128xf32, #tpu.memory_space<vmem_shared>> -> memref<10240x128xf32, #tpu.memory_space<vmem_shared>>
        tpu.enqueue_indirect_dma source(%dma_start3A_185 : memref<64x128xf32, #tpu.memory_space<vmem>>) target(%dma_start3A_191 : memref<10240x128xf32, #tpu.memory_space<vmem_shared>>) offsets(%dma_start3A_188 : memref<64xi32, #tpu.memory_space<vmem>>) semaphore(%run_scoped3A_181 : memref<!tpu.dma_semaphore, #tpu.memory_space<semaphore_mem>>) {add = true}
        %dma_wait3A_192 = arith.constant 0 : i32
        %dma_wait3A_193 = arith.constant 0 : i32
        %dma_wait3A_194 = tpu.memref_slice %arg8[%run_scoped3A_171, %dma_wait3A_192, %dma_wait3A_193] : memref<4x64x128xf32, #tpu.memory_space<vmem>> -> memref<1x64x128xf32, #tpu.memory_space<vmem>>
        %dma_wait3A_195 = tpu.memref_squeeze %dma_wait3A_194 : memref<1x64x128xf32, #tpu.memory_space<vmem>> -> memref<64x128xf32, #tpu.memory_space<vmem>>
        %dma_wait3A_196 = arith.constant 0 : i32
        %dma_wait3A_197 = tpu.memref_slice %arg7[%add3A_170, %run_scoped3A_172, %dma_wait3A_196] : memref<40x2x64xi32, #tpu.memory_space<vmem>> -> memref<1x1x64xi32, #tpu.memory_space<vmem>>
        %dma_wait3A_198 = tpu.memref_squeeze %dma_wait3A_197 : memref<1x1x64xi32, #tpu.memory_space<vmem>> -> memref<64xi32, #tpu.memory_space<vmem>>
        %dma_wait3A_199 = arith.constant 0 : i32
        %dma_wait3A_200 = arith.constant 0 : i32
        %dma_wait3A_201 = tpu.memref_slice %arg6[%dma_wait3A_199, %dma_wait3A_200] : memref<10240x128xf32, #tpu.memory_space<vmem_shared>> -> memref<10240x128xf32, #tpu.memory_space<vmem_shared>>
        tpu.wait_indirect_dma semaphore(%run_scoped3A_181 : memref<!tpu.dma_semaphore, #tpu.memory_space<semaphore_mem>>) src(%dma_wait3A_195 : memref<64x128xf32, #tpu.memory_space<vmem>>) dst(%dma_wait3A_201 : memref<10240x128xf32, #tpu.memory_space<vmem_shared>>)
        tpu.yield
      }) : () -> ()
      %add3A_173 = arith.constant 2 : i32
      %add3A_174 = arith.addi %add3A_30, %add3A_173 : i32
      %run_scoped3A_175 = arith.constant 2 : i32
      %run_scoped3A_176 = arith.constant 1 : i32
      "tpu.region"() ({
        %run_scoped3A_181 = tpu.sem_alloc : memref<!tpu.dma_semaphore, #tpu.memory_space<semaphore_mem>>
        %dma_start3A_182 = arith.constant 0 : i32
        %dma_start3A_183 = arith.constant 0 : i32
        %dma_start3A_184 = tpu.memref_slice %arg8[%run_scoped3A_175, %dma_start3A_182, %dma_start3A_183] : memref<4x64x128xf32, #tpu.memory_space<vmem>> -> memref<1x64x128xf32, #tpu.memory_space<vmem>>
        %dma_start3A_185 = tpu.memref_squeeze %dma_start3A_184 : memref<1x64x128xf32, #tpu.memory_space<vmem>> -> memref<64x128xf32, #tpu.memory_space<vmem>>
        %dma_start3A_186 = arith.constant 0 : i32
        %dma_start3A_187 = tpu.memref_slice %arg7[%add3A_174, %run_scoped3A_176, %dma_start3A_186] : memref<40x2x64xi32, #tpu.memory_space<vmem>> -> memref<1x1x64xi32, #tpu.memory_space<vmem>>
        %dma_start3A_188 = tpu.memref_squeeze %dma_start3A_187 : memref<1x1x64xi32, #tpu.memory_space<vmem>> -> memref<64xi32, #tpu.memory_space<vmem>>
        %dma_start3A_189 = arith.constant 0 : i32
        %dma_start3A_190 = arith.constant 0 : i32
        %dma_start3A_191 = tpu.memref_slice %arg6[%dma_start3A_189, %dma_start3A_190] : memref<10240x128xf32, #tpu.memory_space<vmem_shared>> -> memref<10240x128xf32, #tpu.memory_space<vmem_shared>>
        tpu.enqueue_indirect_dma source(%dma_start3A_185 : memref<64x128xf32, #tpu.memory_space<vmem>>) target(%dma_start3A_191 : memref<10240x128xf32, #tpu.memory_space<vmem_shared>>) offsets(%dma_start3A_188 : memref<64xi32, #tpu.memory_space<vmem>>) semaphore(%run_scoped3A_181 : memref<!tpu.dma_semaphore, #tpu.memory_space<semaphore_mem>>) {add = true}
        %dma_wait3A_192 = arith.constant 0 : i32
        %dma_wait3A_193 = arith.constant 0 : i32
        %dma_wait3A_194 = tpu.memref_slice %arg8[%run_scoped3A_175, %dma_wait3A_192, %dma_wait3A_193] : memref<4x64x128xf32, #tpu.memory_space<vmem>> -> memref<1x64x128xf32, #tpu.memory_space<vmem>>
        %dma_wait3A_195 = tpu.memref_squeeze %dma_wait3A_194 : memref<1x64x128xf32, #tpu.memory_space<vmem>> -> memref<64x128xf32, #tpu.memory_space<vmem>>
        %dma_wait3A_196 = arith.constant 0 : i32
        %dma_wait3A_197 = tpu.memref_slice %arg7[%add3A_174, %run_scoped3A_176, %dma_wait3A_196] : memref<40x2x64xi32, #tpu.memory_space<vmem>> -> memref<1x1x64xi32, #tpu.memory_space<vmem>>
        %dma_wait3A_198 = tpu.memref_squeeze %dma_wait3A_197 : memref<1x1x64xi32, #tpu.memory_space<vmem>> -> memref<64xi32, #tpu.memory_space<vmem>>
        %dma_wait3A_199 = arith.constant 0 : i32
        %dma_wait3A_200 = arith.constant 0 : i32
        %dma_wait3A_201 = tpu.memref_slice %arg6[%dma_wait3A_199, %dma_wait3A_200] : memref<10240x128xf32, #tpu.memory_space<vmem_shared>> -> memref<10240x128xf32, #tpu.memory_space<vmem_shared>>
        tpu.wait_indirect_dma semaphore(%run_scoped3A_181 : memref<!tpu.dma_semaphore, #tpu.memory_space<semaphore_mem>>) src(%dma_wait3A_195 : memref<64x128xf32, #tpu.memory_space<vmem>>) dst(%dma_wait3A_201 : memref<10240x128xf32, #tpu.memory_space<vmem_shared>>)
        tpu.yield
      }) : () -> ()
      %add3A_177 = arith.constant 3 : i32
      %add3A_178 = arith.addi %add3A_30, %add3A_177 : i32
      %run_scoped3A_179 = arith.constant 3 : i32
      %run_scoped3A_180 = arith.constant 1 : i32
      "tpu.region"() ({
        %run_scoped3A_181 = tpu.sem_alloc : memref<!tpu.dma_semaphore, #tpu.memory_space<semaphore_mem>>
        %dma_start3A_182 = arith.constant 0 : i32
        %dma_start3A_183 = arith.constant 0 : i32
        %dma_start3A_184 = tpu.memref_slice %arg8[%run_scoped3A_179, %dma_start3A_182, %dma_start3A_183] : memref<4x64x128xf32, #tpu.memory_space<vmem>> -> memref<1x64x128xf32, #tpu.memory_space<vmem>>
        %dma_start3A_185 = tpu.memref_squeeze %dma_start3A_184 : memref<1x64x128xf32, #tpu.memory_space<vmem>> -> memref<64x128xf32, #tpu.memory_space<vmem>>
        %dma_start3A_186 = arith.constant 0 : i32
        %dma_start3A_187 = tpu.memref_slice %arg7[%add3A_178, %run_scoped3A_180, %dma_start3A_186] : memref<40x2x64xi32, #tpu.memory_space<vmem>> -> memref<1x1x64xi32, #tpu.memory_space<vmem>>
        %dma_start3A_188 = tpu.memref_squeeze %dma_start3A_187 : memref<1x1x64xi32, #tpu.memory_space<vmem>> -> memref<64xi32, #tpu.memory_space<vmem>>
        %dma_start3A_189 = arith.constant 0 : i32
        %dma_start3A_190 = arith.constant 0 : i32
        %dma_start3A_191 = tpu.memref_slice %arg6[%dma_start3A_189, %dma_start3A_190] : memref<10240x128xf32, #tpu.memory_space<vmem_shared>> -> memref<10240x128xf32, #tpu.memory_space<vmem_shared>>
        tpu.enqueue_indirect_dma source(%dma_start3A_185 : memref<64x128xf32, #tpu.memory_space<vmem>>) target(%dma_start3A_191 : memref<10240x128xf32, #tpu.memory_space<vmem_shared>>) offsets(%dma_start3A_188 : memref<64xi32, #tpu.memory_space<vmem>>) semaphore(%run_scoped3A_181 : memref<!tpu.dma_semaphore, #tpu.memory_space<semaphore_mem>>) {add = true}
        %dma_wait3A_192 = arith.constant 0 : i32
        %dma_wait3A_193 = arith.constant 0 : i32
        %dma_wait3A_194 = tpu.memref_slice %arg8[%run_scoped3A_179, %dma_wait3A_192, %dma_wait3A_193] : memref<4x64x128xf32, #tpu.memory_space<vmem>> -> memref<1x64x128xf32, #tpu.memory_space<vmem>>
        %dma_wait3A_195 = tpu.memref_squeeze %dma_wait3A_194 : memref<1x64x128xf32, #tpu.memory_space<vmem>> -> memref<64x128xf32, #tpu.memory_space<vmem>>
        %dma_wait3A_196 = arith.constant 0 : i32
        %dma_wait3A_197 = tpu.memref_slice %arg7[%add3A_178, %run_scoped3A_180, %dma_wait3A_196] : memref<40x2x64xi32, #tpu.memory_space<vmem>> -> memref<1x1x64xi32, #tpu.memory_space<vmem>>
        %dma_wait3A_198 = tpu.memref_squeeze %dma_wait3A_197 : memref<1x1x64xi32, #tpu.memory_space<vmem>> -> memref<64xi32, #tpu.memory_space<vmem>>
        %dma_wait3A_199 = arith.constant 0 : i32
        %dma_wait3A_200 = arith.constant 0 : i32
        %dma_wait3A_201 = tpu.memref_slice %arg6[%dma_wait3A_199, %dma_wait3A_200] : memref<10240x128xf32, #tpu.memory_space<vmem_shared>> -> memref<10240x128xf32, #tpu.memory_space<vmem_shared>>
        tpu.wait_indirect_dma semaphore(%run_scoped3A_181 : memref<!tpu.dma_semaphore, #tpu.memory_space<semaphore_mem>>) src(%dma_wait3A_195 : memref<64x128xf32, #tpu.memory_space<vmem>>) dst(%dma_wait3A_201 : memref<10240x128xf32, #tpu.memory_space<vmem_shared>>)
        tpu.yield
      }) : () -> ()
    }
    %scan3A_18 = arith.constant 10 : i32
    %run_scoped3A_19 = arith.constant 3 : i32
    "tpu.region"() ({
      %run_scoped3A_26 = tpu.sem_alloc : memref<!tpu.dma_semaphore, #tpu.memory_space<semaphore_mem>>
      %dma_start3A = arith.constant 0 : i32
      %dma_start3A_27 = arith.constant 0 : i32
      %dma_start3A_28 = arith.constant 0 : i32
      %dma_start3A_29 = tpu.memref_slice %arg2[%add3A, %run_scoped3A_19, %dma_start3A, %dma_start3A_27, %dma_start3A_28] : memref<32x4x40x2x64xi32, #tpu.memory_space<hbm>> -> memref<1x1x40x2x64xi32, #tpu.memory_space<hbm>>
      %dma_start3A_30 = tpu.memref_squeeze %dma_start3A_29 : memref<1x1x40x2x64xi32, #tpu.memory_space<hbm>> -> memref<40x2x64xi32, #tpu.memory_space<hbm>>
      %dma_start3A_31 = arith.constant 0 : i32
      %dma_start3A_32 = arith.constant 0 : i32
      %dma_start3A_33 = arith.constant 0 : i32
      %dma_start3A_34 = tpu.memref_slice %arg2[%add3A, %run_scoped3A_19, %dma_start3A_31, %dma_start3A_32, %dma_start3A_33] : memref<32x4x40x2x64xi32, #tpu.memory_space<hbm>> -> memref<1x1x40x2x64xi32, #tpu.memory_space<hbm>>
      %dma_start3A_35 = tpu.memref_squeeze %dma_start3A_34 : memref<1x1x40x2x64xi32, #tpu.memory_space<hbm>> -> memref<40x2x64xi32, #tpu.memory_space<hbm>>
      tpu.enqueue_dma source(%dma_start3A_35 : memref<40x2x64xi32, #tpu.memory_space<hbm>>) target(%arg7 : memref<40x2x64xi32, #tpu.memory_space<vmem>>) target_semaphore(%run_scoped3A_26 : memref<!tpu.dma_semaphore, #tpu.memory_space<semaphore_mem>>)
      %dma_wait3A = arith.constant 0 : i32
      %dma_wait3A_36 = arith.constant 0 : i32
      %dma_wait3A_37 = arith.constant 0 : i32
      %dma_wait3A_38 = tpu.memref_slice %arg2[%add3A, %run_scoped3A_19, %dma_wait3A, %dma_wait3A_36, %dma_wait3A_37] : memref<32x4x40x2x64xi32, #tpu.memory_space<hbm>> -> memref<1x1x40x2x64xi32, #tpu.memory_space<hbm>>
      %dma_wait3A_39 = tpu.memref_squeeze %dma_wait3A_38 : memref<1x1x40x2x64xi32, #tpu.memory_space<hbm>> -> memref<40x2x64xi32, #tpu.memory_space<hbm>>
      %dma_wait3A_40 = arith.constant 0 : i32
      %dma_wait3A_41 = arith.constant 0 : i32
      %dma_wait3A_42 = arith.constant 0 : i32
      %dma_wait3A_43 = tpu.memref_slice %arg2[%add3A, %run_scoped3A_19, %dma_wait3A_40, %dma_wait3A_41, %dma_wait3A_42] : memref<32x4x40x2x64xi32, #tpu.memory_space<hbm>> -> memref<1x1x40x2x64xi32, #tpu.memory_space<hbm>>
      %dma_wait3A_44 = tpu.memref_squeeze %dma_wait3A_43 : memref<1x1x40x2x64xi32, #tpu.memory_space<hbm>> -> memref<40x2x64xi32, #tpu.memory_space<hbm>>
      tpu.wait_dma2 semaphore(%run_scoped3A_26 : memref<!tpu.dma_semaphore, #tpu.memory_space<semaphore_mem>>) src(%dma_wait3A_44 : memref<40x2x64xi32, #tpu.memory_space<hbm>>) dst(%arg7 : memref<40x2x64xi32, #tpu.memory_space<vmem>>)
      tpu.yield
    }) : () -> ()
    %scan3A_20 = arith.constant 0 : i32
    %scan3A_21 = arith.constant 10 : i32
    %scan3A_22 = arith.addi %scan3A_20, %scan3A_21 : i32
    %scan3A_23 = arith.constant 1 : i32
    scf.for %scan3A_26 = %scan3A_20 to %scan3A_22 step %scan3A_23  : i32 {
      %mul3A_27 = arith.constant 4 : i32
      %mul3A_28 = arith.muli %scan3A_26, %mul3A_27 : i32
      %add3A_29 = arith.constant 0 : i32
      %add3A_30 = arith.addi %add3A_29, %mul3A_28 : i32
      %add3A_31 = arith.constant 0 : i32
      %add3A_32 = arith.addi %add3A_30, %add3A_31 : i32
      %dma_start3A = arith.constant 0 : i32
      %dma_start3A_33 = arith.constant 0 : i32
      %dma_start3A_34 = arith.constant 0 : i32
      %dma_start3A_35 = arith.constant 0 : i32
      %dma_start3A_36 = arith.constant 0 : i32
      %dma_start3A_37 = tpu.memref_slice %arg8[%dma_start3A_33, %dma_start3A_35, %dma_start3A_36] : memref<4x64x128xf32, #tpu.memory_space<vmem>> -> memref<1x64x128xf32, #tpu.memory_space<vmem>>
      %dma_start3A_38 = tpu.memref_squeeze %dma_start3A_37 : memref<1x64x128xf32, #tpu.memory_space<vmem>> -> memref<64x128xf32, #tpu.memory_space<vmem>>
      %dma_start3A_39 = arith.constant 0 : i32
      %dma_start3A_40 = tpu.memref_slice %arg7[%add3A_32, %dma_start3A, %dma_start3A_39] : memref<40x2x64xi32, #tpu.memory_space<vmem>> -> memref<1x1x64xi32, #tpu.memory_space<vmem>>
      %dma_start3A_41 = tpu.memref_squeeze %dma_start3A_40 : memref<1x1x64xi32, #tpu.memory_space<vmem>> -> memref<64xi32, #tpu.memory_space<vmem>>
      %dma_start3A_42 = arith.constant 0 : i32
      %dma_start3A_43 = arith.constant 0 : i32
      %dma_start3A_44 = tpu.memref_slice %arg3[%dma_start3A_42, %dma_start3A_43] : memref<10000x128xf32, #tpu.memory_space<hbm>> -> memref<10000x128xf32, #tpu.memory_space<hbm>>
      %dma_start3A_45 = tpu.memref_slice %arg9[%dma_start3A_34] : memref<4x!tpu.dma_semaphore, #tpu.memory_space<semaphore_mem>> -> memref<1x!tpu.dma_semaphore, #tpu.memory_space<semaphore_mem>>
      %dma_start3A_46 = tpu.memref_squeeze %dma_start3A_45 : memref<1x!tpu.dma_semaphore, #tpu.memory_space<semaphore_mem>> -> memref<!tpu.dma_semaphore, #tpu.memory_space<semaphore_mem>>
      tpu.enqueue_indirect_dma source(%dma_start3A_44 : memref<10000x128xf32, #tpu.memory_space<hbm>>) target(%dma_start3A_38 : memref<64x128xf32, #tpu.memory_space<vmem>>) offsets(%dma_start3A_41 : memref<64xi32, #tpu.memory_space<vmem>>) semaphore(%dma_start3A_46 : memref<!tpu.dma_semaphore, #tpu.memory_space<semaphore_mem>>)
      %add3A_47 = arith.constant 1 : i32
      %add3A_48 = arith.addi %add3A_30, %add3A_47 : i32
      %dma_start3A_49 = arith.constant 0 : i32
      %dma_start3A_50 = arith.constant 1 : i32
      %dma_start3A_51 = arith.constant 1 : i32
      %dma_start3A_52 = arith.constant 0 : i32
      %dma_start3A_53 = arith.constant 0 : i32
      %dma_start3A_54 = tpu.memref_slice %arg8[%dma_start3A_50, %dma_start3A_52, %dma_start3A_53] : memref<4x64x128xf32, #tpu.memory_space<vmem>> -> memref<1x64x128xf32, #tpu.memory_space<vmem>>
      %dma_start3A_55 = tpu.memref_squeeze %dma_start3A_54 : memref<1x64x128xf32, #tpu.memory_space<vmem>> -> memref<64x128xf32, #tpu.memory_space<vmem>>
      %dma_start3A_56 = arith.constant 0 : i32
      %dma_start3A_57 = tpu.memref_slice %arg7[%add3A_48, %dma_start3A_49, %dma_start3A_56] : memref<40x2x64xi32, #tpu.memory_space<vmem>> -> memref<1x1x64xi32, #tpu.memory_space<vmem>>
      %dma_start3A_58 = tpu.memref_squeeze %dma_start3A_57 : memref<1x1x64xi32, #tpu.memory_space<vmem>> -> memref<64xi32, #tpu.memory_space<vmem>>
      %dma_start3A_59 = arith.constant 0 : i32
      %dma_start3A_60 = arith.constant 0 : i32
      %dma_start3A_61 = tpu.memref_slice %arg3[%dma_start3A_59, %dma_start3A_60] : memref<10000x128xf32, #tpu.memory_space<hbm>> -> memref<10000x128xf32, #tpu.memory_space<hbm>>
      %dma_start3A_62 = tpu.memref_slice %arg9[%dma_start3A_51] : memref<4x!tpu.dma_semaphore, #tpu.memory_space<semaphore_mem>> -> memref<1x!tpu.dma_semaphore, #tpu.memory_space<semaphore_mem>>
      %dma_start3A_63 = tpu.memref_squeeze %dma_start3A_62 : memref<1x!tpu.dma_semaphore, #tpu.memory_space<semaphore_mem>> -> memref<!tpu.dma_semaphore, #tpu.memory_space<semaphore_mem>>
      tpu.enqueue_indirect_dma source(%dma_start3A_61 : memref<10000x128xf32, #tpu.memory_space<hbm>>) target(%dma_start3A_55 : memref<64x128xf32, #tpu.memory_space<vmem>>) offsets(%dma_start3A_58 : memref<64xi32, #tpu.memory_space<vmem>>) semaphore(%dma_start3A_63 : memref<!tpu.dma_semaphore, #tpu.memory_space<semaphore_mem>>)
      %add3A_64 = arith.constant 2 : i32
      %add3A_65 = arith.addi %add3A_30, %add3A_64 : i32
      %dma_start3A_66 = arith.constant 0 : i32
      %dma_start3A_67 = arith.constant 2 : i32
      %dma_start3A_68 = arith.constant 2 : i32
      %dma_start3A_69 = arith.constant 0 : i32
      %dma_start3A_70 = arith.constant 0 : i32
      %dma_start3A_71 = tpu.memref_slice %arg8[%dma_start3A_67, %dma_start3A_69, %dma_start3A_70] : memref<4x64x128xf32, #tpu.memory_space<vmem>> -> memref<1x64x128xf32, #tpu.memory_space<vmem>>
      %dma_start3A_72 = tpu.memref_squeeze %dma_start3A_71 : memref<1x64x128xf32, #tpu.memory_space<vmem>> -> memref<64x128xf32, #tpu.memory_space<vmem>>
      %dma_start3A_73 = arith.constant 0 : i32
      %dma_start3A_74 = tpu.memref_slice %arg7[%add3A_65, %dma_start3A_66, %dma_start3A_73] : memref<40x2x64xi32, #tpu.memory_space<vmem>> -> memref<1x1x64xi32, #tpu.memory_space<vmem>>
      %dma_start3A_75 = tpu.memref_squeeze %dma_start3A_74 : memref<1x1x64xi32, #tpu.memory_space<vmem>> -> memref<64xi32, #tpu.memory_space<vmem>>
      %dma_start3A_76 = arith.constant 0 : i32
      %dma_start3A_77 = arith.constant 0 : i32
      %dma_start3A_78 = tpu.memref_slice %arg3[%dma_start3A_76, %dma_start3A_77] : memref<10000x128xf32, #tpu.memory_space<hbm>> -> memref<10000x128xf32, #tpu.memory_space<hbm>>
      %dma_start3A_79 = tpu.memref_slice %arg9[%dma_start3A_68] : memref<4x!tpu.dma_semaphore, #tpu.memory_space<semaphore_mem>> -> memref<1x!tpu.dma_semaphore, #tpu.memory_space<semaphore_mem>>
      %dma_start3A_80 = tpu.memref_squeeze %dma_start3A_79 : memref<1x!tpu.dma_semaphore, #tpu.memory_space<semaphore_mem>> -> memref<!tpu.dma_semaphore, #tpu.memory_space<semaphore_mem>>
      tpu.enqueue_indirect_dma source(%dma_start3A_78 : memref<10000x128xf32, #tpu.memory_space<hbm>>) target(%dma_start3A_72 : memref<64x128xf32, #tpu.memory_space<vmem>>) offsets(%dma_start3A_75 : memref<64xi32, #tpu.memory_space<vmem>>) semaphore(%dma_start3A_80 : memref<!tpu.dma_semaphore, #tpu.memory_space<semaphore_mem>>)
      %add3A_81 = arith.constant 3 : i32
      %add3A_82 = arith.addi %add3A_30, %add3A_81 : i32
      %dma_start3A_83 = arith.constant 0 : i32
      %dma_start3A_84 = arith.constant 3 : i32
      %dma_start3A_85 = arith.constant 3 : i32
      %dma_start3A_86 = arith.constant 0 : i32
      %dma_start3A_87 = arith.constant 0 : i32
      %dma_start3A_88 = tpu.memref_slice %arg8[%dma_start3A_84, %dma_start3A_86, %dma_start3A_87] : memref<4x64x128xf32, #tpu.memory_space<vmem>> -> memref<1x64x128xf32, #tpu.memory_space<vmem>>
      %dma_start3A_89 = tpu.memref_squeeze %dma_start3A_88 : memref<1x64x128xf32, #tpu.memory_space<vmem>> -> memref<64x128xf32, #tpu.memory_space<vmem>>
      %dma_start3A_90 = arith.constant 0 : i32
      %dma_start3A_91 = tpu.memref_slice %arg7[%add3A_82, %dma_start3A_83, %dma_start3A_90] : memref<40x2x64xi32, #tpu.memory_space<vmem>> -> memref<1x1x64xi32, #tpu.memory_space<vmem>>
      %dma_start3A_92 = tpu.memref_squeeze %dma_start3A_91 : memref<1x1x64xi32, #tpu.memory_space<vmem>> -> memref<64xi32, #tpu.memory_space<vmem>>
      %dma_start3A_93 = arith.constant 0 : i32
      %dma_start3A_94 = arith.constant 0 : i32
      %dma_start3A_95 = tpu.memref_slice %arg3[%dma_start3A_93, %dma_start3A_94] : memref<10000x128xf32, #tpu.memory_space<hbm>> -> memref<10000x128xf32, #tpu.memory_space<hbm>>
      %dma_start3A_96 = tpu.memref_slice %arg9[%dma_start3A_85] : memref<4x!tpu.dma_semaphore, #tpu.memory_space<semaphore_mem>> -> memref<1x!tpu.dma_semaphore, #tpu.memory_space<semaphore_mem>>
      %dma_start3A_97 = tpu.memref_squeeze %dma_start3A_96 : memref<1x!tpu.dma_semaphore, #tpu.memory_space<semaphore_mem>> -> memref<!tpu.dma_semaphore, #tpu.memory_space<semaphore_mem>>
      tpu.enqueue_indirect_dma source(%dma_start3A_95 : memref<10000x128xf32, #tpu.memory_space<hbm>>) target(%dma_start3A_89 : memref<64x128xf32, #tpu.memory_space<vmem>>) offsets(%dma_start3A_92 : memref<64xi32, #tpu.memory_space<vmem>>) semaphore(%dma_start3A_97 : memref<!tpu.dma_semaphore, #tpu.memory_space<semaphore_mem>>)
      %add3A_98 = arith.constant 0 : i32
      %add3A_99 = arith.addi %add3A_30, %add3A_98 : i32
      %dma_wait3A = arith.constant 0 : i32
      %dma_wait3A_100 = arith.constant 0 : i32
      %dma_wait3A_101 = arith.constant 0 : i32
      %dma_wait3A_102 = arith.constant 0 : i32
      %dma_wait3A_103 = arith.constant 0 : i32
      %dma_wait3A_104 = tpu.memref_slice %arg8[%dma_wait3A_100, %dma_wait3A_102, %dma_wait3A_103] : memref<4x64x128xf32, #tpu.memory_space<vmem>> -> memref<1x64x128xf32, #tpu.memory_space<vmem>>
      %dma_wait3A_105 = tpu.memref_squeeze %dma_wait3A_104 : memref<1x64x128xf32, #tpu.memory_space<vmem>> -> memref<64x128xf32, #tpu.memory_space<vmem>>
      %dma_wait3A_106 = arith.constant 0 : i32
      %dma_wait3A_107 = tpu.memref_slice %arg7[%add3A_99, %dma_wait3A, %dma_wait3A_106] : memref<40x2x64xi32, #tpu.memory_space<vmem>> -> memref<1x1x64xi32, #tpu.memory_space<vmem>>
      %dma_wait3A_108 = tpu.memref_squeeze %dma_wait3A_107 : memref<1x1x64xi32, #tpu.memory_space<vmem>> -> memref<64xi32, #tpu.memory_space<vmem>>
      %dma_wait3A_109 = arith.constant 0 : i32
      %dma_wait3A_110 = arith.constant 0 : i32
      %dma_wait3A_111 = tpu.memref_slice %arg3[%dma_wait3A_109, %dma_wait3A_110] : memref<10000x128xf32, #tpu.memory_space<hbm>> -> memref<10000x128xf32, #tpu.memory_space<hbm>>
      %dma_wait3A_112 = tpu.memref_slice %arg9[%dma_wait3A_101] : memref<4x!tpu.dma_semaphore, #tpu.memory_space<semaphore_mem>> -> memref<1x!tpu.dma_semaphore, #tpu.memory_space<semaphore_mem>>
      %dma_wait3A_113 = tpu.memref_squeeze %dma_wait3A_112 : memref<1x!tpu.dma_semaphore, #tpu.memory_space<semaphore_mem>> -> memref<!tpu.dma_semaphore, #tpu.memory_space<semaphore_mem>>
      tpu.wait_indirect_dma semaphore(%dma_wait3A_113 : memref<!tpu.dma_semaphore, #tpu.memory_space<semaphore_mem>>) src(%dma_wait3A_111 : memref<10000x128xf32, #tpu.memory_space<hbm>>) dst(%dma_wait3A_105 : memref<64x128xf32, #tpu.memory_space<vmem>>)
      %add3A_114 = arith.constant 1 : i32
      %add3A_115 = arith.addi %add3A_30, %add3A_114 : i32
      %dma_wait3A_116 = arith.constant 0 : i32
      %dma_wait3A_117 = arith.constant 1 : i32
      %dma_wait3A_118 = arith.constant 1 : i32
      %dma_wait3A_119 = arith.constant 0 : i32
      %dma_wait3A_120 = arith.constant 0 : i32
      %dma_wait3A_121 = tpu.memref_slice %arg8[%dma_wait3A_117, %dma_wait3A_119, %dma_wait3A_120] : memref<4x64x128xf32, #tpu.memory_space<vmem>> -> memref<1x64x128xf32, #tpu.memory_space<vmem>>
      %dma_wait3A_122 = tpu.memref_squeeze %dma_wait3A_121 : memref<1x64x128xf32, #tpu.memory_space<vmem>> -> memref<64x128xf32, #tpu.memory_space<vmem>>
      %dma_wait3A_123 = arith.constant 0 : i32
      %dma_wait3A_124 = tpu.memref_slice %arg7[%add3A_115, %dma_wait3A_116, %dma_wait3A_123] : memref<40x2x64xi32, #tpu.memory_space<vmem>> -> memref<1x1x64xi32, #tpu.memory_space<vmem>>
      %dma_wait3A_125 = tpu.memref_squeeze %dma_wait3A_124 : memref<1x1x64xi32, #tpu.memory_space<vmem>> -> memref<64xi32, #tpu.memory_space<vmem>>
      %dma_wait3A_126 = arith.constant 0 : i32
      %dma_wait3A_127 = arith.constant 0 : i32
      %dma_wait3A_128 = tpu.memref_slice %arg3[%dma_wait3A_126, %dma_wait3A_127] : memref<10000x128xf32, #tpu.memory_space<hbm>> -> memref<10000x128xf32, #tpu.memory_space<hbm>>
      %dma_wait3A_129 = tpu.memref_slice %arg9[%dma_wait3A_118] : memref<4x!tpu.dma_semaphore, #tpu.memory_space<semaphore_mem>> -> memref<1x!tpu.dma_semaphore, #tpu.memory_space<semaphore_mem>>
      %dma_wait3A_130 = tpu.memref_squeeze %dma_wait3A_129 : memref<1x!tpu.dma_semaphore, #tpu.memory_space<semaphore_mem>> -> memref<!tpu.dma_semaphore, #tpu.memory_space<semaphore_mem>>
      tpu.wait_indirect_dma semaphore(%dma_wait3A_130 : memref<!tpu.dma_semaphore, #tpu.memory_space<semaphore_mem>>) src(%dma_wait3A_128 : memref<10000x128xf32, #tpu.memory_space<hbm>>) dst(%dma_wait3A_122 : memref<64x128xf32, #tpu.memory_space<vmem>>)
      %add3A_131 = arith.constant 2 : i32
      %add3A_132 = arith.addi %add3A_30, %add3A_131 : i32
      %dma_wait3A_133 = arith.constant 0 : i32
      %dma_wait3A_134 = arith.constant 2 : i32
      %dma_wait3A_135 = arith.constant 2 : i32
      %dma_wait3A_136 = arith.constant 0 : i32
      %dma_wait3A_137 = arith.constant 0 : i32
      %dma_wait3A_138 = tpu.memref_slice %arg8[%dma_wait3A_134, %dma_wait3A_136, %dma_wait3A_137] : memref<4x64x128xf32, #tpu.memory_space<vmem>> -> memref<1x64x128xf32, #tpu.memory_space<vmem>>
      %dma_wait3A_139 = tpu.memref_squeeze %dma_wait3A_138 : memref<1x64x128xf32, #tpu.memory_space<vmem>> -> memref<64x128xf32, #tpu.memory_space<vmem>>
      %dma_wait3A_140 = arith.constant 0 : i32
      %dma_wait3A_141 = tpu.memref_slice %arg7[%add3A_132, %dma_wait3A_133, %dma_wait3A_140] : memref<40x2x64xi32, #tpu.memory_space<vmem>> -> memref<1x1x64xi32, #tpu.memory_space<vmem>>
      %dma_wait3A_142 = tpu.memref_squeeze %dma_wait3A_141 : memref<1x1x64xi32, #tpu.memory_space<vmem>> -> memref<64xi32, #tpu.memory_space<vmem>>
      %dma_wait3A_143 = arith.constant 0 : i32
      %dma_wait3A_144 = arith.constant 0 : i32
      %dma_wait3A_145 = tpu.memref_slice %arg3[%dma_wait3A_143, %dma_wait3A_144] : memref<10000x128xf32, #tpu.memory_space<hbm>> -> memref<10000x128xf32, #tpu.memory_space<hbm>>
      %dma_wait3A_146 = tpu.memref_slice %arg9[%dma_wait3A_135] : memref<4x!tpu.dma_semaphore, #tpu.memory_space<semaphore_mem>> -> memref<1x!tpu.dma_semaphore, #tpu.memory_space<semaphore_mem>>
      %dma_wait3A_147 = tpu.memref_squeeze %dma_wait3A_146 : memref<1x!tpu.dma_semaphore, #tpu.memory_space<semaphore_mem>> -> memref<!tpu.dma_semaphore, #tpu.memory_space<semaphore_mem>>
      tpu.wait_indirect_dma semaphore(%dma_wait3A_147 : memref<!tpu.dma_semaphore, #tpu.memory_space<semaphore_mem>>) src(%dma_wait3A_145 : memref<10000x128xf32, #tpu.memory_space<hbm>>) dst(%dma_wait3A_139 : memref<64x128xf32, #tpu.memory_space<vmem>>)
      %add3A_148 = arith.constant 3 : i32
      %add3A_149 = arith.addi %add3A_30, %add3A_148 : i32
      %dma_wait3A_150 = arith.constant 0 : i32
      %dma_wait3A_151 = arith.constant 3 : i32
      %dma_wait3A_152 = arith.constant 3 : i32
      %dma_wait3A_153 = arith.constant 0 : i32
      %dma_wait3A_154 = arith.constant 0 : i32
      %dma_wait3A_155 = tpu.memref_slice %arg8[%dma_wait3A_151, %dma_wait3A_153, %dma_wait3A_154] : memref<4x64x128xf32, #tpu.memory_space<vmem>> -> memref<1x64x128xf32, #tpu.memory_space<vmem>>
      %dma_wait3A_156 = tpu.memref_squeeze %dma_wait3A_155 : memref<1x64x128xf32, #tpu.memory_space<vmem>> -> memref<64x128xf32, #tpu.memory_space<vmem>>
      %dma_wait3A_157 = arith.constant 0 : i32
      %dma_wait3A_158 = tpu.memref_slice %arg7[%add3A_149, %dma_wait3A_150, %dma_wait3A_157] : memref<40x2x64xi32, #tpu.memory_space<vmem>> -> memref<1x1x64xi32, #tpu.memory_space<vmem>>
      %dma_wait3A_159 = tpu.memref_squeeze %dma_wait3A_158 : memref<1x1x64xi32, #tpu.memory_space<vmem>> -> memref<64xi32, #tpu.memory_space<vmem>>
      %dma_wait3A_160 = arith.constant 0 : i32
      %dma_wait3A_161 = arith.constant 0 : i32
      %dma_wait3A_162 = tpu.memref_slice %arg3[%dma_wait3A_160, %dma_wait3A_161] : memref<10000x128xf32, #tpu.memory_space<hbm>> -> memref<10000x128xf32, #tpu.memory_space<hbm>>
      %dma_wait3A_163 = tpu.memref_slice %arg9[%dma_wait3A_152] : memref<4x!tpu.dma_semaphore, #tpu.memory_space<semaphore_mem>> -> memref<1x!tpu.dma_semaphore, #tpu.memory_space<semaphore_mem>>
      %dma_wait3A_164 = tpu.memref_squeeze %dma_wait3A_163 : memref<1x!tpu.dma_semaphore, #tpu.memory_space<semaphore_mem>> -> memref<!tpu.dma_semaphore, #tpu.memory_space<semaphore_mem>>
      tpu.wait_indirect_dma semaphore(%dma_wait3A_164 : memref<!tpu.dma_semaphore, #tpu.memory_space<semaphore_mem>>) src(%dma_wait3A_162 : memref<10000x128xf32, #tpu.memory_space<hbm>>) dst(%dma_wait3A_156 : memref<64x128xf32, #tpu.memory_space<vmem>>)
      %add3A_165 = arith.constant 0 : i32
      %add3A_166 = arith.addi %add3A_30, %add3A_165 : i32
      %run_scoped3A_167 = arith.constant 0 : i32
      %run_scoped3A_168 = arith.constant 1 : i32
      "tpu.region"() ({
        %run_scoped3A_181 = tpu.sem_alloc : memref<!tpu.dma_semaphore, #tpu.memory_space<semaphore_mem>>
        %dma_start3A_182 = arith.constant 0 : i32
        %dma_start3A_183 = arith.constant 0 : i32
        %dma_start3A_184 = tpu.memref_slice %arg8[%run_scoped3A_167, %dma_start3A_182, %dma_start3A_183] : memref<4x64x128xf32, #tpu.memory_space<vmem>> -> memref<1x64x128xf32, #tpu.memory_space<vmem>>
        %dma_start3A_185 = tpu.memref_squeeze %dma_start3A_184 : memref<1x64x128xf32, #tpu.memory_space<vmem>> -> memref<64x128xf32, #tpu.memory_space<vmem>>
        %dma_start3A_186 = arith.constant 0 : i32
        %dma_start3A_187 = tpu.memref_slice %arg7[%add3A_166, %run_scoped3A_168, %dma_start3A_186] : memref<40x2x64xi32, #tpu.memory_space<vmem>> -> memref<1x1x64xi32, #tpu.memory_space<vmem>>
        %dma_start3A_188 = tpu.memref_squeeze %dma_start3A_187 : memref<1x1x64xi32, #tpu.memory_space<vmem>> -> memref<64xi32, #tpu.memory_space<vmem>>
        %dma_start3A_189 = arith.constant 0 : i32
        %dma_start3A_190 = arith.constant 0 : i32
        %dma_start3A_191 = tpu.memref_slice %arg6[%dma_start3A_189, %dma_start3A_190] : memref<10240x128xf32, #tpu.memory_space<vmem_shared>> -> memref<10240x128xf32, #tpu.memory_space<vmem_shared>>
        tpu.enqueue_indirect_dma source(%dma_start3A_185 : memref<64x128xf32, #tpu.memory_space<vmem>>) target(%dma_start3A_191 : memref<10240x128xf32, #tpu.memory_space<vmem_shared>>) offsets(%dma_start3A_188 : memref<64xi32, #tpu.memory_space<vmem>>) semaphore(%run_scoped3A_181 : memref<!tpu.dma_semaphore, #tpu.memory_space<semaphore_mem>>) {add = true}
        %dma_wait3A_192 = arith.constant 0 : i32
        %dma_wait3A_193 = arith.constant 0 : i32
        %dma_wait3A_194 = tpu.memref_slice %arg8[%run_scoped3A_167, %dma_wait3A_192, %dma_wait3A_193] : memref<4x64x128xf32, #tpu.memory_space<vmem>> -> memref<1x64x128xf32, #tpu.memory_space<vmem>>
        %dma_wait3A_195 = tpu.memref_squeeze %dma_wait3A_194 : memref<1x64x128xf32, #tpu.memory_space<vmem>> -> memref<64x128xf32, #tpu.memory_space<vmem>>
        %dma_wait3A_196 = arith.constant 0 : i32
        %dma_wait3A_197 = tpu.memref_slice %arg7[%add3A_166, %run_scoped3A_168, %dma_wait3A_196] : memref<40x2x64xi32, #tpu.memory_space<vmem>> -> memref<1x1x64xi32, #tpu.memory_space<vmem>>
        %dma_wait3A_198 = tpu.memref_squeeze %dma_wait3A_197 : memref<1x1x64xi32, #tpu.memory_space<vmem>> -> memref<64xi32, #tpu.memory_space<vmem>>
        %dma_wait3A_199 = arith.constant 0 : i32
        %dma_wait3A_200 = arith.constant 0 : i32
        %dma_wait3A_201 = tpu.memref_slice %arg6[%dma_wait3A_199, %dma_wait3A_200] : memref<10240x128xf32, #tpu.memory_space<vmem_shared>> -> memref<10240x128xf32, #tpu.memory_space<vmem_shared>>
        tpu.wait_indirect_dma semaphore(%run_scoped3A_181 : memref<!tpu.dma_semaphore, #tpu.memory_space<semaphore_mem>>) src(%dma_wait3A_195 : memref<64x128xf32, #tpu.memory_space<vmem>>) dst(%dma_wait3A_201 : memref<10240x128xf32, #tpu.memory_space<vmem_shared>>)
        tpu.yield
      }) : () -> ()
      %add3A_169 = arith.constant 1 : i32
      %add3A_170 = arith.addi %add3A_30, %add3A_169 : i32
      %run_scoped3A_171 = arith.constant 1 : i32
      %run_scoped3A_172 = arith.constant 1 : i32
      "tpu.region"() ({
        %run_scoped3A_181 = tpu.sem_alloc : memref<!tpu.dma_semaphore, #tpu.memory_space<semaphore_mem>>
        %dma_start3A_182 = arith.constant 0 : i32
        %dma_start3A_183 = arith.constant 0 : i32
        %dma_start3A_184 = tpu.memref_slice %arg8[%run_scoped3A_171, %dma_start3A_182, %dma_start3A_183] : memref<4x64x128xf32, #tpu.memory_space<vmem>> -> memref<1x64x128xf32, #tpu.memory_space<vmem>>
        %dma_start3A_185 = tpu.memref_squeeze %dma_start3A_184 : memref<1x64x128xf32, #tpu.memory_space<vmem>> -> memref<64x128xf32, #tpu.memory_space<vmem>>
        %dma_start3A_186 = arith.constant 0 : i32
        %dma_start3A_187 = tpu.memref_slice %arg7[%add3A_170, %run_scoped3A_172, %dma_start3A_186] : memref<40x2x64xi32, #tpu.memory_space<vmem>> -> memref<1x1x64xi32, #tpu.memory_space<vmem>>
        %dma_start3A_188 = tpu.memref_squeeze %dma_start3A_187 : memref<1x1x64xi32, #tpu.memory_space<vmem>> -> memref<64xi32, #tpu.memory_space<vmem>>
        %dma_start3A_189 = arith.constant 0 : i32
        %dma_start3A_190 = arith.constant 0 : i32
        %dma_start3A_191 = tpu.memref_slice %arg6[%dma_start3A_189, %dma_start3A_190] : memref<10240x128xf32, #tpu.memory_space<vmem_shared>> -> memref<10240x128xf32, #tpu.memory_space<vmem_shared>>
        tpu.enqueue_indirect_dma source(%dma_start3A_185 : memref<64x128xf32, #tpu.memory_space<vmem>>) target(%dma_start3A_191 : memref<10240x128xf32, #tpu.memory_space<vmem_shared>>) offsets(%dma_start3A_188 : memref<64xi32, #tpu.memory_space<vmem>>) semaphore(%run_scoped3A_181 : memref<!tpu.dma_semaphore, #tpu.memory_space<semaphore_mem>>) {add = true}
        %dma_wait3A_192 = arith.constant 0 : i32
        %dma_wait3A_193 = arith.constant 0 : i32
        %dma_wait3A_194 = tpu.memref_slice %arg8[%run_scoped3A_171, %dma_wait3A_192, %dma_wait3A_193] : memref<4x64x128xf32, #tpu.memory_space<vmem>> -> memref<1x64x128xf32, #tpu.memory_space<vmem>>
        %dma_wait3A_195 = tpu.memref_squeeze %dma_wait3A_194 : memref<1x64x128xf32, #tpu.memory_space<vmem>> -> memref<64x128xf32, #tpu.memory_space<vmem>>
        %dma_wait3A_196 = arith.constant 0 : i32
        %dma_wait3A_197 = tpu.memref_slice %arg7[%add3A_170, %run_scoped3A_172, %dma_wait3A_196] : memref<40x2x64xi32, #tpu.memory_space<vmem>> -> memref<1x1x64xi32, #tpu.memory_space<vmem>>
        %dma_wait3A_198 = tpu.memref_squeeze %dma_wait3A_197 : memref<1x1x64xi32, #tpu.memory_space<vmem>> -> memref<64xi32, #tpu.memory_space<vmem>>
        %dma_wait3A_199 = arith.constant 0 : i32
        %dma_wait3A_200 = arith.constant 0 : i32
        %dma_wait3A_201 = tpu.memref_slice %arg6[%dma_wait3A_199, %dma_wait3A_200] : memref<10240x128xf32, #tpu.memory_space<vmem_shared>> -> memref<10240x128xf32, #tpu.memory_space<vmem_shared>>
        tpu.wait_indirect_dma semaphore(%run_scoped3A_181 : memref<!tpu.dma_semaphore, #tpu.memory_space<semaphore_mem>>) src(%dma_wait3A_195 : memref<64x128xf32, #tpu.memory_space<vmem>>) dst(%dma_wait3A_201 : memref<10240x128xf32, #tpu.memory_space<vmem_shared>>)
        tpu.yield
      }) : () -> ()
      %add3A_173 = arith.constant 2 : i32
      %add3A_174 = arith.addi %add3A_30, %add3A_173 : i32
      %run_scoped3A_175 = arith.constant 2 : i32
      %run_scoped3A_176 = arith.constant 1 : i32
      "tpu.region"() ({
        %run_scoped3A_181 = tpu.sem_alloc : memref<!tpu.dma_semaphore, #tpu.memory_space<semaphore_mem>>
        %dma_start3A_182 = arith.constant 0 : i32
        %dma_start3A_183 = arith.constant 0 : i32
        %dma_start3A_184 = tpu.memref_slice %arg8[%run_scoped3A_175, %dma_start3A_182, %dma_start3A_183] : memref<4x64x128xf32, #tpu.memory_space<vmem>> -> memref<1x64x128xf32, #tpu.memory_space<vmem>>
        %dma_start3A_185 = tpu.memref_squeeze %dma_start3A_184 : memref<1x64x128xf32, #tpu.memory_space<vmem>> -> memref<64x128xf32, #tpu.memory_space<vmem>>
        %dma_start3A_186 = arith.constant 0 : i32
        %dma_start3A_187 = tpu.memref_slice %arg7[%add3A_174, %run_scoped3A_176, %dma_start3A_186] : memref<40x2x64xi32, #tpu.memory_space<vmem>> -> memref<1x1x64xi32, #tpu.memory_space<vmem>>
        %dma_start3A_188 = tpu.memref_squeeze %dma_start3A_187 : memref<1x1x64xi32, #tpu.memory_space<vmem>> -> memref<64xi32, #tpu.memory_space<vmem>>
        %dma_start3A_189 = arith.constant 0 : i32
        %dma_start3A_190 = arith.constant 0 : i32
        %dma_start3A_191 = tpu.memref_slice %arg6[%dma_start3A_189, %dma_start3A_190] : memref<10240x128xf32, #tpu.memory_space<vmem_shared>> -> memref<10240x128xf32, #tpu.memory_space<vmem_shared>>
        tpu.enqueue_indirect_dma source(%dma_start3A_185 : memref<64x128xf32, #tpu.memory_space<vmem>>) target(%dma_start3A_191 : memref<10240x128xf32, #tpu.memory_space<vmem_shared>>) offsets(%dma_start3A_188 : memref<64xi32, #tpu.memory_space<vmem>>) semaphore(%run_scoped3A_181 : memref<!tpu.dma_semaphore, #tpu.memory_space<semaphore_mem>>) {add = true}
        %dma_wait3A_192 = arith.constant 0 : i32
        %dma_wait3A_193 = arith.constant 0 : i32
        %dma_wait3A_194 = tpu.memref_slice %arg8[%run_scoped3A_175, %dma_wait3A_192, %dma_wait3A_193] : memref<4x64x128xf32, #tpu.memory_space<vmem>> -> memref<1x64x128xf32, #tpu.memory_space<vmem>>
        %dma_wait3A_195 = tpu.memref_squeeze %dma_wait3A_194 : memref<1x64x128xf32, #tpu.memory_space<vmem>> -> memref<64x128xf32, #tpu.memory_space<vmem>>
        %dma_wait3A_196 = arith.constant 0 : i32
        %dma_wait3A_197 = tpu.memref_slice %arg7[%add3A_174, %run_scoped3A_176, %dma_wait3A_196] : memref<40x2x64xi32, #tpu.memory_space<vmem>> -> memref<1x1x64xi32, #tpu.memory_space<vmem>>
        %dma_wait3A_198 = tpu.memref_squeeze %dma_wait3A_197 : memref<1x1x64xi32, #tpu.memory_space<vmem>> -> memref<64xi32, #tpu.memory_space<vmem>>
        %dma_wait3A_199 = arith.constant 0 : i32
        %dma_wait3A_200 = arith.constant 0 : i32
        %dma_wait3A_201 = tpu.memref_slice %arg6[%dma_wait3A_199, %dma_wait3A_200] : memref<10240x128xf32, #tpu.memory_space<vmem_shared>> -> memref<10240x128xf32, #tpu.memory_space<vmem_shared>>
        tpu.wait_indirect_dma semaphore(%run_scoped3A_181 : memref<!tpu.dma_semaphore, #tpu.memory_space<semaphore_mem>>) src(%dma_wait3A_195 : memref<64x128xf32, #tpu.memory_space<vmem>>) dst(%dma_wait3A_201 : memref<10240x128xf32, #tpu.memory_space<vmem_shared>>)
        tpu.yield
      }) : () -> ()
      %add3A_177 = arith.constant 3 : i32
      %add3A_178 = arith.addi %add3A_30, %add3A_177 : i32
      %run_scoped3A_179 = arith.constant 3 : i32
      %run_scoped3A_180 = arith.constant 1 : i32
      "tpu.region"() ({
        %run_scoped3A_181 = tpu.sem_alloc : memref<!tpu.dma_semaphore, #tpu.memory_space<semaphore_mem>>
        %dma_start3A_182 = arith.constant 0 : i32
        %dma_start3A_183 = arith.constant 0 : i32
        %dma_start3A_184 = tpu.memref_slice %arg8[%run_scoped3A_179, %dma_start3A_182, %dma_start3A_183] : memref<4x64x128xf32, #tpu.memory_space<vmem>> -> memref<1x64x128xf32, #tpu.memory_space<vmem>>
        %dma_start3A_185 = tpu.memref_squeeze %dma_start3A_184 : memref<1x64x128xf32, #tpu.memory_space<vmem>> -> memref<64x128xf32, #tpu.memory_space<vmem>>
        %dma_start3A_186 = arith.constant 0 : i32
        %dma_start3A_187 = tpu.memref_slice %arg7[%add3A_178, %run_scoped3A_180, %dma_start3A_186] : memref<40x2x64xi32, #tpu.memory_space<vmem>> -> memref<1x1x64xi32, #tpu.memory_space<vmem>>
        %dma_start3A_188 = tpu.memref_squeeze %dma_start3A_187 : memref<1x1x64xi32, #tpu.memory_space<vmem>> -> memref<64xi32, #tpu.memory_space<vmem>>
        %dma_start3A_189 = arith.constant 0 : i32
        %dma_start3A_190 = arith.constant 0 : i32
        %dma_start3A_191 = tpu.memref_slice %arg6[%dma_start3A_189, %dma_start3A_190] : memref<10240x128xf32, #tpu.memory_space<vmem_shared>> -> memref<10240x128xf32, #tpu.memory_space<vmem_shared>>
        tpu.enqueue_indirect_dma source(%dma_start3A_185 : memref<64x128xf32, #tpu.memory_space<vmem>>) target(%dma_start3A_191 : memref<10240x128xf32, #tpu.memory_space<vmem_shared>>) offsets(%dma_start3A_188 : memref<64xi32, #tpu.memory_space<vmem>>) semaphore(%run_scoped3A_181 : memref<!tpu.dma_semaphore, #tpu.memory_space<semaphore_mem>>) {add = true}
        %dma_wait3A_192 = arith.constant 0 : i32
        %dma_wait3A_193 = arith.constant 0 : i32
        %dma_wait3A_194 = tpu.memref_slice %arg8[%run_scoped3A_179, %dma_wait3A_192, %dma_wait3A_193] : memref<4x64x128xf32, #tpu.memory_space<vmem>> -> memref<1x64x128xf32, #tpu.memory_space<vmem>>
        %dma_wait3A_195 = tpu.memref_squeeze %dma_wait3A_194 : memref<1x64x128xf32, #tpu.memory_space<vmem>> -> memref<64x128xf32, #tpu.memory_space<vmem>>
        %dma_wait3A_196 = arith.constant 0 : i32
        %dma_wait3A_197 = tpu.memref_slice %arg7[%add3A_178, %run_scoped3A_180, %dma_wait3A_196] : memref<40x2x64xi32, #tpu.memory_space<vmem>> -> memref<1x1x64xi32, #tpu.memory_space<vmem>>
        %dma_wait3A_198 = tpu.memref_squeeze %dma_wait3A_197 : memref<1x1x64xi32, #tpu.memory_space<vmem>> -> memref<64xi32, #tpu.memory_space<vmem>>
        %dma_wait3A_199 = arith.constant 0 : i32
        %dma_wait3A_200 = arith.constant 0 : i32
        %dma_wait3A_201 = tpu.memref_slice %arg6[%dma_wait3A_199, %dma_wait3A_200] : memref<10240x128xf32, #tpu.memory_space<vmem_shared>> -> memref<10240x128xf32, #tpu.memory_space<vmem_shared>>
        tpu.wait_indirect_dma semaphore(%run_scoped3A_181 : memref<!tpu.dma_semaphore, #tpu.memory_space<semaphore_mem>>) src(%dma_wait3A_195 : memref<64x128xf32, #tpu.memory_space<vmem>>) dst(%dma_wait3A_201 : memref<10240x128xf32, #tpu.memory_space<vmem_shared>>)
        tpu.yield
      }) : () -> ()
    }
    %scan3A_24 = arith.constant 10 : i32
    %barrier3A_25 = arith.constant 0 : index
    tpu.barrier barrier_id(%barrier3A_25)
    "tpu.region"() ({
      %run_scoped3A_26 = tpu.sem_alloc : memref<!tpu.dma_semaphore, #tpu.memory_space<semaphore_mem>>
      %dma_start3A = arith.constant 0 : i32
      %dma_start3A_27 = tpu.memref_slice %arg5[%arg0, %mul3A_2, %dma_start3A] : memref<2x10240x128xf32, #tpu.memory_space<hbm>> -> memref<1x640x128xf32, #tpu.memory_space<hbm>>
      %dma_start3A_28 = tpu.memref_squeeze %dma_start3A_27 : memref<1x640x128xf32, #tpu.memory_space<hbm>> -> memref<640x128xf32, #tpu.memory_space<hbm>>
      %dma_start3A_29 = arith.constant 0 : i32
      %dma_start3A_30 = tpu.memref_slice %arg6[%mul3A_2, %dma_start3A_29] : memref<10240x128xf32, #tpu.memory_space<vmem_shared>> -> memref<640x128xf32, #tpu.memory_space<vmem_shared>>
      tpu.enqueue_dma source(%dma_start3A_30 : memref<640x128xf32, #tpu.memory_space<vmem_shared>>) target(%dma_start3A_28 : memref<640x128xf32, #tpu.memory_space<hbm>>) target_semaphore(%run_scoped3A_26 : memref<!tpu.dma_semaphore, #tpu.memory_space<semaphore_mem>>)
      %dma_wait3A = arith.constant 0 : i32
      %dma_wait3A_31 = tpu.memref_slice %arg5[%arg0, %mul3A_2, %dma_wait3A] : memref<2x10240x128xf32, #tpu.memory_space<hbm>> -> memref<1x640x128xf32, #tpu.memory_space<hbm>>
      %dma_wait3A_32 = tpu.memref_squeeze %dma_wait3A_31 : memref<1x640x128xf32, #tpu.memory_space<hbm>> -> memref<640x128xf32, #tpu.memory_space<hbm>>
      %dma_wait3A_33 = arith.constant 0 : i32
      %dma_wait3A_34 = tpu.memref_slice %arg6[%mul3A_2, %dma_wait3A_33] : memref<10240x128xf32, #tpu.memory_space<vmem_shared>> -> memref<640x128xf32, #tpu.memory_space<vmem_shared>>
      tpu.wait_dma2 semaphore(%run_scoped3A_26 : memref<!tpu.dma_semaphore, #tpu.memory_space<semaphore_mem>>) src(%dma_wait3A_34 : memref<640x128xf32, #tpu.memory_space<vmem_shared>>) dst(%dma_wait3A_32 : memref<640x128xf32, #tpu.memory_space<hbm>>)
      tpu.yield
    }) : () -> ()
    return
  }
}

#map = affine_map<(d0, d1) -> (0, 0, 0)>
module attributes {stable_mosaic.version = 14 : i64} {
  func.func @_sc_degree_body(%arg0: i32, %arg1: i32, %arg2: memref<32x160x64xi32, #tpu.memory_space<hbm>>, %arg3: memref<2x1280x128xf32, #tpu.memory_space<hbm>>, %arg4: memref<10240x16xf32, #tpu.memory_space<vmem_shared>>, %arg5: memref<160x64xi32, #tpu.memory_space<vmem>>, %arg6: memref<64x16xf32, #tpu.memory_space<vmem>>, %arg7: memref<640x16xf32, #tpu.memory_space<vmem>>, %arg8: memref<80x128xf32, #tpu.memory_space<vmem>>) attributes {dimension_semantics = [#tpu.dimension_semantics<core_parallel>, #tpu.dimension_semantics<subcore_parallel>], iteration_bounds = array<i64: 2, 16>, scalar_prefetch = 0 : i64, scratch_operands = 5 : i64, tpu.core_type = #tpu.core_type<sc_vector_subcore>, window_params = [{transform_indices = #map}, {transform_indices = #map}]} {
    %mul3A = arith.constant 16 : i32
    %mul3A_0 = arith.muli %arg0, %mul3A : i32
    %add3A = arith.addi %mul3A_0, %arg1 : i32
    %mul3A_1 = arith.constant 640 : i32
    %mul3A_2 = arith.muli %arg1, %mul3A_1 : i32
    %broadcast_in_dim3A = arith.constant 1.000000e+00 : f32
    %broadcast_in_dim3A_3 = vector.broadcast %broadcast_in_dim3A : f32 to vector<16xf32>
    %broadcast_in_dim3A_4 = arith.constant 0.000000e+00 : f32
    %broadcast_in_dim3A_5 = vector.broadcast %broadcast_in_dim3A_4 : f32 to vector<16xf32>
    %scan3A = arith.constant 0 : i32
    %scan3A_6 = arith.constant 64 : i32
    %scan3A_7 = arith.addi %scan3A, %scan3A_6 : i32
    %scan3A_8 = arith.constant 1 : i32
    scf.for %scan3A_28 = %scan3A to %scan3A_7 step %scan3A_8  : i32 {
      %mul3A_29 = arith.constant 1 : i32
      %mul3A_30 = arith.muli %scan3A_28, %mul3A_29 : i32
      %add3A_31 = arith.constant 0 : i32
      %add3A_32 = arith.addi %add3A_31, %mul3A_30 : i32
      %swap3A = arith.index_cast %add3A_32 : i32 to index
      %swap3A_33 = arith.constant 0 : index
      %swap3A_34 = tpu.vector_load %arg6[%swap3A, %swap3A_33] {strides = array<i32>} : memref<64x16xf32, #tpu.memory_space<vmem>>, vector<1x16xf32>,
      %swap3A_35 = vector.shape_cast %swap3A_34 : vector<1x16xf32> to vector<16xf32>
      %swap3A_36 = vector.shape_cast %broadcast_in_dim3A_3 : vector<16xf32> to vector<1x16xf32>
      tpu.vector_store %arg6[%swap3A, %swap3A_33], %swap3A_36 {strides = array<i32>} : memref<64x16xf32, #tpu.memory_space<vmem>>, vector<1x16xf32>,
    }
    %scan3A_9 = arith.constant 64 : i32
    %scan3A_10 = arith.constant 0 : i32
    %scan3A_11 = arith.constant 640 : i32
    %scan3A_12 = arith.addi %scan3A_10, %scan3A_11 : i32
    %scan3A_13 = arith.constant 1 : i32
    scf.for %scan3A_28 = %scan3A_10 to %scan3A_12 step %scan3A_13  : i32 {
      %mul3A_29 = arith.constant 1 : i32
      %mul3A_30 = arith.muli %scan3A_28, %mul3A_29 : i32
      %add3A_31 = arith.constant 0 : i32
      %add3A_32 = arith.addi %add3A_31, %mul3A_30 : i32
      %swap3A = arith.index_cast %add3A_32 : i32 to index
      %swap3A_33 = arith.constant 0 : index
      %swap3A_34 = tpu.vector_load %arg7[%swap3A, %swap3A_33] {strides = array<i32>} : memref<640x16xf32, #tpu.memory_space<vmem>>, vector<1x16xf32>,
      %swap3A_35 = vector.shape_cast %swap3A_34 : vector<1x16xf32> to vector<16xf32>
      %swap3A_36 = vector.shape_cast %broadcast_in_dim3A_5 : vector<16xf32> to vector<1x16xf32>
      tpu.vector_store %arg7[%swap3A, %swap3A_33], %swap3A_36 {strides = array<i32>} : memref<640x16xf32, #tpu.memory_space<vmem>>, vector<1x16xf32>,
    }
    %scan3A_14 = arith.constant 640 : i32
    "tpu.region"() ({
      %run_scoped3A = tpu.sem_alloc : memref<!tpu.dma_semaphore, #tpu.memory_space<semaphore_mem>>
      %dma_start3A = arith.constant 0 : i32
      %dma_start3A_28 = tpu.memref_slice %arg4[%mul3A_2, %dma_start3A] : memref<10240x16xf32, #tpu.memory_space<vmem_shared>> -> memref<640x16xf32, #tpu.memory_space<vmem_shared>>
      %dma_start3A_29 = arith.constant 0 : i32
      %dma_start3A_30 = tpu.memref_slice %arg4[%mul3A_2, %dma_start3A_29] : memref<10240x16xf32, #tpu.memory_space<vmem_shared>> -> memref<640x16xf32, #tpu.memory_space<vmem_shared>>
      tpu.enqueue_dma source(%arg7 : memref<640x16xf32, #tpu.memory_space<vmem>>) target(%dma_start3A_30 : memref<640x16xf32, #tpu.memory_space<vmem_shared>>) target_semaphore(%run_scoped3A : memref<!tpu.dma_semaphore, #tpu.memory_space<semaphore_mem>>)
      %dma_wait3A = arith.constant 0 : i32
      %dma_wait3A_31 = tpu.memref_slice %arg4[%mul3A_2, %dma_wait3A] : memref<10240x16xf32, #tpu.memory_space<vmem_shared>> -> memref<640x16xf32, #tpu.memory_space<vmem_shared>>
      %dma_wait3A_32 = arith.constant 0 : i32
      %dma_wait3A_33 = tpu.memref_slice %arg4[%mul3A_2, %dma_wait3A_32] : memref<10240x16xf32, #tpu.memory_space<vmem_shared>> -> memref<640x16xf32, #tpu.memory_space<vmem_shared>>
      tpu.wait_dma2 semaphore(%run_scoped3A : memref<!tpu.dma_semaphore, #tpu.memory_space<semaphore_mem>>) src(%arg7 : memref<640x16xf32, #tpu.memory_space<vmem>>) dst(%dma_wait3A_33 : memref<640x16xf32, #tpu.memory_space<vmem_shared>>)
      tpu.yield
    }) : () -> ()
    "tpu.region"() ({
      %run_scoped3A = tpu.sem_alloc : memref<!tpu.dma_semaphore, #tpu.memory_space<semaphore_mem>>
      %dma_start3A = arith.constant 0 : i32
      %dma_start3A_28 = arith.constant 0 : i32
      %dma_start3A_29 = tpu.memref_slice %arg2[%add3A, %dma_start3A, %dma_start3A_28] : memref<32x160x64xi32, #tpu.memory_space<hbm>> -> memref<1x160x64xi32, #tpu.memory_space<hbm>>
      %dma_start3A_30 = tpu.memref_squeeze %dma_start3A_29 : memref<1x160x64xi32, #tpu.memory_space<hbm>> -> memref<160x64xi32, #tpu.memory_space<hbm>>
      %dma_start3A_31 = arith.constant 0 : i32
      %dma_start3A_32 = arith.constant 0 : i32
      %dma_start3A_33 = tpu.memref_slice %arg2[%add3A, %dma_start3A_31, %dma_start3A_32] : memref<32x160x64xi32, #tpu.memory_space<hbm>> -> memref<1x160x64xi32, #tpu.memory_space<hbm>>
      %dma_start3A_34 = tpu.memref_squeeze %dma_start3A_33 : memref<1x160x64xi32, #tpu.memory_space<hbm>> -> memref<160x64xi32, #tpu.memory_space<hbm>>
      tpu.enqueue_dma source(%dma_start3A_34 : memref<160x64xi32, #tpu.memory_space<hbm>>) target(%arg5 : memref<160x64xi32, #tpu.memory_space<vmem>>) target_semaphore(%run_scoped3A : memref<!tpu.dma_semaphore, #tpu.memory_space<semaphore_mem>>)
      %dma_wait3A = arith.constant 0 : i32
      %dma_wait3A_35 = arith.constant 0 : i32
      %dma_wait3A_36 = tpu.memref_slice %arg2[%add3A, %dma_wait3A, %dma_wait3A_35] : memref<32x160x64xi32, #tpu.memory_space<hbm>> -> memref<1x160x64xi32, #tpu.memory_space<hbm>>
      %dma_wait3A_37 = tpu.memref_squeeze %dma_wait3A_36 : memref<1x160x64xi32, #tpu.memory_space<hbm>> -> memref<160x64xi32, #tpu.memory_space<hbm>>
      %dma_wait3A_38 = arith.constant 0 : i32
      %dma_wait3A_39 = arith.constant 0 : i32
      %dma_wait3A_40 = tpu.memref_slice %arg2[%add3A, %dma_wait3A_38, %dma_wait3A_39] : memref<32x160x64xi32, #tpu.memory_space<hbm>> -> memref<1x160x64xi32, #tpu.memory_space<hbm>>
      %dma_wait3A_41 = tpu.memref_squeeze %dma_wait3A_40 : memref<1x160x64xi32, #tpu.memory_space<hbm>> -> memref<160x64xi32, #tpu.memory_space<hbm>>
      tpu.wait_dma2 semaphore(%run_scoped3A : memref<!tpu.dma_semaphore, #tpu.memory_space<semaphore_mem>>) src(%dma_wait3A_41 : memref<160x64xi32, #tpu.memory_space<hbm>>) dst(%arg5 : memref<160x64xi32, #tpu.memory_space<vmem>>)
      tpu.yield
    }) : () -> ()
    %barrier3A = arith.constant 0 : index
    tpu.barrier barrier_id(%barrier3A)
    %scan3A_15 = arith.constant 0 : i32
    %scan3A_16 = arith.constant 160 : i32
    %scan3A_17 = arith.addi %scan3A_15, %scan3A_16 : i32
    %scan3A_18 = arith.constant 1 : i32
    scf.for %scan3A_28 = %scan3A_15 to %scan3A_17 step %scan3A_18  : i32 {
      %mul3A_29 = arith.constant 1 : i32
      %mul3A_30 = arith.muli %scan3A_28, %mul3A_29 : i32
      %add3A_31 = arith.constant 0 : i32
      %add3A_32 = arith.addi %add3A_31, %mul3A_30 : i32
      "tpu.region"() ({
        %run_scoped3A = tpu.sem_alloc : memref<!tpu.dma_semaphore, #tpu.memory_space<semaphore_mem>>
        %dma_start3A = arith.constant 0 : i32
        %dma_start3A_33 = tpu.memref_slice %arg5[%add3A_32, %dma_start3A] : memref<160x64xi32, #tpu.memory_space<vmem>> -> memref<1x64xi32, #tpu.memory_space<vmem>>
        %dma_start3A_34 = tpu.memref_squeeze %dma_start3A_33 : memref<1x64xi32, #tpu.memory_space<vmem>> -> memref<64xi32, #tpu.memory_space<vmem>>
        %dma_start3A_35 = arith.constant 0 : i32
        %dma_start3A_36 = arith.constant 0 : i32
        %dma_start3A_37 = tpu.memref_slice %arg4[%dma_start3A_35, %dma_start3A_36] : memref<10240x16xf32, #tpu.memory_space<vmem_shared>> -> memref<10240x16xf32, #tpu.memory_space<vmem_shared>>
        tpu.enqueue_indirect_dma source(%arg6 : memref<64x16xf32, #tpu.memory_space<vmem>>) target(%dma_start3A_37 : memref<10240x16xf32, #tpu.memory_space<vmem_shared>>) offsets(%dma_start3A_34 : memref<64xi32, #tpu.memory_space<vmem>>) semaphore(%run_scoped3A : memref<!tpu.dma_semaphore, #tpu.memory_space<semaphore_mem>>) {add = true}
        %dma_wait3A = arith.constant 0 : i32
        %dma_wait3A_38 = tpu.memref_slice %arg5[%add3A_32, %dma_wait3A] : memref<160x64xi32, #tpu.memory_space<vmem>> -> memref<1x64xi32, #tpu.memory_space<vmem>>
        %dma_wait3A_39 = tpu.memref_squeeze %dma_wait3A_38 : memref<1x64xi32, #tpu.memory_space<vmem>> -> memref<64xi32, #tpu.memory_space<vmem>>
        %dma_wait3A_40 = arith.constant 0 : i32
        %dma_wait3A_41 = arith.constant 0 : i32
        %dma_wait3A_42 = tpu.memref_slice %arg4[%dma_wait3A_40, %dma_wait3A_41] : memref<10240x16xf32, #tpu.memory_space<vmem_shared>> -> memref<10240x16xf32, #tpu.memory_space<vmem_shared>>
        tpu.wait_indirect_dma semaphore(%run_scoped3A : memref<!tpu.dma_semaphore, #tpu.memory_space<semaphore_mem>>) src(%arg6 : memref<64x16xf32, #tpu.memory_space<vmem>>) dst(%dma_wait3A_42 : memref<10240x16xf32, #tpu.memory_space<vmem_shared>>)
        tpu.yield
      }) : () -> ()
    }
    %scan3A_19 = arith.constant 160 : i32
    %barrier3A_20 = arith.constant 0 : index
    tpu.barrier barrier_id(%barrier3A_20)
    "tpu.region"() ({
      %run_scoped3A = tpu.sem_alloc : memref<!tpu.dma_semaphore, #tpu.memory_space<semaphore_mem>>
      %dma_start3A = arith.constant 0 : i32
      %dma_start3A_28 = tpu.memref_slice %arg4[%mul3A_2, %dma_start3A] : memref<10240x16xf32, #tpu.memory_space<vmem_shared>> -> memref<640x16xf32, #tpu.memory_space<vmem_shared>>
      %dma_start3A_29 = arith.constant 0 : i32
      %dma_start3A_30 = tpu.memref_slice %arg4[%mul3A_2, %dma_start3A_29] : memref<10240x16xf32, #tpu.memory_space<vmem_shared>> -> memref<640x16xf32, #tpu.memory_space<vmem_shared>>
      tpu.enqueue_dma source(%dma_start3A_30 : memref<640x16xf32, #tpu.memory_space<vmem_shared>>) target(%arg7 : memref<640x16xf32, #tpu.memory_space<vmem>>) target_semaphore(%run_scoped3A : memref<!tpu.dma_semaphore, #tpu.memory_space<semaphore_mem>>)
      %dma_wait3A = arith.constant 0 : i32
      %dma_wait3A_31 = tpu.memref_slice %arg4[%mul3A_2, %dma_wait3A] : memref<10240x16xf32, #tpu.memory_space<vmem_shared>> -> memref<640x16xf32, #tpu.memory_space<vmem_shared>>
      %dma_wait3A_32 = arith.constant 0 : i32
      %dma_wait3A_33 = tpu.memref_slice %arg4[%mul3A_2, %dma_wait3A_32] : memref<10240x16xf32, #tpu.memory_space<vmem_shared>> -> memref<640x16xf32, #tpu.memory_space<vmem_shared>>
      tpu.wait_dma2 semaphore(%run_scoped3A : memref<!tpu.dma_semaphore, #tpu.memory_space<semaphore_mem>>) src(%dma_wait3A_33 : memref<640x16xf32, #tpu.memory_space<vmem_shared>>) dst(%arg7 : memref<640x16xf32, #tpu.memory_space<vmem>>)
      tpu.yield
    }) : () -> ()
    %scan3A_21 = arith.constant 0 : i32
    %scan3A_22 = arith.constant 80 : i32
    %scan3A_23 = arith.addi %scan3A_21, %scan3A_22 : i32
    %scan3A_24 = arith.constant 1 : i32
    scf.for %scan3A_28 = %scan3A_21 to %scan3A_23 step %scan3A_24  : i32 {
      %mul3A_29 = arith.constant 1 : i32
      %mul3A_30 = arith.muli %scan3A_28, %mul3A_29 : i32
      %add3A_31 = arith.constant 0 : i32
      %add3A_32 = arith.addi %add3A_31, %mul3A_30 : i32
      %mul3A_33 = arith.constant 8 : i32
      %mul3A_34 = arith.muli %add3A_32, %mul3A_33 : i32
      %add3A_35 = arith.constant 0 : i32
      %add3A_36 = arith.addi %mul3A_34, %add3A_35 : i32
      %get3A = arith.index_cast %add3A_36 : i32 to index
      %get3A_37 = arith.constant 0 : index
      %get3A_38 = tpu.vector_load %arg7[%get3A, %get3A_37] {strides = array<i32>} : memref<640x16xf32, #tpu.memory_space<vmem>>, vector<1x16xf32>,
      %get3A_39 = vector.shape_cast %get3A_38 : vector<1x16xf32> to vector<16xf32>
      %swap3A = arith.index_cast %add3A_32 : i32 to index
      %swap3A_40 = arith.constant 0 : index
      %swap3A_41 = tpu.vector_load %arg8[%swap3A, %swap3A_40] {strides = array<i32>} : memref<80x128xf32, #tpu.memory_space<vmem>>, vector<1x16xf32>,
      %swap3A_42 = vector.shape_cast %swap3A_41 : vector<1x16xf32> to vector<16xf32>
      %swap3A_43 = vector.shape_cast %get3A_39 : vector<16xf32> to vector<1x16xf32>
      tpu.vector_store %arg8[%swap3A, %swap3A_40], %swap3A_43 {strides = array<i32>} : memref<80x128xf32, #tpu.memory_space<vmem>>, vector<1x16xf32>,
      %mul3A_44 = arith.constant 8 : i32
      %mul3A_45 = arith.muli %add3A_32, %mul3A_44 : i32
      %add3A_46 = arith.constant 1 : i32
      %add3A_47 = arith.addi %mul3A_45, %add3A_46 : i32
      %get3A_48 = arith.index_cast %add3A_47 : i32 to index
      %get3A_49 = arith.constant 0 : index
      %get3A_50 = tpu.vector_load %arg7[%get3A_48, %get3A_49] {strides = array<i32>} : memref<640x16xf32, #tpu.memory_space<vmem>>, vector<1x16xf32>,
      %get3A_51 = vector.shape_cast %get3A_50 : vector<1x16xf32> to vector<16xf32>
      %swap3A_52 = arith.index_cast %add3A_32 : i32 to index
      %swap3A_53 = arith.constant 16 : index
      %swap3A_54 = tpu.vector_load %arg8[%swap3A_52, %swap3A_53] {strides = array<i32>} : memref<80x128xf32, #tpu.memory_space<vmem>>, vector<1x16xf32>,
      %swap3A_55 = vector.shape_cast %swap3A_54 : vector<1x16xf32> to vector<16xf32>
      %swap3A_56 = vector.shape_cast %get3A_51 : vector<16xf32> to vector<1x16xf32>
      tpu.vector_store %arg8[%swap3A_52, %swap3A_53], %swap3A_56 {strides = array<i32>} : memref<80x128xf32, #tpu.memory_space<vmem>>, vector<1x16xf32>,
      %mul3A_57 = arith.constant 8 : i32
      %mul3A_58 = arith.muli %add3A_32, %mul3A_57 : i32
      %add3A_59 = arith.constant 2 : i32
      %add3A_60 = arith.addi %mul3A_58, %add3A_59 : i32
      %get3A_61 = arith.index_cast %add3A_60 : i32 to index
      %get3A_62 = arith.constant 0 : index
      %get3A_63 = tpu.vector_load %arg7[%get3A_61, %get3A_62] {strides = array<i32>} : memref<640x16xf32, #tpu.memory_space<vmem>>, vector<1x16xf32>,
      %get3A_64 = vector.shape_cast %get3A_63 : vector<1x16xf32> to vector<16xf32>
      %swap3A_65 = arith.index_cast %add3A_32 : i32 to index
      %swap3A_66 = arith.constant 32 : index
      %swap3A_67 = tpu.vector_load %arg8[%swap3A_65, %swap3A_66] {strides = array<i32>} : memref<80x128xf32, #tpu.memory_space<vmem>>, vector<1x16xf32>,
      %swap3A_68 = vector.shape_cast %swap3A_67 : vector<1x16xf32> to vector<16xf32>
      %swap3A_69 = vector.shape_cast %get3A_64 : vector<16xf32> to vector<1x16xf32>
      tpu.vector_store %arg8[%swap3A_65, %swap3A_66], %swap3A_69 {strides = array<i32>} : memref<80x128xf32, #tpu.memory_space<vmem>>, vector<1x16xf32>,
      %mul3A_70 = arith.constant 8 : i32
      %mul3A_71 = arith.muli %add3A_32, %mul3A_70 : i32
      %add3A_72 = arith.constant 3 : i32
      %add3A_73 = arith.addi %mul3A_71, %add3A_72 : i32
      %get3A_74 = arith.index_cast %add3A_73 : i32 to index
      %get3A_75 = arith.constant 0 : index
      %get3A_76 = tpu.vector_load %arg7[%get3A_74, %get3A_75] {strides = array<i32>} : memref<640x16xf32, #tpu.memory_space<vmem>>, vector<1x16xf32>,
      %get3A_77 = vector.shape_cast %get3A_76 : vector<1x16xf32> to vector<16xf32>
      %swap3A_78 = arith.index_cast %add3A_32 : i32 to index
      %swap3A_79 = arith.constant 48 : index
      %swap3A_80 = tpu.vector_load %arg8[%swap3A_78, %swap3A_79] {strides = array<i32>} : memref<80x128xf32, #tpu.memory_space<vmem>>, vector<1x16xf32>,
      %swap3A_81 = vector.shape_cast %swap3A_80 : vector<1x16xf32> to vector<16xf32>
      %swap3A_82 = vector.shape_cast %get3A_77 : vector<16xf32> to vector<1x16xf32>
      tpu.vector_store %arg8[%swap3A_78, %swap3A_79], %swap3A_82 {strides = array<i32>} : memref<80x128xf32, #tpu.memory_space<vmem>>, vector<1x16xf32>,
      %mul3A_83 = arith.constant 8 : i32
      %mul3A_84 = arith.muli %add3A_32, %mul3A_83 : i32
      %add3A_85 = arith.constant 4 : i32
      %add3A_86 = arith.addi %mul3A_84, %add3A_85 : i32
      %get3A_87 = arith.index_cast %add3A_86 : i32 to index
      %get3A_88 = arith.constant 0 : index
      %get3A_89 = tpu.vector_load %arg7[%get3A_87, %get3A_88] {strides = array<i32>} : memref<640x16xf32, #tpu.memory_space<vmem>>, vector<1x16xf32>,
      %get3A_90 = vector.shape_cast %get3A_89 : vector<1x16xf32> to vector<16xf32>
      %swap3A_91 = arith.index_cast %add3A_32 : i32 to index
      %swap3A_92 = arith.constant 64 : index
      %swap3A_93 = tpu.vector_load %arg8[%swap3A_91, %swap3A_92] {strides = array<i32>} : memref<80x128xf32, #tpu.memory_space<vmem>>, vector<1x16xf32>,
      %swap3A_94 = vector.shape_cast %swap3A_93 : vector<1x16xf32> to vector<16xf32>
      %swap3A_95 = vector.shape_cast %get3A_90 : vector<16xf32> to vector<1x16xf32>
      tpu.vector_store %arg8[%swap3A_91, %swap3A_92], %swap3A_95 {strides = array<i32>} : memref<80x128xf32, #tpu.memory_space<vmem>>, vector<1x16xf32>,
      %mul3A_96 = arith.constant 8 : i32
      %mul3A_97 = arith.muli %add3A_32, %mul3A_96 : i32
      %add3A_98 = arith.constant 5 : i32
      %add3A_99 = arith.addi %mul3A_97, %add3A_98 : i32
      %get3A_100 = arith.index_cast %add3A_99 : i32 to index
      %get3A_101 = arith.constant 0 : index
      %get3A_102 = tpu.vector_load %arg7[%get3A_100, %get3A_101] {strides = array<i32>} : memref<640x16xf32, #tpu.memory_space<vmem>>, vector<1x16xf32>,
      %get3A_103 = vector.shape_cast %get3A_102 : vector<1x16xf32> to vector<16xf32>
      %swap3A_104 = arith.index_cast %add3A_32 : i32 to index
      %swap3A_105 = arith.constant 80 : index
      %swap3A_106 = tpu.vector_load %arg8[%swap3A_104, %swap3A_105] {strides = array<i32>} : memref<80x128xf32, #tpu.memory_space<vmem>>, vector<1x16xf32>,
      %swap3A_107 = vector.shape_cast %swap3A_106 : vector<1x16xf32> to vector<16xf32>
      %swap3A_108 = vector.shape_cast %get3A_103 : vector<16xf32> to vector<1x16xf32>
      tpu.vector_store %arg8[%swap3A_104, %swap3A_105], %swap3A_108 {strides = array<i32>} : memref<80x128xf32, #tpu.memory_space<vmem>>, vector<1x16xf32>,
      %mul3A_109 = arith.constant 8 : i32
      %mul3A_110 = arith.muli %add3A_32, %mul3A_109 : i32
      %add3A_111 = arith.constant 6 : i32
      %add3A_112 = arith.addi %mul3A_110, %add3A_111 : i32
      %get3A_113 = arith.index_cast %add3A_112 : i32 to index
      %get3A_114 = arith.constant 0 : index
      %get3A_115 = tpu.vector_load %arg7[%get3A_113, %get3A_114] {strides = array<i32>} : memref<640x16xf32, #tpu.memory_space<vmem>>, vector<1x16xf32>,
      %get3A_116 = vector.shape_cast %get3A_115 : vector<1x16xf32> to vector<16xf32>
      %swap3A_117 = arith.index_cast %add3A_32 : i32 to index
      %swap3A_118 = arith.constant 96 : index
      %swap3A_119 = tpu.vector_load %arg8[%swap3A_117, %swap3A_118] {strides = array<i32>} : memref<80x128xf32, #tpu.memory_space<vmem>>, vector<1x16xf32>,
      %swap3A_120 = vector.shape_cast %swap3A_119 : vector<1x16xf32> to vector<16xf32>
      %swap3A_121 = vector.shape_cast %get3A_116 : vector<16xf32> to vector<1x16xf32>
      tpu.vector_store %arg8[%swap3A_117, %swap3A_118], %swap3A_121 {strides = array<i32>} : memref<80x128xf32, #tpu.memory_space<vmem>>, vector<1x16xf32>,
      %mul3A_122 = arith.constant 8 : i32
      %mul3A_123 = arith.muli %add3A_32, %mul3A_122 : i32
      %add3A_124 = arith.constant 7 : i32
      %add3A_125 = arith.addi %mul3A_123, %add3A_124 : i32
      %get3A_126 = arith.index_cast %add3A_125 : i32 to index
      %get3A_127 = arith.constant 0 : index
      %get3A_128 = tpu.vector_load %arg7[%get3A_126, %get3A_127] {strides = array<i32>} : memref<640x16xf32, #tpu.memory_space<vmem>>, vector<1x16xf32>,
      %get3A_129 = vector.shape_cast %get3A_128 : vector<1x16xf32> to vector<16xf32>
      %swap3A_130 = arith.index_cast %add3A_32 : i32 to index
      %swap3A_131 = arith.constant 112 : index
      %swap3A_132 = tpu.vector_load %arg8[%swap3A_130, %swap3A_131] {strides = array<i32>} : memref<80x128xf32, #tpu.memory_space<vmem>>, vector<1x16xf32>,
      %swap3A_133 = vector.shape_cast %swap3A_132 : vector<1x16xf32> to vector<16xf32>
      %swap3A_134 = vector.shape_cast %get3A_129 : vector<16xf32> to vector<1x16xf32>
      tpu.vector_store %arg8[%swap3A_130, %swap3A_131], %swap3A_134 {strides = array<i32>} : memref<80x128xf32, #tpu.memory_space<vmem>>, vector<1x16xf32>,
    }
    %scan3A_25 = arith.constant 80 : i32
    %mul3A_26 = arith.constant 80 : i32
    %mul3A_27 = arith.muli %arg1, %mul3A_26 : i32
    "tpu.region"() ({
      %run_scoped3A = tpu.sem_alloc : memref<!tpu.dma_semaphore, #tpu.memory_space<semaphore_mem>>
      %dma_start3A = arith.constant 0 : i32
      %dma_start3A_28 = tpu.memref_slice %arg3[%arg0, %mul3A_27, %dma_start3A] : memref<2x1280x128xf32, #tpu.memory_space<hbm>> -> memref<1x80x128xf32, #tpu.memory_space<hbm>>
      %dma_start3A_29 = tpu.memref_squeeze %dma_start3A_28 : memref<1x80x128xf32, #tpu.memory_space<hbm>> -> memref<80x128xf32, #tpu.memory_space<hbm>>
      %dma_start3A_30 = arith.constant 0 : i32
      %dma_start3A_31 = tpu.memref_slice %arg3[%arg0, %mul3A_27, %dma_start3A_30] : memref<2x1280x128xf32, #tpu.memory_space<hbm>> -> memref<1x80x128xf32, #tpu.memory_space<hbm>>
      %dma_start3A_32 = tpu.memref_squeeze %dma_start3A_31 : memref<1x80x128xf32, #tpu.memory_space<hbm>> -> memref<80x128xf32, #tpu.memory_space<hbm>>
      tpu.enqueue_dma source(%arg8 : memref<80x128xf32, #tpu.memory_space<vmem>>) target(%dma_start3A_32 : memref<80x128xf32, #tpu.memory_space<hbm>>) target_semaphore(%run_scoped3A : memref<!tpu.dma_semaphore, #tpu.memory_space<semaphore_mem>>)
      %dma_wait3A = arith.constant 0 : i32
      %dma_wait3A_33 = tpu.memref_slice %arg3[%arg0, %mul3A_27, %dma_wait3A] : memref<2x1280x128xf32, #tpu.memory_space<hbm>> -> memref<1x80x128xf32, #tpu.memory_space<hbm>>
      %dma_wait3A_34 = tpu.memref_squeeze %dma_wait3A_33 : memref<1x80x128xf32, #tpu.memory_space<hbm>> -> memref<80x128xf32, #tpu.memory_space<hbm>>
      %dma_wait3A_35 = arith.constant 0 : i32
      %dma_wait3A_36 = tpu.memref_slice %arg3[%arg0, %mul3A_27, %dma_wait3A_35] : memref<2x1280x128xf32, #tpu.memory_space<hbm>> -> memref<1x80x128xf32, #tpu.memory_space<hbm>>
      %dma_wait3A_37 = tpu.memref_squeeze %dma_wait3A_36 : memref<1x80x128xf32, #tpu.memory_space<hbm>> -> memref<80x128xf32, #tpu.memory_space<hbm>>
      tpu.wait_dma2 semaphore(%run_scoped3A : memref<!tpu.dma_semaphore, #tpu.memory_space<semaphore_mem>>) src(%arg8 : memref<80x128xf32, #tpu.memory_space<vmem>>) dst(%dma_wait3A_37 : memref<80x128xf32, #tpu.memory_space<hbm>>)
      tpu.yield
    }) : () -> ()
    return
  }
}

#map = affine_map<(d0, d1) -> (0, 0, 0, 0, 0)>
#map1 = affine_map<(d0, d1) -> (0, 0)>
#map2 = affine_map<(d0, d1) -> (0, 0, 0)>
module attributes {stable_mosaic.version = 14 : i64} {
  func.func @_sc_aggregate_body(%arg0: i32, %arg1: i32, %arg2: memref<32x4x40x2x64xi32, #tpu.memory_space<hbm>>, %arg3: memref<10000x128xf32, #tpu.memory_space<hbm>>, %arg4: memref<10240x128xf32, #tpu.memory_space<hbm>>, %arg5: memref<2x10240x128xf32, #tpu.memory_space<hbm>>, %arg6: memref<10240x128xf32, #tpu.memory_space<vmem_shared>>, %arg7: memref<40x2x64xi32, #tpu.memory_space<vmem>>, %arg8: memref<4x64x128xf32, #tpu.memory_space<vmem>>, %arg9: memref<4x!tpu.dma_semaphore, #tpu.memory_space<semaphore_mem>>) attributes {dimension_semantics = [#tpu.dimension_semantics<core_parallel>, #tpu.dimension_semantics<subcore_parallel>], iteration_bounds = array<i64: 2, 16>, scalar_prefetch = 0 : i64, scratch_operands = 4 : i64, tpu.core_type = #tpu.core_type<sc_vector_subcore>, window_params = [{transform_indices = #map}, {transform_indices = #map1}, {transform_indices = #map1}, {transform_indices = #map2}]} {
    %mul3A = arith.constant 16 : i32
    %mul3A_0 = arith.muli %arg0, %mul3A : i32
    %add3A = arith.addi %mul3A_0, %arg1 : i32
    %mul3A_1 = arith.constant 640 : i32
    %mul3A_2 = arith.muli %arg1, %mul3A_1 : i32
    "tpu.region"() ({
      %run_scoped3A_26 = tpu.sem_alloc : memref<!tpu.dma_semaphore, #tpu.memory_space<semaphore_mem>>
      %dma_start3A = arith.constant 0 : i32
      %dma_start3A_27 = tpu.memref_slice %arg6[%mul3A_2, %dma_start3A] : memref<10240x128xf32, #tpu.memory_space<vmem_shared>> -> memref<640x128xf32, #tpu.memory_space<vmem_shared>>
      %dma_start3A_28 = arith.constant 0 : i32
      %dma_start3A_29 = tpu.memref_slice %arg4[%mul3A_2, %dma_start3A_28] : memref<10240x128xf32, #tpu.memory_space<hbm>> -> memref<640x128xf32, #tpu.memory_space<hbm>>
      tpu.enqueue_dma source(%dma_start3A_29 : memref<640x128xf32, #tpu.memory_space<hbm>>) target(%dma_start3A_27 : memref<640x128xf32, #tpu.memory_space<vmem_shared>>) target_semaphore(%run_scoped3A_26 : memref<!tpu.dma_semaphore, #tpu.memory_space<semaphore_mem>>)
      %dma_wait3A = arith.constant 0 : i32
      %dma_wait3A_30 = tpu.memref_slice %arg6[%mul3A_2, %dma_wait3A] : memref<10240x128xf32, #tpu.memory_space<vmem_shared>> -> memref<640x128xf32, #tpu.memory_space<vmem_shared>>
      %dma_wait3A_31 = arith.constant 0 : i32
      %dma_wait3A_32 = tpu.memref_slice %arg4[%mul3A_2, %dma_wait3A_31] : memref<10240x128xf32, #tpu.memory_space<hbm>> -> memref<640x128xf32, #tpu.memory_space<hbm>>
      tpu.wait_dma2 semaphore(%run_scoped3A_26 : memref<!tpu.dma_semaphore, #tpu.memory_space<semaphore_mem>>) src(%dma_wait3A_32 : memref<640x128xf32, #tpu.memory_space<hbm>>) dst(%dma_wait3A_30 : memref<640x128xf32, #tpu.memory_space<vmem_shared>>)
      tpu.yield
    }) : () -> ()
    %barrier3A = arith.constant 0 : index
    tpu.barrier barrier_id(%barrier3A)
    %run_scoped3A = arith.constant 0 : i32
    "tpu.region"() ({
      %run_scoped3A_26 = tpu.sem_alloc : memref<!tpu.dma_semaphore, #tpu.memory_space<semaphore_mem>>
      %dma_start3A = arith.constant 0 : i32
      %dma_start3A_27 = arith.constant 0 : i32
      %dma_start3A_28 = arith.constant 0 : i32
      %dma_start3A_29 = tpu.memref_slice %arg2[%add3A, %run_scoped3A, %dma_start3A, %dma_start3A_27, %dma_start3A_28] : memref<32x4x40x2x64xi32, #tpu.memory_space<hbm>> -> memref<1x1x40x2x64xi32, #tpu.memory_space<hbm>>
      %dma_start3A_30 = tpu.memref_squeeze %dma_start3A_29 : memref<1x1x40x2x64xi32, #tpu.memory_space<hbm>> -> memref<40x2x64xi32, #tpu.memory_space<hbm>>
      %dma_start3A_31 = arith.constant 0 : i32
      %dma_start3A_32 = arith.constant 0 : i32
      %dma_start3A_33 = arith.constant 0 : i32
      %dma_start3A_34 = tpu.memref_slice %arg2[%add3A, %run_scoped3A, %dma_start3A_31, %dma_start3A_32, %dma_start3A_33] : memref<32x4x40x2x64xi32, #tpu.memory_space<hbm>> -> memref<1x1x40x2x64xi32, #tpu.memory_space<hbm>>
      %dma_start3A_35 = tpu.memref_squeeze %dma_start3A_34 : memref<1x1x40x2x64xi32, #tpu.memory_space<hbm>> -> memref<40x2x64xi32, #tpu.memory_space<hbm>>
      tpu.enqueue_dma source(%dma_start3A_35 : memref<40x2x64xi32, #tpu.memory_space<hbm>>) target(%arg7 : memref<40x2x64xi32, #tpu.memory_space<vmem>>) target_semaphore(%run_scoped3A_26 : memref<!tpu.dma_semaphore, #tpu.memory_space<semaphore_mem>>)
      %dma_wait3A = arith.constant 0 : i32
      %dma_wait3A_36 = arith.constant 0 : i32
      %dma_wait3A_37 = arith.constant 0 : i32
      %dma_wait3A_38 = tpu.memref_slice %arg2[%add3A, %run_scoped3A, %dma_wait3A, %dma_wait3A_36, %dma_wait3A_37] : memref<32x4x40x2x64xi32, #tpu.memory_space<hbm>> -> memref<1x1x40x2x64xi32, #tpu.memory_space<hbm>>
      %dma_wait3A_39 = tpu.memref_squeeze %dma_wait3A_38 : memref<1x1x40x2x64xi32, #tpu.memory_space<hbm>> -> memref<40x2x64xi32, #tpu.memory_space<hbm>>
      %dma_wait3A_40 = arith.constant 0 : i32
      %dma_wait3A_41 = arith.constant 0 : i32
      %dma_wait3A_42 = arith.constant 0 : i32
      %dma_wait3A_43 = tpu.memref_slice %arg2[%add3A, %run_scoped3A, %dma_wait3A_40, %dma_wait3A_41, %dma_wait3A_42] : memref<32x4x40x2x64xi32, #tpu.memory_space<hbm>> -> memref<1x1x40x2x64xi32, #tpu.memory_space<hbm>>
      %dma_wait3A_44 = tpu.memref_squeeze %dma_wait3A_43 : memref<1x1x40x2x64xi32, #tpu.memory_space<hbm>> -> memref<40x2x64xi32, #tpu.memory_space<hbm>>
      tpu.wait_dma2 semaphore(%run_scoped3A_26 : memref<!tpu.dma_semaphore, #tpu.memory_space<semaphore_mem>>) src(%dma_wait3A_44 : memref<40x2x64xi32, #tpu.memory_space<hbm>>) dst(%arg7 : memref<40x2x64xi32, #tpu.memory_space<vmem>>)
      tpu.yield
    }) : () -> ()
    %scan3A = arith.constant 0 : i32
    %scan3A_3 = arith.constant 10 : i32
    %scan3A_4 = arith.addi %scan3A, %scan3A_3 : i32
    %scan3A_5 = arith.constant 1 : i32
    scf.for %scan3A_26 = %scan3A to %scan3A_4 step %scan3A_5  : i32 {
      %mul3A_27 = arith.constant 4 : i32
      %mul3A_28 = arith.muli %scan3A_26, %mul3A_27 : i32
      %add3A_29 = arith.constant 0 : i32
      %add3A_30 = arith.addi %add3A_29, %mul3A_28 : i32
      %add3A_31 = arith.constant 0 : i32
      %add3A_32 = arith.addi %add3A_30, %add3A_31 : i32
      %dma_start3A = arith.constant 0 : i32
      %dma_start3A_33 = arith.constant 0 : i32
      %dma_start3A_34 = arith.constant 0 : i32
      %dma_start3A_35 = arith.constant 0 : i32
      %dma_start3A_36 = arith.constant 0 : i32
      %dma_start3A_37 = tpu.memref_slice %arg8[%dma_start3A_33, %dma_start3A_35, %dma_start3A_36] : memref<4x64x128xf32, #tpu.memory_space<vmem>> -> memref<1x64x128xf32, #tpu.memory_space<vmem>>
      %dma_start3A_38 = tpu.memref_squeeze %dma_start3A_37 : memref<1x64x128xf32, #tpu.memory_space<vmem>> -> memref<64x128xf32, #tpu.memory_space<vmem>>
      %dma_start3A_39 = arith.constant 0 : i32
      %dma_start3A_40 = tpu.memref_slice %arg7[%add3A_32, %dma_start3A, %dma_start3A_39] : memref<40x2x64xi32, #tpu.memory_space<vmem>> -> memref<1x1x64xi32, #tpu.memory_space<vmem>>
      %dma_start3A_41 = tpu.memref_squeeze %dma_start3A_40 : memref<1x1x64xi32, #tpu.memory_space<vmem>> -> memref<64xi32, #tpu.memory_space<vmem>>
      %dma_start3A_42 = arith.constant 0 : i32
      %dma_start3A_43 = arith.constant 0 : i32
      %dma_start3A_44 = tpu.memref_slice %arg3[%dma_start3A_42, %dma_start3A_43] : memref<10000x128xf32, #tpu.memory_space<hbm>> -> memref<10000x128xf32, #tpu.memory_space<hbm>>
      %dma_start3A_45 = tpu.memref_slice %arg9[%dma_start3A_34] : memref<4x!tpu.dma_semaphore, #tpu.memory_space<semaphore_mem>> -> memref<1x!tpu.dma_semaphore, #tpu.memory_space<semaphore_mem>>
      %dma_start3A_46 = tpu.memref_squeeze %dma_start3A_45 : memref<1x!tpu.dma_semaphore, #tpu.memory_space<semaphore_mem>> -> memref<!tpu.dma_semaphore, #tpu.memory_space<semaphore_mem>>
      tpu.enqueue_indirect_dma source(%dma_start3A_44 : memref<10000x128xf32, #tpu.memory_space<hbm>>) target(%dma_start3A_38 : memref<64x128xf32, #tpu.memory_space<vmem>>) offsets(%dma_start3A_41 : memref<64xi32, #tpu.memory_space<vmem>>) semaphore(%dma_start3A_46 : memref<!tpu.dma_semaphore, #tpu.memory_space<semaphore_mem>>)
      %add3A_47 = arith.constant 1 : i32
      %add3A_48 = arith.addi %add3A_30, %add3A_47 : i32
      %dma_start3A_49 = arith.constant 0 : i32
      %dma_start3A_50 = arith.constant 1 : i32
      %dma_start3A_51 = arith.constant 1 : i32
      %dma_start3A_52 = arith.constant 0 : i32
      %dma_start3A_53 = arith.constant 0 : i32
      %dma_start3A_54 = tpu.memref_slice %arg8[%dma_start3A_50, %dma_start3A_52, %dma_start3A_53] : memref<4x64x128xf32, #tpu.memory_space<vmem>> -> memref<1x64x128xf32, #tpu.memory_space<vmem>>
      %dma_start3A_55 = tpu.memref_squeeze %dma_start3A_54 : memref<1x64x128xf32, #tpu.memory_space<vmem>> -> memref<64x128xf32, #tpu.memory_space<vmem>>
      %dma_start3A_56 = arith.constant 0 : i32
      %dma_start3A_57 = tpu.memref_slice %arg7[%add3A_48, %dma_start3A_49, %dma_start3A_56] : memref<40x2x64xi32, #tpu.memory_space<vmem>> -> memref<1x1x64xi32, #tpu.memory_space<vmem>>
      %dma_start3A_58 = tpu.memref_squeeze %dma_start3A_57 : memref<1x1x64xi32, #tpu.memory_space<vmem>> -> memref<64xi32, #tpu.memory_space<vmem>>
      %dma_start3A_59 = arith.constant 0 : i32
      %dma_start3A_60 = arith.constant 0 : i32
      %dma_start3A_61 = tpu.memref_slice %arg3[%dma_start3A_59, %dma_start3A_60] : memref<10000x128xf32, #tpu.memory_space<hbm>> -> memref<10000x128xf32, #tpu.memory_space<hbm>>
      %dma_start3A_62 = tpu.memref_slice %arg9[%dma_start3A_51] : memref<4x!tpu.dma_semaphore, #tpu.memory_space<semaphore_mem>> -> memref<1x!tpu.dma_semaphore, #tpu.memory_space<semaphore_mem>>
      %dma_start3A_63 = tpu.memref_squeeze %dma_start3A_62 : memref<1x!tpu.dma_semaphore, #tpu.memory_space<semaphore_mem>> -> memref<!tpu.dma_semaphore, #tpu.memory_space<semaphore_mem>>
      tpu.enqueue_indirect_dma source(%dma_start3A_61 : memref<10000x128xf32, #tpu.memory_space<hbm>>) target(%dma_start3A_55 : memref<64x128xf32, #tpu.memory_space<vmem>>) offsets(%dma_start3A_58 : memref<64xi32, #tpu.memory_space<vmem>>) semaphore(%dma_start3A_63 : memref<!tpu.dma_semaphore, #tpu.memory_space<semaphore_mem>>)
      %add3A_64 = arith.constant 2 : i32
      %add3A_65 = arith.addi %add3A_30, %add3A_64 : i32
      %dma_start3A_66 = arith.constant 0 : i32
      %dma_start3A_67 = arith.constant 2 : i32
      %dma_start3A_68 = arith.constant 2 : i32
      %dma_start3A_69 = arith.constant 0 : i32
      %dma_start3A_70 = arith.constant 0 : i32
      %dma_start3A_71 = tpu.memref_slice %arg8[%dma_start3A_67, %dma_start3A_69, %dma_start3A_70] : memref<4x64x128xf32, #tpu.memory_space<vmem>> -> memref<1x64x128xf32, #tpu.memory_space<vmem>>
      %dma_start3A_72 = tpu.memref_squeeze %dma_start3A_71 : memref<1x64x128xf32, #tpu.memory_space<vmem>> -> memref<64x128xf32, #tpu.memory_space<vmem>>
      %dma_start3A_73 = arith.constant 0 : i32
      %dma_start3A_74 = tpu.memref_slice %arg7[%add3A_65, %dma_start3A_66, %dma_start3A_73] : memref<40x2x64xi32, #tpu.memory_space<vmem>> -> memref<1x1x64xi32, #tpu.memory_space<vmem>>
      %dma_start3A_75 = tpu.memref_squeeze %dma_start3A_74 : memref<1x1x64xi32, #tpu.memory_space<vmem>> -> memref<64xi32, #tpu.memory_space<vmem>>
      %dma_start3A_76 = arith.constant 0 : i32
      %dma_start3A_77 = arith.constant 0 : i32
      %dma_start3A_78 = tpu.memref_slice %arg3[%dma_start3A_76, %dma_start3A_77] : memref<10000x128xf32, #tpu.memory_space<hbm>> -> memref<10000x128xf32, #tpu.memory_space<hbm>>
      %dma_start3A_79 = tpu.memref_slice %arg9[%dma_start3A_68] : memref<4x!tpu.dma_semaphore, #tpu.memory_space<semaphore_mem>> -> memref<1x!tpu.dma_semaphore, #tpu.memory_space<semaphore_mem>>
      %dma_start3A_80 = tpu.memref_squeeze %dma_start3A_79 : memref<1x!tpu.dma_semaphore, #tpu.memory_space<semaphore_mem>> -> memref<!tpu.dma_semaphore, #tpu.memory_space<semaphore_mem>>
      tpu.enqueue_indirect_dma source(%dma_start3A_78 : memref<10000x128xf32, #tpu.memory_space<hbm>>) target(%dma_start3A_72 : memref<64x128xf32, #tpu.memory_space<vmem>>) offsets(%dma_start3A_75 : memref<64xi32, #tpu.memory_space<vmem>>) semaphore(%dma_start3A_80 : memref<!tpu.dma_semaphore, #tpu.memory_space<semaphore_mem>>)
      %add3A_81 = arith.constant 3 : i32
      %add3A_82 = arith.addi %add3A_30, %add3A_81 : i32
      %dma_start3A_83 = arith.constant 0 : i32
      %dma_start3A_84 = arith.constant 3 : i32
      %dma_start3A_85 = arith.constant 3 : i32
      %dma_start3A_86 = arith.constant 0 : i32
      %dma_start3A_87 = arith.constant 0 : i32
      %dma_start3A_88 = tpu.memref_slice %arg8[%dma_start3A_84, %dma_start3A_86, %dma_start3A_87] : memref<4x64x128xf32, #tpu.memory_space<vmem>> -> memref<1x64x128xf32, #tpu.memory_space<vmem>>
      %dma_start3A_89 = tpu.memref_squeeze %dma_start3A_88 : memref<1x64x128xf32, #tpu.memory_space<vmem>> -> memref<64x128xf32, #tpu.memory_space<vmem>>
      %dma_start3A_90 = arith.constant 0 : i32
      %dma_start3A_91 = tpu.memref_slice %arg7[%add3A_82, %dma_start3A_83, %dma_start3A_90] : memref<40x2x64xi32, #tpu.memory_space<vmem>> -> memref<1x1x64xi32, #tpu.memory_space<vmem>>
      %dma_start3A_92 = tpu.memref_squeeze %dma_start3A_91 : memref<1x1x64xi32, #tpu.memory_space<vmem>> -> memref<64xi32, #tpu.memory_space<vmem>>
      %dma_start3A_93 = arith.constant 0 : i32
      %dma_start3A_94 = arith.constant 0 : i32
      %dma_start3A_95 = tpu.memref_slice %arg3[%dma_start3A_93, %dma_start3A_94] : memref<10000x128xf32, #tpu.memory_space<hbm>> -> memref<10000x128xf32, #tpu.memory_space<hbm>>
      %dma_start3A_96 = tpu.memref_slice %arg9[%dma_start3A_85] : memref<4x!tpu.dma_semaphore, #tpu.memory_space<semaphore_mem>> -> memref<1x!tpu.dma_semaphore, #tpu.memory_space<semaphore_mem>>
      %dma_start3A_97 = tpu.memref_squeeze %dma_start3A_96 : memref<1x!tpu.dma_semaphore, #tpu.memory_space<semaphore_mem>> -> memref<!tpu.dma_semaphore, #tpu.memory_space<semaphore_mem>>
      tpu.enqueue_indirect_dma source(%dma_start3A_95 : memref<10000x128xf32, #tpu.memory_space<hbm>>) target(%dma_start3A_89 : memref<64x128xf32, #tpu.memory_space<vmem>>) offsets(%dma_start3A_92 : memref<64xi32, #tpu.memory_space<vmem>>) semaphore(%dma_start3A_97 : memref<!tpu.dma_semaphore, #tpu.memory_space<semaphore_mem>>)
      %add3A_98 = arith.constant 0 : i32
      %add3A_99 = arith.addi %add3A_30, %add3A_98 : i32
      %dma_wait3A = arith.constant 0 : i32
      %dma_wait3A_100 = arith.constant 0 : i32
      %dma_wait3A_101 = arith.constant 0 : i32
      %dma_wait3A_102 = arith.constant 0 : i32
      %dma_wait3A_103 = arith.constant 0 : i32
      %dma_wait3A_104 = tpu.memref_slice %arg8[%dma_wait3A_100, %dma_wait3A_102, %dma_wait3A_103] : memref<4x64x128xf32, #tpu.memory_space<vmem>> -> memref<1x64x128xf32, #tpu.memory_space<vmem>>
      %dma_wait3A_105 = tpu.memref_squeeze %dma_wait3A_104 : memref<1x64x128xf32, #tpu.memory_space<vmem>> -> memref<64x128xf32, #tpu.memory_space<vmem>>
      %dma_wait3A_106 = arith.constant 0 : i32
      %dma_wait3A_107 = tpu.memref_slice %arg7[%add3A_99, %dma_wait3A, %dma_wait3A_106] : memref<40x2x64xi32, #tpu.memory_space<vmem>> -> memref<1x1x64xi32, #tpu.memory_space<vmem>>
      %dma_wait3A_108 = tpu.memref_squeeze %dma_wait3A_107 : memref<1x1x64xi32, #tpu.memory_space<vmem>> -> memref<64xi32, #tpu.memory_space<vmem>>
      %dma_wait3A_109 = arith.constant 0 : i32
      %dma_wait3A_110 = arith.constant 0 : i32
      %dma_wait3A_111 = tpu.memref_slice %arg3[%dma_wait3A_109, %dma_wait3A_110] : memref<10000x128xf32, #tpu.memory_space<hbm>> -> memref<10000x128xf32, #tpu.memory_space<hbm>>
      %dma_wait3A_112 = tpu.memref_slice %arg9[%dma_wait3A_101] : memref<4x!tpu.dma_semaphore, #tpu.memory_space<semaphore_mem>> -> memref<1x!tpu.dma_semaphore, #tpu.memory_space<semaphore_mem>>
      %dma_wait3A_113 = tpu.memref_squeeze %dma_wait3A_112 : memref<1x!tpu.dma_semaphore, #tpu.memory_space<semaphore_mem>> -> memref<!tpu.dma_semaphore, #tpu.memory_space<semaphore_mem>>
      tpu.wait_indirect_dma semaphore(%dma_wait3A_113 : memref<!tpu.dma_semaphore, #tpu.memory_space<semaphore_mem>>) src(%dma_wait3A_111 : memref<10000x128xf32, #tpu.memory_space<hbm>>) dst(%dma_wait3A_105 : memref<64x128xf32, #tpu.memory_space<vmem>>)
      %add3A_114 = arith.constant 1 : i32
      %add3A_115 = arith.addi %add3A_30, %add3A_114 : i32
      %dma_wait3A_116 = arith.constant 0 : i32
      %dma_wait3A_117 = arith.constant 1 : i32
      %dma_wait3A_118 = arith.constant 1 : i32
      %dma_wait3A_119 = arith.constant 0 : i32
      %dma_wait3A_120 = arith.constant 0 : i32
      %dma_wait3A_121 = tpu.memref_slice %arg8[%dma_wait3A_117, %dma_wait3A_119, %dma_wait3A_120] : memref<4x64x128xf32, #tpu.memory_space<vmem>> -> memref<1x64x128xf32, #tpu.memory_space<vmem>>
      %dma_wait3A_122 = tpu.memref_squeeze %dma_wait3A_121 : memref<1x64x128xf32, #tpu.memory_space<vmem>> -> memref<64x128xf32, #tpu.memory_space<vmem>>
      %dma_wait3A_123 = arith.constant 0 : i32
      %dma_wait3A_124 = tpu.memref_slice %arg7[%add3A_115, %dma_wait3A_116, %dma_wait3A_123] : memref<40x2x64xi32, #tpu.memory_space<vmem>> -> memref<1x1x64xi32, #tpu.memory_space<vmem>>
      %dma_wait3A_125 = tpu.memref_squeeze %dma_wait3A_124 : memref<1x1x64xi32, #tpu.memory_space<vmem>> -> memref<64xi32, #tpu.memory_space<vmem>>
      %dma_wait3A_126 = arith.constant 0 : i32
      %dma_wait3A_127 = arith.constant 0 : i32
      %dma_wait3A_128 = tpu.memref_slice %arg3[%dma_wait3A_126, %dma_wait3A_127] : memref<10000x128xf32, #tpu.memory_space<hbm>> -> memref<10000x128xf32, #tpu.memory_space<hbm>>
      %dma_wait3A_129 = tpu.memref_slice %arg9[%dma_wait3A_118] : memref<4x!tpu.dma_semaphore, #tpu.memory_space<semaphore_mem>> -> memref<1x!tpu.dma_semaphore, #tpu.memory_space<semaphore_mem>>
      %dma_wait3A_130 = tpu.memref_squeeze %dma_wait3A_129 : memref<1x!tpu.dma_semaphore, #tpu.memory_space<semaphore_mem>> -> memref<!tpu.dma_semaphore, #tpu.memory_space<semaphore_mem>>
      tpu.wait_indirect_dma semaphore(%dma_wait3A_130 : memref<!tpu.dma_semaphore, #tpu.memory_space<semaphore_mem>>) src(%dma_wait3A_128 : memref<10000x128xf32, #tpu.memory_space<hbm>>) dst(%dma_wait3A_122 : memref<64x128xf32, #tpu.memory_space<vmem>>)
      %add3A_131 = arith.constant 2 : i32
      %add3A_132 = arith.addi %add3A_30, %add3A_131 : i32
      %dma_wait3A_133 = arith.constant 0 : i32
      %dma_wait3A_134 = arith.constant 2 : i32
      %dma_wait3A_135 = arith.constant 2 : i32
      %dma_wait3A_136 = arith.constant 0 : i32
      %dma_wait3A_137 = arith.constant 0 : i32
      %dma_wait3A_138 = tpu.memref_slice %arg8[%dma_wait3A_134, %dma_wait3A_136, %dma_wait3A_137] : memref<4x64x128xf32, #tpu.memory_space<vmem>> -> memref<1x64x128xf32, #tpu.memory_space<vmem>>
      %dma_wait3A_139 = tpu.memref_squeeze %dma_wait3A_138 : memref<1x64x128xf32, #tpu.memory_space<vmem>> -> memref<64x128xf32, #tpu.memory_space<vmem>>
      %dma_wait3A_140 = arith.constant 0 : i32
      %dma_wait3A_141 = tpu.memref_slice %arg7[%add3A_132, %dma_wait3A_133, %dma_wait3A_140] : memref<40x2x64xi32, #tpu.memory_space<vmem>> -> memref<1x1x64xi32, #tpu.memory_space<vmem>>
      %dma_wait3A_142 = tpu.memref_squeeze %dma_wait3A_141 : memref<1x1x64xi32, #tpu.memory_space<vmem>> -> memref<64xi32, #tpu.memory_space<vmem>>
      %dma_wait3A_143 = arith.constant 0 : i32
      %dma_wait3A_144 = arith.constant 0 : i32
      %dma_wait3A_145 = tpu.memref_slice %arg3[%dma_wait3A_143, %dma_wait3A_144] : memref<10000x128xf32, #tpu.memory_space<hbm>> -> memref<10000x128xf32, #tpu.memory_space<hbm>>
      %dma_wait3A_146 = tpu.memref_slice %arg9[%dma_wait3A_135] : memref<4x!tpu.dma_semaphore, #tpu.memory_space<semaphore_mem>> -> memref<1x!tpu.dma_semaphore, #tpu.memory_space<semaphore_mem>>
      %dma_wait3A_147 = tpu.memref_squeeze %dma_wait3A_146 : memref<1x!tpu.dma_semaphore, #tpu.memory_space<semaphore_mem>> -> memref<!tpu.dma_semaphore, #tpu.memory_space<semaphore_mem>>
      tpu.wait_indirect_dma semaphore(%dma_wait3A_147 : memref<!tpu.dma_semaphore, #tpu.memory_space<semaphore_mem>>) src(%dma_wait3A_145 : memref<10000x128xf32, #tpu.memory_space<hbm>>) dst(%dma_wait3A_139 : memref<64x128xf32, #tpu.memory_space<vmem>>)
      %add3A_148 = arith.constant 3 : i32
      %add3A_149 = arith.addi %add3A_30, %add3A_148 : i32
      %dma_wait3A_150 = arith.constant 0 : i32
      %dma_wait3A_151 = arith.constant 3 : i32
      %dma_wait3A_152 = arith.constant 3 : i32
      %dma_wait3A_153 = arith.constant 0 : i32
      %dma_wait3A_154 = arith.constant 0 : i32
      %dma_wait3A_155 = tpu.memref_slice %arg8[%dma_wait3A_151, %dma_wait3A_153, %dma_wait3A_154] : memref<4x64x128xf32, #tpu.memory_space<vmem>> -> memref<1x64x128xf32, #tpu.memory_space<vmem>>
      %dma_wait3A_156 = tpu.memref_squeeze %dma_wait3A_155 : memref<1x64x128xf32, #tpu.memory_space<vmem>> -> memref<64x128xf32, #tpu.memory_space<vmem>>
      %dma_wait3A_157 = arith.constant 0 : i32
      %dma_wait3A_158 = tpu.memref_slice %arg7[%add3A_149, %dma_wait3A_150, %dma_wait3A_157] : memref<40x2x64xi32, #tpu.memory_space<vmem>> -> memref<1x1x64xi32, #tpu.memory_space<vmem>>
      %dma_wait3A_159 = tpu.memref_squeeze %dma_wait3A_158 : memref<1x1x64xi32, #tpu.memory_space<vmem>> -> memref<64xi32, #tpu.memory_space<vmem>>
      %dma_wait3A_160 = arith.constant 0 : i32
      %dma_wait3A_161 = arith.constant 0 : i32
      %dma_wait3A_162 = tpu.memref_slice %arg3[%dma_wait3A_160, %dma_wait3A_161] : memref<10000x128xf32, #tpu.memory_space<hbm>> -> memref<10000x128xf32, #tpu.memory_space<hbm>>
      %dma_wait3A_163 = tpu.memref_slice %arg9[%dma_wait3A_152] : memref<4x!tpu.dma_semaphore, #tpu.memory_space<semaphore_mem>> -> memref<1x!tpu.dma_semaphore, #tpu.memory_space<semaphore_mem>>
      %dma_wait3A_164 = tpu.memref_squeeze %dma_wait3A_163 : memref<1x!tpu.dma_semaphore, #tpu.memory_space<semaphore_mem>> -> memref<!tpu.dma_semaphore, #tpu.memory_space<semaphore_mem>>
      tpu.wait_indirect_dma semaphore(%dma_wait3A_164 : memref<!tpu.dma_semaphore, #tpu.memory_space<semaphore_mem>>) src(%dma_wait3A_162 : memref<10000x128xf32, #tpu.memory_space<hbm>>) dst(%dma_wait3A_156 : memref<64x128xf32, #tpu.memory_space<vmem>>)
      %add3A_165 = arith.constant 0 : i32
      %add3A_166 = arith.addi %add3A_30, %add3A_165 : i32
      %run_scoped3A_167 = arith.constant 0 : i32
      %run_scoped3A_168 = arith.constant 1 : i32
      "tpu.region"() ({
        %run_scoped3A_181 = tpu.sem_alloc : memref<!tpu.dma_semaphore, #tpu.memory_space<semaphore_mem>>
        %dma_start3A_182 = arith.constant 0 : i32
        %dma_start3A_183 = arith.constant 0 : i32
        %dma_start3A_184 = tpu.memref_slice %arg8[%run_scoped3A_167, %dma_start3A_182, %dma_start3A_183] : memref<4x64x128xf32, #tpu.memory_space<vmem>> -> memref<1x64x128xf32, #tpu.memory_space<vmem>>
        %dma_start3A_185 = tpu.memref_squeeze %dma_start3A_184 : memref<1x64x128xf32, #tpu.memory_space<vmem>> -> memref<64x128xf32, #tpu.memory_space<vmem>>
        %dma_start3A_186 = arith.constant 0 : i32
        %dma_start3A_187 = tpu.memref_slice %arg7[%add3A_166, %run_scoped3A_168, %dma_start3A_186] : memref<40x2x64xi32, #tpu.memory_space<vmem>> -> memref<1x1x64xi32, #tpu.memory_space<vmem>>
        %dma_start3A_188 = tpu.memref_squeeze %dma_start3A_187 : memref<1x1x64xi32, #tpu.memory_space<vmem>> -> memref<64xi32, #tpu.memory_space<vmem>>
        %dma_start3A_189 = arith.constant 0 : i32
        %dma_start3A_190 = arith.constant 0 : i32
        %dma_start3A_191 = tpu.memref_slice %arg6[%dma_start3A_189, %dma_start3A_190] : memref<10240x128xf32, #tpu.memory_space<vmem_shared>> -> memref<10240x128xf32, #tpu.memory_space<vmem_shared>>
        tpu.enqueue_indirect_dma source(%dma_start3A_185 : memref<64x128xf32, #tpu.memory_space<vmem>>) target(%dma_start3A_191 : memref<10240x128xf32, #tpu.memory_space<vmem_shared>>) offsets(%dma_start3A_188 : memref<64xi32, #tpu.memory_space<vmem>>) semaphore(%run_scoped3A_181 : memref<!tpu.dma_semaphore, #tpu.memory_space<semaphore_mem>>) {add = true}
        %dma_wait3A_192 = arith.constant 0 : i32
        %dma_wait3A_193 = arith.constant 0 : i32
        %dma_wait3A_194 = tpu.memref_slice %arg8[%run_scoped3A_167, %dma_wait3A_192, %dma_wait3A_193] : memref<4x64x128xf32, #tpu.memory_space<vmem>> -> memref<1x64x128xf32, #tpu.memory_space<vmem>>
        %dma_wait3A_195 = tpu.memref_squeeze %dma_wait3A_194 : memref<1x64x128xf32, #tpu.memory_space<vmem>> -> memref<64x128xf32, #tpu.memory_space<vmem>>
        %dma_wait3A_196 = arith.constant 0 : i32
        %dma_wait3A_197 = tpu.memref_slice %arg7[%add3A_166, %run_scoped3A_168, %dma_wait3A_196] : memref<40x2x64xi32, #tpu.memory_space<vmem>> -> memref<1x1x64xi32, #tpu.memory_space<vmem>>
        %dma_wait3A_198 = tpu.memref_squeeze %dma_wait3A_197 : memref<1x1x64xi32, #tpu.memory_space<vmem>> -> memref<64xi32, #tpu.memory_space<vmem>>
        %dma_wait3A_199 = arith.constant 0 : i32
        %dma_wait3A_200 = arith.constant 0 : i32
        %dma_wait3A_201 = tpu.memref_slice %arg6[%dma_wait3A_199, %dma_wait3A_200] : memref<10240x128xf32, #tpu.memory_space<vmem_shared>> -> memref<10240x128xf32, #tpu.memory_space<vmem_shared>>
        tpu.wait_indirect_dma semaphore(%run_scoped3A_181 : memref<!tpu.dma_semaphore, #tpu.memory_space<semaphore_mem>>) src(%dma_wait3A_195 : memref<64x128xf32, #tpu.memory_space<vmem>>) dst(%dma_wait3A_201 : memref<10240x128xf32, #tpu.memory_space<vmem_shared>>)
        tpu.yield
      }) : () -> ()
      %add3A_169 = arith.constant 1 : i32
      %add3A_170 = arith.addi %add3A_30, %add3A_169 : i32
      %run_scoped3A_171 = arith.constant 1 : i32
      %run_scoped3A_172 = arith.constant 1 : i32
      "tpu.region"() ({
        %run_scoped3A_181 = tpu.sem_alloc : memref<!tpu.dma_semaphore, #tpu.memory_space<semaphore_mem>>
        %dma_start3A_182 = arith.constant 0 : i32
        %dma_start3A_183 = arith.constant 0 : i32
        %dma_start3A_184 = tpu.memref_slice %arg8[%run_scoped3A_171, %dma_start3A_182, %dma_start3A_183] : memref<4x64x128xf32, #tpu.memory_space<vmem>> -> memref<1x64x128xf32, #tpu.memory_space<vmem>>
        %dma_start3A_185 = tpu.memref_squeeze %dma_start3A_184 : memref<1x64x128xf32, #tpu.memory_space<vmem>> -> memref<64x128xf32, #tpu.memory_space<vmem>>
        %dma_start3A_186 = arith.constant 0 : i32
        %dma_start3A_187 = tpu.memref_slice %arg7[%add3A_170, %run_scoped3A_172, %dma_start3A_186] : memref<40x2x64xi32, #tpu.memory_space<vmem>> -> memref<1x1x64xi32, #tpu.memory_space<vmem>>
        %dma_start3A_188 = tpu.memref_squeeze %dma_start3A_187 : memref<1x1x64xi32, #tpu.memory_space<vmem>> -> memref<64xi32, #tpu.memory_space<vmem>>
        %dma_start3A_189 = arith.constant 0 : i32
        %dma_start3A_190 = arith.constant 0 : i32
        %dma_start3A_191 = tpu.memref_slice %arg6[%dma_start3A_189, %dma_start3A_190] : memref<10240x128xf32, #tpu.memory_space<vmem_shared>> -> memref<10240x128xf32, #tpu.memory_space<vmem_shared>>
        tpu.enqueue_indirect_dma source(%dma_start3A_185 : memref<64x128xf32, #tpu.memory_space<vmem>>) target(%dma_start3A_191 : memref<10240x128xf32, #tpu.memory_space<vmem_shared>>) offsets(%dma_start3A_188 : memref<64xi32, #tpu.memory_space<vmem>>) semaphore(%run_scoped3A_181 : memref<!tpu.dma_semaphore, #tpu.memory_space<semaphore_mem>>) {add = true}
        %dma_wait3A_192 = arith.constant 0 : i32
        %dma_wait3A_193 = arith.constant 0 : i32
        %dma_wait3A_194 = tpu.memref_slice %arg8[%run_scoped3A_171, %dma_wait3A_192, %dma_wait3A_193] : memref<4x64x128xf32, #tpu.memory_space<vmem>> -> memref<1x64x128xf32, #tpu.memory_space<vmem>>
        %dma_wait3A_195 = tpu.memref_squeeze %dma_wait3A_194 : memref<1x64x128xf32, #tpu.memory_space<vmem>> -> memref<64x128xf32, #tpu.memory_space<vmem>>
        %dma_wait3A_196 = arith.constant 0 : i32
        %dma_wait3A_197 = tpu.memref_slice %arg7[%add3A_170, %run_scoped3A_172, %dma_wait3A_196] : memref<40x2x64xi32, #tpu.memory_space<vmem>> -> memref<1x1x64xi32, #tpu.memory_space<vmem>>
        %dma_wait3A_198 = tpu.memref_squeeze %dma_wait3A_197 : memref<1x1x64xi32, #tpu.memory_space<vmem>> -> memref<64xi32, #tpu.memory_space<vmem>>
        %dma_wait3A_199 = arith.constant 0 : i32
        %dma_wait3A_200 = arith.constant 0 : i32
        %dma_wait3A_201 = tpu.memref_slice %arg6[%dma_wait3A_199, %dma_wait3A_200] : memref<10240x128xf32, #tpu.memory_space<vmem_shared>> -> memref<10240x128xf32, #tpu.memory_space<vmem_shared>>
        tpu.wait_indirect_dma semaphore(%run_scoped3A_181 : memref<!tpu.dma_semaphore, #tpu.memory_space<semaphore_mem>>) src(%dma_wait3A_195 : memref<64x128xf32, #tpu.memory_space<vmem>>) dst(%dma_wait3A_201 : memref<10240x128xf32, #tpu.memory_space<vmem_shared>>)
        tpu.yield
      }) : () -> ()
      %add3A_173 = arith.constant 2 : i32
      %add3A_174 = arith.addi %add3A_30, %add3A_173 : i32
      %run_scoped3A_175 = arith.constant 2 : i32
      %run_scoped3A_176 = arith.constant 1 : i32
      "tpu.region"() ({
        %run_scoped3A_181 = tpu.sem_alloc : memref<!tpu.dma_semaphore, #tpu.memory_space<semaphore_mem>>
        %dma_start3A_182 = arith.constant 0 : i32
        %dma_start3A_183 = arith.constant 0 : i32
        %dma_start3A_184 = tpu.memref_slice %arg8[%run_scoped3A_175, %dma_start3A_182, %dma_start3A_183] : memref<4x64x128xf32, #tpu.memory_space<vmem>> -> memref<1x64x128xf32, #tpu.memory_space<vmem>>
        %dma_start3A_185 = tpu.memref_squeeze %dma_start3A_184 : memref<1x64x128xf32, #tpu.memory_space<vmem>> -> memref<64x128xf32, #tpu.memory_space<vmem>>
        %dma_start3A_186 = arith.constant 0 : i32
        %dma_start3A_187 = tpu.memref_slice %arg7[%add3A_174, %run_scoped3A_176, %dma_start3A_186] : memref<40x2x64xi32, #tpu.memory_space<vmem>> -> memref<1x1x64xi32, #tpu.memory_space<vmem>>
        %dma_start3A_188 = tpu.memref_squeeze %dma_start3A_187 : memref<1x1x64xi32, #tpu.memory_space<vmem>> -> memref<64xi32, #tpu.memory_space<vmem>>
        %dma_start3A_189 = arith.constant 0 : i32
        %dma_start3A_190 = arith.constant 0 : i32
        %dma_start3A_191 = tpu.memref_slice %arg6[%dma_start3A_189, %dma_start3A_190] : memref<10240x128xf32, #tpu.memory_space<vmem_shared>> -> memref<10240x128xf32, #tpu.memory_space<vmem_shared>>
        tpu.enqueue_indirect_dma source(%dma_start3A_185 : memref<64x128xf32, #tpu.memory_space<vmem>>) target(%dma_start3A_191 : memref<10240x128xf32, #tpu.memory_space<vmem_shared>>) offsets(%dma_start3A_188 : memref<64xi32, #tpu.memory_space<vmem>>) semaphore(%run_scoped3A_181 : memref<!tpu.dma_semaphore, #tpu.memory_space<semaphore_mem>>) {add = true}
        %dma_wait3A_192 = arith.constant 0 : i32
        %dma_wait3A_193 = arith.constant 0 : i32
        %dma_wait3A_194 = tpu.memref_slice %arg8[%run_scoped3A_175, %dma_wait3A_192, %dma_wait3A_193] : memref<4x64x128xf32, #tpu.memory_space<vmem>> -> memref<1x64x128xf32, #tpu.memory_space<vmem>>
        %dma_wait3A_195 = tpu.memref_squeeze %dma_wait3A_194 : memref<1x64x128xf32, #tpu.memory_space<vmem>> -> memref<64x128xf32, #tpu.memory_space<vmem>>
        %dma_wait3A_196 = arith.constant 0 : i32
        %dma_wait3A_197 = tpu.memref_slice %arg7[%add3A_174, %run_scoped3A_176, %dma_wait3A_196] : memref<40x2x64xi32, #tpu.memory_space<vmem>> -> memref<1x1x64xi32, #tpu.memory_space<vmem>>
        %dma_wait3A_198 = tpu.memref_squeeze %dma_wait3A_197 : memref<1x1x64xi32, #tpu.memory_space<vmem>> -> memref<64xi32, #tpu.memory_space<vmem>>
        %dma_wait3A_199 = arith.constant 0 : i32
        %dma_wait3A_200 = arith.constant 0 : i32
        %dma_wait3A_201 = tpu.memref_slice %arg6[%dma_wait3A_199, %dma_wait3A_200] : memref<10240x128xf32, #tpu.memory_space<vmem_shared>> -> memref<10240x128xf32, #tpu.memory_space<vmem_shared>>
        tpu.wait_indirect_dma semaphore(%run_scoped3A_181 : memref<!tpu.dma_semaphore, #tpu.memory_space<semaphore_mem>>) src(%dma_wait3A_195 : memref<64x128xf32, #tpu.memory_space<vmem>>) dst(%dma_wait3A_201 : memref<10240x128xf32, #tpu.memory_space<vmem_shared>>)
        tpu.yield
      }) : () -> ()
      %add3A_177 = arith.constant 3 : i32
      %add3A_178 = arith.addi %add3A_30, %add3A_177 : i32
      %run_scoped3A_179 = arith.constant 3 : i32
      %run_scoped3A_180 = arith.constant 1 : i32
      "tpu.region"() ({
        %run_scoped3A_181 = tpu.sem_alloc : memref<!tpu.dma_semaphore, #tpu.memory_space<semaphore_mem>>
        %dma_start3A_182 = arith.constant 0 : i32
        %dma_start3A_183 = arith.constant 0 : i32
        %dma_start3A_184 = tpu.memref_slice %arg8[%run_scoped3A_179, %dma_start3A_182, %dma_start3A_183] : memref<4x64x128xf32, #tpu.memory_space<vmem>> -> memref<1x64x128xf32, #tpu.memory_space<vmem>>
        %dma_start3A_185 = tpu.memref_squeeze %dma_start3A_184 : memref<1x64x128xf32, #tpu.memory_space<vmem>> -> memref<64x128xf32, #tpu.memory_space<vmem>>
        %dma_start3A_186 = arith.constant 0 : i32
        %dma_start3A_187 = tpu.memref_slice %arg7[%add3A_178, %run_scoped3A_180, %dma_start3A_186] : memref<40x2x64xi32, #tpu.memory_space<vmem>> -> memref<1x1x64xi32, #tpu.memory_space<vmem>>
        %dma_start3A_188 = tpu.memref_squeeze %dma_start3A_187 : memref<1x1x64xi32, #tpu.memory_space<vmem>> -> memref<64xi32, #tpu.memory_space<vmem>>
        %dma_start3A_189 = arith.constant 0 : i32
        %dma_start3A_190 = arith.constant 0 : i32
        %dma_start3A_191 = tpu.memref_slice %arg6[%dma_start3A_189, %dma_start3A_190] : memref<10240x128xf32, #tpu.memory_space<vmem_shared>> -> memref<10240x128xf32, #tpu.memory_space<vmem_shared>>
        tpu.enqueue_indirect_dma source(%dma_start3A_185 : memref<64x128xf32, #tpu.memory_space<vmem>>) target(%dma_start3A_191 : memref<10240x128xf32, #tpu.memory_space<vmem_shared>>) offsets(%dma_start3A_188 : memref<64xi32, #tpu.memory_space<vmem>>) semaphore(%run_scoped3A_181 : memref<!tpu.dma_semaphore, #tpu.memory_space<semaphore_mem>>) {add = true}
        %dma_wait3A_192 = arith.constant 0 : i32
        %dma_wait3A_193 = arith.constant 0 : i32
        %dma_wait3A_194 = tpu.memref_slice %arg8[%run_scoped3A_179, %dma_wait3A_192, %dma_wait3A_193] : memref<4x64x128xf32, #tpu.memory_space<vmem>> -> memref<1x64x128xf32, #tpu.memory_space<vmem>>
        %dma_wait3A_195 = tpu.memref_squeeze %dma_wait3A_194 : memref<1x64x128xf32, #tpu.memory_space<vmem>> -> memref<64x128xf32, #tpu.memory_space<vmem>>
        %dma_wait3A_196 = arith.constant 0 : i32
        %dma_wait3A_197 = tpu.memref_slice %arg7[%add3A_178, %run_scoped3A_180, %dma_wait3A_196] : memref<40x2x64xi32, #tpu.memory_space<vmem>> -> memref<1x1x64xi32, #tpu.memory_space<vmem>>
        %dma_wait3A_198 = tpu.memref_squeeze %dma_wait3A_197 : memref<1x1x64xi32, #tpu.memory_space<vmem>> -> memref<64xi32, #tpu.memory_space<vmem>>
        %dma_wait3A_199 = arith.constant 0 : i32
        %dma_wait3A_200 = arith.constant 0 : i32
        %dma_wait3A_201 = tpu.memref_slice %arg6[%dma_wait3A_199, %dma_wait3A_200] : memref<10240x128xf32, #tpu.memory_space<vmem_shared>> -> memref<10240x128xf32, #tpu.memory_space<vmem_shared>>
        tpu.wait_indirect_dma semaphore(%run_scoped3A_181 : memref<!tpu.dma_semaphore, #tpu.memory_space<semaphore_mem>>) src(%dma_wait3A_195 : memref<64x128xf32, #tpu.memory_space<vmem>>) dst(%dma_wait3A_201 : memref<10240x128xf32, #tpu.memory_space<vmem_shared>>)
        tpu.yield
      }) : () -> ()
    }
    %scan3A_6 = arith.constant 10 : i32
    %run_scoped3A_7 = arith.constant 1 : i32
    "tpu.region"() ({
      %run_scoped3A_26 = tpu.sem_alloc : memref<!tpu.dma_semaphore, #tpu.memory_space<semaphore_mem>>
      %dma_start3A = arith.constant 0 : i32
      %dma_start3A_27 = arith.constant 0 : i32
      %dma_start3A_28 = arith.constant 0 : i32
      %dma_start3A_29 = tpu.memref_slice %arg2[%add3A, %run_scoped3A_7, %dma_start3A, %dma_start3A_27, %dma_start3A_28] : memref<32x4x40x2x64xi32, #tpu.memory_space<hbm>> -> memref<1x1x40x2x64xi32, #tpu.memory_space<hbm>>
      %dma_start3A_30 = tpu.memref_squeeze %dma_start3A_29 : memref<1x1x40x2x64xi32, #tpu.memory_space<hbm>> -> memref<40x2x64xi32, #tpu.memory_space<hbm>>
      %dma_start3A_31 = arith.constant 0 : i32
      %dma_start3A_32 = arith.constant 0 : i32
      %dma_start3A_33 = arith.constant 0 : i32
      %dma_start3A_34 = tpu.memref_slice %arg2[%add3A, %run_scoped3A_7, %dma_start3A_31, %dma_start3A_32, %dma_start3A_33] : memref<32x4x40x2x64xi32, #tpu.memory_space<hbm>> -> memref<1x1x40x2x64xi32, #tpu.memory_space<hbm>>
      %dma_start3A_35 = tpu.memref_squeeze %dma_start3A_34 : memref<1x1x40x2x64xi32, #tpu.memory_space<hbm>> -> memref<40x2x64xi32, #tpu.memory_space<hbm>>
      tpu.enqueue_dma source(%dma_start3A_35 : memref<40x2x64xi32, #tpu.memory_space<hbm>>) target(%arg7 : memref<40x2x64xi32, #tpu.memory_space<vmem>>) target_semaphore(%run_scoped3A_26 : memref<!tpu.dma_semaphore, #tpu.memory_space<semaphore_mem>>)
      %dma_wait3A = arith.constant 0 : i32
      %dma_wait3A_36 = arith.constant 0 : i32
      %dma_wait3A_37 = arith.constant 0 : i32
      %dma_wait3A_38 = tpu.memref_slice %arg2[%add3A, %run_scoped3A_7, %dma_wait3A, %dma_wait3A_36, %dma_wait3A_37] : memref<32x4x40x2x64xi32, #tpu.memory_space<hbm>> -> memref<1x1x40x2x64xi32, #tpu.memory_space<hbm>>
      %dma_wait3A_39 = tpu.memref_squeeze %dma_wait3A_38 : memref<1x1x40x2x64xi32, #tpu.memory_space<hbm>> -> memref<40x2x64xi32, #tpu.memory_space<hbm>>
      %dma_wait3A_40 = arith.constant 0 : i32
      %dma_wait3A_41 = arith.constant 0 : i32
      %dma_wait3A_42 = arith.constant 0 : i32
      %dma_wait3A_43 = tpu.memref_slice %arg2[%add3A, %run_scoped3A_7, %dma_wait3A_40, %dma_wait3A_41, %dma_wait3A_42] : memref<32x4x40x2x64xi32, #tpu.memory_space<hbm>> -> memref<1x1x40x2x64xi32, #tpu.memory_space<hbm>>
      %dma_wait3A_44 = tpu.memref_squeeze %dma_wait3A_43 : memref<1x1x40x2x64xi32, #tpu.memory_space<hbm>> -> memref<40x2x64xi32, #tpu.memory_space<hbm>>
      tpu.wait_dma2 semaphore(%run_scoped3A_26 : memref<!tpu.dma_semaphore, #tpu.memory_space<semaphore_mem>>) src(%dma_wait3A_44 : memref<40x2x64xi32, #tpu.memory_space<hbm>>) dst(%arg7 : memref<40x2x64xi32, #tpu.memory_space<vmem>>)
      tpu.yield
    }) : () -> ()
    %scan3A_8 = arith.constant 0 : i32
    %scan3A_9 = arith.constant 10 : i32
    %scan3A_10 = arith.addi %scan3A_8, %scan3A_9 : i32
    %scan3A_11 = arith.constant 1 : i32
    scf.for %scan3A_26 = %scan3A_8 to %scan3A_10 step %scan3A_11  : i32 {
      %mul3A_27 = arith.constant 4 : i32
      %mul3A_28 = arith.muli %scan3A_26, %mul3A_27 : i32
      %add3A_29 = arith.constant 0 : i32
      %add3A_30 = arith.addi %add3A_29, %mul3A_28 : i32
      %add3A_31 = arith.constant 0 : i32
      %add3A_32 = arith.addi %add3A_30, %add3A_31 : i32
      %dma_start3A = arith.constant 0 : i32
      %dma_start3A_33 = arith.constant 0 : i32
      %dma_start3A_34 = arith.constant 0 : i32
      %dma_start3A_35 = arith.constant 0 : i32
      %dma_start3A_36 = arith.constant 0 : i32
      %dma_start3A_37 = tpu.memref_slice %arg8[%dma_start3A_33, %dma_start3A_35, %dma_start3A_36] : memref<4x64x128xf32, #tpu.memory_space<vmem>> -> memref<1x64x128xf32, #tpu.memory_space<vmem>>
      %dma_start3A_38 = tpu.memref_squeeze %dma_start3A_37 : memref<1x64x128xf32, #tpu.memory_space<vmem>> -> memref<64x128xf32, #tpu.memory_space<vmem>>
      %dma_start3A_39 = arith.constant 0 : i32
      %dma_start3A_40 = tpu.memref_slice %arg7[%add3A_32, %dma_start3A, %dma_start3A_39] : memref<40x2x64xi32, #tpu.memory_space<vmem>> -> memref<1x1x64xi32, #tpu.memory_space<vmem>>
      %dma_start3A_41 = tpu.memref_squeeze %dma_start3A_40 : memref<1x1x64xi32, #tpu.memory_space<vmem>> -> memref<64xi32, #tpu.memory_space<vmem>>
      %dma_start3A_42 = arith.constant 0 : i32
      %dma_start3A_43 = arith.constant 0 : i32
      %dma_start3A_44 = tpu.memref_slice %arg3[%dma_start3A_42, %dma_start3A_43] : memref<10000x128xf32, #tpu.memory_space<hbm>> -> memref<10000x128xf32, #tpu.memory_space<hbm>>
      %dma_start3A_45 = tpu.memref_slice %arg9[%dma_start3A_34] : memref<4x!tpu.dma_semaphore, #tpu.memory_space<semaphore_mem>> -> memref<1x!tpu.dma_semaphore, #tpu.memory_space<semaphore_mem>>
      %dma_start3A_46 = tpu.memref_squeeze %dma_start3A_45 : memref<1x!tpu.dma_semaphore, #tpu.memory_space<semaphore_mem>> -> memref<!tpu.dma_semaphore, #tpu.memory_space<semaphore_mem>>
      tpu.enqueue_indirect_dma source(%dma_start3A_44 : memref<10000x128xf32, #tpu.memory_space<hbm>>) target(%dma_start3A_38 : memref<64x128xf32, #tpu.memory_space<vmem>>) offsets(%dma_start3A_41 : memref<64xi32, #tpu.memory_space<vmem>>) semaphore(%dma_start3A_46 : memref<!tpu.dma_semaphore, #tpu.memory_space<semaphore_mem>>)
      %add3A_47 = arith.constant 1 : i32
      %add3A_48 = arith.addi %add3A_30, %add3A_47 : i32
      %dma_start3A_49 = arith.constant 0 : i32
      %dma_start3A_50 = arith.constant 1 : i32
      %dma_start3A_51 = arith.constant 1 : i32
      %dma_start3A_52 = arith.constant 0 : i32
      %dma_start3A_53 = arith.constant 0 : i32
      %dma_start3A_54 = tpu.memref_slice %arg8[%dma_start3A_50, %dma_start3A_52, %dma_start3A_53] : memref<4x64x128xf32, #tpu.memory_space<vmem>> -> memref<1x64x128xf32, #tpu.memory_space<vmem>>
      %dma_start3A_55 = tpu.memref_squeeze %dma_start3A_54 : memref<1x64x128xf32, #tpu.memory_space<vmem>> -> memref<64x128xf32, #tpu.memory_space<vmem>>
      %dma_start3A_56 = arith.constant 0 : i32
      %dma_start3A_57 = tpu.memref_slice %arg7[%add3A_48, %dma_start3A_49, %dma_start3A_56] : memref<40x2x64xi32, #tpu.memory_space<vmem>> -> memref<1x1x64xi32, #tpu.memory_space<vmem>>
      %dma_start3A_58 = tpu.memref_squeeze %dma_start3A_57 : memref<1x1x64xi32, #tpu.memory_space<vmem>> -> memref<64xi32, #tpu.memory_space<vmem>>
      %dma_start3A_59 = arith.constant 0 : i32
      %dma_start3A_60 = arith.constant 0 : i32
      %dma_start3A_61 = tpu.memref_slice %arg3[%dma_start3A_59, %dma_start3A_60] : memref<10000x128xf32, #tpu.memory_space<hbm>> -> memref<10000x128xf32, #tpu.memory_space<hbm>>
      %dma_start3A_62 = tpu.memref_slice %arg9[%dma_start3A_51] : memref<4x!tpu.dma_semaphore, #tpu.memory_space<semaphore_mem>> -> memref<1x!tpu.dma_semaphore, #tpu.memory_space<semaphore_mem>>
      %dma_start3A_63 = tpu.memref_squeeze %dma_start3A_62 : memref<1x!tpu.dma_semaphore, #tpu.memory_space<semaphore_mem>> -> memref<!tpu.dma_semaphore, #tpu.memory_space<semaphore_mem>>
      tpu.enqueue_indirect_dma source(%dma_start3A_61 : memref<10000x128xf32, #tpu.memory_space<hbm>>) target(%dma_start3A_55 : memref<64x128xf32, #tpu.memory_space<vmem>>) offsets(%dma_start3A_58 : memref<64xi32, #tpu.memory_space<vmem>>) semaphore(%dma_start3A_63 : memref<!tpu.dma_semaphore, #tpu.memory_space<semaphore_mem>>)
      %add3A_64 = arith.constant 2 : i32
      %add3A_65 = arith.addi %add3A_30, %add3A_64 : i32
      %dma_start3A_66 = arith.constant 0 : i32
      %dma_start3A_67 = arith.constant 2 : i32
      %dma_start3A_68 = arith.constant 2 : i32
      %dma_start3A_69 = arith.constant 0 : i32
      %dma_start3A_70 = arith.constant 0 : i32
      %dma_start3A_71 = tpu.memref_slice %arg8[%dma_start3A_67, %dma_start3A_69, %dma_start3A_70] : memref<4x64x128xf32, #tpu.memory_space<vmem>> -> memref<1x64x128xf32, #tpu.memory_space<vmem>>
      %dma_start3A_72 = tpu.memref_squeeze %dma_start3A_71 : memref<1x64x128xf32, #tpu.memory_space<vmem>> -> memref<64x128xf32, #tpu.memory_space<vmem>>
      %dma_start3A_73 = arith.constant 0 : i32
      %dma_start3A_74 = tpu.memref_slice %arg7[%add3A_65, %dma_start3A_66, %dma_start3A_73] : memref<40x2x64xi32, #tpu.memory_space<vmem>> -> memref<1x1x64xi32, #tpu.memory_space<vmem>>
      %dma_start3A_75 = tpu.memref_squeeze %dma_start3A_74 : memref<1x1x64xi32, #tpu.memory_space<vmem>> -> memref<64xi32, #tpu.memory_space<vmem>>
      %dma_start3A_76 = arith.constant 0 : i32
      %dma_start3A_77 = arith.constant 0 : i32
      %dma_start3A_78 = tpu.memref_slice %arg3[%dma_start3A_76, %dma_start3A_77] : memref<10000x128xf32, #tpu.memory_space<hbm>> -> memref<10000x128xf32, #tpu.memory_space<hbm>>
      %dma_start3A_79 = tpu.memref_slice %arg9[%dma_start3A_68] : memref<4x!tpu.dma_semaphore, #tpu.memory_space<semaphore_mem>> -> memref<1x!tpu.dma_semaphore, #tpu.memory_space<semaphore_mem>>
      %dma_start3A_80 = tpu.memref_squeeze %dma_start3A_79 : memref<1x!tpu.dma_semaphore, #tpu.memory_space<semaphore_mem>> -> memref<!tpu.dma_semaphore, #tpu.memory_space<semaphore_mem>>
      tpu.enqueue_indirect_dma source(%dma_start3A_78 : memref<10000x128xf32, #tpu.memory_space<hbm>>) target(%dma_start3A_72 : memref<64x128xf32, #tpu.memory_space<vmem>>) offsets(%dma_start3A_75 : memref<64xi32, #tpu.memory_space<vmem>>) semaphore(%dma_start3A_80 : memref<!tpu.dma_semaphore, #tpu.memory_space<semaphore_mem>>)
      %add3A_81 = arith.constant 3 : i32
      %add3A_82 = arith.addi %add3A_30, %add3A_81 : i32
      %dma_start3A_83 = arith.constant 0 : i32
      %dma_start3A_84 = arith.constant 3 : i32
      %dma_start3A_85 = arith.constant 3 : i32
      %dma_start3A_86 = arith.constant 0 : i32
      %dma_start3A_87 = arith.constant 0 : i32
      %dma_start3A_88 = tpu.memref_slice %arg8[%dma_start3A_84, %dma_start3A_86, %dma_start3A_87] : memref<4x64x128xf32, #tpu.memory_space<vmem>> -> memref<1x64x128xf32, #tpu.memory_space<vmem>>
      %dma_start3A_89 = tpu.memref_squeeze %dma_start3A_88 : memref<1x64x128xf32, #tpu.memory_space<vmem>> -> memref<64x128xf32, #tpu.memory_space<vmem>>
      %dma_start3A_90 = arith.constant 0 : i32
      %dma_start3A_91 = tpu.memref_slice %arg7[%add3A_82, %dma_start3A_83, %dma_start3A_90] : memref<40x2x64xi32, #tpu.memory_space<vmem>> -> memref<1x1x64xi32, #tpu.memory_space<vmem>>
      %dma_start3A_92 = tpu.memref_squeeze %dma_start3A_91 : memref<1x1x64xi32, #tpu.memory_space<vmem>> -> memref<64xi32, #tpu.memory_space<vmem>>
      %dma_start3A_93 = arith.constant 0 : i32
      %dma_start3A_94 = arith.constant 0 : i32
      %dma_start3A_95 = tpu.memref_slice %arg3[%dma_start3A_93, %dma_start3A_94] : memref<10000x128xf32, #tpu.memory_space<hbm>> -> memref<10000x128xf32, #tpu.memory_space<hbm>>
      %dma_start3A_96 = tpu.memref_slice %arg9[%dma_start3A_85] : memref<4x!tpu.dma_semaphore, #tpu.memory_space<semaphore_mem>> -> memref<1x!tpu.dma_semaphore, #tpu.memory_space<semaphore_mem>>
      %dma_start3A_97 = tpu.memref_squeeze %dma_start3A_96 : memref<1x!tpu.dma_semaphore, #tpu.memory_space<semaphore_mem>> -> memref<!tpu.dma_semaphore, #tpu.memory_space<semaphore_mem>>
      tpu.enqueue_indirect_dma source(%dma_start3A_95 : memref<10000x128xf32, #tpu.memory_space<hbm>>) target(%dma_start3A_89 : memref<64x128xf32, #tpu.memory_space<vmem>>) offsets(%dma_start3A_92 : memref<64xi32, #tpu.memory_space<vmem>>) semaphore(%dma_start3A_97 : memref<!tpu.dma_semaphore, #tpu.memory_space<semaphore_mem>>)
      %add3A_98 = arith.constant 0 : i32
      %add3A_99 = arith.addi %add3A_30, %add3A_98 : i32
      %dma_wait3A = arith.constant 0 : i32
      %dma_wait3A_100 = arith.constant 0 : i32
      %dma_wait3A_101 = arith.constant 0 : i32
      %dma_wait3A_102 = arith.constant 0 : i32
      %dma_wait3A_103 = arith.constant 0 : i32
      %dma_wait3A_104 = tpu.memref_slice %arg8[%dma_wait3A_100, %dma_wait3A_102, %dma_wait3A_103] : memref<4x64x128xf32, #tpu.memory_space<vmem>> -> memref<1x64x128xf32, #tpu.memory_space<vmem>>
      %dma_wait3A_105 = tpu.memref_squeeze %dma_wait3A_104 : memref<1x64x128xf32, #tpu.memory_space<vmem>> -> memref<64x128xf32, #tpu.memory_space<vmem>>
      %dma_wait3A_106 = arith.constant 0 : i32
      %dma_wait3A_107 = tpu.memref_slice %arg7[%add3A_99, %dma_wait3A, %dma_wait3A_106] : memref<40x2x64xi32, #tpu.memory_space<vmem>> -> memref<1x1x64xi32, #tpu.memory_space<vmem>>
      %dma_wait3A_108 = tpu.memref_squeeze %dma_wait3A_107 : memref<1x1x64xi32, #tpu.memory_space<vmem>> -> memref<64xi32, #tpu.memory_space<vmem>>
      %dma_wait3A_109 = arith.constant 0 : i32
      %dma_wait3A_110 = arith.constant 0 : i32
      %dma_wait3A_111 = tpu.memref_slice %arg3[%dma_wait3A_109, %dma_wait3A_110] : memref<10000x128xf32, #tpu.memory_space<hbm>> -> memref<10000x128xf32, #tpu.memory_space<hbm>>
      %dma_wait3A_112 = tpu.memref_slice %arg9[%dma_wait3A_101] : memref<4x!tpu.dma_semaphore, #tpu.memory_space<semaphore_mem>> -> memref<1x!tpu.dma_semaphore, #tpu.memory_space<semaphore_mem>>
      %dma_wait3A_113 = tpu.memref_squeeze %dma_wait3A_112 : memref<1x!tpu.dma_semaphore, #tpu.memory_space<semaphore_mem>> -> memref<!tpu.dma_semaphore, #tpu.memory_space<semaphore_mem>>
      tpu.wait_indirect_dma semaphore(%dma_wait3A_113 : memref<!tpu.dma_semaphore, #tpu.memory_space<semaphore_mem>>) src(%dma_wait3A_111 : memref<10000x128xf32, #tpu.memory_space<hbm>>) dst(%dma_wait3A_105 : memref<64x128xf32, #tpu.memory_space<vmem>>)
      %add3A_114 = arith.constant 1 : i32
      %add3A_115 = arith.addi %add3A_30, %add3A_114 : i32
      %dma_wait3A_116 = arith.constant 0 : i32
      %dma_wait3A_117 = arith.constant 1 : i32
      %dma_wait3A_118 = arith.constant 1 : i32
      %dma_wait3A_119 = arith.constant 0 : i32
      %dma_wait3A_120 = arith.constant 0 : i32
      %dma_wait3A_121 = tpu.memref_slice %arg8[%dma_wait3A_117, %dma_wait3A_119, %dma_wait3A_120] : memref<4x64x128xf32, #tpu.memory_space<vmem>> -> memref<1x64x128xf32, #tpu.memory_space<vmem>>
      %dma_wait3A_122 = tpu.memref_squeeze %dma_wait3A_121 : memref<1x64x128xf32, #tpu.memory_space<vmem>> -> memref<64x128xf32, #tpu.memory_space<vmem>>
      %dma_wait3A_123 = arith.constant 0 : i32
      %dma_wait3A_124 = tpu.memref_slice %arg7[%add3A_115, %dma_wait3A_116, %dma_wait3A_123] : memref<40x2x64xi32, #tpu.memory_space<vmem>> -> memref<1x1x64xi32, #tpu.memory_space<vmem>>
      %dma_wait3A_125 = tpu.memref_squeeze %dma_wait3A_124 : memref<1x1x64xi32, #tpu.memory_space<vmem>> -> memref<64xi32, #tpu.memory_space<vmem>>
      %dma_wait3A_126 = arith.constant 0 : i32
      %dma_wait3A_127 = arith.constant 0 : i32
      %dma_wait3A_128 = tpu.memref_slice %arg3[%dma_wait3A_126, %dma_wait3A_127] : memref<10000x128xf32, #tpu.memory_space<hbm>> -> memref<10000x128xf32, #tpu.memory_space<hbm>>
      %dma_wait3A_129 = tpu.memref_slice %arg9[%dma_wait3A_118] : memref<4x!tpu.dma_semaphore, #tpu.memory_space<semaphore_mem>> -> memref<1x!tpu.dma_semaphore, #tpu.memory_space<semaphore_mem>>
      %dma_wait3A_130 = tpu.memref_squeeze %dma_wait3A_129 : memref<1x!tpu.dma_semaphore, #tpu.memory_space<semaphore_mem>> -> memref<!tpu.dma_semaphore, #tpu.memory_space<semaphore_mem>>
      tpu.wait_indirect_dma semaphore(%dma_wait3A_130 : memref<!tpu.dma_semaphore, #tpu.memory_space<semaphore_mem>>) src(%dma_wait3A_128 : memref<10000x128xf32, #tpu.memory_space<hbm>>) dst(%dma_wait3A_122 : memref<64x128xf32, #tpu.memory_space<vmem>>)
      %add3A_131 = arith.constant 2 : i32
      %add3A_132 = arith.addi %add3A_30, %add3A_131 : i32
      %dma_wait3A_133 = arith.constant 0 : i32
      %dma_wait3A_134 = arith.constant 2 : i32
      %dma_wait3A_135 = arith.constant 2 : i32
      %dma_wait3A_136 = arith.constant 0 : i32
      %dma_wait3A_137 = arith.constant 0 : i32
      %dma_wait3A_138 = tpu.memref_slice %arg8[%dma_wait3A_134, %dma_wait3A_136, %dma_wait3A_137] : memref<4x64x128xf32, #tpu.memory_space<vmem>> -> memref<1x64x128xf32, #tpu.memory_space<vmem>>
      %dma_wait3A_139 = tpu.memref_squeeze %dma_wait3A_138 : memref<1x64x128xf32, #tpu.memory_space<vmem>> -> memref<64x128xf32, #tpu.memory_space<vmem>>
      %dma_wait3A_140 = arith.constant 0 : i32
      %dma_wait3A_141 = tpu.memref_slice %arg7[%add3A_132, %dma_wait3A_133, %dma_wait3A_140] : memref<40x2x64xi32, #tpu.memory_space<vmem>> -> memref<1x1x64xi32, #tpu.memory_space<vmem>>
      %dma_wait3A_142 = tpu.memref_squeeze %dma_wait3A_141 : memref<1x1x64xi32, #tpu.memory_space<vmem>> -> memref<64xi32, #tpu.memory_space<vmem>>
      %dma_wait3A_143 = arith.constant 0 : i32
      %dma_wait3A_144 = arith.constant 0 : i32
      %dma_wait3A_145 = tpu.memref_slice %arg3[%dma_wait3A_143, %dma_wait3A_144] : memref<10000x128xf32, #tpu.memory_space<hbm>> -> memref<10000x128xf32, #tpu.memory_space<hbm>>
      %dma_wait3A_146 = tpu.memref_slice %arg9[%dma_wait3A_135] : memref<4x!tpu.dma_semaphore, #tpu.memory_space<semaphore_mem>> -> memref<1x!tpu.dma_semaphore, #tpu.memory_space<semaphore_mem>>
      %dma_wait3A_147 = tpu.memref_squeeze %dma_wait3A_146 : memref<1x!tpu.dma_semaphore, #tpu.memory_space<semaphore_mem>> -> memref<!tpu.dma_semaphore, #tpu.memory_space<semaphore_mem>>
      tpu.wait_indirect_dma semaphore(%dma_wait3A_147 : memref<!tpu.dma_semaphore, #tpu.memory_space<semaphore_mem>>) src(%dma_wait3A_145 : memref<10000x128xf32, #tpu.memory_space<hbm>>) dst(%dma_wait3A_139 : memref<64x128xf32, #tpu.memory_space<vmem>>)
      %add3A_148 = arith.constant 3 : i32
      %add3A_149 = arith.addi %add3A_30, %add3A_148 : i32
      %dma_wait3A_150 = arith.constant 0 : i32
      %dma_wait3A_151 = arith.constant 3 : i32
      %dma_wait3A_152 = arith.constant 3 : i32
      %dma_wait3A_153 = arith.constant 0 : i32
      %dma_wait3A_154 = arith.constant 0 : i32
      %dma_wait3A_155 = tpu.memref_slice %arg8[%dma_wait3A_151, %dma_wait3A_153, %dma_wait3A_154] : memref<4x64x128xf32, #tpu.memory_space<vmem>> -> memref<1x64x128xf32, #tpu.memory_space<vmem>>
      %dma_wait3A_156 = tpu.memref_squeeze %dma_wait3A_155 : memref<1x64x128xf32, #tpu.memory_space<vmem>> -> memref<64x128xf32, #tpu.memory_space<vmem>>
      %dma_wait3A_157 = arith.constant 0 : i32
      %dma_wait3A_158 = tpu.memref_slice %arg7[%add3A_149, %dma_wait3A_150, %dma_wait3A_157] : memref<40x2x64xi32, #tpu.memory_space<vmem>> -> memref<1x1x64xi32, #tpu.memory_space<vmem>>
      %dma_wait3A_159 = tpu.memref_squeeze %dma_wait3A_158 : memref<1x1x64xi32, #tpu.memory_space<vmem>> -> memref<64xi32, #tpu.memory_space<vmem>>
      %dma_wait3A_160 = arith.constant 0 : i32
      %dma_wait3A_161 = arith.constant 0 : i32
      %dma_wait3A_162 = tpu.memref_slice %arg3[%dma_wait3A_160, %dma_wait3A_161] : memref<10000x128xf32, #tpu.memory_space<hbm>> -> memref<10000x128xf32, #tpu.memory_space<hbm>>
      %dma_wait3A_163 = tpu.memref_slice %arg9[%dma_wait3A_152] : memref<4x!tpu.dma_semaphore, #tpu.memory_space<semaphore_mem>> -> memref<1x!tpu.dma_semaphore, #tpu.memory_space<semaphore_mem>>
      %dma_wait3A_164 = tpu.memref_squeeze %dma_wait3A_163 : memref<1x!tpu.dma_semaphore, #tpu.memory_space<semaphore_mem>> -> memref<!tpu.dma_semaphore, #tpu.memory_space<semaphore_mem>>
      tpu.wait_indirect_dma semaphore(%dma_wait3A_164 : memref<!tpu.dma_semaphore, #tpu.memory_space<semaphore_mem>>) src(%dma_wait3A_162 : memref<10000x128xf32, #tpu.memory_space<hbm>>) dst(%dma_wait3A_156 : memref<64x128xf32, #tpu.memory_space<vmem>>)
      %add3A_165 = arith.constant 0 : i32
      %add3A_166 = arith.addi %add3A_30, %add3A_165 : i32
      %run_scoped3A_167 = arith.constant 0 : i32
      %run_scoped3A_168 = arith.constant 1 : i32
      "tpu.region"() ({
        %run_scoped3A_181 = tpu.sem_alloc : memref<!tpu.dma_semaphore, #tpu.memory_space<semaphore_mem>>
        %dma_start3A_182 = arith.constant 0 : i32
        %dma_start3A_183 = arith.constant 0 : i32
        %dma_start3A_184 = tpu.memref_slice %arg8[%run_scoped3A_167, %dma_start3A_182, %dma_start3A_183] : memref<4x64x128xf32, #tpu.memory_space<vmem>> -> memref<1x64x128xf32, #tpu.memory_space<vmem>>
        %dma_start3A_185 = tpu.memref_squeeze %dma_start3A_184 : memref<1x64x128xf32, #tpu.memory_space<vmem>> -> memref<64x128xf32, #tpu.memory_space<vmem>>
        %dma_start3A_186 = arith.constant 0 : i32
        %dma_start3A_187 = tpu.memref_slice %arg7[%add3A_166, %run_scoped3A_168, %dma_start3A_186] : memref<40x2x64xi32, #tpu.memory_space<vmem>> -> memref<1x1x64xi32, #tpu.memory_space<vmem>>
        %dma_start3A_188 = tpu.memref_squeeze %dma_start3A_187 : memref<1x1x64xi32, #tpu.memory_space<vmem>> -> memref<64xi32, #tpu.memory_space<vmem>>
        %dma_start3A_189 = arith.constant 0 : i32
        %dma_start3A_190 = arith.constant 0 : i32
        %dma_start3A_191 = tpu.memref_slice %arg6[%dma_start3A_189, %dma_start3A_190] : memref<10240x128xf32, #tpu.memory_space<vmem_shared>> -> memref<10240x128xf32, #tpu.memory_space<vmem_shared>>
        tpu.enqueue_indirect_dma source(%dma_start3A_185 : memref<64x128xf32, #tpu.memory_space<vmem>>) target(%dma_start3A_191 : memref<10240x128xf32, #tpu.memory_space<vmem_shared>>) offsets(%dma_start3A_188 : memref<64xi32, #tpu.memory_space<vmem>>) semaphore(%run_scoped3A_181 : memref<!tpu.dma_semaphore, #tpu.memory_space<semaphore_mem>>) {add = true}
        %dma_wait3A_192 = arith.constant 0 : i32
        %dma_wait3A_193 = arith.constant 0 : i32
        %dma_wait3A_194 = tpu.memref_slice %arg8[%run_scoped3A_167, %dma_wait3A_192, %dma_wait3A_193] : memref<4x64x128xf32, #tpu.memory_space<vmem>> -> memref<1x64x128xf32, #tpu.memory_space<vmem>>
        %dma_wait3A_195 = tpu.memref_squeeze %dma_wait3A_194 : memref<1x64x128xf32, #tpu.memory_space<vmem>> -> memref<64x128xf32, #tpu.memory_space<vmem>>
        %dma_wait3A_196 = arith.constant 0 : i32
        %dma_wait3A_197 = tpu.memref_slice %arg7[%add3A_166, %run_scoped3A_168, %dma_wait3A_196] : memref<40x2x64xi32, #tpu.memory_space<vmem>> -> memref<1x1x64xi32, #tpu.memory_space<vmem>>
        %dma_wait3A_198 = tpu.memref_squeeze %dma_wait3A_197 : memref<1x1x64xi32, #tpu.memory_space<vmem>> -> memref<64xi32, #tpu.memory_space<vmem>>
        %dma_wait3A_199 = arith.constant 0 : i32
        %dma_wait3A_200 = arith.constant 0 : i32
        %dma_wait3A_201 = tpu.memref_slice %arg6[%dma_wait3A_199, %dma_wait3A_200] : memref<10240x128xf32, #tpu.memory_space<vmem_shared>> -> memref<10240x128xf32, #tpu.memory_space<vmem_shared>>
        tpu.wait_indirect_dma semaphore(%run_scoped3A_181 : memref<!tpu.dma_semaphore, #tpu.memory_space<semaphore_mem>>) src(%dma_wait3A_195 : memref<64x128xf32, #tpu.memory_space<vmem>>) dst(%dma_wait3A_201 : memref<10240x128xf32, #tpu.memory_space<vmem_shared>>)
        tpu.yield
      }) : () -> ()
      %add3A_169 = arith.constant 1 : i32
      %add3A_170 = arith.addi %add3A_30, %add3A_169 : i32
      %run_scoped3A_171 = arith.constant 1 : i32
      %run_scoped3A_172 = arith.constant 1 : i32
      "tpu.region"() ({
        %run_scoped3A_181 = tpu.sem_alloc : memref<!tpu.dma_semaphore, #tpu.memory_space<semaphore_mem>>
        %dma_start3A_182 = arith.constant 0 : i32
        %dma_start3A_183 = arith.constant 0 : i32
        %dma_start3A_184 = tpu.memref_slice %arg8[%run_scoped3A_171, %dma_start3A_182, %dma_start3A_183] : memref<4x64x128xf32, #tpu.memory_space<vmem>> -> memref<1x64x128xf32, #tpu.memory_space<vmem>>
        %dma_start3A_185 = tpu.memref_squeeze %dma_start3A_184 : memref<1x64x128xf32, #tpu.memory_space<vmem>> -> memref<64x128xf32, #tpu.memory_space<vmem>>
        %dma_start3A_186 = arith.constant 0 : i32
        %dma_start3A_187 = tpu.memref_slice %arg7[%add3A_170, %run_scoped3A_172, %dma_start3A_186] : memref<40x2x64xi32, #tpu.memory_space<vmem>> -> memref<1x1x64xi32, #tpu.memory_space<vmem>>
        %dma_start3A_188 = tpu.memref_squeeze %dma_start3A_187 : memref<1x1x64xi32, #tpu.memory_space<vmem>> -> memref<64xi32, #tpu.memory_space<vmem>>
        %dma_start3A_189 = arith.constant 0 : i32
        %dma_start3A_190 = arith.constant 0 : i32
        %dma_start3A_191 = tpu.memref_slice %arg6[%dma_start3A_189, %dma_start3A_190] : memref<10240x128xf32, #tpu.memory_space<vmem_shared>> -> memref<10240x128xf32, #tpu.memory_space<vmem_shared>>
        tpu.enqueue_indirect_dma source(%dma_start3A_185 : memref<64x128xf32, #tpu.memory_space<vmem>>) target(%dma_start3A_191 : memref<10240x128xf32, #tpu.memory_space<vmem_shared>>) offsets(%dma_start3A_188 : memref<64xi32, #tpu.memory_space<vmem>>) semaphore(%run_scoped3A_181 : memref<!tpu.dma_semaphore, #tpu.memory_space<semaphore_mem>>) {add = true}
        %dma_wait3A_192 = arith.constant 0 : i32
        %dma_wait3A_193 = arith.constant 0 : i32
        %dma_wait3A_194 = tpu.memref_slice %arg8[%run_scoped3A_171, %dma_wait3A_192, %dma_wait3A_193] : memref<4x64x128xf32, #tpu.memory_space<vmem>> -> memref<1x64x128xf32, #tpu.memory_space<vmem>>
        %dma_wait3A_195 = tpu.memref_squeeze %dma_wait3A_194 : memref<1x64x128xf32, #tpu.memory_space<vmem>> -> memref<64x128xf32, #tpu.memory_space<vmem>>
        %dma_wait3A_196 = arith.constant 0 : i32
        %dma_wait3A_197 = tpu.memref_slice %arg7[%add3A_170, %run_scoped3A_172, %dma_wait3A_196] : memref<40x2x64xi32, #tpu.memory_space<vmem>> -> memref<1x1x64xi32, #tpu.memory_space<vmem>>
        %dma_wait3A_198 = tpu.memref_squeeze %dma_wait3A_197 : memref<1x1x64xi32, #tpu.memory_space<vmem>> -> memref<64xi32, #tpu.memory_space<vmem>>
        %dma_wait3A_199 = arith.constant 0 : i32
        %dma_wait3A_200 = arith.constant 0 : i32
        %dma_wait3A_201 = tpu.memref_slice %arg6[%dma_wait3A_199, %dma_wait3A_200] : memref<10240x128xf32, #tpu.memory_space<vmem_shared>> -> memref<10240x128xf32, #tpu.memory_space<vmem_shared>>
        tpu.wait_indirect_dma semaphore(%run_scoped3A_181 : memref<!tpu.dma_semaphore, #tpu.memory_space<semaphore_mem>>) src(%dma_wait3A_195 : memref<64x128xf32, #tpu.memory_space<vmem>>) dst(%dma_wait3A_201 : memref<10240x128xf32, #tpu.memory_space<vmem_shared>>)
        tpu.yield
      }) : () -> ()
      %add3A_173 = arith.constant 2 : i32
      %add3A_174 = arith.addi %add3A_30, %add3A_173 : i32
      %run_scoped3A_175 = arith.constant 2 : i32
      %run_scoped3A_176 = arith.constant 1 : i32
      "tpu.region"() ({
        %run_scoped3A_181 = tpu.sem_alloc : memref<!tpu.dma_semaphore, #tpu.memory_space<semaphore_mem>>
        %dma_start3A_182 = arith.constant 0 : i32
        %dma_start3A_183 = arith.constant 0 : i32
        %dma_start3A_184 = tpu.memref_slice %arg8[%run_scoped3A_175, %dma_start3A_182, %dma_start3A_183] : memref<4x64x128xf32, #tpu.memory_space<vmem>> -> memref<1x64x128xf32, #tpu.memory_space<vmem>>
        %dma_start3A_185 = tpu.memref_squeeze %dma_start3A_184 : memref<1x64x128xf32, #tpu.memory_space<vmem>> -> memref<64x128xf32, #tpu.memory_space<vmem>>
        %dma_start3A_186 = arith.constant 0 : i32
        %dma_start3A_187 = tpu.memref_slice %arg7[%add3A_174, %run_scoped3A_176, %dma_start3A_186] : memref<40x2x64xi32, #tpu.memory_space<vmem>> -> memref<1x1x64xi32, #tpu.memory_space<vmem>>
        %dma_start3A_188 = tpu.memref_squeeze %dma_start3A_187 : memref<1x1x64xi32, #tpu.memory_space<vmem>> -> memref<64xi32, #tpu.memory_space<vmem>>
        %dma_start3A_189 = arith.constant 0 : i32
        %dma_start3A_190 = arith.constant 0 : i32
        %dma_start3A_191 = tpu.memref_slice %arg6[%dma_start3A_189, %dma_start3A_190] : memref<10240x128xf32, #tpu.memory_space<vmem_shared>> -> memref<10240x128xf32, #tpu.memory_space<vmem_shared>>
        tpu.enqueue_indirect_dma source(%dma_start3A_185 : memref<64x128xf32, #tpu.memory_space<vmem>>) target(%dma_start3A_191 : memref<10240x128xf32, #tpu.memory_space<vmem_shared>>) offsets(%dma_start3A_188 : memref<64xi32, #tpu.memory_space<vmem>>) semaphore(%run_scoped3A_181 : memref<!tpu.dma_semaphore, #tpu.memory_space<semaphore_mem>>) {add = true}
        %dma_wait3A_192 = arith.constant 0 : i32
        %dma_wait3A_193 = arith.constant 0 : i32
        %dma_wait3A_194 = tpu.memref_slice %arg8[%run_scoped3A_175, %dma_wait3A_192, %dma_wait3A_193] : memref<4x64x128xf32, #tpu.memory_space<vmem>> -> memref<1x64x128xf32, #tpu.memory_space<vmem>>
        %dma_wait3A_195 = tpu.memref_squeeze %dma_wait3A_194 : memref<1x64x128xf32, #tpu.memory_space<vmem>> -> memref<64x128xf32, #tpu.memory_space<vmem>>
        %dma_wait3A_196 = arith.constant 0 : i32
        %dma_wait3A_197 = tpu.memref_slice %arg7[%add3A_174, %run_scoped3A_176, %dma_wait3A_196] : memref<40x2x64xi32, #tpu.memory_space<vmem>> -> memref<1x1x64xi32, #tpu.memory_space<vmem>>
        %dma_wait3A_198 = tpu.memref_squeeze %dma_wait3A_197 : memref<1x1x64xi32, #tpu.memory_space<vmem>> -> memref<64xi32, #tpu.memory_space<vmem>>
        %dma_wait3A_199 = arith.constant 0 : i32
        %dma_wait3A_200 = arith.constant 0 : i32
        %dma_wait3A_201 = tpu.memref_slice %arg6[%dma_wait3A_199, %dma_wait3A_200] : memref<10240x128xf32, #tpu.memory_space<vmem_shared>> -> memref<10240x128xf32, #tpu.memory_space<vmem_shared>>
        tpu.wait_indirect_dma semaphore(%run_scoped3A_181 : memref<!tpu.dma_semaphore, #tpu.memory_space<semaphore_mem>>) src(%dma_wait3A_195 : memref<64x128xf32, #tpu.memory_space<vmem>>) dst(%dma_wait3A_201 : memref<10240x128xf32, #tpu.memory_space<vmem_shared>>)
        tpu.yield
      }) : () -> ()
      %add3A_177 = arith.constant 3 : i32
      %add3A_178 = arith.addi %add3A_30, %add3A_177 : i32
      %run_scoped3A_179 = arith.constant 3 : i32
      %run_scoped3A_180 = arith.constant 1 : i32
      "tpu.region"() ({
        %run_scoped3A_181 = tpu.sem_alloc : memref<!tpu.dma_semaphore, #tpu.memory_space<semaphore_mem>>
        %dma_start3A_182 = arith.constant 0 : i32
        %dma_start3A_183 = arith.constant 0 : i32
        %dma_start3A_184 = tpu.memref_slice %arg8[%run_scoped3A_179, %dma_start3A_182, %dma_start3A_183] : memref<4x64x128xf32, #tpu.memory_space<vmem>> -> memref<1x64x128xf32, #tpu.memory_space<vmem>>
        %dma_start3A_185 = tpu.memref_squeeze %dma_start3A_184 : memref<1x64x128xf32, #tpu.memory_space<vmem>> -> memref<64x128xf32, #tpu.memory_space<vmem>>
        %dma_start3A_186 = arith.constant 0 : i32
        %dma_start3A_187 = tpu.memref_slice %arg7[%add3A_178, %run_scoped3A_180, %dma_start3A_186] : memref<40x2x64xi32, #tpu.memory_space<vmem>> -> memref<1x1x64xi32, #tpu.memory_space<vmem>>
        %dma_start3A_188 = tpu.memref_squeeze %dma_start3A_187 : memref<1x1x64xi32, #tpu.memory_space<vmem>> -> memref<64xi32, #tpu.memory_space<vmem>>
        %dma_start3A_189 = arith.constant 0 : i32
        %dma_start3A_190 = arith.constant 0 : i32
        %dma_start3A_191 = tpu.memref_slice %arg6[%dma_start3A_189, %dma_start3A_190] : memref<10240x128xf32, #tpu.memory_space<vmem_shared>> -> memref<10240x128xf32, #tpu.memory_space<vmem_shared>>
        tpu.enqueue_indirect_dma source(%dma_start3A_185 : memref<64x128xf32, #tpu.memory_space<vmem>>) target(%dma_start3A_191 : memref<10240x128xf32, #tpu.memory_space<vmem_shared>>) offsets(%dma_start3A_188 : memref<64xi32, #tpu.memory_space<vmem>>) semaphore(%run_scoped3A_181 : memref<!tpu.dma_semaphore, #tpu.memory_space<semaphore_mem>>) {add = true}
        %dma_wait3A_192 = arith.constant 0 : i32
        %dma_wait3A_193 = arith.constant 0 : i32
        %dma_wait3A_194 = tpu.memref_slice %arg8[%run_scoped3A_179, %dma_wait3A_192, %dma_wait3A_193] : memref<4x64x128xf32, #tpu.memory_space<vmem>> -> memref<1x64x128xf32, #tpu.memory_space<vmem>>
        %dma_wait3A_195 = tpu.memref_squeeze %dma_wait3A_194 : memref<1x64x128xf32, #tpu.memory_space<vmem>> -> memref<64x128xf32, #tpu.memory_space<vmem>>
        %dma_wait3A_196 = arith.constant 0 : i32
        %dma_wait3A_197 = tpu.memref_slice %arg7[%add3A_178, %run_scoped3A_180, %dma_wait3A_196] : memref<40x2x64xi32, #tpu.memory_space<vmem>> -> memref<1x1x64xi32, #tpu.memory_space<vmem>>
        %dma_wait3A_198 = tpu.memref_squeeze %dma_wait3A_197 : memref<1x1x64xi32, #tpu.memory_space<vmem>> -> memref<64xi32, #tpu.memory_space<vmem>>
        %dma_wait3A_199 = arith.constant 0 : i32
        %dma_wait3A_200 = arith.constant 0 : i32
        %dma_wait3A_201 = tpu.memref_slice %arg6[%dma_wait3A_199, %dma_wait3A_200] : memref<10240x128xf32, #tpu.memory_space<vmem_shared>> -> memref<10240x128xf32, #tpu.memory_space<vmem_shared>>
        tpu.wait_indirect_dma semaphore(%run_scoped3A_181 : memref<!tpu.dma_semaphore, #tpu.memory_space<semaphore_mem>>) src(%dma_wait3A_195 : memref<64x128xf32, #tpu.memory_space<vmem>>) dst(%dma_wait3A_201 : memref<10240x128xf32, #tpu.memory_space<vmem_shared>>)
        tpu.yield
      }) : () -> ()
    }
    %scan3A_12 = arith.constant 10 : i32
    %run_scoped3A_13 = arith.constant 2 : i32
    "tpu.region"() ({
      %run_scoped3A_26 = tpu.sem_alloc : memref<!tpu.dma_semaphore, #tpu.memory_space<semaphore_mem>>
      %dma_start3A = arith.constant 0 : i32
      %dma_start3A_27 = arith.constant 0 : i32
      %dma_start3A_28 = arith.constant 0 : i32
      %dma_start3A_29 = tpu.memref_slice %arg2[%add3A, %run_scoped3A_13, %dma_start3A, %dma_start3A_27, %dma_start3A_28] : memref<32x4x40x2x64xi32, #tpu.memory_space<hbm>> -> memref<1x1x40x2x64xi32, #tpu.memory_space<hbm>>
      %dma_start3A_30 = tpu.memref_squeeze %dma_start3A_29 : memref<1x1x40x2x64xi32, #tpu.memory_space<hbm>> -> memref<40x2x64xi32, #tpu.memory_space<hbm>>
      %dma_start3A_31 = arith.constant 0 : i32
      %dma_start3A_32 = arith.constant 0 : i32
      %dma_start3A_33 = arith.constant 0 : i32
      %dma_start3A_34 = tpu.memref_slice %arg2[%add3A, %run_scoped3A_13, %dma_start3A_31, %dma_start3A_32, %dma_start3A_33] : memref<32x4x40x2x64xi32, #tpu.memory_space<hbm>> -> memref<1x1x40x2x64xi32, #tpu.memory_space<hbm>>
      %dma_start3A_35 = tpu.memref_squeeze %dma_start3A_34 : memref<1x1x40x2x64xi32, #tpu.memory_space<hbm>> -> memref<40x2x64xi32, #tpu.memory_space<hbm>>
      tpu.enqueue_dma source(%dma_start3A_35 : memref<40x2x64xi32, #tpu.memory_space<hbm>>) target(%arg7 : memref<40x2x64xi32, #tpu.memory_space<vmem>>) target_semaphore(%run_scoped3A_26 : memref<!tpu.dma_semaphore, #tpu.memory_space<semaphore_mem>>)
      %dma_wait3A = arith.constant 0 : i32
      %dma_wait3A_36 = arith.constant 0 : i32
      %dma_wait3A_37 = arith.constant 0 : i32
      %dma_wait3A_38 = tpu.memref_slice %arg2[%add3A, %run_scoped3A_13, %dma_wait3A, %dma_wait3A_36, %dma_wait3A_37] : memref<32x4x40x2x64xi32, #tpu.memory_space<hbm>> -> memref<1x1x40x2x64xi32, #tpu.memory_space<hbm>>
      %dma_wait3A_39 = tpu.memref_squeeze %dma_wait3A_38 : memref<1x1x40x2x64xi32, #tpu.memory_space<hbm>> -> memref<40x2x64xi32, #tpu.memory_space<hbm>>
      %dma_wait3A_40 = arith.constant 0 : i32
      %dma_wait3A_41 = arith.constant 0 : i32
      %dma_wait3A_42 = arith.constant 0 : i32
      %dma_wait3A_43 = tpu.memref_slice %arg2[%add3A, %run_scoped3A_13, %dma_wait3A_40, %dma_wait3A_41, %dma_wait3A_42] : memref<32x4x40x2x64xi32, #tpu.memory_space<hbm>> -> memref<1x1x40x2x64xi32, #tpu.memory_space<hbm>>
      %dma_wait3A_44 = tpu.memref_squeeze %dma_wait3A_43 : memref<1x1x40x2x64xi32, #tpu.memory_space<hbm>> -> memref<40x2x64xi32, #tpu.memory_space<hbm>>
      tpu.wait_dma2 semaphore(%run_scoped3A_26 : memref<!tpu.dma_semaphore, #tpu.memory_space<semaphore_mem>>) src(%dma_wait3A_44 : memref<40x2x64xi32, #tpu.memory_space<hbm>>) dst(%arg7 : memref<40x2x64xi32, #tpu.memory_space<vmem>>)
      tpu.yield
    }) : () -> ()
    %scan3A_14 = arith.constant 0 : i32
    %scan3A_15 = arith.constant 10 : i32
    %scan3A_16 = arith.addi %scan3A_14, %scan3A_15 : i32
    %scan3A_17 = arith.constant 1 : i32
    scf.for %scan3A_26 = %scan3A_14 to %scan3A_16 step %scan3A_17  : i32 {
      %mul3A_27 = arith.constant 4 : i32
      %mul3A_28 = arith.muli %scan3A_26, %mul3A_27 : i32
      %add3A_29 = arith.constant 0 : i32
      %add3A_30 = arith.addi %add3A_29, %mul3A_28 : i32
      %add3A_31 = arith.constant 0 : i32
      %add3A_32 = arith.addi %add3A_30, %add3A_31 : i32
      %dma_start3A = arith.constant 0 : i32
      %dma_start3A_33 = arith.constant 0 : i32
      %dma_start3A_34 = arith.constant 0 : i32
      %dma_start3A_35 = arith.constant 0 : i32
      %dma_start3A_36 = arith.constant 0 : i32
      %dma_start3A_37 = tpu.memref_slice %arg8[%dma_start3A_33, %dma_start3A_35, %dma_start3A_36] : memref<4x64x128xf32, #tpu.memory_space<vmem>> -> memref<1x64x128xf32, #tpu.memory_space<vmem>>
      %dma_start3A_38 = tpu.memref_squeeze %dma_start3A_37 : memref<1x64x128xf32, #tpu.memory_space<vmem>> -> memref<64x128xf32, #tpu.memory_space<vmem>>
      %dma_start3A_39 = arith.constant 0 : i32
      %dma_start3A_40 = tpu.memref_slice %arg7[%add3A_32, %dma_start3A, %dma_start3A_39] : memref<40x2x64xi32, #tpu.memory_space<vmem>> -> memref<1x1x64xi32, #tpu.memory_space<vmem>>
      %dma_start3A_41 = tpu.memref_squeeze %dma_start3A_40 : memref<1x1x64xi32, #tpu.memory_space<vmem>> -> memref<64xi32, #tpu.memory_space<vmem>>
      %dma_start3A_42 = arith.constant 0 : i32
      %dma_start3A_43 = arith.constant 0 : i32
      %dma_start3A_44 = tpu.memref_slice %arg3[%dma_start3A_42, %dma_start3A_43] : memref<10000x128xf32, #tpu.memory_space<hbm>> -> memref<10000x128xf32, #tpu.memory_space<hbm>>
      %dma_start3A_45 = tpu.memref_slice %arg9[%dma_start3A_34] : memref<4x!tpu.dma_semaphore, #tpu.memory_space<semaphore_mem>> -> memref<1x!tpu.dma_semaphore, #tpu.memory_space<semaphore_mem>>
      %dma_start3A_46 = tpu.memref_squeeze %dma_start3A_45 : memref<1x!tpu.dma_semaphore, #tpu.memory_space<semaphore_mem>> -> memref<!tpu.dma_semaphore, #tpu.memory_space<semaphore_mem>>
      tpu.enqueue_indirect_dma source(%dma_start3A_44 : memref<10000x128xf32, #tpu.memory_space<hbm>>) target(%dma_start3A_38 : memref<64x128xf32, #tpu.memory_space<vmem>>) offsets(%dma_start3A_41 : memref<64xi32, #tpu.memory_space<vmem>>) semaphore(%dma_start3A_46 : memref<!tpu.dma_semaphore, #tpu.memory_space<semaphore_mem>>)
      %add3A_47 = arith.constant 1 : i32
      %add3A_48 = arith.addi %add3A_30, %add3A_47 : i32
      %dma_start3A_49 = arith.constant 0 : i32
      %dma_start3A_50 = arith.constant 1 : i32
      %dma_start3A_51 = arith.constant 1 : i32
      %dma_start3A_52 = arith.constant 0 : i32
      %dma_start3A_53 = arith.constant 0 : i32
      %dma_start3A_54 = tpu.memref_slice %arg8[%dma_start3A_50, %dma_start3A_52, %dma_start3A_53] : memref<4x64x128xf32, #tpu.memory_space<vmem>> -> memref<1x64x128xf32, #tpu.memory_space<vmem>>
      %dma_start3A_55 = tpu.memref_squeeze %dma_start3A_54 : memref<1x64x128xf32, #tpu.memory_space<vmem>> -> memref<64x128xf32, #tpu.memory_space<vmem>>
      %dma_start3A_56 = arith.constant 0 : i32
      %dma_start3A_57 = tpu.memref_slice %arg7[%add3A_48, %dma_start3A_49, %dma_start3A_56] : memref<40x2x64xi32, #tpu.memory_space<vmem>> -> memref<1x1x64xi32, #tpu.memory_space<vmem>>
      %dma_start3A_58 = tpu.memref_squeeze %dma_start3A_57 : memref<1x1x64xi32, #tpu.memory_space<vmem>> -> memref<64xi32, #tpu.memory_space<vmem>>
      %dma_start3A_59 = arith.constant 0 : i32
      %dma_start3A_60 = arith.constant 0 : i32
      %dma_start3A_61 = tpu.memref_slice %arg3[%dma_start3A_59, %dma_start3A_60] : memref<10000x128xf32, #tpu.memory_space<hbm>> -> memref<10000x128xf32, #tpu.memory_space<hbm>>
      %dma_start3A_62 = tpu.memref_slice %arg9[%dma_start3A_51] : memref<4x!tpu.dma_semaphore, #tpu.memory_space<semaphore_mem>> -> memref<1x!tpu.dma_semaphore, #tpu.memory_space<semaphore_mem>>
      %dma_start3A_63 = tpu.memref_squeeze %dma_start3A_62 : memref<1x!tpu.dma_semaphore, #tpu.memory_space<semaphore_mem>> -> memref<!tpu.dma_semaphore, #tpu.memory_space<semaphore_mem>>
      tpu.enqueue_indirect_dma source(%dma_start3A_61 : memref<10000x128xf32, #tpu.memory_space<hbm>>) target(%dma_start3A_55 : memref<64x128xf32, #tpu.memory_space<vmem>>) offsets(%dma_start3A_58 : memref<64xi32, #tpu.memory_space<vmem>>) semaphore(%dma_start3A_63 : memref<!tpu.dma_semaphore, #tpu.memory_space<semaphore_mem>>)
      %add3A_64 = arith.constant 2 : i32
      %add3A_65 = arith.addi %add3A_30, %add3A_64 : i32
      %dma_start3A_66 = arith.constant 0 : i32
      %dma_start3A_67 = arith.constant 2 : i32
      %dma_start3A_68 = arith.constant 2 : i32
      %dma_start3A_69 = arith.constant 0 : i32
      %dma_start3A_70 = arith.constant 0 : i32
      %dma_start3A_71 = tpu.memref_slice %arg8[%dma_start3A_67, %dma_start3A_69, %dma_start3A_70] : memref<4x64x128xf32, #tpu.memory_space<vmem>> -> memref<1x64x128xf32, #tpu.memory_space<vmem>>
      %dma_start3A_72 = tpu.memref_squeeze %dma_start3A_71 : memref<1x64x128xf32, #tpu.memory_space<vmem>> -> memref<64x128xf32, #tpu.memory_space<vmem>>
      %dma_start3A_73 = arith.constant 0 : i32
      %dma_start3A_74 = tpu.memref_slice %arg7[%add3A_65, %dma_start3A_66, %dma_start3A_73] : memref<40x2x64xi32, #tpu.memory_space<vmem>> -> memref<1x1x64xi32, #tpu.memory_space<vmem>>
      %dma_start3A_75 = tpu.memref_squeeze %dma_start3A_74 : memref<1x1x64xi32, #tpu.memory_space<vmem>> -> memref<64xi32, #tpu.memory_space<vmem>>
      %dma_start3A_76 = arith.constant 0 : i32
      %dma_start3A_77 = arith.constant 0 : i32
      %dma_start3A_78 = tpu.memref_slice %arg3[%dma_start3A_76, %dma_start3A_77] : memref<10000x128xf32, #tpu.memory_space<hbm>> -> memref<10000x128xf32, #tpu.memory_space<hbm>>
      %dma_start3A_79 = tpu.memref_slice %arg9[%dma_start3A_68] : memref<4x!tpu.dma_semaphore, #tpu.memory_space<semaphore_mem>> -> memref<1x!tpu.dma_semaphore, #tpu.memory_space<semaphore_mem>>
      %dma_start3A_80 = tpu.memref_squeeze %dma_start3A_79 : memref<1x!tpu.dma_semaphore, #tpu.memory_space<semaphore_mem>> -> memref<!tpu.dma_semaphore, #tpu.memory_space<semaphore_mem>>
      tpu.enqueue_indirect_dma source(%dma_start3A_78 : memref<10000x128xf32, #tpu.memory_space<hbm>>) target(%dma_start3A_72 : memref<64x128xf32, #tpu.memory_space<vmem>>) offsets(%dma_start3A_75 : memref<64xi32, #tpu.memory_space<vmem>>) semaphore(%dma_start3A_80 : memref<!tpu.dma_semaphore, #tpu.memory_space<semaphore_mem>>)
      %add3A_81 = arith.constant 3 : i32
      %add3A_82 = arith.addi %add3A_30, %add3A_81 : i32
      %dma_start3A_83 = arith.constant 0 : i32
      %dma_start3A_84 = arith.constant 3 : i32
      %dma_start3A_85 = arith.constant 3 : i32
      %dma_start3A_86 = arith.constant 0 : i32
      %dma_start3A_87 = arith.constant 0 : i32
      %dma_start3A_88 = tpu.memref_slice %arg8[%dma_start3A_84, %dma_start3A_86, %dma_start3A_87] : memref<4x64x128xf32, #tpu.memory_space<vmem>> -> memref<1x64x128xf32, #tpu.memory_space<vmem>>
      %dma_start3A_89 = tpu.memref_squeeze %dma_start3A_88 : memref<1x64x128xf32, #tpu.memory_space<vmem>> -> memref<64x128xf32, #tpu.memory_space<vmem>>
      %dma_start3A_90 = arith.constant 0 : i32
      %dma_start3A_91 = tpu.memref_slice %arg7[%add3A_82, %dma_start3A_83, %dma_start3A_90] : memref<40x2x64xi32, #tpu.memory_space<vmem>> -> memref<1x1x64xi32, #tpu.memory_space<vmem>>
      %dma_start3A_92 = tpu.memref_squeeze %dma_start3A_91 : memref<1x1x64xi32, #tpu.memory_space<vmem>> -> memref<64xi32, #tpu.memory_space<vmem>>
      %dma_start3A_93 = arith.constant 0 : i32
      %dma_start3A_94 = arith.constant 0 : i32
      %dma_start3A_95 = tpu.memref_slice %arg3[%dma_start3A_93, %dma_start3A_94] : memref<10000x128xf32, #tpu.memory_space<hbm>> -> memref<10000x128xf32, #tpu.memory_space<hbm>>
      %dma_start3A_96 = tpu.memref_slice %arg9[%dma_start3A_85] : memref<4x!tpu.dma_semaphore, #tpu.memory_space<semaphore_mem>> -> memref<1x!tpu.dma_semaphore, #tpu.memory_space<semaphore_mem>>
      %dma_start3A_97 = tpu.memref_squeeze %dma_start3A_96 : memref<1x!tpu.dma_semaphore, #tpu.memory_space<semaphore_mem>> -> memref<!tpu.dma_semaphore, #tpu.memory_space<semaphore_mem>>
      tpu.enqueue_indirect_dma source(%dma_start3A_95 : memref<10000x128xf32, #tpu.memory_space<hbm>>) target(%dma_start3A_89 : memref<64x128xf32, #tpu.memory_space<vmem>>) offsets(%dma_start3A_92 : memref<64xi32, #tpu.memory_space<vmem>>) semaphore(%dma_start3A_97 : memref<!tpu.dma_semaphore, #tpu.memory_space<semaphore_mem>>)
      %add3A_98 = arith.constant 0 : i32
      %add3A_99 = arith.addi %add3A_30, %add3A_98 : i32
      %dma_wait3A = arith.constant 0 : i32
      %dma_wait3A_100 = arith.constant 0 : i32
      %dma_wait3A_101 = arith.constant 0 : i32
      %dma_wait3A_102 = arith.constant 0 : i32
      %dma_wait3A_103 = arith.constant 0 : i32
      %dma_wait3A_104 = tpu.memref_slice %arg8[%dma_wait3A_100, %dma_wait3A_102, %dma_wait3A_103] : memref<4x64x128xf32, #tpu.memory_space<vmem>> -> memref<1x64x128xf32, #tpu.memory_space<vmem>>
      %dma_wait3A_105 = tpu.memref_squeeze %dma_wait3A_104 : memref<1x64x128xf32, #tpu.memory_space<vmem>> -> memref<64x128xf32, #tpu.memory_space<vmem>>
      %dma_wait3A_106 = arith.constant 0 : i32
      %dma_wait3A_107 = tpu.memref_slice %arg7[%add3A_99, %dma_wait3A, %dma_wait3A_106] : memref<40x2x64xi32, #tpu.memory_space<vmem>> -> memref<1x1x64xi32, #tpu.memory_space<vmem>>
      %dma_wait3A_108 = tpu.memref_squeeze %dma_wait3A_107 : memref<1x1x64xi32, #tpu.memory_space<vmem>> -> memref<64xi32, #tpu.memory_space<vmem>>
      %dma_wait3A_109 = arith.constant 0 : i32
      %dma_wait3A_110 = arith.constant 0 : i32
      %dma_wait3A_111 = tpu.memref_slice %arg3[%dma_wait3A_109, %dma_wait3A_110] : memref<10000x128xf32, #tpu.memory_space<hbm>> -> memref<10000x128xf32, #tpu.memory_space<hbm>>
      %dma_wait3A_112 = tpu.memref_slice %arg9[%dma_wait3A_101] : memref<4x!tpu.dma_semaphore, #tpu.memory_space<semaphore_mem>> -> memref<1x!tpu.dma_semaphore, #tpu.memory_space<semaphore_mem>>
      %dma_wait3A_113 = tpu.memref_squeeze %dma_wait3A_112 : memref<1x!tpu.dma_semaphore, #tpu.memory_space<semaphore_mem>> -> memref<!tpu.dma_semaphore, #tpu.memory_space<semaphore_mem>>
      tpu.wait_indirect_dma semaphore(%dma_wait3A_113 : memref<!tpu.dma_semaphore, #tpu.memory_space<semaphore_mem>>) src(%dma_wait3A_111 : memref<10000x128xf32, #tpu.memory_space<hbm>>) dst(%dma_wait3A_105 : memref<64x128xf32, #tpu.memory_space<vmem>>)
      %add3A_114 = arith.constant 1 : i32
      %add3A_115 = arith.addi %add3A_30, %add3A_114 : i32
      %dma_wait3A_116 = arith.constant 0 : i32
      %dma_wait3A_117 = arith.constant 1 : i32
      %dma_wait3A_118 = arith.constant 1 : i32
      %dma_wait3A_119 = arith.constant 0 : i32
      %dma_wait3A_120 = arith.constant 0 : i32
      %dma_wait3A_121 = tpu.memref_slice %arg8[%dma_wait3A_117, %dma_wait3A_119, %dma_wait3A_120] : memref<4x64x128xf32, #tpu.memory_space<vmem>> -> memref<1x64x128xf32, #tpu.memory_space<vmem>>
      %dma_wait3A_122 = tpu.memref_squeeze %dma_wait3A_121 : memref<1x64x128xf32, #tpu.memory_space<vmem>> -> memref<64x128xf32, #tpu.memory_space<vmem>>
      %dma_wait3A_123 = arith.constant 0 : i32
      %dma_wait3A_124 = tpu.memref_slice %arg7[%add3A_115, %dma_wait3A_116, %dma_wait3A_123] : memref<40x2x64xi32, #tpu.memory_space<vmem>> -> memref<1x1x64xi32, #tpu.memory_space<vmem>>
      %dma_wait3A_125 = tpu.memref_squeeze %dma_wait3A_124 : memref<1x1x64xi32, #tpu.memory_space<vmem>> -> memref<64xi32, #tpu.memory_space<vmem>>
      %dma_wait3A_126 = arith.constant 0 : i32
      %dma_wait3A_127 = arith.constant 0 : i32
      %dma_wait3A_128 = tpu.memref_slice %arg3[%dma_wait3A_126, %dma_wait3A_127] : memref<10000x128xf32, #tpu.memory_space<hbm>> -> memref<10000x128xf32, #tpu.memory_space<hbm>>
      %dma_wait3A_129 = tpu.memref_slice %arg9[%dma_wait3A_118] : memref<4x!tpu.dma_semaphore, #tpu.memory_space<semaphore_mem>> -> memref<1x!tpu.dma_semaphore, #tpu.memory_space<semaphore_mem>>
      %dma_wait3A_130 = tpu.memref_squeeze %dma_wait3A_129 : memref<1x!tpu.dma_semaphore, #tpu.memory_space<semaphore_mem>> -> memref<!tpu.dma_semaphore, #tpu.memory_space<semaphore_mem>>
      tpu.wait_indirect_dma semaphore(%dma_wait3A_130 : memref<!tpu.dma_semaphore, #tpu.memory_space<semaphore_mem>>) src(%dma_wait3A_128 : memref<10000x128xf32, #tpu.memory_space<hbm>>) dst(%dma_wait3A_122 : memref<64x128xf32, #tpu.memory_space<vmem>>)
      %add3A_131 = arith.constant 2 : i32
      %add3A_132 = arith.addi %add3A_30, %add3A_131 : i32
      %dma_wait3A_133 = arith.constant 0 : i32
      %dma_wait3A_134 = arith.constant 2 : i32
      %dma_wait3A_135 = arith.constant 2 : i32
      %dma_wait3A_136 = arith.constant 0 : i32
      %dma_wait3A_137 = arith.constant 0 : i32
      %dma_wait3A_138 = tpu.memref_slice %arg8[%dma_wait3A_134, %dma_wait3A_136, %dma_wait3A_137] : memref<4x64x128xf32, #tpu.memory_space<vmem>> -> memref<1x64x128xf32, #tpu.memory_space<vmem>>
      %dma_wait3A_139 = tpu.memref_squeeze %dma_wait3A_138 : memref<1x64x128xf32, #tpu.memory_space<vmem>> -> memref<64x128xf32, #tpu.memory_space<vmem>>
      %dma_wait3A_140 = arith.constant 0 : i32
      %dma_wait3A_141 = tpu.memref_slice %arg7[%add3A_132, %dma_wait3A_133, %dma_wait3A_140] : memref<40x2x64xi32, #tpu.memory_space<vmem>> -> memref<1x1x64xi32, #tpu.memory_space<vmem>>
      %dma_wait3A_142 = tpu.memref_squeeze %dma_wait3A_141 : memref<1x1x64xi32, #tpu.memory_space<vmem>> -> memref<64xi32, #tpu.memory_space<vmem>>
      %dma_wait3A_143 = arith.constant 0 : i32
      %dma_wait3A_144 = arith.constant 0 : i32
      %dma_wait3A_145 = tpu.memref_slice %arg3[%dma_wait3A_143, %dma_wait3A_144] : memref<10000x128xf32, #tpu.memory_space<hbm>> -> memref<10000x128xf32, #tpu.memory_space<hbm>>
      %dma_wait3A_146 = tpu.memref_slice %arg9[%dma_wait3A_135] : memref<4x!tpu.dma_semaphore, #tpu.memory_space<semaphore_mem>> -> memref<1x!tpu.dma_semaphore, #tpu.memory_space<semaphore_mem>>
      %dma_wait3A_147 = tpu.memref_squeeze %dma_wait3A_146 : memref<1x!tpu.dma_semaphore, #tpu.memory_space<semaphore_mem>> -> memref<!tpu.dma_semaphore, #tpu.memory_space<semaphore_mem>>
      tpu.wait_indirect_dma semaphore(%dma_wait3A_147 : memref<!tpu.dma_semaphore, #tpu.memory_space<semaphore_mem>>) src(%dma_wait3A_145 : memref<10000x128xf32, #tpu.memory_space<hbm>>) dst(%dma_wait3A_139 : memref<64x128xf32, #tpu.memory_space<vmem>>)
      %add3A_148 = arith.constant 3 : i32
      %add3A_149 = arith.addi %add3A_30, %add3A_148 : i32
      %dma_wait3A_150 = arith.constant 0 : i32
      %dma_wait3A_151 = arith.constant 3 : i32
      %dma_wait3A_152 = arith.constant 3 : i32
      %dma_wait3A_153 = arith.constant 0 : i32
      %dma_wait3A_154 = arith.constant 0 : i32
      %dma_wait3A_155 = tpu.memref_slice %arg8[%dma_wait3A_151, %dma_wait3A_153, %dma_wait3A_154] : memref<4x64x128xf32, #tpu.memory_space<vmem>> -> memref<1x64x128xf32, #tpu.memory_space<vmem>>
      %dma_wait3A_156 = tpu.memref_squeeze %dma_wait3A_155 : memref<1x64x128xf32, #tpu.memory_space<vmem>> -> memref<64x128xf32, #tpu.memory_space<vmem>>
      %dma_wait3A_157 = arith.constant 0 : i32
      %dma_wait3A_158 = tpu.memref_slice %arg7[%add3A_149, %dma_wait3A_150, %dma_wait3A_157] : memref<40x2x64xi32, #tpu.memory_space<vmem>> -> memref<1x1x64xi32, #tpu.memory_space<vmem>>
      %dma_wait3A_159 = tpu.memref_squeeze %dma_wait3A_158 : memref<1x1x64xi32, #tpu.memory_space<vmem>> -> memref<64xi32, #tpu.memory_space<vmem>>
      %dma_wait3A_160 = arith.constant 0 : i32
      %dma_wait3A_161 = arith.constant 0 : i32
      %dma_wait3A_162 = tpu.memref_slice %arg3[%dma_wait3A_160, %dma_wait3A_161] : memref<10000x128xf32, #tpu.memory_space<hbm>> -> memref<10000x128xf32, #tpu.memory_space<hbm>>
      %dma_wait3A_163 = tpu.memref_slice %arg9[%dma_wait3A_152] : memref<4x!tpu.dma_semaphore, #tpu.memory_space<semaphore_mem>> -> memref<1x!tpu.dma_semaphore, #tpu.memory_space<semaphore_mem>>
      %dma_wait3A_164 = tpu.memref_squeeze %dma_wait3A_163 : memref<1x!tpu.dma_semaphore, #tpu.memory_space<semaphore_mem>> -> memref<!tpu.dma_semaphore, #tpu.memory_space<semaphore_mem>>
      tpu.wait_indirect_dma semaphore(%dma_wait3A_164 : memref<!tpu.dma_semaphore, #tpu.memory_space<semaphore_mem>>) src(%dma_wait3A_162 : memref<10000x128xf32, #tpu.memory_space<hbm>>) dst(%dma_wait3A_156 : memref<64x128xf32, #tpu.memory_space<vmem>>)
      %add3A_165 = arith.constant 0 : i32
      %add3A_166 = arith.addi %add3A_30, %add3A_165 : i32
      %run_scoped3A_167 = arith.constant 0 : i32
      %run_scoped3A_168 = arith.constant 1 : i32
      "tpu.region"() ({
        %run_scoped3A_181 = tpu.sem_alloc : memref<!tpu.dma_semaphore, #tpu.memory_space<semaphore_mem>>
        %dma_start3A_182 = arith.constant 0 : i32
        %dma_start3A_183 = arith.constant 0 : i32
        %dma_start3A_184 = tpu.memref_slice %arg8[%run_scoped3A_167, %dma_start3A_182, %dma_start3A_183] : memref<4x64x128xf32, #tpu.memory_space<vmem>> -> memref<1x64x128xf32, #tpu.memory_space<vmem>>
        %dma_start3A_185 = tpu.memref_squeeze %dma_start3A_184 : memref<1x64x128xf32, #tpu.memory_space<vmem>> -> memref<64x128xf32, #tpu.memory_space<vmem>>
        %dma_start3A_186 = arith.constant 0 : i32
        %dma_start3A_187 = tpu.memref_slice %arg7[%add3A_166, %run_scoped3A_168, %dma_start3A_186] : memref<40x2x64xi32, #tpu.memory_space<vmem>> -> memref<1x1x64xi32, #tpu.memory_space<vmem>>
        %dma_start3A_188 = tpu.memref_squeeze %dma_start3A_187 : memref<1x1x64xi32, #tpu.memory_space<vmem>> -> memref<64xi32, #tpu.memory_space<vmem>>
        %dma_start3A_189 = arith.constant 0 : i32
        %dma_start3A_190 = arith.constant 0 : i32
        %dma_start3A_191 = tpu.memref_slice %arg6[%dma_start3A_189, %dma_start3A_190] : memref<10240x128xf32, #tpu.memory_space<vmem_shared>> -> memref<10240x128xf32, #tpu.memory_space<vmem_shared>>
        tpu.enqueue_indirect_dma source(%dma_start3A_185 : memref<64x128xf32, #tpu.memory_space<vmem>>) target(%dma_start3A_191 : memref<10240x128xf32, #tpu.memory_space<vmem_shared>>) offsets(%dma_start3A_188 : memref<64xi32, #tpu.memory_space<vmem>>) semaphore(%run_scoped3A_181 : memref<!tpu.dma_semaphore, #tpu.memory_space<semaphore_mem>>) {add = true}
        %dma_wait3A_192 = arith.constant 0 : i32
        %dma_wait3A_193 = arith.constant 0 : i32
        %dma_wait3A_194 = tpu.memref_slice %arg8[%run_scoped3A_167, %dma_wait3A_192, %dma_wait3A_193] : memref<4x64x128xf32, #tpu.memory_space<vmem>> -> memref<1x64x128xf32, #tpu.memory_space<vmem>>
        %dma_wait3A_195 = tpu.memref_squeeze %dma_wait3A_194 : memref<1x64x128xf32, #tpu.memory_space<vmem>> -> memref<64x128xf32, #tpu.memory_space<vmem>>
        %dma_wait3A_196 = arith.constant 0 : i32
        %dma_wait3A_197 = tpu.memref_slice %arg7[%add3A_166, %run_scoped3A_168, %dma_wait3A_196] : memref<40x2x64xi32, #tpu.memory_space<vmem>> -> memref<1x1x64xi32, #tpu.memory_space<vmem>>
        %dma_wait3A_198 = tpu.memref_squeeze %dma_wait3A_197 : memref<1x1x64xi32, #tpu.memory_space<vmem>> -> memref<64xi32, #tpu.memory_space<vmem>>
        %dma_wait3A_199 = arith.constant 0 : i32
        %dma_wait3A_200 = arith.constant 0 : i32
        %dma_wait3A_201 = tpu.memref_slice %arg6[%dma_wait3A_199, %dma_wait3A_200] : memref<10240x128xf32, #tpu.memory_space<vmem_shared>> -> memref<10240x128xf32, #tpu.memory_space<vmem_shared>>
        tpu.wait_indirect_dma semaphore(%run_scoped3A_181 : memref<!tpu.dma_semaphore, #tpu.memory_space<semaphore_mem>>) src(%dma_wait3A_195 : memref<64x128xf32, #tpu.memory_space<vmem>>) dst(%dma_wait3A_201 : memref<10240x128xf32, #tpu.memory_space<vmem_shared>>)
        tpu.yield
      }) : () -> ()
      %add3A_169 = arith.constant 1 : i32
      %add3A_170 = arith.addi %add3A_30, %add3A_169 : i32
      %run_scoped3A_171 = arith.constant 1 : i32
      %run_scoped3A_172 = arith.constant 1 : i32
      "tpu.region"() ({
        %run_scoped3A_181 = tpu.sem_alloc : memref<!tpu.dma_semaphore, #tpu.memory_space<semaphore_mem>>
        %dma_start3A_182 = arith.constant 0 : i32
        %dma_start3A_183 = arith.constant 0 : i32
        %dma_start3A_184 = tpu.memref_slice %arg8[%run_scoped3A_171, %dma_start3A_182, %dma_start3A_183] : memref<4x64x128xf32, #tpu.memory_space<vmem>> -> memref<1x64x128xf32, #tpu.memory_space<vmem>>
        %dma_start3A_185 = tpu.memref_squeeze %dma_start3A_184 : memref<1x64x128xf32, #tpu.memory_space<vmem>> -> memref<64x128xf32, #tpu.memory_space<vmem>>
        %dma_start3A_186 = arith.constant 0 : i32
        %dma_start3A_187 = tpu.memref_slice %arg7[%add3A_170, %run_scoped3A_172, %dma_start3A_186] : memref<40x2x64xi32, #tpu.memory_space<vmem>> -> memref<1x1x64xi32, #tpu.memory_space<vmem>>
        %dma_start3A_188 = tpu.memref_squeeze %dma_start3A_187 : memref<1x1x64xi32, #tpu.memory_space<vmem>> -> memref<64xi32, #tpu.memory_space<vmem>>
        %dma_start3A_189 = arith.constant 0 : i32
        %dma_start3A_190 = arith.constant 0 : i32
        %dma_start3A_191 = tpu.memref_slice %arg6[%dma_start3A_189, %dma_start3A_190] : memref<10240x128xf32, #tpu.memory_space<vmem_shared>> -> memref<10240x128xf32, #tpu.memory_space<vmem_shared>>
        tpu.enqueue_indirect_dma source(%dma_start3A_185 : memref<64x128xf32, #tpu.memory_space<vmem>>) target(%dma_start3A_191 : memref<10240x128xf32, #tpu.memory_space<vmem_shared>>) offsets(%dma_start3A_188 : memref<64xi32, #tpu.memory_space<vmem>>) semaphore(%run_scoped3A_181 : memref<!tpu.dma_semaphore, #tpu.memory_space<semaphore_mem>>) {add = true}
        %dma_wait3A_192 = arith.constant 0 : i32
        %dma_wait3A_193 = arith.constant 0 : i32
        %dma_wait3A_194 = tpu.memref_slice %arg8[%run_scoped3A_171, %dma_wait3A_192, %dma_wait3A_193] : memref<4x64x128xf32, #tpu.memory_space<vmem>> -> memref<1x64x128xf32, #tpu.memory_space<vmem>>
        %dma_wait3A_195 = tpu.memref_squeeze %dma_wait3A_194 : memref<1x64x128xf32, #tpu.memory_space<vmem>> -> memref<64x128xf32, #tpu.memory_space<vmem>>
        %dma_wait3A_196 = arith.constant 0 : i32
        %dma_wait3A_197 = tpu.memref_slice %arg7[%add3A_170, %run_scoped3A_172, %dma_wait3A_196] : memref<40x2x64xi32, #tpu.memory_space<vmem>> -> memref<1x1x64xi32, #tpu.memory_space<vmem>>
        %dma_wait3A_198 = tpu.memref_squeeze %dma_wait3A_197 : memref<1x1x64xi32, #tpu.memory_space<vmem>> -> memref<64xi32, #tpu.memory_space<vmem>>
        %dma_wait3A_199 = arith.constant 0 : i32
        %dma_wait3A_200 = arith.constant 0 : i32
        %dma_wait3A_201 = tpu.memref_slice %arg6[%dma_wait3A_199, %dma_wait3A_200] : memref<10240x128xf32, #tpu.memory_space<vmem_shared>> -> memref<10240x128xf32, #tpu.memory_space<vmem_shared>>
        tpu.wait_indirect_dma semaphore(%run_scoped3A_181 : memref<!tpu.dma_semaphore, #tpu.memory_space<semaphore_mem>>) src(%dma_wait3A_195 : memref<64x128xf32, #tpu.memory_space<vmem>>) dst(%dma_wait3A_201 : memref<10240x128xf32, #tpu.memory_space<vmem_shared>>)
        tpu.yield
      }) : () -> ()
      %add3A_173 = arith.constant 2 : i32
      %add3A_174 = arith.addi %add3A_30, %add3A_173 : i32
      %run_scoped3A_175 = arith.constant 2 : i32
      %run_scoped3A_176 = arith.constant 1 : i32
      "tpu.region"() ({
        %run_scoped3A_181 = tpu.sem_alloc : memref<!tpu.dma_semaphore, #tpu.memory_space<semaphore_mem>>
        %dma_start3A_182 = arith.constant 0 : i32
        %dma_start3A_183 = arith.constant 0 : i32
        %dma_start3A_184 = tpu.memref_slice %arg8[%run_scoped3A_175, %dma_start3A_182, %dma_start3A_183] : memref<4x64x128xf32, #tpu.memory_space<vmem>> -> memref<1x64x128xf32, #tpu.memory_space<vmem>>
        %dma_start3A_185 = tpu.memref_squeeze %dma_start3A_184 : memref<1x64x128xf32, #tpu.memory_space<vmem>> -> memref<64x128xf32, #tpu.memory_space<vmem>>
        %dma_start3A_186 = arith.constant 0 : i32
        %dma_start3A_187 = tpu.memref_slice %arg7[%add3A_174, %run_scoped3A_176, %dma_start3A_186] : memref<40x2x64xi32, #tpu.memory_space<vmem>> -> memref<1x1x64xi32, #tpu.memory_space<vmem>>
        %dma_start3A_188 = tpu.memref_squeeze %dma_start3A_187 : memref<1x1x64xi32, #tpu.memory_space<vmem>> -> memref<64xi32, #tpu.memory_space<vmem>>
        %dma_start3A_189 = arith.constant 0 : i32
        %dma_start3A_190 = arith.constant 0 : i32
        %dma_start3A_191 = tpu.memref_slice %arg6[%dma_start3A_189, %dma_start3A_190] : memref<10240x128xf32, #tpu.memory_space<vmem_shared>> -> memref<10240x128xf32, #tpu.memory_space<vmem_shared>>
        tpu.enqueue_indirect_dma source(%dma_start3A_185 : memref<64x128xf32, #tpu.memory_space<vmem>>) target(%dma_start3A_191 : memref<10240x128xf32, #tpu.memory_space<vmem_shared>>) offsets(%dma_start3A_188 : memref<64xi32, #tpu.memory_space<vmem>>) semaphore(%run_scoped3A_181 : memref<!tpu.dma_semaphore, #tpu.memory_space<semaphore_mem>>) {add = true}
        %dma_wait3A_192 = arith.constant 0 : i32
        %dma_wait3A_193 = arith.constant 0 : i32
        %dma_wait3A_194 = tpu.memref_slice %arg8[%run_scoped3A_175, %dma_wait3A_192, %dma_wait3A_193] : memref<4x64x128xf32, #tpu.memory_space<vmem>> -> memref<1x64x128xf32, #tpu.memory_space<vmem>>
        %dma_wait3A_195 = tpu.memref_squeeze %dma_wait3A_194 : memref<1x64x128xf32, #tpu.memory_space<vmem>> -> memref<64x128xf32, #tpu.memory_space<vmem>>
        %dma_wait3A_196 = arith.constant 0 : i32
        %dma_wait3A_197 = tpu.memref_slice %arg7[%add3A_174, %run_scoped3A_176, %dma_wait3A_196] : memref<40x2x64xi32, #tpu.memory_space<vmem>> -> memref<1x1x64xi32, #tpu.memory_space<vmem>>
        %dma_wait3A_198 = tpu.memref_squeeze %dma_wait3A_197 : memref<1x1x64xi32, #tpu.memory_space<vmem>> -> memref<64xi32, #tpu.memory_space<vmem>>
        %dma_wait3A_199 = arith.constant 0 : i32
        %dma_wait3A_200 = arith.constant 0 : i32
        %dma_wait3A_201 = tpu.memref_slice %arg6[%dma_wait3A_199, %dma_wait3A_200] : memref<10240x128xf32, #tpu.memory_space<vmem_shared>> -> memref<10240x128xf32, #tpu.memory_space<vmem_shared>>
        tpu.wait_indirect_dma semaphore(%run_scoped3A_181 : memref<!tpu.dma_semaphore, #tpu.memory_space<semaphore_mem>>) src(%dma_wait3A_195 : memref<64x128xf32, #tpu.memory_space<vmem>>) dst(%dma_wait3A_201 : memref<10240x128xf32, #tpu.memory_space<vmem_shared>>)
        tpu.yield
      }) : () -> ()
      %add3A_177 = arith.constant 3 : i32
      %add3A_178 = arith.addi %add3A_30, %add3A_177 : i32
      %run_scoped3A_179 = arith.constant 3 : i32
      %run_scoped3A_180 = arith.constant 1 : i32
      "tpu.region"() ({
        %run_scoped3A_181 = tpu.sem_alloc : memref<!tpu.dma_semaphore, #tpu.memory_space<semaphore_mem>>
        %dma_start3A_182 = arith.constant 0 : i32
        %dma_start3A_183 = arith.constant 0 : i32
        %dma_start3A_184 = tpu.memref_slice %arg8[%run_scoped3A_179, %dma_start3A_182, %dma_start3A_183] : memref<4x64x128xf32, #tpu.memory_space<vmem>> -> memref<1x64x128xf32, #tpu.memory_space<vmem>>
        %dma_start3A_185 = tpu.memref_squeeze %dma_start3A_184 : memref<1x64x128xf32, #tpu.memory_space<vmem>> -> memref<64x128xf32, #tpu.memory_space<vmem>>
        %dma_start3A_186 = arith.constant 0 : i32
        %dma_start3A_187 = tpu.memref_slice %arg7[%add3A_178, %run_scoped3A_180, %dma_start3A_186] : memref<40x2x64xi32, #tpu.memory_space<vmem>> -> memref<1x1x64xi32, #tpu.memory_space<vmem>>
        %dma_start3A_188 = tpu.memref_squeeze %dma_start3A_187 : memref<1x1x64xi32, #tpu.memory_space<vmem>> -> memref<64xi32, #tpu.memory_space<vmem>>
        %dma_start3A_189 = arith.constant 0 : i32
        %dma_start3A_190 = arith.constant 0 : i32
        %dma_start3A_191 = tpu.memref_slice %arg6[%dma_start3A_189, %dma_start3A_190] : memref<10240x128xf32, #tpu.memory_space<vmem_shared>> -> memref<10240x128xf32, #tpu.memory_space<vmem_shared>>
        tpu.enqueue_indirect_dma source(%dma_start3A_185 : memref<64x128xf32, #tpu.memory_space<vmem>>) target(%dma_start3A_191 : memref<10240x128xf32, #tpu.memory_space<vmem_shared>>) offsets(%dma_start3A_188 : memref<64xi32, #tpu.memory_space<vmem>>) semaphore(%run_scoped3A_181 : memref<!tpu.dma_semaphore, #tpu.memory_space<semaphore_mem>>) {add = true}
        %dma_wait3A_192 = arith.constant 0 : i32
        %dma_wait3A_193 = arith.constant 0 : i32
        %dma_wait3A_194 = tpu.memref_slice %arg8[%run_scoped3A_179, %dma_wait3A_192, %dma_wait3A_193] : memref<4x64x128xf32, #tpu.memory_space<vmem>> -> memref<1x64x128xf32, #tpu.memory_space<vmem>>
        %dma_wait3A_195 = tpu.memref_squeeze %dma_wait3A_194 : memref<1x64x128xf32, #tpu.memory_space<vmem>> -> memref<64x128xf32, #tpu.memory_space<vmem>>
        %dma_wait3A_196 = arith.constant 0 : i32
        %dma_wait3A_197 = tpu.memref_slice %arg7[%add3A_178, %run_scoped3A_180, %dma_wait3A_196] : memref<40x2x64xi32, #tpu.memory_space<vmem>> -> memref<1x1x64xi32, #tpu.memory_space<vmem>>
        %dma_wait3A_198 = tpu.memref_squeeze %dma_wait3A_197 : memref<1x1x64xi32, #tpu.memory_space<vmem>> -> memref<64xi32, #tpu.memory_space<vmem>>
        %dma_wait3A_199 = arith.constant 0 : i32
        %dma_wait3A_200 = arith.constant 0 : i32
        %dma_wait3A_201 = tpu.memref_slice %arg6[%dma_wait3A_199, %dma_wait3A_200] : memref<10240x128xf32, #tpu.memory_space<vmem_shared>> -> memref<10240x128xf32, #tpu.memory_space<vmem_shared>>
        tpu.wait_indirect_dma semaphore(%run_scoped3A_181 : memref<!tpu.dma_semaphore, #tpu.memory_space<semaphore_mem>>) src(%dma_wait3A_195 : memref<64x128xf32, #tpu.memory_space<vmem>>) dst(%dma_wait3A_201 : memref<10240x128xf32, #tpu.memory_space<vmem_shared>>)
        tpu.yield
      }) : () -> ()
    }
    %scan3A_18 = arith.constant 10 : i32
    %run_scoped3A_19 = arith.constant 3 : i32
    "tpu.region"() ({
      %run_scoped3A_26 = tpu.sem_alloc : memref<!tpu.dma_semaphore, #tpu.memory_space<semaphore_mem>>
      %dma_start3A = arith.constant 0 : i32
      %dma_start3A_27 = arith.constant 0 : i32
      %dma_start3A_28 = arith.constant 0 : i32
      %dma_start3A_29 = tpu.memref_slice %arg2[%add3A, %run_scoped3A_19, %dma_start3A, %dma_start3A_27, %dma_start3A_28] : memref<32x4x40x2x64xi32, #tpu.memory_space<hbm>> -> memref<1x1x40x2x64xi32, #tpu.memory_space<hbm>>
      %dma_start3A_30 = tpu.memref_squeeze %dma_start3A_29 : memref<1x1x40x2x64xi32, #tpu.memory_space<hbm>> -> memref<40x2x64xi32, #tpu.memory_space<hbm>>
      %dma_start3A_31 = arith.constant 0 : i32
      %dma_start3A_32 = arith.constant 0 : i32
      %dma_start3A_33 = arith.constant 0 : i32
      %dma_start3A_34 = tpu.memref_slice %arg2[%add3A, %run_scoped3A_19, %dma_start3A_31, %dma_start3A_32, %dma_start3A_33] : memref<32x4x40x2x64xi32, #tpu.memory_space<hbm>> -> memref<1x1x40x2x64xi32, #tpu.memory_space<hbm>>
      %dma_start3A_35 = tpu.memref_squeeze %dma_start3A_34 : memref<1x1x40x2x64xi32, #tpu.memory_space<hbm>> -> memref<40x2x64xi32, #tpu.memory_space<hbm>>
      tpu.enqueue_dma source(%dma_start3A_35 : memref<40x2x64xi32, #tpu.memory_space<hbm>>) target(%arg7 : memref<40x2x64xi32, #tpu.memory_space<vmem>>) target_semaphore(%run_scoped3A_26 : memref<!tpu.dma_semaphore, #tpu.memory_space<semaphore_mem>>)
      %dma_wait3A = arith.constant 0 : i32
      %dma_wait3A_36 = arith.constant 0 : i32
      %dma_wait3A_37 = arith.constant 0 : i32
      %dma_wait3A_38 = tpu.memref_slice %arg2[%add3A, %run_scoped3A_19, %dma_wait3A, %dma_wait3A_36, %dma_wait3A_37] : memref<32x4x40x2x64xi32, #tpu.memory_space<hbm>> -> memref<1x1x40x2x64xi32, #tpu.memory_space<hbm>>
      %dma_wait3A_39 = tpu.memref_squeeze %dma_wait3A_38 : memref<1x1x40x2x64xi32, #tpu.memory_space<hbm>> -> memref<40x2x64xi32, #tpu.memory_space<hbm>>
      %dma_wait3A_40 = arith.constant 0 : i32
      %dma_wait3A_41 = arith.constant 0 : i32
      %dma_wait3A_42 = arith.constant 0 : i32
      %dma_wait3A_43 = tpu.memref_slice %arg2[%add3A, %run_scoped3A_19, %dma_wait3A_40, %dma_wait3A_41, %dma_wait3A_42] : memref<32x4x40x2x64xi32, #tpu.memory_space<hbm>> -> memref<1x1x40x2x64xi32, #tpu.memory_space<hbm>>
      %dma_wait3A_44 = tpu.memref_squeeze %dma_wait3A_43 : memref<1x1x40x2x64xi32, #tpu.memory_space<hbm>> -> memref<40x2x64xi32, #tpu.memory_space<hbm>>
      tpu.wait_dma2 semaphore(%run_scoped3A_26 : memref<!tpu.dma_semaphore, #tpu.memory_space<semaphore_mem>>) src(%dma_wait3A_44 : memref<40x2x64xi32, #tpu.memory_space<hbm>>) dst(%arg7 : memref<40x2x64xi32, #tpu.memory_space<vmem>>)
      tpu.yield
    }) : () -> ()
    %scan3A_20 = arith.constant 0 : i32
    %scan3A_21 = arith.constant 10 : i32
    %scan3A_22 = arith.addi %scan3A_20, %scan3A_21 : i32
    %scan3A_23 = arith.constant 1 : i32
    scf.for %scan3A_26 = %scan3A_20 to %scan3A_22 step %scan3A_23  : i32 {
      %mul3A_27 = arith.constant 4 : i32
      %mul3A_28 = arith.muli %scan3A_26, %mul3A_27 : i32
      %add3A_29 = arith.constant 0 : i32
      %add3A_30 = arith.addi %add3A_29, %mul3A_28 : i32
      %add3A_31 = arith.constant 0 : i32
      %add3A_32 = arith.addi %add3A_30, %add3A_31 : i32
      %dma_start3A = arith.constant 0 : i32
      %dma_start3A_33 = arith.constant 0 : i32
      %dma_start3A_34 = arith.constant 0 : i32
      %dma_start3A_35 = arith.constant 0 : i32
      %dma_start3A_36 = arith.constant 0 : i32
      %dma_start3A_37 = tpu.memref_slice %arg8[%dma_start3A_33, %dma_start3A_35, %dma_start3A_36] : memref<4x64x128xf32, #tpu.memory_space<vmem>> -> memref<1x64x128xf32, #tpu.memory_space<vmem>>
      %dma_start3A_38 = tpu.memref_squeeze %dma_start3A_37 : memref<1x64x128xf32, #tpu.memory_space<vmem>> -> memref<64x128xf32, #tpu.memory_space<vmem>>
      %dma_start3A_39 = arith.constant 0 : i32
      %dma_start3A_40 = tpu.memref_slice %arg7[%add3A_32, %dma_start3A, %dma_start3A_39] : memref<40x2x64xi32, #tpu.memory_space<vmem>> -> memref<1x1x64xi32, #tpu.memory_space<vmem>>
      %dma_start3A_41 = tpu.memref_squeeze %dma_start3A_40 : memref<1x1x64xi32, #tpu.memory_space<vmem>> -> memref<64xi32, #tpu.memory_space<vmem>>
      %dma_start3A_42 = arith.constant 0 : i32
      %dma_start3A_43 = arith.constant 0 : i32
      %dma_start3A_44 = tpu.memref_slice %arg3[%dma_start3A_42, %dma_start3A_43] : memref<10000x128xf32, #tpu.memory_space<hbm>> -> memref<10000x128xf32, #tpu.memory_space<hbm>>
      %dma_start3A_45 = tpu.memref_slice %arg9[%dma_start3A_34] : memref<4x!tpu.dma_semaphore, #tpu.memory_space<semaphore_mem>> -> memref<1x!tpu.dma_semaphore, #tpu.memory_space<semaphore_mem>>
      %dma_start3A_46 = tpu.memref_squeeze %dma_start3A_45 : memref<1x!tpu.dma_semaphore, #tpu.memory_space<semaphore_mem>> -> memref<!tpu.dma_semaphore, #tpu.memory_space<semaphore_mem>>
      tpu.enqueue_indirect_dma source(%dma_start3A_44 : memref<10000x128xf32, #tpu.memory_space<hbm>>) target(%dma_start3A_38 : memref<64x128xf32, #tpu.memory_space<vmem>>) offsets(%dma_start3A_41 : memref<64xi32, #tpu.memory_space<vmem>>) semaphore(%dma_start3A_46 : memref<!tpu.dma_semaphore, #tpu.memory_space<semaphore_mem>>)
      %add3A_47 = arith.constant 1 : i32
      %add3A_48 = arith.addi %add3A_30, %add3A_47 : i32
      %dma_start3A_49 = arith.constant 0 : i32
      %dma_start3A_50 = arith.constant 1 : i32
      %dma_start3A_51 = arith.constant 1 : i32
      %dma_start3A_52 = arith.constant 0 : i32
      %dma_start3A_53 = arith.constant 0 : i32
      %dma_start3A_54 = tpu.memref_slice %arg8[%dma_start3A_50, %dma_start3A_52, %dma_start3A_53] : memref<4x64x128xf32, #tpu.memory_space<vmem>> -> memref<1x64x128xf32, #tpu.memory_space<vmem>>
      %dma_start3A_55 = tpu.memref_squeeze %dma_start3A_54 : memref<1x64x128xf32, #tpu.memory_space<vmem>> -> memref<64x128xf32, #tpu.memory_space<vmem>>
      %dma_start3A_56 = arith.constant 0 : i32
      %dma_start3A_57 = tpu.memref_slice %arg7[%add3A_48, %dma_start3A_49, %dma_start3A_56] : memref<40x2x64xi32, #tpu.memory_space<vmem>> -> memref<1x1x64xi32, #tpu.memory_space<vmem>>
      %dma_start3A_58 = tpu.memref_squeeze %dma_start3A_57 : memref<1x1x64xi32, #tpu.memory_space<vmem>> -> memref<64xi32, #tpu.memory_space<vmem>>
      %dma_start3A_59 = arith.constant 0 : i32
      %dma_start3A_60 = arith.constant 0 : i32
      %dma_start3A_61 = tpu.memref_slice %arg3[%dma_start3A_59, %dma_start3A_60] : memref<10000x128xf32, #tpu.memory_space<hbm>> -> memref<10000x128xf32, #tpu.memory_space<hbm>>
      %dma_start3A_62 = tpu.memref_slice %arg9[%dma_start3A_51] : memref<4x!tpu.dma_semaphore, #tpu.memory_space<semaphore_mem>> -> memref<1x!tpu.dma_semaphore, #tpu.memory_space<semaphore_mem>>
      %dma_start3A_63 = tpu.memref_squeeze %dma_start3A_62 : memref<1x!tpu.dma_semaphore, #tpu.memory_space<semaphore_mem>> -> memref<!tpu.dma_semaphore, #tpu.memory_space<semaphore_mem>>
      tpu.enqueue_indirect_dma source(%dma_start3A_61 : memref<10000x128xf32, #tpu.memory_space<hbm>>) target(%dma_start3A_55 : memref<64x128xf32, #tpu.memory_space<vmem>>) offsets(%dma_start3A_58 : memref<64xi32, #tpu.memory_space<vmem>>) semaphore(%dma_start3A_63 : memref<!tpu.dma_semaphore, #tpu.memory_space<semaphore_mem>>)
      %add3A_64 = arith.constant 2 : i32
      %add3A_65 = arith.addi %add3A_30, %add3A_64 : i32
      %dma_start3A_66 = arith.constant 0 : i32
      %dma_start3A_67 = arith.constant 2 : i32
      %dma_start3A_68 = arith.constant 2 : i32
      %dma_start3A_69 = arith.constant 0 : i32
      %dma_start3A_70 = arith.constant 0 : i32
      %dma_start3A_71 = tpu.memref_slice %arg8[%dma_start3A_67, %dma_start3A_69, %dma_start3A_70] : memref<4x64x128xf32, #tpu.memory_space<vmem>> -> memref<1x64x128xf32, #tpu.memory_space<vmem>>
      %dma_start3A_72 = tpu.memref_squeeze %dma_start3A_71 : memref<1x64x128xf32, #tpu.memory_space<vmem>> -> memref<64x128xf32, #tpu.memory_space<vmem>>
      %dma_start3A_73 = arith.constant 0 : i32
      %dma_start3A_74 = tpu.memref_slice %arg7[%add3A_65, %dma_start3A_66, %dma_start3A_73] : memref<40x2x64xi32, #tpu.memory_space<vmem>> -> memref<1x1x64xi32, #tpu.memory_space<vmem>>
      %dma_start3A_75 = tpu.memref_squeeze %dma_start3A_74 : memref<1x1x64xi32, #tpu.memory_space<vmem>> -> memref<64xi32, #tpu.memory_space<vmem>>
      %dma_start3A_76 = arith.constant 0 : i32
      %dma_start3A_77 = arith.constant 0 : i32
      %dma_start3A_78 = tpu.memref_slice %arg3[%dma_start3A_76, %dma_start3A_77] : memref<10000x128xf32, #tpu.memory_space<hbm>> -> memref<10000x128xf32, #tpu.memory_space<hbm>>
      %dma_start3A_79 = tpu.memref_slice %arg9[%dma_start3A_68] : memref<4x!tpu.dma_semaphore, #tpu.memory_space<semaphore_mem>> -> memref<1x!tpu.dma_semaphore, #tpu.memory_space<semaphore_mem>>
      %dma_start3A_80 = tpu.memref_squeeze %dma_start3A_79 : memref<1x!tpu.dma_semaphore, #tpu.memory_space<semaphore_mem>> -> memref<!tpu.dma_semaphore, #tpu.memory_space<semaphore_mem>>
      tpu.enqueue_indirect_dma source(%dma_start3A_78 : memref<10000x128xf32, #tpu.memory_space<hbm>>) target(%dma_start3A_72 : memref<64x128xf32, #tpu.memory_space<vmem>>) offsets(%dma_start3A_75 : memref<64xi32, #tpu.memory_space<vmem>>) semaphore(%dma_start3A_80 : memref<!tpu.dma_semaphore, #tpu.memory_space<semaphore_mem>>)
      %add3A_81 = arith.constant 3 : i32
      %add3A_82 = arith.addi %add3A_30, %add3A_81 : i32
      %dma_start3A_83 = arith.constant 0 : i32
      %dma_start3A_84 = arith.constant 3 : i32
      %dma_start3A_85 = arith.constant 3 : i32
      %dma_start3A_86 = arith.constant 0 : i32
      %dma_start3A_87 = arith.constant 0 : i32
      %dma_start3A_88 = tpu.memref_slice %arg8[%dma_start3A_84, %dma_start3A_86, %dma_start3A_87] : memref<4x64x128xf32, #tpu.memory_space<vmem>> -> memref<1x64x128xf32, #tpu.memory_space<vmem>>
      %dma_start3A_89 = tpu.memref_squeeze %dma_start3A_88 : memref<1x64x128xf32, #tpu.memory_space<vmem>> -> memref<64x128xf32, #tpu.memory_space<vmem>>
      %dma_start3A_90 = arith.constant 0 : i32
      %dma_start3A_91 = tpu.memref_slice %arg7[%add3A_82, %dma_start3A_83, %dma_start3A_90] : memref<40x2x64xi32, #tpu.memory_space<vmem>> -> memref<1x1x64xi32, #tpu.memory_space<vmem>>
      %dma_start3A_92 = tpu.memref_squeeze %dma_start3A_91 : memref<1x1x64xi32, #tpu.memory_space<vmem>> -> memref<64xi32, #tpu.memory_space<vmem>>
      %dma_start3A_93 = arith.constant 0 : i32
      %dma_start3A_94 = arith.constant 0 : i32
      %dma_start3A_95 = tpu.memref_slice %arg3[%dma_start3A_93, %dma_start3A_94] : memref<10000x128xf32, #tpu.memory_space<hbm>> -> memref<10000x128xf32, #tpu.memory_space<hbm>>
      %dma_start3A_96 = tpu.memref_slice %arg9[%dma_start3A_85] : memref<4x!tpu.dma_semaphore, #tpu.memory_space<semaphore_mem>> -> memref<1x!tpu.dma_semaphore, #tpu.memory_space<semaphore_mem>>
      %dma_start3A_97 = tpu.memref_squeeze %dma_start3A_96 : memref<1x!tpu.dma_semaphore, #tpu.memory_space<semaphore_mem>> -> memref<!tpu.dma_semaphore, #tpu.memory_space<semaphore_mem>>
      tpu.enqueue_indirect_dma source(%dma_start3A_95 : memref<10000x128xf32, #tpu.memory_space<hbm>>) target(%dma_start3A_89 : memref<64x128xf32, #tpu.memory_space<vmem>>) offsets(%dma_start3A_92 : memref<64xi32, #tpu.memory_space<vmem>>) semaphore(%dma_start3A_97 : memref<!tpu.dma_semaphore, #tpu.memory_space<semaphore_mem>>)
      %add3A_98 = arith.constant 0 : i32
      %add3A_99 = arith.addi %add3A_30, %add3A_98 : i32
      %dma_wait3A = arith.constant 0 : i32
      %dma_wait3A_100 = arith.constant 0 : i32
      %dma_wait3A_101 = arith.constant 0 : i32
      %dma_wait3A_102 = arith.constant 0 : i32
      %dma_wait3A_103 = arith.constant 0 : i32
      %dma_wait3A_104 = tpu.memref_slice %arg8[%dma_wait3A_100, %dma_wait3A_102, %dma_wait3A_103] : memref<4x64x128xf32, #tpu.memory_space<vmem>> -> memref<1x64x128xf32, #tpu.memory_space<vmem>>
      %dma_wait3A_105 = tpu.memref_squeeze %dma_wait3A_104 : memref<1x64x128xf32, #tpu.memory_space<vmem>> -> memref<64x128xf32, #tpu.memory_space<vmem>>
      %dma_wait3A_106 = arith.constant 0 : i32
      %dma_wait3A_107 = tpu.memref_slice %arg7[%add3A_99, %dma_wait3A, %dma_wait3A_106] : memref<40x2x64xi32, #tpu.memory_space<vmem>> -> memref<1x1x64xi32, #tpu.memory_space<vmem>>
      %dma_wait3A_108 = tpu.memref_squeeze %dma_wait3A_107 : memref<1x1x64xi32, #tpu.memory_space<vmem>> -> memref<64xi32, #tpu.memory_space<vmem>>
      %dma_wait3A_109 = arith.constant 0 : i32
      %dma_wait3A_110 = arith.constant 0 : i32
      %dma_wait3A_111 = tpu.memref_slice %arg3[%dma_wait3A_109, %dma_wait3A_110] : memref<10000x128xf32, #tpu.memory_space<hbm>> -> memref<10000x128xf32, #tpu.memory_space<hbm>>
      %dma_wait3A_112 = tpu.memref_slice %arg9[%dma_wait3A_101] : memref<4x!tpu.dma_semaphore, #tpu.memory_space<semaphore_mem>> -> memref<1x!tpu.dma_semaphore, #tpu.memory_space<semaphore_mem>>
      %dma_wait3A_113 = tpu.memref_squeeze %dma_wait3A_112 : memref<1x!tpu.dma_semaphore, #tpu.memory_space<semaphore_mem>> -> memref<!tpu.dma_semaphore, #tpu.memory_space<semaphore_mem>>
      tpu.wait_indirect_dma semaphore(%dma_wait3A_113 : memref<!tpu.dma_semaphore, #tpu.memory_space<semaphore_mem>>) src(%dma_wait3A_111 : memref<10000x128xf32, #tpu.memory_space<hbm>>) dst(%dma_wait3A_105 : memref<64x128xf32, #tpu.memory_space<vmem>>)
      %add3A_114 = arith.constant 1 : i32
      %add3A_115 = arith.addi %add3A_30, %add3A_114 : i32
      %dma_wait3A_116 = arith.constant 0 : i32
      %dma_wait3A_117 = arith.constant 1 : i32
      %dma_wait3A_118 = arith.constant 1 : i32
      %dma_wait3A_119 = arith.constant 0 : i32
      %dma_wait3A_120 = arith.constant 0 : i32
      %dma_wait3A_121 = tpu.memref_slice %arg8[%dma_wait3A_117, %dma_wait3A_119, %dma_wait3A_120] : memref<4x64x128xf32, #tpu.memory_space<vmem>> -> memref<1x64x128xf32, #tpu.memory_space<vmem>>
      %dma_wait3A_122 = tpu.memref_squeeze %dma_wait3A_121 : memref<1x64x128xf32, #tpu.memory_space<vmem>> -> memref<64x128xf32, #tpu.memory_space<vmem>>
      %dma_wait3A_123 = arith.constant 0 : i32
      %dma_wait3A_124 = tpu.memref_slice %arg7[%add3A_115, %dma_wait3A_116, %dma_wait3A_123] : memref<40x2x64xi32, #tpu.memory_space<vmem>> -> memref<1x1x64xi32, #tpu.memory_space<vmem>>
      %dma_wait3A_125 = tpu.memref_squeeze %dma_wait3A_124 : memref<1x1x64xi32, #tpu.memory_space<vmem>> -> memref<64xi32, #tpu.memory_space<vmem>>
      %dma_wait3A_126 = arith.constant 0 : i32
      %dma_wait3A_127 = arith.constant 0 : i32
      %dma_wait3A_128 = tpu.memref_slice %arg3[%dma_wait3A_126, %dma_wait3A_127] : memref<10000x128xf32, #tpu.memory_space<hbm>> -> memref<10000x128xf32, #tpu.memory_space<hbm>>
      %dma_wait3A_129 = tpu.memref_slice %arg9[%dma_wait3A_118] : memref<4x!tpu.dma_semaphore, #tpu.memory_space<semaphore_mem>> -> memref<1x!tpu.dma_semaphore, #tpu.memory_space<semaphore_mem>>
      %dma_wait3A_130 = tpu.memref_squeeze %dma_wait3A_129 : memref<1x!tpu.dma_semaphore, #tpu.memory_space<semaphore_mem>> -> memref<!tpu.dma_semaphore, #tpu.memory_space<semaphore_mem>>
      tpu.wait_indirect_dma semaphore(%dma_wait3A_130 : memref<!tpu.dma_semaphore, #tpu.memory_space<semaphore_mem>>) src(%dma_wait3A_128 : memref<10000x128xf32, #tpu.memory_space<hbm>>) dst(%dma_wait3A_122 : memref<64x128xf32, #tpu.memory_space<vmem>>)
      %add3A_131 = arith.constant 2 : i32
      %add3A_132 = arith.addi %add3A_30, %add3A_131 : i32
      %dma_wait3A_133 = arith.constant 0 : i32
      %dma_wait3A_134 = arith.constant 2 : i32
      %dma_wait3A_135 = arith.constant 2 : i32
      %dma_wait3A_136 = arith.constant 0 : i32
      %dma_wait3A_137 = arith.constant 0 : i32
      %dma_wait3A_138 = tpu.memref_slice %arg8[%dma_wait3A_134, %dma_wait3A_136, %dma_wait3A_137] : memref<4x64x128xf32, #tpu.memory_space<vmem>> -> memref<1x64x128xf32, #tpu.memory_space<vmem>>
      %dma_wait3A_139 = tpu.memref_squeeze %dma_wait3A_138 : memref<1x64x128xf32, #tpu.memory_space<vmem>> -> memref<64x128xf32, #tpu.memory_space<vmem>>
      %dma_wait3A_140 = arith.constant 0 : i32
      %dma_wait3A_141 = tpu.memref_slice %arg7[%add3A_132, %dma_wait3A_133, %dma_wait3A_140] : memref<40x2x64xi32, #tpu.memory_space<vmem>> -> memref<1x1x64xi32, #tpu.memory_space<vmem>>
      %dma_wait3A_142 = tpu.memref_squeeze %dma_wait3A_141 : memref<1x1x64xi32, #tpu.memory_space<vmem>> -> memref<64xi32, #tpu.memory_space<vmem>>
      %dma_wait3A_143 = arith.constant 0 : i32
      %dma_wait3A_144 = arith.constant 0 : i32
      %dma_wait3A_145 = tpu.memref_slice %arg3[%dma_wait3A_143, %dma_wait3A_144] : memref<10000x128xf32, #tpu.memory_space<hbm>> -> memref<10000x128xf32, #tpu.memory_space<hbm>>
      %dma_wait3A_146 = tpu.memref_slice %arg9[%dma_wait3A_135] : memref<4x!tpu.dma_semaphore, #tpu.memory_space<semaphore_mem>> -> memref<1x!tpu.dma_semaphore, #tpu.memory_space<semaphore_mem>>
      %dma_wait3A_147 = tpu.memref_squeeze %dma_wait3A_146 : memref<1x!tpu.dma_semaphore, #tpu.memory_space<semaphore_mem>> -> memref<!tpu.dma_semaphore, #tpu.memory_space<semaphore_mem>>
      tpu.wait_indirect_dma semaphore(%dma_wait3A_147 : memref<!tpu.dma_semaphore, #tpu.memory_space<semaphore_mem>>) src(%dma_wait3A_145 : memref<10000x128xf32, #tpu.memory_space<hbm>>) dst(%dma_wait3A_139 : memref<64x128xf32, #tpu.memory_space<vmem>>)
      %add3A_148 = arith.constant 3 : i32
      %add3A_149 = arith.addi %add3A_30, %add3A_148 : i32
      %dma_wait3A_150 = arith.constant 0 : i32
      %dma_wait3A_151 = arith.constant 3 : i32
      %dma_wait3A_152 = arith.constant 3 : i32
      %dma_wait3A_153 = arith.constant 0 : i32
      %dma_wait3A_154 = arith.constant 0 : i32
      %dma_wait3A_155 = tpu.memref_slice %arg8[%dma_wait3A_151, %dma_wait3A_153, %dma_wait3A_154] : memref<4x64x128xf32, #tpu.memory_space<vmem>> -> memref<1x64x128xf32, #tpu.memory_space<vmem>>
      %dma_wait3A_156 = tpu.memref_squeeze %dma_wait3A_155 : memref<1x64x128xf32, #tpu.memory_space<vmem>> -> memref<64x128xf32, #tpu.memory_space<vmem>>
      %dma_wait3A_157 = arith.constant 0 : i32
      %dma_wait3A_158 = tpu.memref_slice %arg7[%add3A_149, %dma_wait3A_150, %dma_wait3A_157] : memref<40x2x64xi32, #tpu.memory_space<vmem>> -> memref<1x1x64xi32, #tpu.memory_space<vmem>>
      %dma_wait3A_159 = tpu.memref_squeeze %dma_wait3A_158 : memref<1x1x64xi32, #tpu.memory_space<vmem>> -> memref<64xi32, #tpu.memory_space<vmem>>
      %dma_wait3A_160 = arith.constant 0 : i32
      %dma_wait3A_161 = arith.constant 0 : i32
      %dma_wait3A_162 = tpu.memref_slice %arg3[%dma_wait3A_160, %dma_wait3A_161] : memref<10000x128xf32, #tpu.memory_space<hbm>> -> memref<10000x128xf32, #tpu.memory_space<hbm>>
      %dma_wait3A_163 = tpu.memref_slice %arg9[%dma_wait3A_152] : memref<4x!tpu.dma_semaphore, #tpu.memory_space<semaphore_mem>> -> memref<1x!tpu.dma_semaphore, #tpu.memory_space<semaphore_mem>>
      %dma_wait3A_164 = tpu.memref_squeeze %dma_wait3A_163 : memref<1x!tpu.dma_semaphore, #tpu.memory_space<semaphore_mem>> -> memref<!tpu.dma_semaphore, #tpu.memory_space<semaphore_mem>>
      tpu.wait_indirect_dma semaphore(%dma_wait3A_164 : memref<!tpu.dma_semaphore, #tpu.memory_space<semaphore_mem>>) src(%dma_wait3A_162 : memref<10000x128xf32, #tpu.memory_space<hbm>>) dst(%dma_wait3A_156 : memref<64x128xf32, #tpu.memory_space<vmem>>)
      %add3A_165 = arith.constant 0 : i32
      %add3A_166 = arith.addi %add3A_30, %add3A_165 : i32
      %run_scoped3A_167 = arith.constant 0 : i32
      %run_scoped3A_168 = arith.constant 1 : i32
      "tpu.region"() ({
        %run_scoped3A_181 = tpu.sem_alloc : memref<!tpu.dma_semaphore, #tpu.memory_space<semaphore_mem>>
        %dma_start3A_182 = arith.constant 0 : i32
        %dma_start3A_183 = arith.constant 0 : i32
        %dma_start3A_184 = tpu.memref_slice %arg8[%run_scoped3A_167, %dma_start3A_182, %dma_start3A_183] : memref<4x64x128xf32, #tpu.memory_space<vmem>> -> memref<1x64x128xf32, #tpu.memory_space<vmem>>
        %dma_start3A_185 = tpu.memref_squeeze %dma_start3A_184 : memref<1x64x128xf32, #tpu.memory_space<vmem>> -> memref<64x128xf32, #tpu.memory_space<vmem>>
        %dma_start3A_186 = arith.constant 0 : i32
        %dma_start3A_187 = tpu.memref_slice %arg7[%add3A_166, %run_scoped3A_168, %dma_start3A_186] : memref<40x2x64xi32, #tpu.memory_space<vmem>> -> memref<1x1x64xi32, #tpu.memory_space<vmem>>
        %dma_start3A_188 = tpu.memref_squeeze %dma_start3A_187 : memref<1x1x64xi32, #tpu.memory_space<vmem>> -> memref<64xi32, #tpu.memory_space<vmem>>
        %dma_start3A_189 = arith.constant 0 : i32
        %dma_start3A_190 = arith.constant 0 : i32
        %dma_start3A_191 = tpu.memref_slice %arg6[%dma_start3A_189, %dma_start3A_190] : memref<10240x128xf32, #tpu.memory_space<vmem_shared>> -> memref<10240x128xf32, #tpu.memory_space<vmem_shared>>
        tpu.enqueue_indirect_dma source(%dma_start3A_185 : memref<64x128xf32, #tpu.memory_space<vmem>>) target(%dma_start3A_191 : memref<10240x128xf32, #tpu.memory_space<vmem_shared>>) offsets(%dma_start3A_188 : memref<64xi32, #tpu.memory_space<vmem>>) semaphore(%run_scoped3A_181 : memref<!tpu.dma_semaphore, #tpu.memory_space<semaphore_mem>>) {add = true}
        %dma_wait3A_192 = arith.constant 0 : i32
        %dma_wait3A_193 = arith.constant 0 : i32
        %dma_wait3A_194 = tpu.memref_slice %arg8[%run_scoped3A_167, %dma_wait3A_192, %dma_wait3A_193] : memref<4x64x128xf32, #tpu.memory_space<vmem>> -> memref<1x64x128xf32, #tpu.memory_space<vmem>>
        %dma_wait3A_195 = tpu.memref_squeeze %dma_wait3A_194 : memref<1x64x128xf32, #tpu.memory_space<vmem>> -> memref<64x128xf32, #tpu.memory_space<vmem>>
        %dma_wait3A_196 = arith.constant 0 : i32
        %dma_wait3A_197 = tpu.memref_slice %arg7[%add3A_166, %run_scoped3A_168, %dma_wait3A_196] : memref<40x2x64xi32, #tpu.memory_space<vmem>> -> memref<1x1x64xi32, #tpu.memory_space<vmem>>
        %dma_wait3A_198 = tpu.memref_squeeze %dma_wait3A_197 : memref<1x1x64xi32, #tpu.memory_space<vmem>> -> memref<64xi32, #tpu.memory_space<vmem>>
        %dma_wait3A_199 = arith.constant 0 : i32
        %dma_wait3A_200 = arith.constant 0 : i32
        %dma_wait3A_201 = tpu.memref_slice %arg6[%dma_wait3A_199, %dma_wait3A_200] : memref<10240x128xf32, #tpu.memory_space<vmem_shared>> -> memref<10240x128xf32, #tpu.memory_space<vmem_shared>>
        tpu.wait_indirect_dma semaphore(%run_scoped3A_181 : memref<!tpu.dma_semaphore, #tpu.memory_space<semaphore_mem>>) src(%dma_wait3A_195 : memref<64x128xf32, #tpu.memory_space<vmem>>) dst(%dma_wait3A_201 : memref<10240x128xf32, #tpu.memory_space<vmem_shared>>)
        tpu.yield
      }) : () -> ()
      %add3A_169 = arith.constant 1 : i32
      %add3A_170 = arith.addi %add3A_30, %add3A_169 : i32
      %run_scoped3A_171 = arith.constant 1 : i32
      %run_scoped3A_172 = arith.constant 1 : i32
      "tpu.region"() ({
        %run_scoped3A_181 = tpu.sem_alloc : memref<!tpu.dma_semaphore, #tpu.memory_space<semaphore_mem>>
        %dma_start3A_182 = arith.constant 0 : i32
        %dma_start3A_183 = arith.constant 0 : i32
        %dma_start3A_184 = tpu.memref_slice %arg8[%run_scoped3A_171, %dma_start3A_182, %dma_start3A_183] : memref<4x64x128xf32, #tpu.memory_space<vmem>> -> memref<1x64x128xf32, #tpu.memory_space<vmem>>
        %dma_start3A_185 = tpu.memref_squeeze %dma_start3A_184 : memref<1x64x128xf32, #tpu.memory_space<vmem>> -> memref<64x128xf32, #tpu.memory_space<vmem>>
        %dma_start3A_186 = arith.constant 0 : i32
        %dma_start3A_187 = tpu.memref_slice %arg7[%add3A_170, %run_scoped3A_172, %dma_start3A_186] : memref<40x2x64xi32, #tpu.memory_space<vmem>> -> memref<1x1x64xi32, #tpu.memory_space<vmem>>
        %dma_start3A_188 = tpu.memref_squeeze %dma_start3A_187 : memref<1x1x64xi32, #tpu.memory_space<vmem>> -> memref<64xi32, #tpu.memory_space<vmem>>
        %dma_start3A_189 = arith.constant 0 : i32
        %dma_start3A_190 = arith.constant 0 : i32
        %dma_start3A_191 = tpu.memref_slice %arg6[%dma_start3A_189, %dma_start3A_190] : memref<10240x128xf32, #tpu.memory_space<vmem_shared>> -> memref<10240x128xf32, #tpu.memory_space<vmem_shared>>
        tpu.enqueue_indirect_dma source(%dma_start3A_185 : memref<64x128xf32, #tpu.memory_space<vmem>>) target(%dma_start3A_191 : memref<10240x128xf32, #tpu.memory_space<vmem_shared>>) offsets(%dma_start3A_188 : memref<64xi32, #tpu.memory_space<vmem>>) semaphore(%run_scoped3A_181 : memref<!tpu.dma_semaphore, #tpu.memory_space<semaphore_mem>>) {add = true}
        %dma_wait3A_192 = arith.constant 0 : i32
        %dma_wait3A_193 = arith.constant 0 : i32
        %dma_wait3A_194 = tpu.memref_slice %arg8[%run_scoped3A_171, %dma_wait3A_192, %dma_wait3A_193] : memref<4x64x128xf32, #tpu.memory_space<vmem>> -> memref<1x64x128xf32, #tpu.memory_space<vmem>>
        %dma_wait3A_195 = tpu.memref_squeeze %dma_wait3A_194 : memref<1x64x128xf32, #tpu.memory_space<vmem>> -> memref<64x128xf32, #tpu.memory_space<vmem>>
        %dma_wait3A_196 = arith.constant 0 : i32
        %dma_wait3A_197 = tpu.memref_slice %arg7[%add3A_170, %run_scoped3A_172, %dma_wait3A_196] : memref<40x2x64xi32, #tpu.memory_space<vmem>> -> memref<1x1x64xi32, #tpu.memory_space<vmem>>
        %dma_wait3A_198 = tpu.memref_squeeze %dma_wait3A_197 : memref<1x1x64xi32, #tpu.memory_space<vmem>> -> memref<64xi32, #tpu.memory_space<vmem>>
        %dma_wait3A_199 = arith.constant 0 : i32
        %dma_wait3A_200 = arith.constant 0 : i32
        %dma_wait3A_201 = tpu.memref_slice %arg6[%dma_wait3A_199, %dma_wait3A_200] : memref<10240x128xf32, #tpu.memory_space<vmem_shared>> -> memref<10240x128xf32, #tpu.memory_space<vmem_shared>>
        tpu.wait_indirect_dma semaphore(%run_scoped3A_181 : memref<!tpu.dma_semaphore, #tpu.memory_space<semaphore_mem>>) src(%dma_wait3A_195 : memref<64x128xf32, #tpu.memory_space<vmem>>) dst(%dma_wait3A_201 : memref<10240x128xf32, #tpu.memory_space<vmem_shared>>)
        tpu.yield
      }) : () -> ()
      %add3A_173 = arith.constant 2 : i32
      %add3A_174 = arith.addi %add3A_30, %add3A_173 : i32
      %run_scoped3A_175 = arith.constant 2 : i32
      %run_scoped3A_176 = arith.constant 1 : i32
      "tpu.region"() ({
        %run_scoped3A_181 = tpu.sem_alloc : memref<!tpu.dma_semaphore, #tpu.memory_space<semaphore_mem>>
        %dma_start3A_182 = arith.constant 0 : i32
        %dma_start3A_183 = arith.constant 0 : i32
        %dma_start3A_184 = tpu.memref_slice %arg8[%run_scoped3A_175, %dma_start3A_182, %dma_start3A_183] : memref<4x64x128xf32, #tpu.memory_space<vmem>> -> memref<1x64x128xf32, #tpu.memory_space<vmem>>
        %dma_start3A_185 = tpu.memref_squeeze %dma_start3A_184 : memref<1x64x128xf32, #tpu.memory_space<vmem>> -> memref<64x128xf32, #tpu.memory_space<vmem>>
        %dma_start3A_186 = arith.constant 0 : i32
        %dma_start3A_187 = tpu.memref_slice %arg7[%add3A_174, %run_scoped3A_176, %dma_start3A_186] : memref<40x2x64xi32, #tpu.memory_space<vmem>> -> memref<1x1x64xi32, #tpu.memory_space<vmem>>
        %dma_start3A_188 = tpu.memref_squeeze %dma_start3A_187 : memref<1x1x64xi32, #tpu.memory_space<vmem>> -> memref<64xi32, #tpu.memory_space<vmem>>
        %dma_start3A_189 = arith.constant 0 : i32
        %dma_start3A_190 = arith.constant 0 : i32
        %dma_start3A_191 = tpu.memref_slice %arg6[%dma_start3A_189, %dma_start3A_190] : memref<10240x128xf32, #tpu.memory_space<vmem_shared>> -> memref<10240x128xf32, #tpu.memory_space<vmem_shared>>
        tpu.enqueue_indirect_dma source(%dma_start3A_185 : memref<64x128xf32, #tpu.memory_space<vmem>>) target(%dma_start3A_191 : memref<10240x128xf32, #tpu.memory_space<vmem_shared>>) offsets(%dma_start3A_188 : memref<64xi32, #tpu.memory_space<vmem>>) semaphore(%run_scoped3A_181 : memref<!tpu.dma_semaphore, #tpu.memory_space<semaphore_mem>>) {add = true}
        %dma_wait3A_192 = arith.constant 0 : i32
        %dma_wait3A_193 = arith.constant 0 : i32
        %dma_wait3A_194 = tpu.memref_slice %arg8[%run_scoped3A_175, %dma_wait3A_192, %dma_wait3A_193] : memref<4x64x128xf32, #tpu.memory_space<vmem>> -> memref<1x64x128xf32, #tpu.memory_space<vmem>>
        %dma_wait3A_195 = tpu.memref_squeeze %dma_wait3A_194 : memref<1x64x128xf32, #tpu.memory_space<vmem>> -> memref<64x128xf32, #tpu.memory_space<vmem>>
        %dma_wait3A_196 = arith.constant 0 : i32
        %dma_wait3A_197 = tpu.memref_slice %arg7[%add3A_174, %run_scoped3A_176, %dma_wait3A_196] : memref<40x2x64xi32, #tpu.memory_space<vmem>> -> memref<1x1x64xi32, #tpu.memory_space<vmem>>
        %dma_wait3A_198 = tpu.memref_squeeze %dma_wait3A_197 : memref<1x1x64xi32, #tpu.memory_space<vmem>> -> memref<64xi32, #tpu.memory_space<vmem>>
        %dma_wait3A_199 = arith.constant 0 : i32
        %dma_wait3A_200 = arith.constant 0 : i32
        %dma_wait3A_201 = tpu.memref_slice %arg6[%dma_wait3A_199, %dma_wait3A_200] : memref<10240x128xf32, #tpu.memory_space<vmem_shared>> -> memref<10240x128xf32, #tpu.memory_space<vmem_shared>>
        tpu.wait_indirect_dma semaphore(%run_scoped3A_181 : memref<!tpu.dma_semaphore, #tpu.memory_space<semaphore_mem>>) src(%dma_wait3A_195 : memref<64x128xf32, #tpu.memory_space<vmem>>) dst(%dma_wait3A_201 : memref<10240x128xf32, #tpu.memory_space<vmem_shared>>)
        tpu.yield
      }) : () -> ()
      %add3A_177 = arith.constant 3 : i32
      %add3A_178 = arith.addi %add3A_30, %add3A_177 : i32
      %run_scoped3A_179 = arith.constant 3 : i32
      %run_scoped3A_180 = arith.constant 1 : i32
      "tpu.region"() ({
        %run_scoped3A_181 = tpu.sem_alloc : memref<!tpu.dma_semaphore, #tpu.memory_space<semaphore_mem>>
        %dma_start3A_182 = arith.constant 0 : i32
        %dma_start3A_183 = arith.constant 0 : i32
        %dma_start3A_184 = tpu.memref_slice %arg8[%run_scoped3A_179, %dma_start3A_182, %dma_start3A_183] : memref<4x64x128xf32, #tpu.memory_space<vmem>> -> memref<1x64x128xf32, #tpu.memory_space<vmem>>
        %dma_start3A_185 = tpu.memref_squeeze %dma_start3A_184 : memref<1x64x128xf32, #tpu.memory_space<vmem>> -> memref<64x128xf32, #tpu.memory_space<vmem>>
        %dma_start3A_186 = arith.constant 0 : i32
        %dma_start3A_187 = tpu.memref_slice %arg7[%add3A_178, %run_scoped3A_180, %dma_start3A_186] : memref<40x2x64xi32, #tpu.memory_space<vmem>> -> memref<1x1x64xi32, #tpu.memory_space<vmem>>
        %dma_start3A_188 = tpu.memref_squeeze %dma_start3A_187 : memref<1x1x64xi32, #tpu.memory_space<vmem>> -> memref<64xi32, #tpu.memory_space<vmem>>
        %dma_start3A_189 = arith.constant 0 : i32
        %dma_start3A_190 = arith.constant 0 : i32
        %dma_start3A_191 = tpu.memref_slice %arg6[%dma_start3A_189, %dma_start3A_190] : memref<10240x128xf32, #tpu.memory_space<vmem_shared>> -> memref<10240x128xf32, #tpu.memory_space<vmem_shared>>
        tpu.enqueue_indirect_dma source(%dma_start3A_185 : memref<64x128xf32, #tpu.memory_space<vmem>>) target(%dma_start3A_191 : memref<10240x128xf32, #tpu.memory_space<vmem_shared>>) offsets(%dma_start3A_188 : memref<64xi32, #tpu.memory_space<vmem>>) semaphore(%run_scoped3A_181 : memref<!tpu.dma_semaphore, #tpu.memory_space<semaphore_mem>>) {add = true}
        %dma_wait3A_192 = arith.constant 0 : i32
        %dma_wait3A_193 = arith.constant 0 : i32
        %dma_wait3A_194 = tpu.memref_slice %arg8[%run_scoped3A_179, %dma_wait3A_192, %dma_wait3A_193] : memref<4x64x128xf32, #tpu.memory_space<vmem>> -> memref<1x64x128xf32, #tpu.memory_space<vmem>>
        %dma_wait3A_195 = tpu.memref_squeeze %dma_wait3A_194 : memref<1x64x128xf32, #tpu.memory_space<vmem>> -> memref<64x128xf32, #tpu.memory_space<vmem>>
        %dma_wait3A_196 = arith.constant 0 : i32
        %dma_wait3A_197 = tpu.memref_slice %arg7[%add3A_178, %run_scoped3A_180, %dma_wait3A_196] : memref<40x2x64xi32, #tpu.memory_space<vmem>> -> memref<1x1x64xi32, #tpu.memory_space<vmem>>
        %dma_wait3A_198 = tpu.memref_squeeze %dma_wait3A_197 : memref<1x1x64xi32, #tpu.memory_space<vmem>> -> memref<64xi32, #tpu.memory_space<vmem>>
        %dma_wait3A_199 = arith.constant 0 : i32
        %dma_wait3A_200 = arith.constant 0 : i32
        %dma_wait3A_201 = tpu.memref_slice %arg6[%dma_wait3A_199, %dma_wait3A_200] : memref<10240x128xf32, #tpu.memory_space<vmem_shared>> -> memref<10240x128xf32, #tpu.memory_space<vmem_shared>>
        tpu.wait_indirect_dma semaphore(%run_scoped3A_181 : memref<!tpu.dma_semaphore, #tpu.memory_space<semaphore_mem>>) src(%dma_wait3A_195 : memref<64x128xf32, #tpu.memory_space<vmem>>) dst(%dma_wait3A_201 : memref<10240x128xf32, #tpu.memory_space<vmem_shared>>)
        tpu.yield
      }) : () -> ()
    }
    %scan3A_24 = arith.constant 10 : i32
    %barrier3A_25 = arith.constant 0 : index
    tpu.barrier barrier_id(%barrier3A_25)
    "tpu.region"() ({
      %run_scoped3A_26 = tpu.sem_alloc : memref<!tpu.dma_semaphore, #tpu.memory_space<semaphore_mem>>
      %dma_start3A = arith.constant 0 : i32
      %dma_start3A_27 = tpu.memref_slice %arg5[%arg0, %mul3A_2, %dma_start3A] : memref<2x10240x128xf32, #tpu.memory_space<hbm>> -> memref<1x640x128xf32, #tpu.memory_space<hbm>>
      %dma_start3A_28 = tpu.memref_squeeze %dma_start3A_27 : memref<1x640x128xf32, #tpu.memory_space<hbm>> -> memref<640x128xf32, #tpu.memory_space<hbm>>
      %dma_start3A_29 = arith.constant 0 : i32
      %dma_start3A_30 = tpu.memref_slice %arg6[%mul3A_2, %dma_start3A_29] : memref<10240x128xf32, #tpu.memory_space<vmem_shared>> -> memref<640x128xf32, #tpu.memory_space<vmem_shared>>
      tpu.enqueue_dma source(%dma_start3A_30 : memref<640x128xf32, #tpu.memory_space<vmem_shared>>) target(%dma_start3A_28 : memref<640x128xf32, #tpu.memory_space<hbm>>) target_semaphore(%run_scoped3A_26 : memref<!tpu.dma_semaphore, #tpu.memory_space<semaphore_mem>>)
      %dma_wait3A = arith.constant 0 : i32
      %dma_wait3A_31 = tpu.memref_slice %arg5[%arg0, %mul3A_2, %dma_wait3A] : memref<2x10240x128xf32, #tpu.memory_space<hbm>> -> memref<1x640x128xf32, #tpu.memory_space<hbm>>
      %dma_wait3A_32 = tpu.memref_squeeze %dma_wait3A_31 : memref<1x640x128xf32, #tpu.memory_space<hbm>> -> memref<640x128xf32, #tpu.memory_space<hbm>>
      %dma_wait3A_33 = arith.constant 0 : i32
      %dma_wait3A_34 = tpu.memref_slice %arg6[%mul3A_2, %dma_wait3A_33] : memref<10240x128xf32, #tpu.memory_space<vmem_shared>> -> memref<640x128xf32, #tpu.memory_space<vmem_shared>>
      tpu.wait_dma2 semaphore(%run_scoped3A_26 : memref<!tpu.dma_semaphore, #tpu.memory_space<semaphore_mem>>) src(%dma_wait3A_34 : memref<640x128xf32, #tpu.memory_space<vmem_shared>>) dst(%dma_wait3A_32 : memref<640x128xf32, #tpu.memory_space<hbm>>)
      tpu.yield
    }) : () -> ()
    return
  }
}

module attributes {stable_mosaic.version = 14 : i64} {
  func.func @_tc_pre_body(%arg0: i32, %arg1: memref<2x1000x16xf32, #tpu.memory_space<vmem>>, %arg2: memref<1000x128xf32, #tpu.memory_space<vmem>>, %arg3: memref<128x256xf32, #tpu.memory_space<vmem>>, %arg4: memref<1x256xf32, #tpu.memory_space<vmem>>, %arg5: memref<256x128xf32, #tpu.memory_space<vmem>>, %arg6: memref<1x128xf32, #tpu.memory_space<vmem>>, %arg7: memref<1000x128xf32, #tpu.memory_space<vmem>>, %arg8: memref<1000x128xf32, #tpu.memory_space<vmem>>, %arg9: memref<1000x256xf32, #tpu.memory_space<vmem>>, %arg10: memref<1000x128xf32, #tpu.memory_space<vmem>>) attributes {dimension_semantics = [#tpu.dimension_semantics<arbitrary>], iteration_bounds = array<i64: 10>, scalar_prefetch = 0 : i64, scratch_operands = 0 : i64, tpu.core_type = #tpu.core_type<tc>, window_params = [{transform_indices = @transform_0, window_bounds = array<i64: 2, 1000, 16>}, {transform_indices = @transform_1, window_bounds = array<i64: 1000, 128>}, {pipeline_mode = #tpu.pipeline_mode<synchronous>, transform_indices = @transform_2, window_bounds = array<i64: 128, 256>}, {pipeline_mode = #tpu.pipeline_mode<synchronous>, transform_indices = @transform_3, window_bounds = array<i64: 1, 256>}, {pipeline_mode = #tpu.pipeline_mode<synchronous>, transform_indices = @transform_4, window_bounds = array<i64: 256, 128>}, {pipeline_mode = #tpu.pipeline_mode<synchronous>, transform_indices = @transform_5, window_bounds = array<i64: 1, 128>}, {transform_indices = @transform_6, window_bounds = array<i64: 1000, 128>}, {transform_indices = @transform_7, window_bounds = array<i64: 1000, 128>}, {transform_indices = @transform_8, window_bounds = array<i64: 1000, 256>}, {transform_indices = @transform_9, window_bounds = array<i64: 1000, 128>}]} {
    %get3A = arith.constant 0 : index
    %get3A_0 = arith.constant 0 : index
    %get3A_1 = arith.constant 0 : index
    %get3A_2 = vector.load %arg1[%get3A, %get3A_0, %get3A_1] : memref<2x1000x16xf32, #tpu.memory_space<vmem>>, vector<1x1000x1xf32>
    %get3A_3 = vector.shape_cast %get3A_2 : vector<1x1000x1xf32> to vector<1000x1xf32>
    %get3A_4 = arith.constant 1 : index
    %get3A_5 = arith.constant 0 : index
    %get3A_6 = arith.constant 0 : index
    %get3A_7 = vector.load %arg1[%get3A_4, %get3A_5, %get3A_6] : memref<2x1000x16xf32, #tpu.memory_space<vmem>>, vector<1x1000x1xf32>
    %get3A_8 = vector.shape_cast %get3A_7 : vector<1x1000x1xf32> to vector<1000x1xf32>
    %add3A = arith.addf %get3A_3, %get3A_8 : vector<1000x1xf32>
    %add3A_9 = arith.constant 1.000000e+00 : f32
    %add3A_10 = vector.broadcast %add3A_9 : f32 to vector<1000x1xf32>
    %add3A_11 = arith.addf %add3A, %add3A_10 : vector<1000x1xf32>
    %rsqrt3A = math.rsqrt %add3A_11 : vector<1000x1xf32>
    %broadcast_in_dim3A = vector.shape_cast %rsqrt3A : vector<1000x1xf32> to vector<1000x1xf32>
    %broadcast_in_dim3A_12 = vector.broadcast %broadcast_in_dim3A : vector<1000x1xf32> to vector<1000x128xf32>
    %swap3A = arith.constant 0 : index
    %swap3A_13 = arith.constant 0 : index
    %swap3A_14 = vector.load %arg7[%swap3A, %swap3A_13] : memref<1000x128xf32, #tpu.memory_space<vmem>>, vector<1000x128xf32>
    tpu.vector_store %arg7[%swap3A, %swap3A_13], %broadcast_in_dim3A_12 {strides = array<i32>} : memref<1000x128xf32, #tpu.memory_space<vmem>>, vector<1000x128xf32>,
    %get3A_15 = arith.constant 0 : index
    %get3A_16 = arith.constant 0 : index
    %get3A_17 = vector.load %arg2[%get3A_15, %get3A_16] : memref<1000x128xf32, #tpu.memory_space<vmem>>, vector<1000x128xf32>
    %mul3A = arith.mulf %get3A_17, %broadcast_in_dim3A_12 : vector<1000x128xf32>
    %swap3A_18 = arith.constant 0 : index
    %swap3A_19 = arith.constant 0 : index
    %swap3A_20 = vector.load %arg8[%swap3A_18, %swap3A_19] : memref<1000x128xf32, #tpu.memory_space<vmem>>, vector<1000x128xf32>
    tpu.vector_store %arg8[%swap3A_18, %swap3A_19], %mul3A {strides = array<i32>} : memref<1000x128xf32, #tpu.memory_space<vmem>>, vector<1000x128xf32>,
    %get3A_21 = arith.constant 0 : index
    %get3A_22 = arith.constant 0 : index
    %get3A_23 = vector.load %arg3[%get3A_21, %get3A_22] : memref<128x256xf32, #tpu.memory_space<vmem>>, vector<128x256xf32>
    %dot_general3A = arith.constant dense<0.000000e+00> : vector<1000x256xf32>
    %dot_general3A_24 = tpu.matmul %get3A_17, %get3A_23, %dot_general3A {dimension_numbers = #tpu.dot_dimension_numbers<[1], [0], [0], [1], [0, 0, 1, 1], [], []>, transpose_lhs_hint = false} : vector<1000x128xf32>, vector<128x256xf32>, vector<1000x256xf32> -> vector<1000x256xf32>
    %get3A_25 = arith.constant 0 : index
    %get3A_26 = arith.constant 0 : index
    %get3A_27 = vector.load %arg4[%get3A_25, %get3A_26] : memref<1x256xf32, #tpu.memory_space<vmem>>, vector<1x256xf32>
    %add3A_28 = vector.broadcast %get3A_27 : vector<1x256xf32> to vector<1000x256xf32>
    %add3A_29 = arith.addf %dot_general3A_24, %add3A_28 : vector<1000x256xf32>
    %max3A = arith.constant 0.000000e+00 : f32
    %max3A_30 = vector.broadcast %max3A : f32 to vector<1000x256xf32>
    %max3A_31 = arith.maximumf %add3A_29, %max3A_30 : vector<1000x256xf32>
    %swap3A_32 = arith.constant 0 : index
    %swap3A_33 = arith.constant 0 : index
    %swap3A_34 = vector.load %arg9[%swap3A_32, %swap3A_33] : memref<1000x256xf32, #tpu.memory_space<vmem>>, vector<1000x256xf32>
    tpu.vector_store %arg9[%swap3A_32, %swap3A_33], %max3A_31 {strides = array<i32>} : memref<1000x256xf32, #tpu.memory_space<vmem>>, vector<1000x256xf32>,
    %get3A_35 = arith.constant 0 : index
    %get3A_36 = arith.constant 0 : index
    %get3A_37 = vector.load %arg5[%get3A_35, %get3A_36] : memref<256x128xf32, #tpu.memory_space<vmem>>, vector<256x128xf32>
    %dot_general3A_38 = arith.constant dense<0.000000e+00> : vector<1000x128xf32>
    %dot_general3A_39 = tpu.matmul %max3A_31, %get3A_37, %dot_general3A_38 {dimension_numbers = #tpu.dot_dimension_numbers<[1], [0], [0], [1], [0, 0, 1, 1], [], []>, transpose_lhs_hint = false} : vector<1000x256xf32>, vector<256x128xf32>, vector<1000x128xf32> -> vector<1000x128xf32>
    %get3A_40 = arith.constant 0 : index
    %get3A_41 = arith.constant 0 : index
    %get3A_42 = vector.load %arg6[%get3A_40, %get3A_41] : memref<1x128xf32, #tpu.memory_space<vmem>>, vector<1x128xf32>
    %add3A_43 = vector.broadcast %get3A_42 : vector<1x128xf32> to vector<1000x128xf32>
    %add3A_44 = arith.addf %dot_general3A_39, %add3A_43 : vector<1000x128xf32>
    %swap3A_45 = arith.constant 0 : index
    %swap3A_46 = arith.constant 0 : index
    %swap3A_47 = vector.load %arg10[%swap3A_45, %swap3A_46] : memref<1000x128xf32, #tpu.memory_space<vmem>>, vector<1000x128xf32>
    tpu.vector_store %arg10[%swap3A_45, %swap3A_46], %add3A_44 {strides = array<i32>} : memref<1000x128xf32, #tpu.memory_space<vmem>>, vector<1000x128xf32>,
    return
  }
  func.func @transform_0(%arg0: i32) -> (i32, i32, i32) {
    %c0_i32 = arith.constant 0 : i32
    %c0_i32_0 = arith.constant 0 : i32
    %c0_i32_1 = arith.constant 0 : i32
    return %c0_i32, %arg0, %c0_i32_0 : i32, i32, i32
  }
  func.func @transform_1(%arg0: i32) -> (i32, i32) {
    %c0_i32 = arith.constant 0 : i32
    %c0_i32_0 = arith.constant 0 : i32
    return %arg0, %c0_i32 : i32, i32
  }
  func.func @transform_2(%arg0: i32) -> (i32, i32) {
    %c0_i32 = arith.constant 0 : i32
    %c0_i32_0 = arith.constant 0 : i32
    %c0_i32_1 = arith.constant 0 : i32
    return %c0_i32, %c0_i32_0 : i32, i32
  }
  func.func @transform_3(%arg0: i32) -> (i32, i32) {
    %c0_i32 = arith.constant 0 : i32
    %c0_i32_0 = arith.constant 0 : i32
    %c0_i32_1 = arith.constant 0 : i32
    return %c0_i32, %c0_i32_0 : i32, i32
  }
  func.func @transform_4(%arg0: i32) -> (i32, i32) {
    %c0_i32 = arith.constant 0 : i32
    %c0_i32_0 = arith.constant 0 : i32
    %c0_i32_1 = arith.constant 0 : i32
    return %c0_i32, %c0_i32_0 : i32, i32
  }
  func.func @transform_5(%arg0: i32) -> (i32, i32) {
    %c0_i32 = arith.constant 0 : i32
    %c0_i32_0 = arith.constant 0 : i32
    %c0_i32_1 = arith.constant 0 : i32
    return %c0_i32, %c0_i32_0 : i32, i32
  }
  func.func @transform_6(%arg0: i32) -> (i32, i32) {
    %c0_i32 = arith.constant 0 : i32
    %c0_i32_0 = arith.constant 0 : i32
    return %arg0, %c0_i32 : i32, i32
  }
  func.func @transform_7(%arg0: i32) -> (i32, i32) {
    %c0_i32 = arith.constant 0 : i32
    %c0_i32_0 = arith.constant 0 : i32
    return %arg0, %c0_i32 : i32, i32
  }
  func.func @transform_8(%arg0: i32) -> (i32, i32) {
    %c0_i32 = arith.constant 0 : i32
    %c0_i32_0 = arith.constant 0 : i32
    return %arg0, %c0_i32 : i32, i32
  }
  func.func @transform_9(%arg0: i32) -> (i32, i32) {
    %c0_i32 = arith.constant 0 : i32
    %c0_i32_0 = arith.constant 0 : i32
    return %arg0, %c0_i32 : i32, i32
  }
}

module attributes {stable_mosaic.version = 14 : i64} {
  func.func @_tc_mid_body(%arg0: i32, %arg1: memref<2x1000x128xf32, #tpu.memory_space<vmem>>, %arg2: memref<1000x128xf32, #tpu.memory_space<vmem>>, %arg3: memref<1000x128xf32, #tpu.memory_space<vmem>>, %arg4: memref<1000x256xf32, #tpu.memory_space<vmem>>, %arg5: memref<128x256xf32, #tpu.memory_space<vmem>>, %arg6: memref<1x256xf32, #tpu.memory_space<vmem>>, %arg7: memref<256x128xf32, #tpu.memory_space<vmem>>, %arg8: memref<1x1xf32, #tpu.memory_space<vmem>>, %arg9: memref<1000x128xf32, #tpu.memory_space<vmem>>) attributes {dimension_semantics = [#tpu.dimension_semantics<arbitrary>], iteration_bounds = array<i64: 10>, scalar_prefetch = 0 : i64, scratch_operands = 0 : i64, tpu.core_type = #tpu.core_type<tc>, window_params = [{transform_indices = @transform_0, window_bounds = array<i64: 2, 1000, 128>}, {transform_indices = @transform_1, window_bounds = array<i64: 1000, 128>}, {transform_indices = @transform_2, window_bounds = array<i64: 1000, 128>}, {transform_indices = @transform_3, window_bounds = array<i64: 1000, 256>}, {pipeline_mode = #tpu.pipeline_mode<synchronous>, transform_indices = @transform_4, window_bounds = array<i64: 128, 256>}, {pipeline_mode = #tpu.pipeline_mode<synchronous>, transform_indices = @transform_5, window_bounds = array<i64: 1, 256>}, {pipeline_mode = #tpu.pipeline_mode<synchronous>, transform_indices = @transform_6, window_bounds = array<i64: 256, 128>}, {pipeline_mode = #tpu.pipeline_mode<synchronous>, transform_indices = @transform_7, window_bounds = array<i64: 1, 1>}, {transform_indices = @transform_8, window_bounds = array<i64: 1000, 128>}]} {
    %get3A = arith.constant 0 : index
    %get3A_0 = arith.constant 0 : index
    %get3A_1 = vector.load %arg3[%get3A, %get3A_0] : memref<1000x128xf32, #tpu.memory_space<vmem>>, vector<1000x128xf32>
    %get3A_2 = arith.constant 0 : index
    %get3A_3 = arith.constant 0 : index
    %get3A_4 = arith.constant 0 : index
    %get3A_5 = vector.load %arg1[%get3A_2, %get3A_3, %get3A_4] : memref<2x1000x128xf32, #tpu.memory_space<vmem>>, vector<1x1000x128xf32>
    %get3A_6 = vector.shape_cast %get3A_5 : vector<1x1000x128xf32> to vector<1000x128xf32>
    %get3A_7 = arith.constant 1 : index
    %get3A_8 = arith.constant 0 : index
    %get3A_9 = arith.constant 0 : index
    %get3A_10 = vector.load %arg1[%get3A_7, %get3A_8, %get3A_9] : memref<2x1000x128xf32, #tpu.memory_space<vmem>>, vector<1x1000x128xf32>
    %get3A_11 = vector.shape_cast %get3A_10 : vector<1x1000x128xf32> to vector<1000x128xf32>
    %add3A = arith.addf %get3A_6, %get3A_11 : vector<1000x128xf32>
    %get3A_12 = arith.constant 0 : index
    %get3A_13 = arith.constant 0 : index
    %get3A_14 = vector.load %arg2[%get3A_12, %get3A_13] : memref<1000x128xf32, #tpu.memory_space<vmem>>, vector<1000x128xf32>
    %add3A_15 = arith.addf %add3A, %get3A_14 : vector<1000x128xf32>
    %mul3A = arith.mulf %add3A_15, %get3A_1 : vector<1000x128xf32>
    %get3A_16 = arith.constant 0 : index
    %get3A_17 = arith.constant 0 : index
    %get3A_18 = vector.load %arg5[%get3A_16, %get3A_17] : memref<128x256xf32, #tpu.memory_space<vmem>>, vector<128x256xf32>
    %dot_general3A = arith.constant dense<0.000000e+00> : vector<1000x256xf32>
    %dot_general3A_19 = tpu.matmul %mul3A, %get3A_18, %dot_general3A {dimension_numbers = #tpu.dot_dimension_numbers<[1], [0], [0], [1], [0, 0, 1, 1], [], []>, transpose_lhs_hint = false} : vector<1000x128xf32>, vector<128x256xf32>, vector<1000x256xf32> -> vector<1000x256xf32>
    %get3A_20 = arith.constant 0 : index
    %get3A_21 = arith.constant 0 : index
    %get3A_22 = vector.load %arg6[%get3A_20, %get3A_21] : memref<1x256xf32, #tpu.memory_space<vmem>>, vector<1x256xf32>
    %add3A_23 = vector.broadcast %get3A_22 : vector<1x256xf32> to vector<1000x256xf32>
    %add3A_24 = arith.addf %dot_general3A_19, %add3A_23 : vector<1000x256xf32>
    %max3A = arith.constant 0.000000e+00 : f32
    %max3A_25 = vector.broadcast %max3A : f32 to vector<1000x256xf32>
    %max3A_26 = arith.maximumf %add3A_24, %max3A_25 : vector<1000x256xf32>
    %get3A_27 = arith.constant 0 : index
    %get3A_28 = arith.constant 0 : index
    %get3A_29 = vector.load %arg8[%get3A_27, %get3A_28] : memref<1x1xf32, #tpu.memory_space<vmem>>, vector<1x1xf32>
    %get3A_30 = vector.extract %get3A_29[0, 0] : f32 from vector<1x1xf32>
    %mul3A_31 = vector.broadcast %get3A_30 : f32 to vector<1000x256xf32>
    %mul3A_32 = arith.mulf %mul3A_31, %max3A_26 : vector<1000x256xf32>
    %sub3A = arith.constant 1.000000e+00 : f32
    %sub3A_33 = arith.subf %sub3A, %get3A_30 : f32
    %get3A_34 = arith.constant 0 : index
    %get3A_35 = arith.constant 0 : index
    %get3A_36 = vector.load %arg4[%get3A_34, %get3A_35] : memref<1000x256xf32, #tpu.memory_space<vmem>>, vector<1000x256xf32>
    %mul3A_37 = vector.broadcast %sub3A_33 : f32 to vector<1000x256xf32>
    %mul3A_38 = arith.mulf %mul3A_37, %get3A_36 : vector<1000x256xf32>
    %add3A_39 = arith.addf %mul3A_32, %mul3A_38 : vector<1000x256xf32>
    %get3A_40 = arith.constant 0 : index
    %get3A_41 = arith.constant 0 : index
    %get3A_42 = vector.load %arg7[%get3A_40, %get3A_41] : memref<256x128xf32, #tpu.memory_space<vmem>>, vector<256x128xf32>
    %dot_general3A_43 = arith.constant dense<0.000000e+00> : vector<1000x128xf32>
    %dot_general3A_44 = tpu.matmul %add3A_39, %get3A_42, %dot_general3A_43 {dimension_numbers = #tpu.dot_dimension_numbers<[1], [0], [0], [1], [0, 0, 1, 1], [], []>, transpose_lhs_hint = false} : vector<1000x256xf32>, vector<256x128xf32>, vector<1000x128xf32> -> vector<1000x128xf32>
    %mul3A_45 = arith.mulf %dot_general3A_44, %get3A_1 : vector<1000x128xf32>
    %swap3A = arith.constant 0 : index
    %swap3A_46 = arith.constant 0 : index
    %swap3A_47 = vector.load %arg9[%swap3A, %swap3A_46] : memref<1000x128xf32, #tpu.memory_space<vmem>>, vector<1000x128xf32>
    tpu.vector_store %arg9[%swap3A, %swap3A_46], %mul3A_45 {strides = array<i32>} : memref<1000x128xf32, #tpu.memory_space<vmem>>, vector<1000x128xf32>,
    return
  }
  func.func @transform_0(%arg0: i32) -> (i32, i32, i32) {
    %c0_i32 = arith.constant 0 : i32
    %c0_i32_0 = arith.constant 0 : i32
    %c0_i32_1 = arith.constant 0 : i32
    return %c0_i32, %arg0, %c0_i32_0 : i32, i32, i32
  }
  func.func @transform_1(%arg0: i32) -> (i32, i32) {
    %c0_i32 = arith.constant 0 : i32
    %c0_i32_0 = arith.constant 0 : i32
    return %arg0, %c0_i32 : i32, i32
  }
  func.func @transform_2(%arg0: i32) -> (i32, i32) {
    %c0_i32 = arith.constant 0 : i32
    %c0_i32_0 = arith.constant 0 : i32
    return %arg0, %c0_i32 : i32, i32
  }
  func.func @transform_3(%arg0: i32) -> (i32, i32) {
    %c0_i32 = arith.constant 0 : i32
    %c0_i32_0 = arith.constant 0 : i32
    return %arg0, %c0_i32 : i32, i32
  }
  func.func @transform_4(%arg0: i32) -> (i32, i32) {
    %c0_i32 = arith.constant 0 : i32
    %c0_i32_0 = arith.constant 0 : i32
    %c0_i32_1 = arith.constant 0 : i32
    return %c0_i32, %c0_i32_0 : i32, i32
  }
  func.func @transform_5(%arg0: i32) -> (i32, i32) {
    %c0_i32 = arith.constant 0 : i32
    %c0_i32_0 = arith.constant 0 : i32
    %c0_i32_1 = arith.constant 0 : i32
    return %c0_i32, %c0_i32_0 : i32, i32
  }
  func.func @transform_6(%arg0: i32) -> (i32, i32) {
    %c0_i32 = arith.constant 0 : i32
    %c0_i32_0 = arith.constant 0 : i32
    %c0_i32_1 = arith.constant 0 : i32
    return %c0_i32, %c0_i32_0 : i32, i32
  }
  func.func @transform_7(%arg0: i32) -> (i32, i32) {
    %c0_i32 = arith.constant 0 : i32
    %c0_i32_0 = arith.constant 0 : i32
    %c0_i32_1 = arith.constant 0 : i32
    return %c0_i32, %c0_i32_0 : i32, i32
  }
  func.func @transform_8(%arg0: i32) -> (i32, i32) {
    %c0_i32 = arith.constant 0 : i32
    %c0_i32_0 = arith.constant 0 : i32
    return %arg0, %c0_i32 : i32, i32
  }
}

module attributes {stable_mosaic.version = 14 : i64} {
  func.func @_tc_post_body(%arg0: i32, %arg1: memref<2x1000x128xf32, #tpu.memory_space<vmem>>, %arg2: memref<1000x128xf32, #tpu.memory_space<vmem>>, %arg3: memref<1000x128xf32, #tpu.memory_space<vmem>>, %arg4: memref<1000x128xf32, #tpu.memory_space<vmem>>, %arg5: memref<1x128xf32, #tpu.memory_space<vmem>>, %arg6: memref<1x1xf32, #tpu.memory_space<vmem>>, %arg7: memref<1000x128xf32, #tpu.memory_space<vmem>>) attributes {dimension_semantics = [#tpu.dimension_semantics<arbitrary>], iteration_bounds = array<i64: 10>, scalar_prefetch = 0 : i64, scratch_operands = 0 : i64, tpu.core_type = #tpu.core_type<tc>, window_params = [{transform_indices = @transform_0, window_bounds = array<i64: 2, 1000, 128>}, {transform_indices = @transform_1, window_bounds = array<i64: 1000, 128>}, {transform_indices = @transform_2, window_bounds = array<i64: 1000, 128>}, {transform_indices = @transform_3, window_bounds = array<i64: 1000, 128>}, {pipeline_mode = #tpu.pipeline_mode<synchronous>, transform_indices = @transform_4, window_bounds = array<i64: 1, 128>}, {pipeline_mode = #tpu.pipeline_mode<synchronous>, transform_indices = @transform_5, window_bounds = array<i64: 1, 1>}, {transform_indices = @transform_6, window_bounds = array<i64: 1000, 128>}]} {
    %get3A = arith.constant 0 : index
    %get3A_0 = arith.constant 0 : index
    %get3A_1 = vector.load %arg3[%get3A, %get3A_0] : memref<1000x128xf32, #tpu.memory_space<vmem>>, vector<1000x128xf32>
    %get3A_2 = arith.constant 0 : index
    %get3A_3 = arith.constant 0 : index
    %get3A_4 = arith.constant 0 : index
    %get3A_5 = vector.load %arg1[%get3A_2, %get3A_3, %get3A_4] : memref<2x1000x128xf32, #tpu.memory_space<vmem>>, vector<1x1000x128xf32>
    %get3A_6 = vector.shape_cast %get3A_5 : vector<1x1000x128xf32> to vector<1000x128xf32>
    %get3A_7 = arith.constant 1 : index
    %get3A_8 = arith.constant 0 : index
    %get3A_9 = arith.constant 0 : index
    %get3A_10 = vector.load %arg1[%get3A_7, %get3A_8, %get3A_9] : memref<2x1000x128xf32, #tpu.memory_space<vmem>>, vector<1x1000x128xf32>
    %get3A_11 = vector.shape_cast %get3A_10 : vector<1x1000x128xf32> to vector<1000x128xf32>
    %add3A = arith.addf %get3A_6, %get3A_11 : vector<1000x128xf32>
    %get3A_12 = arith.constant 0 : index
    %get3A_13 = arith.constant 0 : index
    %get3A_14 = vector.load %arg2[%get3A_12, %get3A_13] : memref<1000x128xf32, #tpu.memory_space<vmem>>, vector<1000x128xf32>
    %add3A_15 = arith.addf %add3A, %get3A_14 : vector<1000x128xf32>
    %mul3A = arith.mulf %add3A_15, %get3A_1 : vector<1000x128xf32>
    %get3A_16 = arith.constant 0 : index
    %get3A_17 = arith.constant 0 : index
    %get3A_18 = vector.load %arg5[%get3A_16, %get3A_17] : memref<1x128xf32, #tpu.memory_space<vmem>>, vector<1x128xf32>
    %add3A_19 = vector.broadcast %get3A_18 : vector<1x128xf32> to vector<1000x128xf32>
    %add3A_20 = arith.addf %mul3A, %add3A_19 : vector<1000x128xf32>
    %get3A_21 = arith.constant 0 : index
    %get3A_22 = arith.constant 0 : index
    %get3A_23 = vector.load %arg6[%get3A_21, %get3A_22] : memref<1x1xf32, #tpu.memory_space<vmem>>, vector<1x1xf32>
    %get3A_24 = vector.extract %get3A_23[0, 0] : f32 from vector<1x1xf32>
    %mul3A_25 = vector.broadcast %get3A_24 : f32 to vector<1000x128xf32>
    %mul3A_26 = arith.mulf %mul3A_25, %add3A_20 : vector<1000x128xf32>
    %sub3A = arith.constant 1.000000e+00 : f32
    %sub3A_27 = arith.subf %sub3A, %get3A_24 : f32
    %get3A_28 = arith.constant 0 : index
    %get3A_29 = arith.constant 0 : index
    %get3A_30 = vector.load %arg4[%get3A_28, %get3A_29] : memref<1000x128xf32, #tpu.memory_space<vmem>>, vector<1000x128xf32>
    %mul3A_31 = vector.broadcast %sub3A_27 : f32 to vector<1000x128xf32>
    %mul3A_32 = arith.mulf %mul3A_31, %get3A_30 : vector<1000x128xf32>
    %add3A_33 = arith.addf %mul3A_26, %mul3A_32 : vector<1000x128xf32>
    %reduce_max3A = arith.constant dense<0xFF800000> : vector<1000xf32>
    %reduce_max3A_34 = vector.multi_reduction <maximumf>, %add3A_33, %reduce_max3A [1] : vector<1000x128xf32> to vector<1000xf32>
    %broadcast_in_dim3A = vector.shape_cast %reduce_max3A_34 : vector<1000xf32> to vector<1000x1xf32>
    %sub3A_35 = vector.broadcast %broadcast_in_dim3A : vector<1000x1xf32> to vector<1000x128xf32>
    %sub3A_36 = arith.subf %add3A_33, %sub3A_35 : vector<1000x128xf32>
    %exp3A = math.exp %sub3A_36 : vector<1000x128xf32>
    %reduce_sum3A = arith.constant dense<0.000000e+00> : vector<1000xf32>
    %reduce_sum3A_37 = vector.multi_reduction <add>, %exp3A, %reduce_sum3A [1] : vector<1000x128xf32> to vector<1000xf32>
    %broadcast_in_dim3A_38 = vector.shape_cast %reduce_sum3A_37 : vector<1000xf32> to vector<1000x1xf32>
    %log3A = math.log %broadcast_in_dim3A_38 : vector<1000x1xf32>
    %sub3A_39 = vector.broadcast %log3A : vector<1000x1xf32> to vector<1000x128xf32>
    %sub3A_40 = arith.subf %sub3A_36, %sub3A_39 : vector<1000x128xf32>
    %swap3A = arith.constant 0 : index
    %swap3A_41 = arith.constant 0 : index
    %swap3A_42 = vector.load %arg7[%swap3A, %swap3A_41] : memref<1000x128xf32, #tpu.memory_space<vmem>>, vector<1000x128xf32>
    tpu.vector_store %arg7[%swap3A, %swap3A_41], %sub3A_40 {strides = array<i32>} : memref<1000x128xf32, #tpu.memory_space<vmem>>, vector<1000x128xf32>,
    return
  }
  func.func @transform_0(%arg0: i32) -> (i32, i32, i32) {
    %c0_i32 = arith.constant 0 : i32
    %c0_i32_0 = arith.constant 0 : i32
    %c0_i32_1 = arith.constant 0 : i32
    return %c0_i32, %arg0, %c0_i32_0 : i32, i32, i32
  }
  func.func @transform_1(%arg0: i32) -> (i32, i32) {
    %c0_i32 = arith.constant 0 : i32
    %c0_i32_0 = arith.constant 0 : i32
    return %arg0, %c0_i32 : i32, i32
  }
  func.func @transform_2(%arg0: i32) -> (i32, i32) {
    %c0_i32 = arith.constant 0 : i32
    %c0_i32_0 = arith.constant 0 : i32
    return %arg0, %c0_i32 : i32, i32
  }
  func.func @transform_3(%arg0: i32) -> (i32, i32) {
    %c0_i32 = arith.constant 0 : i32
    %c0_i32_0 = arith.constant 0 : i32
    return %arg0, %c0_i32 : i32, i32
  }
  func.func @transform_4(%arg0: i32) -> (i32, i32) {
    %c0_i32 = arith.constant 0 : i32
    %c0_i32_0 = arith.constant 0 : i32
    %c0_i32_1 = arith.constant 0 : i32
    return %c0_i32, %c0_i32_0 : i32, i32
  }
  func.func @transform_5(%arg0: i32) -> (i32, i32) {
    %c0_i32 = arith.constant 0 : i32
    %c0_i32_0 = arith.constant 0 : i32
    %c0_i32_1 = arith.constant 0 : i32
    return %c0_i32, %c0_i32_0 : i32, i32
  }
  func.func @transform_6(%arg0: i32) -> (i32, i32) {
    %c0_i32 = arith.constant 0 : i32
    %c0_i32_0 = arith.constant 0 : i32
    return %arg0, %c0_i32 : i32, i32
  }
}

</mosaic_0001>

<sc_bundles>
// kernel: kernel.11.cloned.1.call-start
scs
__scs_entry_jumppad:
0x0: {  	(pc) =	sbr.rel $0x88, $3  }
0x1: {  	(tag) =	ssettag $0x0;
	lr =	simm.s32 $0x1  }
0x2: {  	[smem:$0x3F95] =	sst lr;
	_ =	strace $0xD0000000  }
0x3: {  	_ = 	snop  }
0x4: {  	_ = 	snop  }
0x5: {  	_ = 	snop  }
0x6: {  	_ = 	snop  }
0x7: {  	_ = 	snop  }
__scs_overlays_trampoline_lowered:
0x8: {  	[smem:$0x3FA4] =	sst s0  }
0x9: {  	[smem:$0x3FA5] =	sst s1  }
0xa: {  	[smem:$0x3FA6] =	sst s2  }
0xb: {  	[smem:$0x3FA7] =	sst s3  }
0xc: {  	[smem:$0x3FA8] =	sst s4  }
0xd: {  	[smem:$0x3FA9] =	sst s5  }
0xe: {  	[smem:$0x3FAA] =	sst s6  }
0xf: {  	[smem:$0x3FAB] =	sst s7  }
0x10: {  	[smem:$0x3FAC] =	sst s8  }
0x11: {  	[smem:$0x3FAD] =	sst s9;
	s0 =	simm.s32 @!p0 $0x0  }
0x12: {  	s1 =	sld [smem:$0x3F93];
	s0 =	simm.s32 @p0 $0x1  }
0x13: {  	[smem:$0x3FAE] =	sst s0;
	s0 =	simm.s32 @!p1 $0x0  }
0x14: {  	s2 =	sld [smem:$0x3F92];
	s0 =	simm.s32 @p1 $0x1  }
0x15: {  	[smem:$0x3FAF] =	sst s0;
	s0 =	simm.s32 @!p2 $0x0  }
0x16: {  	s3 =	sld [smem:$0x3FDB];
	s0 =	simm.s32 @p2 $0x1  }
0x17: {  	s4 =	simm.s32 $0x1BF5;
	[smem:$0x3FB1] =	sst s0  }
0x18: {  	s0 =	sld [smem:$0x3F94];
	_ =	swait.ge [sflag:s4], $0x0  }
0x19: {  	s7 =	sld [smem:$0x3F95]  }
0x1a: {  	s8 =	sadd.s32 $0xFFFFE003, lr  }
0x1b: {  	s9 =	sadd.s32 $0xFFFFFEF7, lr;
	s5 =	simm.s32 $0xFFFFFFFF;
	p2 =	slt.u32 s8, $0xFFFFF086  }
0x1c: {  	p1 =	slt.u32 s9, $0xF7A;
	s5 =	simm.s32 @!p2 $0x0  }
0x1d: {  	s5 =	simm.s32 @p1 $0x1;
	p0 =	seq.s32 s7, s2  }
0x1e: {  	s7 =	smul.u32 @!p0 $0xF7A, s2;
	p2 =	seq.s32 @!p0 s5, $0x0  }
0x1f: {  	s9 =	smul.u32 $0xF7A, s1;
	s8 =	simm.s32 @!p0 $0x1BF5;
	p2 =	por !p2, p0  }
0x20: {  	[sflag:s8] =	ssyncset.s32 @!p0 $0xFFFFF086;
	s6 =	sadd.s32 @!p0 s3, s7;
	s7 =	simm.s32 @!p0 $0x108  }
0x21: {  	s3 =	sadd.s32 s3, s9;
	s6 =	sadd.s32 @!p0 $0x88, s6;
	s7 =	simm.s32 @p2 $0x1082  }
0x22: {  	[simem:s7], [sflag:s8] =	dma.local @!p0 [hbm:s6], $0xF7A  }
0x23: {  	s9 =	sor.u32 $0xD0000000, s2;
	s6 =	simm.s32 $0x108;
	_ =	swait.ge @!p0 [sflag:s8], $0x0  }
0x24: {  	s3 =	sadd.s32 $0x88, s3;
	s6 =	simm.s32 @!p1 $0x1082;
	[sflag:s4] =	ssyncset.s32 $0xFFFFF086  }
0x25: {  	[simem:s6], [sflag:s4] =	dma.local [hbm:s3], $0xF7A  }
0x26: {  	[smem:$0x3F95] =	sst s1;
	(tag) =	ssettag s2;
	_ =	strace s9  }
0x27: {  	s1 =	sld [smem:$0x3FA5]  }
0x28: {  	s2 =	sld [smem:$0x3FA6]  }
0x29: {  	s4 =	sld [smem:$0x3FA8]  }
0x2a: {  	p0 =	seq.s32 s5, $0x0;
	s5 =	sld [smem:$0x3FA9]  }
0x2b: {  	s6 =	sld [smem:$0x3FAA]  }
0x2c: {  	s7 =	sld [smem:$0x3FAB]  }
0x2d: {  	s3 =	simm.s32 $0x108;
	s8 =	sld [smem:$0x3FAC]  }
0x2e: {  	s3 =	simm.s32 @!p0 $0x1082;
	s9 =	sld [smem:$0x3FAD]  }
0x2f: {  	lr =	sadd.s32 s0, s3;
	s0 =	sld [smem:$0x3FA4]  }
0x30: {  	s3 =	sld [smem:$0x3FA7]  }
0x31: {  	[smem:$0x3FB0] =	sst s10  }
0x32: {  	s10 =	sld [smem:$0x3FAE];
	_ =	sdelay $0x3  }
0x33: {  	p0 =	seq.s32 s10, $0x1;
	s10 =	sld [smem:$0x3FB0];
	_ =	sdelay $0x3  }
0x34: {  	[smem:$0x3FB0] =	sst s10  }
0x35: {  	s10 =	sld [smem:$0x3FAF];
	_ =	sdelay $0x3  }
0x36: {  	p1 =	seq.s32 s10, $0x1;
	s10 =	sld [smem:$0x3FB0];
	_ =	sdelay $0x3  }
0x37: {  	[smem:$0x3FB0] =	sst s10  }
0x38: {  	s10 =	sld [smem:$0x3FB1]  }
0x39: {  	_ = 	snop;
	(pc) =	sbr.ind lr, $3  }
0x3a: {  	_ = 	snop  }
0x3b: {  	_ = 	snop  }
0x3c: {  	p2 =	seq.s32 s10, $0x1;
	s10 =	sld [smem:$0x3FB0]  }
0x3d: {  	_ =	shalt  }
0x3e: {  	_ =	shalt  }
0x3f: {  	_ =	shalt  }
0x40: {  	_ =	shalt  }
0x41: {  	_ =	shalt  }
0x42: {  	_ =	shalt  }
0x43: {  	_ =	shalt  }
0x44: {  	_ =	shalt  }
0x45: {  	_ =	shalt  }
0x46: {  	_ =	shalt  }
0x47: {  	_ =	shalt  }
0x48: {  	_ =	shalt  }
0x49: {  	_ =	shalt  }
0x4a: {  	_ =	shalt  }
0x4b: {  	_ =	shalt  }
0x4c: {  	_ =	shalt  }
0x4d: {  	_ =	shalt  }
0x4e: {  	_ =	shalt  }
0x4f: {  	_ =	shalt  }
0x50: {  	_ =	shalt  }
0x51: {  	_ =	shalt  }
0x52: {  	_ =	shalt  }
0x53: {  	_ =	shalt  }
0x54: {  	_ =	shalt  }
0x55: {  	_ =	shalt  }
0x56: {  	_ =	shalt  }
0x57: {  	_ =	shalt  }
0x58: {  	_ =	shalt  }
0x59: {  	_ =	shalt  }
0x5a: {  	_ =	shalt  }
0x5b: {  	_ =	shalt  }
0x5c: {  	_ =	shalt  }
0x5d: {  	_ =	shalt  }
0x5e: {  	_ =	shalt  }
0x5f: {  	_ =	shalt  }
0x60: {  	_ =	shalt  }
0x61: {  	_ =	shalt  }
0x62: {  	_ =	shalt  }
0x63: {  	_ =	shalt  }
0x64: {  	_ =	shalt  }
0x65: {  	_ =	shalt  }
0x66: {  	_ =	shalt  }
0x67: {  	_ =	shalt  }
0x68: {  	_ =	shalt  }
0x69: {  	_ =	shalt  }
0x6a: {  	_ =	shalt  }
0x6b: {  	_ =	shalt  }
0x6c: {  	_ =	shalt  }
0x6d: {  	_ =	shalt  }
0x6e: {  	_ =	shalt  }
0x6f: {  	_ =	shalt  }
0x70: {  	_ =	shalt  }
0x71: {  	_ =	shalt  }
0x72: {  	_ =	shalt  }
0x73: {  	_ =	shalt  }
0x74: {  	_ =	shalt  }
0x75: {  	_ =	shalt  }
0x76: {  	_ =	shalt  }
0x77: {  	_ =	shalt  }
0x78: {  	_ =	shalt  }
0x79: {  	_ =	shalt  }
0x7a: {  	_ =	shalt  }
0x7b: {  	_ =	shalt  }
0x7c: {  	_ =	shalt  }
0x7d: {  	_ =	shalt  }
0x7e: {  	_ =	shalt  }
0x7f: {  	_ =	shalt  }
0x80: {  	_ =	shalt  }
0x81: {  	_ =	shalt  }
0x82: {  	_ =	shalt  }
0x83: {  	_ =	shalt  }
0x84: {  	_ =	shalt  }
0x85: {  	_ =	shalt  }
0x86: {  	_ =	shalt  }
0x87: {  	_ =	shalt  }
.Lfunc_end0:
.L_simem_size_0:
called_computation.1_lowered:
.L_overlay_start_0:
0x88: {  	s2 =	sld [smem:$0x3FD9]  }
0x89: {  	s3 =	sld [smem:$0x3FFE];
	_ =	sdelay $0x1  }
0x8a: {  	s1 =	srdreg.scid  }
0x8b: {  	s0 =	sand.u32 $0x1, s1  }
0x8c: {  	s17 =	sshll.u32 s0, $0xA;
	s2 =	sadd.s32 s3, s2  }
0x8d: {  	s2 =	sadd.s32 s2, s17  }
0x8e: {  	[smem:$0x3FBC] =	sst s2  }
0x8f: {  	_ = 	snop  }
0x90: {  	s2 =	sld [smem:$0x3FD0];
	(tm) =	ssettm $0x1  }
0x91: {  	s18 =	sld [smem:$0x3FFB];
	_ =	sdelay $0x3  }
0x92: {  	_ =	strace s18  }
0x93: {  	s3 =	sld [smem:$0x3FFC];
	_ =	sdelay $0x3  }
0x94: {  	_ =	strace s3  }
0x95: {  	s3 =	sld [smem:$0x3FFD];
	_ =	sdelay $0x3  }
0x96: {  	_ =	strace s3  }
0x97: {  	_ =	strace $0x8FFFFFFF  }
0x98: {  	s19 =	sld [smem:$0x3FDB];
	_ =	sdelay $0x1  }
0x99: {  	s4 =	simm.s32 $_scs_section_size  }
0x9a: {  	s5 =	simm.s32 $_size__tile_overlayer_lowered;
	s6 =	simm.s32 $_tile_overlayer_lowered  }
0x9b: {  	s22 =	simm.s32 $0x1BFF;
	s21 =	sshll.u32 s6, $0x1;
	s3 =	sadd.s32 s4, s19  }
0x9c: {  	s7 =	simm.s32 $0x0;
	s20 =	sshll.u32 s5, $0x1;
	s5 =	sadd.s32 s21, s3  }
0x9d: {  	[timem:s7], [sflag:s22] =	dma.local [hbm:s5], s20  }
0x9e: {  	_ =	swait.ge [sflag:s22], s20  }
0x9f: {  	s4 =	ssub.s32 $0x0, s20;
	[sflag:s22] =	ssyncset.done $0x0  }
0xa0: {  	[sflag:s22] =	ssyncadd.s32 s4;
	_ =	sdelay $0x1  }
0xa1: {  	s23 =	simm.s32 $0x1B8B  }
0xa2: {  	_ =	swait.ge [sflag:s23], $0x1  }
0xa3: {  	[sflag:s23] =	ssyncset.done $0x0  }
0xa4: {  	s25 =	simm.s32 $0x1B8E;
	s24 =	sld [smem:$0x3FFE];
	[sflag:s23] =	ssyncadd.s32 $0xFFFFFFFF  }
0xa5: {  	s26 =	simm.s32 $execute0_lowered;
	[smem:$0x3FD2] =	sst s25  }
0xa6: {  	s5 =	sshll.u32 s26, $0x1;
	_ =	strace $0x80000049;
	[dreg:$0x1] =	wrdreg $0xFFFFFFFF  }
0xa7: {  	s28 =	simm.s32 $_size_execute0_lowered;
	s3 =	sadd.s32 s3, s5;
	[dreg:$0x0] =	wrdreg $0x0  }
0xa8: {  	s5 =	sshll.u32 s28, $0x1;
	[dreg:$0x2] =	wrdreg s3  }
0xa9: {  	[dreg:$0x3] =	wrdreg s5  }
0xaa: {  	[dreg:$0x4] =	wrdreg $0xC0  }
0xab: {  	_ =	task [dreg:s7], $0x5FFFF  }
0xac: {  	[dreg:$0x1] =	wrdreg $0xFFFFFFFF  }
0xad: {  	[dreg:$0x0] =	wrdreg $0x60  }
0xae: {  	[dreg:$0x2] =	wrdreg s24  }
0xaf: {  	[dreg:$0x3] =	wrdreg s2  }
0xb0: {  	[dreg:$0x4] =	wrdreg $0x0  }
0xb1: {  	[dreg:$0x5] =	wrdreg $0x9  }
0xb2: {  	_ =	task.clear_ibuf [dreg:s7], $0x6FFFF;
	_ =	strace $0x90000049  }
0xb3: {  	s29 =	simm.s32 $0x9;
	_ =	strace $0x8000004B  }
0xb4: {  	_ =	swait.ge [sflag:s29], $0x1  }
0xb5: {  	[sflag:s29] =	ssyncadd.s32 $0xFFFFFFFF  }
0xb6: {  	_ =	strace $0x9000004B  }
0xb7: {  	_ =	sfence  }
0xb8: {  	s30 =	sld [smem:$0x0];
	_ =	sdelay $0x2  }
0xb9: {  	s31 =	sshll.u32 s1, $0xD;
	s1 =	sshrl.u32 s1, $0x2  }
0xba: {  	s3 =	sand.u32 $0x4000, s31;
	s1 =	sadd.s32 s1, s30  }
0xbb: {  	s0 =	sor.u32 s3, s0;
	s1 =	sshll.u32 s1, $0x11  }
0xbc: {  	s0 =	sor.u32 s1, s0  }
0xbd: {  	s0 =	sadd.s32 $0x8F2B, s0  }
0xbe: {  	[sflag:s0] =	ssyncadd.remote.s32 $0x1  }
0xbf: {  	_ =	sfence.sel $0xFFFF  }
0xc0: {  	[dreg:$0x0] =	wrdreg $0xFFFFFFFF;
	(pc) =	sbr.abs _section_cstart, $3  }
0xc1: {  	[dreg:$0x1] =	wrdreg $0xFFFFFFFF  }
0xc2: {  	_ =	task.clear_ibuf [dreg:s7], $0x2FFFF;
	_ =	strace $0x9FFFFFFF  }
0xc3: {  	(tm) =	ssettm $0x7FFFFFFF  }
tec
execute0_lowered:
.L_overlay_start_1:
0x0: {  	(tag) =	ssettag $0x1  }
0x1: {  	s6 =	rddreg [dreg:$0x0]  }
0x2: {  	s2 =	rddreg [dreg:$0x1]  }
0x3: {  	s0 =	srdreg.scid;
	s3 =	rddreg [dreg:$0x2];
	s4 =	simm.s32 $0x0  }
0x4: {  	s14 =	simm.s32 $0x5;
	s15 =	simm.s32 $0x14000;
	s16 =	simm.s32 $0x40  }
0x5: {  	s17 =	simm.s32 $0x16800;
	s18 =	simm.s32 $0x18800;
	s19 =	simm.s32 $0x1A800  }
0x6: {  	s20 =	simm.s32 $0x1C800;
	s21 =	simm.s32 $0x1;
	s22 =	simm.s32 $0x2  }
0x7: {  	s23 =	simm.s32 $0x3;
	s5 =	sand.u32 $0x1, s0;
	s0 =	stileid.u32  }
0x8: {  	s24 =	simm.s32 $0x4;
	s25 =	simm.s32 $0x0;
	s8 =	smul.u32 $0x14000, s0  }
0x9: {  	[smem:$0x7FF] =	sst s4;
	s1 =	sshll.u32 s5, $0x4;
	s9 =	smul.u32 $0x140000, s5  }
0xa: {  	s28 =	smul.u32 $0x50000, s0;
	s5 =	ssub.s32 $0x2, s5;
	s1 =	sor.u32 s0, s1  }
0xb: {  	s31 =	sshll.u32 s0, $0x6;
	s29 =	sshrl.u32 s5, $0x1;
	s7 =	smul.u32 $0xA000, s1  }
0xc: {  	s1 =	rddreg [dreg:$0x3];
	_ =	strace $0x8000004A;
	s26 =	sshrl.u32 s8, $0x3  }
0xd: {  	s8 =	sadd.s32 s8, s9;
	s30 =	sshrl.u32 s28, $0x2;
	s12 =	ssub.s32 s5, s29  }
0xe: {  	s8 =	sshrl.u32 s8, $0x3;
	s13 =	sadd.s32 s30, s3;
	s12 =	smax.u32 s12, $0x1  }
0xf: {  	s7 =	sshrl.u32 s7, $0x3;
	s11 =	sadd.s32 s8, s6;
	s13 =	sshrl.u32 s13, $0x3  }
0x10: {  	s10 =	sadd.s32 s7, s6;
	s7 =	sadd.s32 s26, s6;
	s6 =	sor.u32 $0x1C05, s31  }
0x11: {  	s11 =	sadd.s32 $0xD2A00, s11;
	s5 =	sadd.s32 $0x34800, s7;
	s7 =	sadd.s32 $0xC800, s10  }
0x12: {  	s8 =	sadd.s32 $0xCD00, s10;
	s9 =	sadd.s32 $0xD200, s10;
	s10 =	sadd.s32 $0xD700, s10  }
.LBB2_1:
0x13: {  	[spmem:s13], [sflag:s6] =	dma.local [hbm:s5], $0x2800  }
0x14: {  	_ =	swait.ge [sflag:s14], $0x2800  }
0x15: {  	[sflag:s14] =	ssyncset.done $0x0  }
0x16: {  	[sflag:s14] =	ssyncadd.s32 $0xFFFFD800  }
0x17: {  	[bflag:$0x0] =	sbarrier.arrive $0xFFFF  }
0x18: {  	[tilespmem:s15], [sflag:$0x5] =	stream.linear.gather [hbm4b:s7+s4], $0x2800, $0x38;
	[tilespmem:$0x1E800] =	vst v63  }
0x19: {  	_ =	swait.ge [sflag:s14], $0x2800  }
0x1a: {  	[sflag:s14] =	ssyncset.done $0x0  }
0x1b: {  	s26 =	simm.s32 $0x14000;
	[sflag:s14] =	ssyncadd.s32 $0xFFFFD800  }
0x1c: {  	[tilespmem:s17], [sflag:$0x1] =	stream.indirect.gather [hbm4b:s2+s16], $0x80, s26, s16, $0xb8;
	[tilespmem:$0x1E800] =	vst v63  }
0x1d: {  	s31 =	simm.s32 $0x14100  }
0x1e: {  	[tilespmem:s18], [sflag:$0x2] =	stream.indirect.gather [hbm4b:s2+s16], $0x80, s31, s16, $0xb8;
	[tilespmem:$0x1E800] =	vst v63  }
0x1f: {  	s28 =	simm.s32 $0x14200  }
0x20: {  	[tilespmem:s19], [sflag:$0x3] =	stream.indirect.gather [hbm4b:s2+s16], $0x80, s28, s16, $0xb8;
	[tilespmem:$0x1E800] =	vst v63  }
0x21: {  	s29 =	simm.s32 $0x14300  }
0x22: {  	[tilespmem:s20], [sflag:$0x4] =	stream.indirect.gather [hbm4b:s2+s16], $0x80, s29, s16, $0xb8;
	[tilespmem:$0x1E800] =	vst v63  }
0x23: {  	_ =	swait.ge [sflag:s21], $0x2000  }
0x24: {  	[sflag:s21] =	ssyncset.done $0x0  }
0x25: {  	[sflag:s21] =	ssyncadd.s32 $0xFFFFE000  }
0x26: {  	_ =	swait.ge [sflag:s22], $0x2000  }
0x27: {  	[sflag:s22] =	ssyncset.done $0x0  }
0x28: {  	[sflag:s22] =	ssyncadd.s32 $0xFFFFE000  }
0x29: {  	_ =	swait.ge [sflag:s23], $0x2000  }
0x2a: {  	[sflag:s23] =	ssyncset.done $0x0  }
0x2b: {  	[sflag:s23] =	ssyncadd.s32 $0xFFFFE000  }
0x2c: {  	_ =	swait.ge [sflag:s24], $0x2000  }
0x2d: {  	[sflag:s24] =	ssyncset.done $0x0  }
0x2e: {  	s31 =	simm.s32 $0x14080;
	[sflag:s24] =	ssyncadd.s32 $0xFFFFE000  }
0x2f: {  	[spmem:s3] =	stream.indirect.scatter.add.f32 [tilespmem:s17], [sflag:$0x5], $0x80, s31, s16, $0xb8;
	[tilespmem:$0x1E800] =	vst v63  }
0x30: {  	_ =	swait.ge [sflag:s14], $0x2000  }
0x31: {  	[sflag:s14] =	ssyncset.done $0x0  }
0x32: {  	s28 =	simm.s32 $0x14180;
	[sflag:s14] =	ssyncadd.s32 $0xFFFFE000  }
0x33: {  	[spmem:s3] =	stream.indirect.scatter.add.f32 [tilespmem:s18], [sflag:$0x5], $0x80, s28, s16, $0xb8;
	[tilespmem:$0x1E800] =	vst v63  }
0x34: {  	_ =	swait.ge [sflag:s14], $0x2000  }
0x35: {  	[sflag:s14] =	ssyncset.done $0x0  }
0x36: {  	s29 =	simm.s32 $0x14280;
	[sflag:s14] =	ssyncadd.s32 $0xFFFFE000  }
0x37: {  	[spmem:s3] =	stream.indirect.scatter.add.f32 [tilespmem:s19], [sflag:$0x5], $0x80, s29, s16, $0xb8;
	[tilespmem:$0x1E800] =	vst v63  }
0x38: {  	_ =	swait.ge [sflag:s14], $0x2000  }
0x39: {  	[sflag:s14] =	ssyncset.done $0x0  }
0x3a: {  	s31 =	simm.s32 $0x14380;
	[sflag:s14] =	ssyncadd.s32 $0xFFFFE000  }
0x3b: {  	[spmem:s3] =	stream.indirect.scatter.add.f32 [tilespmem:s20], [sflag:$0x5], $0x80, s31, s16, $0xb8;
	[tilespmem:$0x1E800] =	vst v63  }
0x3c: {  	_ =	swait.ge [sflag:s14], $0x2000  }
0x3d: {  	s30 =	simm.s32 $0x2000;
	s26 =	simm.s32 $0x400;
	[sflag:s14] =	ssyncset.done $0x0  }
.LBB2_2:
0x3e: {  	s31 =	sadd.s32 $0x14000, s26  }
0x3f: {  	[sflag:s14] =	ssyncadd.s32 $0xFFFFE000;
	s29 =	smov.u32 s30;
	s28 =	sadd.s32 $0x1000, s30  }
0x40: {  	[tilespmem:s17], [sflag:$0x1] =	stream.indirect.gather [hbm4b:s2+s16], $0x80, s31, s16, $0xb8;
	[tilespmem:$0x1E800] =	vst v63  }
0x41: {  	p0 =	sne.s32 s30, $0x9000;
	s30 =	sadd.s32 $0x14100, s26  }
0x42: {  	[tilespmem:s18], [sflag:$0x2] =	stream.indirect.gather [hbm4b:s2+s16], $0x80, s30, s16, $0xb8;
	[tilespmem:$0x1E800] =	vst v63  }
0x43: {  	s30 =	sadd.s32 $0x14200, s26  }
0x44: {  	[tilespmem:s19], [sflag:$0x3] =	stream.indirect.gather [hbm4b:s2+s16], $0x80, s30, s16, $0xb8;
	[tilespmem:$0x1E800] =	vst v63  }
0x45: {  	s30 =	sadd.s32 $0x14300, s26  }
0x46: {  	[tilespmem:s20], [sflag:$0x4] =	stream.indirect.gather [hbm4b:s2+s16], $0x80, s30, s16, $0xb8;
	[tilespmem:$0x1E800] =	vst v63  }
0x47: {  	_ =	swait.ge [sflag:s21], $0x2000  }
0x48: {  	[sflag:s21] =	ssyncset.done $0x0  }
0x49: {  	[sflag:s21] =	ssyncadd.s32 $0xFFFFE000  }
0x4a: {  	_ =	swait.ge [sflag:s22], $0x2000  }
0x4b: {  	[sflag:s22] =	ssyncset.done $0x0  }
0x4c: {  	[sflag:s22] =	ssyncadd.s32 $0xFFFFE000  }
0x4d: {  	_ =	swait.ge [sflag:s23], $0x2000  }
0x4e: {  	[sflag:s23] =	ssyncset.done $0x0  }
0x4f: {  	[sflag:s23] =	ssyncadd.s32 $0xFFFFE000  }
0x50: {  	_ =	swait.ge [sflag:s24], $0x2000  }
0x51: {  	[sflag:s24] =	ssyncset.done $0x0  }
0x52: {  	s30 =	sadd.s32 $0x14080, s26;
	[sflag:s24] =	ssyncadd.s32 $0xFFFFE000  }
0x53: {  	[spmem:s3] =	stream.indirect.scatter.add.f32 [tilespmem:s17], [sflag:$0x5], $0x80, s30, s16, $0xb8;
	[tilespmem:$0x1E800] =	vst v63  }
0x54: {  	_ =	swait.ge [sflag:s14], $0x2000  }
0x55: {  	[sflag:s14] =	ssyncset.done $0x0  }
0x56: {  	s30 =	sadd.s32 $0x14180, s26;
	[sflag:s14] =	ssyncadd.s32 $0xFFFFE000  }
0x57: {  	[spmem:s3] =	stream.indirect.scatter.add.f32 [tilespmem:s18], [sflag:$0x5], $0x80, s30, s16, $0xb8;
	[tilespmem:$0x1E800] =	vst v63  }
0x58: {  	_ =	swait.ge [sflag:s14], $0x2000  }
0x59: {  	[sflag:s14] =	ssyncset.done $0x0  }
0x5a: {  	s30 =	sadd.s32 $0x14280, s26;
	[sflag:s14] =	ssyncadd.s32 $0xFFFFE000  }
0x5b: {  	[spmem:s3] =	stream.indirect.scatter.add.f32 [tilespmem:s19], [sflag:$0x5], $0x80, s30, s16, $0xb8;
	[tilespmem:$0x1E800] =	vst v63  }
0x5c: {  	_ =	swait.ge [sflag:s14], $0x2000  }
.Ltmp0:
0x5d: {  	[sflag:s14] =	ssyncset.done $0x0;
	(pc) =	sbr.rel @p0 .LBB2_2-.Ltmp0, $4  }
0x5e: {  	s26 =	sadd.s32 $0x14380, s26;
	[sflag:s14] =	ssyncadd.s32 $0xFFFFE000  }
0x5f: {  	[spmem:s3] =	stream.indirect.scatter.add.f32 [tilespmem:s20], [sflag:$0x5], $0x80, s26, s16, $0xb8;
	[tilespmem:$0x1E800] =	vst v63  }
0x60: {  	_ =	swait.ge [sflag:s14], $0x2000  }
0x61: {  	s30 =	smov.u32 s28;
	s26 =	sshra.s32 s29, $0x2;
	[sflag:s14] =	ssyncset.done $0x0  }
0x62: {  	s28 =	sadd.s32 $0x14000, s26;
	[sflag:s14] =	ssyncadd.s32 $0xFFFFE000  }
0x63: {  	[tilespmem:s17], [sflag:$0x1] =	stream.indirect.gather [hbm4b:s2+s16], $0x80, s28, s16, $0xb8;
	[tilespmem:$0x1E800] =	vst v63  }
0x64: {  	s31 =	sadd.s32 $0x14100, s26  }
0x65: {  	[tilespmem:s18], [sflag:$0x2] =	stream.indirect.gather [hbm4b:s2+s16], $0x80, s31, s16, $0xb8;
	[tilespmem:$0x1E800] =	vst v63  }
0x66: {  	s29 =	sadd.s32 $0x14200, s26  }
0x67: {  	[tilespmem:s19], [sflag:$0x3] =	stream.indirect.gather [hbm4b:s2+s16], $0x80, s29, s16, $0xb8;
	[tilespmem:$0x1E800] =	vst v63  }
0x68: {  	s31 =	sadd.s32 $0x14300, s26  }
0x69: {  	[tilespmem:s20], [sflag:$0x4] =	stream.indirect.gather [hbm4b:s2+s16], $0x80, s31, s16, $0xb8;
	[tilespmem:$0x1E800] =	vst v63  }
0x6a: {  	_ =	swait.ge [sflag:s21], $0x2000  }
0x6b: {  	[sflag:s21] =	ssyncset.done $0x0  }
0x6c: {  	[sflag:s21] =	ssyncadd.s32 $0xFFFFE000  }
0x6d: {  	_ =	swait.ge [sflag:s22], $0x2000  }
0x6e: {  	[sflag:s22] =	ssyncset.done $0x0  }
0x6f: {  	[sflag:s22] =	ssyncadd.s32 $0xFFFFE000  }
0x70: {  	_ =	swait.ge [sflag:s23], $0x2000  }
0x71: {  	[sflag:s23] =	ssyncset.done $0x0  }
0x72: {  	[sflag:s23] =	ssyncadd.s32 $0xFFFFE000  }
0x73: {  	_ =	swait.ge [sflag:s24], $0x2000  }
0x74: {  	[sflag:s24] =	ssyncset.done $0x0  }
0x75: {  	s29 =	sadd.s32 $0x14080, s26;
	[sflag:s24] =	ssyncadd.s32 $0xFFFFE000  }
0x76: {  	[spmem:s3] =	stream.indirect.scatter.add.f32 [tilespmem:s17], [sflag:$0x5], $0x80, s29, s16, $0xb8;
	[tilespmem:$0x1E800] =	vst v63  }
0x77: {  	_ =	swait.ge [sflag:s14], $0x2000  }
0x78: {  	[sflag:s14] =	ssyncset.done $0x0  }
0x79: {  	s31 =	sadd.s32 $0x14180, s26;
	[sflag:s14] =	ssyncadd.s32 $0xFFFFE000  }
0x7a: {  	[spmem:s3] =	stream.indirect.scatter.add.f32 [tilespmem:s18], [sflag:$0x5], $0x80, s31, s16, $0xb8;
	[tilespmem:$0x1E800] =	vst v63  }
0x7b: {  	_ =	swait.ge [sflag:s14], $0x2000  }
0x7c: {  	[sflag:s14] =	ssyncset.done $0x0  }
0x7d: {  	s29 =	sadd.s32 $0x14280, s26;
	[sflag:s14] =	ssyncadd.s32 $0xFFFFE000  }
0x7e: {  	[spmem:s3] =	stream.indirect.scatter.add.f32 [tilespmem:s19], [sflag:$0x5], $0x80, s29, s16, $0xb8;
	[tilespmem:$0x1E800] =	vst v63  }
0x7f: {  	_ =	swait.ge [sflag:s14], $0x2000  }
0x80: {  	[sflag:s14] =	ssyncset.done $0x0  }
0x81: {  	s31 =	sadd.s32 $0x14380, s26;
	[sflag:s14] =	ssyncadd.s32 $0xFFFFE000  }
0x82: {  	[spmem:s3] =	stream.indirect.scatter.add.f32 [tilespmem:s20], [sflag:$0x5], $0x80, s31, s16, $0xb8;
	[tilespmem:$0x1E800] =	vst v63  }
0x83: {  	_ =	swait.ge [sflag:s14], $0x2000  }
0x84: {  	[sflag:s14] =	ssyncset.done $0x0  }
0x85: {  	s28 =	simm.s32 $0x0;
	[sflag:s14] =	ssyncadd.s32 $0xFFFFE000  }
0x86: {  	[tilespmem:s15], [sflag:$0x5] =	stream.linear.gather [hbm4b:s8+s28], $0x2800, $0x38;
	[tilespmem:$0x1E800] =	vst v63  }
0x87: {  	_ =	swait.ge [sflag:s14], $0x2800  }
0x88: {  	[sflag:s14] =	ssyncset.done $0x0  }
0x89: {  	s29 =	simm.s32 $0x14000;
	[sflag:s14] =	ssyncadd.s32 $0xFFFFD800  }
0x8a: {  	[tilespmem:s17], [sflag:$0x1] =	stream.indirect.gather [hbm4b:s2+s16], $0x80, s29, s16, $0xb8;
	[tilespmem:$0x1E800] =	vst v63  }
0x8b: {  	s31 =	simm.s32 $0x14100  }
0x8c: {  	[tilespmem:s18], [sflag:$0x2] =	stream.indirect.gather [hbm4b:s2+s16], $0x80, s31, s16, $0xb8;
	[tilespmem:$0x1E800] =	vst v63  }
0x8d: {  	s28 =	simm.s32 $0x14200  }
0x8e: {  	[tilespmem:s19], [sflag:$0x3] =	stream.indirect.gather [hbm4b:s2+s16], $0x80, s28, s16, $0xb8;
	[tilespmem:$0x1E800] =	vst v63  }
0x8f: {  	s29 =	simm.s32 $0x14300  }
0x90: {  	[tilespmem:s20], [sflag:$0x4] =	stream.indirect.gather [hbm4b:s2+s16], $0x80, s29, s16, $0xb8;
	[tilespmem:$0x1E800] =	vst v63  }
0x91: {  	_ =	swait.ge [sflag:s21], $0x2000  }
0x92: {  	[sflag:s21] =	ssyncset.done $0x0  }
0x93: {  	[sflag:s21] =	ssyncadd.s32 $0xFFFFE000  }
0x94: {  	_ =	swait.ge [sflag:s22], $0x2000  }
0x95: {  	[sflag:s22] =	ssyncset.done $0x0  }
0x96: {  	[sflag:s22] =	ssyncadd.s32 $0xFFFFE000  }
0x97: {  	_ =	swait.ge [sflag:s23], $0x2000  }
0x98: {  	[sflag:s23] =	ssyncset.done $0x0  }
0x99: {  	[sflag:s23] =	ssyncadd.s32 $0xFFFFE000  }
0x9a: {  	_ =	swait.ge [sflag:s24], $0x2000  }
0x9b: {  	[sflag:s24] =	ssyncset.done $0x0  }
0x9c: {  	s31 =	simm.s32 $0x14080;
	[sflag:s24] =	ssyncadd.s32 $0xFFFFE000  }
0x9d: {  	[spmem:s3] =	stream.indirect.scatter.add.f32 [tilespmem:s17], [sflag:$0x5], $0x80, s31, s16, $0xb8;
	[tilespmem:$0x1E800] =	vst v63  }
0x9e: {  	_ =	swait.ge [sflag:s14], $0x2000  }
0x9f: {  	[sflag:s14] =	ssyncset.done $0x0  }
0xa0: {  	s28 =	simm.s32 $0x14180;
	[sflag:s14] =	ssyncadd.s32 $0xFFFFE000  }
0xa1: {  	[spmem:s3] =	stream.indirect.scatter.add.f32 [tilespmem:s18], [sflag:$0x5], $0x80, s28, s16, $0xb8;
	[tilespmem:$0x1E800] =	vst v63  }
0xa2: {  	_ =	swait.ge [sflag:s14], $0x2000  }
0xa3: {  	[sflag:s14] =	ssyncset.done $0x0  }
0xa4: {  	s29 =	simm.s32 $0x14280;
	[sflag:s14] =	ssyncadd.s32 $0xFFFFE000  }
0xa5: {  	[spmem:s3] =	stream.indirect.scatter.add.f32 [tilespmem:s19], [sflag:$0x5], $0x80, s29, s16, $0xb8;
	[tilespmem:$0x1E800] =	vst v63  }
0xa6: {  	_ =	swait.ge [sflag:s14], $0x2000  }
0xa7: {  	[sflag:s14] =	ssyncset.done $0x0  }
0xa8: {  	s31 =	simm.s32 $0x14380;
	[sflag:s14] =	ssyncadd.s32 $0xFFFFE000  }
0xa9: {  	[spmem:s3] =	stream.indirect.scatter.add.f32 [tilespmem:s20], [sflag:$0x5], $0x80, s31, s16, $0xb8;
	[tilespmem:$0x1E800] =	vst v63  }
0xaa: {  	_ =	swait.ge [sflag:s14], $0x2000  }
0xab: {  	s30 =	simm.s32 $0x2000;
	s26 =	simm.s32 $0x400;
	[sflag:s14] =	ssyncset.done $0x0  }
.LBB2_4:
0xac: {  	s31 =	sadd.s32 $0x14000, s26  }
0xad: {  	[sflag:s14] =	ssyncadd.s32 $0xFFFFE000;
	s29 =	smov.u32 s30;
	s28 =	sadd.s32 $0x1000, s30  }
0xae: {  	[tilespmem:s17], [sflag:$0x1] =	stream.indirect.gather [hbm4b:s2+s16], $0x80, s31, s16, $0xb8;
	[tilespmem:$0x1E800] =	vst v63  }
0xaf: {  	p0 =	sne.s32 s30, $0x9000;
	s30 =	sadd.s32 $0x14100, s26  }
0xb0: {  	[tilespmem:s18], [sflag:$0x2] =	stream.indirect.gather [hbm4b:s2+s16], $0x80, s30, s16, $0xb8;
	[tilespmem:$0x1E800] =	vst v63  }
0xb1: {  	s30 =	sadd.s32 $0x14200, s26  }
0xb2: {  	[tilespmem:s19], [sflag:$0x3] =	stream.indirect.gather [hbm4b:s2+s16], $0x80, s30, s16, $0xb8;
	[tilespmem:$0x1E800] =	vst v63  }
0xb3: {  	s30 =	sadd.s32 $0x14300, s26  }
0xb4: {  	[tilespmem:s20], [sflag:$0x4] =	stream.indirect.gather [hbm4b:s2+s16], $0x80, s30, s16, $0xb8;
	[tilespmem:$0x1E800] =	vst v63  }
0xb5: {  	_ =	swait.ge [sflag:s21], $0x2000  }
0xb6: {  	[sflag:s21] =	ssyncset.done $0x0  }
0xb7: {  	[sflag:s21] =	ssyncadd.s32 $0xFFFFE000  }
0xb8: {  	_ =	swait.ge [sflag:s22], $0x2000  }
0xb9: {  	[sflag:s22] =	ssyncset.done $0x0  }
0xba: {  	[sflag:s22] =	ssyncadd.s32 $0xFFFFE000  }
0xbb: {  	_ =	swait.ge [sflag:s23], $0x2000  }
0xbc: {  	[sflag:s23] =	ssyncset.done $0x0  }
0xbd: {  	[sflag:s23] =	ssyncadd.s32 $0xFFFFE000  }
0xbe: {  	_ =	swait.ge [sflag:s24], $0x2000  }
0xbf: {  	[sflag:s24] =	ssyncset.done $0x0  }
0xc0: {  	s30 =	sadd.s32 $0x14080, s26;
	[sflag:s24] =	ssyncadd.s32 $0xFFFFE000  }
0xc1: {  	[spmem:s3] =	stream.indirect.scatter.add.f32 [tilespmem:s17], [sflag:$0x5], $0x80, s30, s16, $0xb8;
	[tilespmem:$0x1E800] =	vst v63  }
0xc2: {  	_ =	swait.ge [sflag:s14], $0x2000  }
0xc3: {  	[sflag:s14] =	ssyncset.done $0x0  }
0xc4: {  	s30 =	sadd.s32 $0x14180, s26;
	[sflag:s14] =	ssyncadd.s32 $0xFFFFE000  }
0xc5: {  	[spmem:s3] =	stream.indirect.scatter.add.f32 [tilespmem:s18], [sflag:$0x5], $0x80, s30, s16, $0xb8;
	[tilespmem:$0x1E800] =	vst v63  }
0xc6: {  	_ =	swait.ge [sflag:s14], $0x2000  }
0xc7: {  	[sflag:s14] =	ssyncset.done $0x0  }
0xc8: {  	s30 =	sadd.s32 $0x14280, s26;
	[sflag:s14] =	ssyncadd.s32 $0xFFFFE000  }
0xc9: {  	[spmem:s3] =	stream.indirect.scatter.add.f32 [tilespmem:s19], [sflag:$0x5], $0x80, s30, s16, $0xb8;
	[tilespmem:$0x1E800] =	vst v63  }
0xca: {  	_ =	swait.ge [sflag:s14], $0x2000  }
.Ltmp1:
0xcb: {  	[sflag:s14] =	ssyncset.done $0x0;
	(pc) =	sbr.rel @p0 .LBB2_4-.Ltmp1, $4  }
0xcc: {  	s26 =	sadd.s32 $0x14380, s26;
	[sflag:s14] =	ssyncadd.s32 $0xFFFFE000  }
0xcd: {  	[spmem:s3] =	stream.indirect.scatter.add.f32 [tilespmem:s20], [sflag:$0x5], $0x80, s26, s16, $0xb8;
	[tilespmem:$0x1E800] =	vst v63  }
0xce: {  	_ =	swait.ge [sflag:s14], $0x2000  }
0xcf: {  	s30 =	smov.u32 s28;
	s26 =	sshra.s32 s29, $0x2;
	[sflag:s14] =	ssyncset.done $0x0  }
0xd0: {  	s28 =	sadd.s32 $0x14000, s26;
	[sflag:s14] =	ssyncadd.s32 $0xFFFFE000  }
0xd1: {  	[tilespmem:s17], [sflag:$0x1] =	stream.indirect.gather [hbm4b:s2+s16], $0x80, s28, s16, $0xb8;
	[tilespmem:$0x1E800] =	vst v63  }
0xd2: {  	s31 =	sadd.s32 $0x14100, s26  }
0xd3: {  	[tilespmem:s18], [sflag:$0x2] =	stream.indirect.gather [hbm4b:s2+s16], $0x80, s31, s16, $0xb8;
	[tilespmem:$0x1E800] =	vst v63  }
0xd4: {  	s29 =	sadd.s32 $0x14200, s26  }
0xd5: {  	[tilespmem:s19], [sflag:$0x3] =	stream.indirect.gather [hbm4b:s2+s16], $0x80, s29, s16, $0xb8;
	[tilespmem:$0x1E800] =	vst v63  }
0xd6: {  	s31 =	sadd.s32 $0x14300, s26  }
0xd7: {  	[tilespmem:s20], [sflag:$0x4] =	stream.indirect.gather [hbm4b:s2+s16], $0x80, s31, s16, $0xb8;
	[tilespmem:$0x1E800] =	vst v63  }
0xd8: {  	_ =	swait.ge [sflag:s21], $0x2000  }
0xd9: {  	[sflag:s21] =	ssyncset.done $0x0  }
0xda: {  	[sflag:s21] =	ssyncadd.s32 $0xFFFFE000  }
0xdb: {  	_ =	swait.ge [sflag:s22], $0x2000  }
0xdc: {  	[sflag:s22] =	ssyncset.done $0x0  }
0xdd: {  	[sflag:s22] =	ssyncadd.s32 $0xFFFFE000  }
0xde: {  	_ =	swait.ge [sflag:s23], $0x2000  }
0xdf: {  	[sflag:s23] =	ssyncset.done $0x0  }
0xe0: {  	[sflag:s23] =	ssyncadd.s32 $0xFFFFE000  }
0xe1: {  	_ =	swait.ge [sflag:s24], $0x2000  }
0xe2: {  	[sflag:s24] =	ssyncset.done $0x0  }
0xe3: {  	s29 =	sadd.s32 $0x14080, s26;
	[sflag:s24] =	ssyncadd.s32 $0xFFFFE000  }
0xe4: {  	[spmem:s3] =	stream.indirect.scatter.add.f32 [tilespmem:s17], [sflag:$0x5], $0x80, s29, s16, $0xb8;
	[tilespmem:$0x1E800] =	vst v63  }
0xe5: {  	_ =	swait.ge [sflag:s14], $0x2000  }
0xe6: {  	[sflag:s14] =	ssyncset.done $0x0  }
0xe7: {  	s31 =	sadd.s32 $0x14180, s26;
	[sflag:s14] =	ssyncadd.s32 $0xFFFFE000  }
0xe8: {  	[spmem:s3] =	stream.indirect.scatter.add.f32 [tilespmem:s18], [sflag:$0x5], $0x80, s31, s16, $0xb8;
	[tilespmem:$0x1E800] =	vst v63  }
0xe9: {  	_ =	swait.ge [sflag:s14], $0x2000  }
0xea: {  	[sflag:s14] =	ssyncset.done $0x0  }
0xeb: {  	s29 =	sadd.s32 $0x14280, s26;
	[sflag:s14] =	ssyncadd.s32 $0xFFFFE000  }
0xec: {  	[spmem:s3] =	stream.indirect.scatter.add.f32 [tilespmem:s19], [sflag:$0x5], $0x80, s29, s16, $0xb8;
	[tilespmem:$0x1E800] =	vst v63  }
0xed: {  	_ =	swait.ge [sflag:s14], $0x2000  }
0xee: {  	[sflag:s14] =	ssyncset.done $0x0  }
0xef: {  	s31 =	sadd.s32 $0x14380, s26;
	[sflag:s14] =	ssyncadd.s32 $0xFFFFE000  }
0xf0: {  	[spmem:s3] =	stream.indirect.scatter.add.f32 [tilespmem:s20], [sflag:$0x5], $0x80, s31, s16, $0xb8;
	[tilespmem:$0x1E800] =	vst v63  }
0xf1: {  	_ =	swait.ge [sflag:s14], $0x2000  }
0xf2: {  	[sflag:s14] =	ssyncset.done $0x0  }
0xf3: {  	s28 =	simm.s32 $0x0;
	[sflag:s14] =	ssyncadd.s32 $0xFFFFE000  }
0xf4: {  	[tilespmem:s15], [sflag:$0x5] =	stream.linear.gather [hbm4b:s9+s28], $0x2800, $0x38;
	[tilespmem:$0x1E800] =	vst v63  }
0xf5: {  	_ =	swait.ge [sflag:s14], $0x2800  }
0xf6: {  	[sflag:s14] =	ssyncset.done $0x0  }
0xf7: {  	s29 =	simm.s32 $0x14000;
	[sflag:s14] =	ssyncadd.s32 $0xFFFFD800  }
0xf8: {  	[tilespmem:s17], [sflag:$0x1] =	stream.indirect.gather [hbm4b:s2+s16], $0x80, s29, s16, $0xb8;
	[tilespmem:$0x1E800] =	vst v63  }
0xf9: {  	s31 =	simm.s32 $0x14100  }
0xfa: {  	[tilespmem:s18], [sflag:$0x2] =	stream.indirect.gather [hbm4b:s2+s16], $0x80, s31, s16, $0xb8;
	[tilespmem:$0x1E800] =	vst v63  }
0xfb: {  	s28 =	simm.s32 $0x14200  }
0xfc: {  	[tilespmem:s19], [sflag:$0x3] =	stream.indirect.gather [hbm4b:s2+s16], $0x80, s28, s16, $0xb8;
	[tilespmem:$0x1E800] =	vst v63  }
0xfd: {  	s29 =	simm.s32 $0x14300  }
0xfe: {  	[tilespmem:s20], [sflag:$0x4] =	stream.indirect.gather [hbm4b:s2+s16], $0x80, s29, s16, $0xb8;
	[tilespmem:$0x1E800] =	vst v63  }
0xff: {  	_ =	swait.ge [sflag:s21], $0x2000  }
0x100: {  	[sflag:s21] =	ssyncset.done $0x0  }
0x101: {  	[sflag:s21] =	ssyncadd.s32 $0xFFFFE000  }
0x102: {  	_ =	swait.ge [sflag:s22], $0x2000  }
0x103: {  	[sflag:s22] =	ssyncset.done $0x0  }
0x104: {  	[sflag:s22] =	ssyncadd.s32 $0xFFFFE000  }
0x105: {  	_ =	swait.ge [sflag:s23], $0x2000  }
0x106: {  	[sflag:s23] =	ssyncset.done $0x0  }
0x107: {  	[sflag:s23] =	ssyncadd.s32 $0xFFFFE000  }
0x108: {  	_ =	swait.ge [sflag:s24], $0x2000  }
0x109: {  	[sflag:s24] =	ssyncset.done $0x0  }
0x10a: {  	s31 =	simm.s32 $0x14080;
	[sflag:s24] =	ssyncadd.s32 $0xFFFFE000  }
0x10b: {  	[spmem:s3] =	stream.indirect.scatter.add.f32 [tilespmem:s17], [sflag:$0x5], $0x80, s31, s16, $0xb8;
	[tilespmem:$0x1E800] =	vst v63  }
0x10c: {  	_ =	swait.ge [sflag:s14], $0x2000  }
0x10d: {  	[sflag:s14] =	ssyncset.done $0x0  }
0x10e: {  	s28 =	simm.s32 $0x14180;
	[sflag:s14] =	ssyncadd.s32 $0xFFFFE000  }
0x10f: {  	[spmem:s3] =	stream.indirect.scatter.add.f32 [tilespmem:s18], [sflag:$0x5], $0x80, s28, s16, $0xb8;
	[tilespmem:$0x1E800] =	vst v63  }
0x110: {  	_ =	swait.ge [sflag:s14], $0x2000  }
0x111: {  	[sflag:s14] =	ssyncset.done $0x0  }
0x112: {  	s29 =	simm.s32 $0x14280;
	[sflag:s14] =	ssyncadd.s32 $0xFFFFE000  }
0x113: {  	[spmem:s3] =	stream.indirect.scatter.add.f32 [tilespmem:s19], [sflag:$0x5], $0x80, s29, s16, $0xb8;
	[tilespmem:$0x1E800] =	vst v63  }
0x114: {  	_ =	swait.ge [sflag:s14], $0x2000  }
0x115: {  	[sflag:s14] =	ssyncset.done $0x0  }
0x116: {  	s31 =	simm.s32 $0x14380;
	[sflag:s14] =	ssyncadd.s32 $0xFFFFE000  }
0x117: {  	[spmem:s3] =	stream.indirect.scatter.add.f32 [tilespmem:s20], [sflag:$0x5], $0x80, s31, s16, $0xb8;
	[tilespmem:$0x1E800] =	vst v63  }
0x118: {  	_ =	swait.ge [sflag:s14], $0x2000  }
0x119: {  	s30 =	simm.s32 $0x2000;
	s26 =	simm.s32 $0x400;
	[sflag:s14] =	ssyncset.done $0x0  }
.LBB2_6:
0x11a: {  	s31 =	sadd.s32 $0x14000, s26  }
0x11b: {  	[sflag:s14] =	ssyncadd.s32 $0xFFFFE000;
	s29 =	smov.u32 s30;
	s28 =	sadd.s32 $0x1000, s30  }
0x11c: {  	[tilespmem:s17], [sflag:$0x1] =	stream.indirect.gather [hbm4b:s2+s16], $0x80, s31, s16, $0xb8;
	[tilespmem:$0x1E800] =	vst v63  }
0x11d: {  	p0 =	sne.s32 s30, $0x9000;
	s30 =	sadd.s32 $0x14100, s26  }
0x11e: {  	[tilespmem:s18], [sflag:$0x2] =	stream.indirect.gather [hbm4b:s2+s16], $0x80, s30, s16, $0xb8;
	[tilespmem:$0x1E800] =	vst v63  }
0x11f: {  	s30 =	sadd.s32 $0x14200, s26  }
0x120: {  	[tilespmem:s19], [sflag:$0x3] =	stream.indirect.gather [hbm4b:s2+s16], $0x80, s30, s16, $0xb8;
	[tilespmem:$0x1E800] =	vst v63  }
0x121: {  	s30 =	sadd.s32 $0x14300, s26  }
0x122: {  	[tilespmem:s20], [sflag:$0x4] =	stream.indirect.gather [hbm4b:s2+s16], $0x80, s30, s16, $0xb8;
	[tilespmem:$0x1E800] =	vst v63  }
0x123: {  	_ =	swait.ge [sflag:s21], $0x2000  }
0x124: {  	[sflag:s21] =	ssyncset.done $0x0  }
0x125: {  	[sflag:s21] =	ssyncadd.s32 $0xFFFFE000  }
0x126: {  	_ =	swait.ge [sflag:s22], $0x2000  }
0x127: {  	[sflag:s22] =	ssyncset.done $0x0  }
0x128: {  	[sflag:s22] =	ssyncadd.s32 $0xFFFFE000  }
0x129: {  	_ =	swait.ge [sflag:s23], $0x2000  }
0x12a: {  	[sflag:s23] =	ssyncset.done $0x0  }
0x12b: {  	[sflag:s23] =	ssyncadd.s32 $0xFFFFE000  }
0x12c: {  	_ =	swait.ge [sflag:s24], $0x2000  }
0x12d: {  	[sflag:s24] =	ssyncset.done $0x0  }
0x12e: {  	s30 =	sadd.s32 $0x14080, s26;
	[sflag:s24] =	ssyncadd.s32 $0xFFFFE000  }
0x12f: {  	[spmem:s3] =	stream.indirect.scatter.add.f32 [tilespmem:s17], [sflag:$0x5], $0x80, s30, s16, $0xb8;
	[tilespmem:$0x1E800] =	vst v63  }
0x130: {  	_ =	swait.ge [sflag:s14], $0x2000  }
0x131: {  	[sflag:s14] =	ssyncset.done $0x0  }
0x132: {  	s30 =	sadd.s32 $0x14180, s26;
	[sflag:s14] =	ssyncadd.s32 $0xFFFFE000  }
0x133: {  	[spmem:s3] =	stream.indirect.scatter.add.f32 [tilespmem:s18], [sflag:$0x5], $0x80, s30, s16, $0xb8;
	[tilespmem:$0x1E800] =	vst v63  }
0x134: {  	_ =	swait.ge [sflag:s14], $0x2000  }
0x135: {  	[sflag:s14] =	ssyncset.done $0x0  }
0x136: {  	s30 =	sadd.s32 $0x14280, s26;
	[sflag:s14] =	ssyncadd.s32 $0xFFFFE000  }
0x137: {  	[spmem:s3] =	stream.indirect.scatter.add.f32 [tilespmem:s19], [sflag:$0x5], $0x80, s30, s16, $0xb8;
	[tilespmem:$0x1E800] =	vst v63  }
0x138: {  	_ =	swait.ge [sflag:s14], $0x2000  }
.Ltmp2:
0x139: {  	[sflag:s14] =	ssyncset.done $0x0;
	(pc) =	sbr.rel @p0 .LBB2_6-.Ltmp2, $4  }
0x13a: {  	s26 =	sadd.s32 $0x14380, s26;
	[sflag:s14] =	ssyncadd.s32 $0xFFFFE000  }
0x13b: {  	[spmem:s3] =	stream.indirect.scatter.add.f32 [tilespmem:s20], [sflag:$0x5], $0x80, s26, s16, $0xb8;
	[tilespmem:$0x1E800] =	vst v63  }
0x13c: {  	_ =	swait.ge [sflag:s14], $0x2000  }
0x13d: {  	s30 =	smov.u32 s28;
	s26 =	sshra.s32 s29, $0x2;
	[sflag:s14] =	ssyncset.done $0x0  }
0x13e: {  	s28 =	sadd.s32 $0x14000, s26;
	[sflag:s14] =	ssyncadd.s32 $0xFFFFE000  }
0x13f: {  	[tilespmem:s17], [sflag:$0x1] =	stream.indirect.gather [hbm4b:s2+s16], $0x80, s28, s16, $0xb8;
	[tilespmem:$0x1E800] =	vst v63  }
0x140: {  	s31 =	sadd.s32 $0x14100, s26  }
0x141: {  	[tilespmem:s18], [sflag:$0x2] =	stream.indirect.gather [hbm4b:s2+s16], $0x80, s31, s16, $0xb8;
	[tilespmem:$0x1E800] =	vst v63  }
0x142: {  	s29 =	sadd.s32 $0x14200, s26  }
0x143: {  	[tilespmem:s19], [sflag:$0x3] =	stream.indirect.gather [hbm4b:s2+s16], $0x80, s29, s16, $0xb8;
	[tilespmem:$0x1E800] =	vst v63  }
0x144: {  	s31 =	sadd.s32 $0x14300, s26  }
0x145: {  	[tilespmem:s20], [sflag:$0x4] =	stream.indirect.gather [hbm4b:s2+s16], $0x80, s31, s16, $0xb8;
	[tilespmem:$0x1E800] =	vst v63  }
0x146: {  	_ =	swait.ge [sflag:s21], $0x2000  }
0x147: {  	[sflag:s21] =	ssyncset.done $0x0  }
0x148: {  	[sflag:s21] =	ssyncadd.s32 $0xFFFFE000  }
0x149: {  	_ =	swait.ge [sflag:s22], $0x2000  }
0x14a: {  	[sflag:s22] =	ssyncset.done $0x0  }
0x14b: {  	[sflag:s22] =	ssyncadd.s32 $0xFFFFE000  }
0x14c: {  	_ =	swait.ge [sflag:s23], $0x2000  }
0x14d: {  	[sflag:s23] =	ssyncset.done $0x0  }
0x14e: {  	[sflag:s23] =	ssyncadd.s32 $0xFFFFE000  }
0x14f: {  	_ =	swait.ge [sflag:s24], $0x2000  }
0x150: {  	[sflag:s24] =	ssyncset.done $0x0  }
0x151: {  	s29 =	sadd.s32 $0x14080, s26;
	[sflag:s24] =	ssyncadd.s32 $0xFFFFE000  }
0x152: {  	[spmem:s3] =	stream.indirect.scatter.add.f32 [tilespmem:s17], [sflag:$0x5], $0x80, s29, s16, $0xb8;
	[tilespmem:$0x1E800] =	vst v63  }
0x153: {  	_ =	swait.ge [sflag:s14], $0x2000  }
0x154: {  	[sflag:s14] =	ssyncset.done $0x0  }
0x155: {  	s31 =	sadd.s32 $0x14180, s26;
	[sflag:s14] =	ssyncadd.s32 $0xFFFFE000  }
0x156: {  	[spmem:s3] =	stream.indirect.scatter.add.f32 [tilespmem:s18], [sflag:$0x5], $0x80, s31, s16, $0xb8;
	[tilespmem:$0x1E800] =	vst v63  }
0x157: {  	_ =	swait.ge [sflag:s14], $0x2000  }
0x158: {  	[sflag:s14] =	ssyncset.done $0x0  }
0x159: {  	s29 =	sadd.s32 $0x14280, s26;
	[sflag:s14] =	ssyncadd.s32 $0xFFFFE000  }
0x15a: {  	[spmem:s3] =	stream.indirect.scatter.add.f32 [tilespmem:s19], [sflag:$0x5], $0x80, s29, s16, $0xb8;
	[tilespmem:$0x1E800] =	vst v63  }
0x15b: {  	_ =	swait.ge [sflag:s14], $0x2000  }
0x15c: {  	[sflag:s14] =	ssyncset.done $0x0  }
0x15d: {  	s31 =	sadd.s32 $0x14380, s26;
	[sflag:s14] =	ssyncadd.s32 $0xFFFFE000  }
0x15e: {  	[spmem:s3] =	stream.indirect.scatter.add.f32 [tilespmem:s20], [sflag:$0x5], $0x80, s31, s16, $0xb8;
	[tilespmem:$0x1E800] =	vst v63  }
0x15f: {  	_ =	swait.ge [sflag:s14], $0x2000  }
0x160: {  	[sflag:s14] =	ssyncset.done $0x0  }
0x161: {  	s28 =	simm.s32 $0x0;
	[sflag:s14] =	ssyncadd.s32 $0xFFFFE000  }
0x162: {  	[tilespmem:s15], [sflag:$0x5] =	stream.linear.gather [hbm4b:s10+s28], $0x2800, $0x38;
	[tilespmem:$0x1E800] =	vst v63  }
0x163: {  	_ =	swait.ge [sflag:s14], $0x2800  }
0x164: {  	[sflag:s14] =	ssyncset.done $0x0  }
0x165: {  	s29 =	simm.s32 $0x14000;
	[sflag:s14] =	ssyncadd.s32 $0xFFFFD800  }
0x166: {  	[tilespmem:s17], [sflag:$0x1] =	stream.indirect.gather [hbm4b:s2+s16], $0x80, s29, s16, $0xb8;
	[tilespmem:$0x1E800] =	vst v63  }
0x167: {  	s31 =	simm.s32 $0x14100  }
0x168: {  	[tilespmem:s18], [sflag:$0x2] =	stream.indirect.gather [hbm4b:s2+s16], $0x80, s31, s16, $0xb8;
	[tilespmem:$0x1E800] =	vst v63  }
0x169: {  	s28 =	simm.s32 $0x14200  }
0x16a: {  	[tilespmem:s19], [sflag:$0x3] =	stream.indirect.gather [hbm4b:s2+s16], $0x80, s28, s16, $0xb8;
	[tilespmem:$0x1E800] =	vst v63  }
0x16b: {  	s29 =	simm.s32 $0x14300  }
0x16c: {  	[tilespmem:s20], [sflag:$0x4] =	stream.indirect.gather [hbm4b:s2+s16], $0x80, s29, s16, $0xb8;
	[tilespmem:$0x1E800] =	vst v63  }
0x16d: {  	_ =	swait.ge [sflag:s21], $0x2000  }
0x16e: {  	[sflag:s21] =	ssyncset.done $0x0  }
0x16f: {  	[sflag:s21] =	ssyncadd.s32 $0xFFFFE000  }
0x170: {  	_ =	swait.ge [sflag:s22], $0x2000  }
0x171: {  	[sflag:s22] =	ssyncset.done $0x0  }
0x172: {  	[sflag:s22] =	ssyncadd.s32 $0xFFFFE000  }
0x173: {  	_ =	swait.ge [sflag:s23], $0x2000  }
0x174: {  	[sflag:s23] =	ssyncset.done $0x0  }
0x175: {  	[sflag:s23] =	ssyncadd.s32 $0xFFFFE000  }
0x176: {  	_ =	swait.ge [sflag:s24], $0x2000  }
0x177: {  	[sflag:s24] =	ssyncset.done $0x0  }
0x178: {  	s31 =	simm.s32 $0x14080;
	[sflag:s24] =	ssyncadd.s32 $0xFFFFE000  }
0x179: {  	[spmem:s3] =	stream.indirect.scatter.add.f32 [tilespmem:s17], [sflag:$0x5], $0x80, s31, s16, $0xb8;
	[tilespmem:$0x1E800] =	vst v63  }
0x17a: {  	_ =	swait.ge [sflag:s14], $0x2000  }
0x17b: {  	[sflag:s14] =	ssyncset.done $0x0  }
0x17c: {  	s28 =	simm.s32 $0x14180;
	[sflag:s14] =	ssyncadd.s32 $0xFFFFE000  }
0x17d: {  	[spmem:s3] =	stream.indirect.scatter.add.f32 [tilespmem:s18], [sflag:$0x5], $0x80, s28, s16, $0xb8;
	[tilespmem:$0x1E800] =	vst v63  }
0x17e: {  	_ =	swait.ge [sflag:s14], $0x2000  }
0x17f: {  	[sflag:s14] =	ssyncset.done $0x0  }
0x180: {  	s29 =	simm.s32 $0x14280;
	[sflag:s14] =	ssyncadd.s32 $0xFFFFE000  }
0x181: {  	[spmem:s3] =	stream.indirect.scatter.add.f32 [tilespmem:s19], [sflag:$0x5], $0x80, s29, s16, $0xb8;
	[tilespmem:$0x1E800] =	vst v63  }
0x182: {  	_ =	swait.ge [sflag:s14], $0x2000  }
0x183: {  	[sflag:s14] =	ssyncset.done $0x0  }
0x184: {  	s31 =	simm.s32 $0x14380;
	[sflag:s14] =	ssyncadd.s32 $0xFFFFE000  }
0x185: {  	[spmem:s3] =	stream.indirect.scatter.add.f32 [tilespmem:s20], [sflag:$0x5], $0x80, s31, s16, $0xb8;
	[tilespmem:$0x1E800] =	vst v63  }
0x186: {  	_ =	swait.ge [sflag:s14], $0x2000  }
0x187: {  	s30 =	simm.s32 $0x2000;
	s26 =	simm.s32 $0x400;
	[sflag:s14] =	ssyncset.done $0x0  }
.LBB2_8:
0x188: {  	s31 =	sadd.s32 $0x14000, s26  }
0x189: {  	[sflag:s14] =	ssyncadd.s32 $0xFFFFE000;
	s29 =	smov.u32 s30;
	s28 =	sadd.s32 $0x1000, s30  }
0x18a: {  	[tilespmem:s17], [sflag:$0x1] =	stream.indirect.gather [hbm4b:s2+s16], $0x80, s31, s16, $0xb8;
	[tilespmem:$0x1E800] =	vst v63  }
0x18b: {  	p0 =	sne.s32 s30, $0x9000;
	s30 =	sadd.s32 $0x14100, s26  }
0x18c: {  	[tilespmem:s18], [sflag:$0x2] =	stream.indirect.gather [hbm4b:s2+s16], $0x80, s30, s16, $0xb8;
	[tilespmem:$0x1E800] =	vst v63  }
0x18d: {  	s30 =	sadd.s32 $0x14200, s26  }
0x18e: {  	[tilespmem:s19], [sflag:$0x3] =	stream.indirect.gather [hbm4b:s2+s16], $0x80, s30, s16, $0xb8;
	[tilespmem:$0x1E800] =	vst v63  }
0x18f: {  	s30 =	sadd.s32 $0x14300, s26  }
0x190: {  	[tilespmem:s20], [sflag:$0x4] =	stream.indirect.gather [hbm4b:s2+s16], $0x80, s30, s16, $0xb8;
	[tilespmem:$0x1E800] =	vst v63  }
0x191: {  	_ =	swait.ge [sflag:s21], $0x2000  }
0x192: {  	[sflag:s21] =	ssyncset.done $0x0  }
0x193: {  	[sflag:s21] =	ssyncadd.s32 $0xFFFFE000  }
0x194: {  	_ =	swait.ge [sflag:s22], $0x2000  }
0x195: {  	[sflag:s22] =	ssyncset.done $0x0  }
0x196: {  	[sflag:s22] =	ssyncadd.s32 $0xFFFFE000  }
0x197: {  	_ =	swait.ge [sflag:s23], $0x2000  }
0x198: {  	[sflag:s23] =	ssyncset.done $0x0  }
0x199: {  	[sflag:s23] =	ssyncadd.s32 $0xFFFFE000  }
0x19a: {  	_ =	swait.ge [sflag:s24], $0x2000  }
0x19b: {  	[sflag:s24] =	ssyncset.done $0x0  }
0x19c: {  	s30 =	sadd.s32 $0x14080, s26;
	[sflag:s24] =	ssyncadd.s32 $0xFFFFE000  }
0x19d: {  	[spmem:s3] =	stream.indirect.scatter.add.f32 [tilespmem:s17], [sflag:$0x5], $0x80, s30, s16, $0xb8;
	[tilespmem:$0x1E800] =	vst v63  }
0x19e: {  	_ =	swait.ge [sflag:s14], $0x2000  }
0x19f: {  	[sflag:s14] =	ssyncset.done $0x0  }
0x1a0: {  	s30 =	sadd.s32 $0x14180, s26;
	[sflag:s14] =	ssyncadd.s32 $0xFFFFE000  }
0x1a1: {  	[spmem:s3] =	stream.indirect.scatter.add.f32 [tilespmem:s18], [sflag:$0x5], $0x80, s30, s16, $0xb8;
	[tilespmem:$0x1E800] =	vst v63  }
0x1a2: {  	_ =	swait.ge [sflag:s14], $0x2000  }
0x1a3: {  	[sflag:s14] =	ssyncset.done $0x0  }
0x1a4: {  	s30 =	sadd.s32 $0x14280, s26;
	[sflag:s14] =	ssyncadd.s32 $0xFFFFE000  }
0x1a5: {  	[spmem:s3] =	stream.indirect.scatter.add.f32 [tilespmem:s19], [sflag:$0x5], $0x80, s30, s16, $0xb8;
	[tilespmem:$0x1E800] =	vst v63  }
0x1a6: {  	_ =	swait.ge [sflag:s14], $0x2000  }
.Ltmp3:
0x1a7: {  	[sflag:s14] =	ssyncset.done $0x0;
	(pc) =	sbr.rel @p0 .LBB2_8-.Ltmp3, $4  }
0x1a8: {  	s26 =	sadd.s32 $0x14380, s26;
	[sflag:s14] =	ssyncadd.s32 $0xFFFFE000  }
0x1a9: {  	[spmem:s3] =	stream.indirect.scatter.add.f32 [tilespmem:s20], [sflag:$0x5], $0x80, s26, s16, $0xb8;
	[tilespmem:$0x1E800] =	vst v63  }
0x1aa: {  	_ =	swait.ge [sflag:s14], $0x2000  }
0x1ab: {  	s30 =	smov.u32 s28;
	s26 =	sshra.s32 s29, $0x2;
	[sflag:s14] =	ssyncset.done $0x0  }
0x1ac: {  	s28 =	sadd.s32 $0x14000, s26;
	[sflag:s14] =	ssyncadd.s32 $0xFFFFE000  }
0x1ad: {  	[tilespmem:s17], [sflag:$0x1] =	stream.indirect.gather [hbm4b:s2+s16], $0x80, s28, s16, $0xb8;
	[tilespmem:$0x1E800] =	vst v63  }
0x1ae: {  	s31 =	sadd.s32 $0x14100, s26  }
0x1af: {  	[tilespmem:s18], [sflag:$0x2] =	stream.indirect.gather [hbm4b:s2+s16], $0x80, s31, s16, $0xb8;
	[tilespmem:$0x1E800] =	vst v63  }
0x1b0: {  	s29 =	sadd.s32 $0x14200, s26  }
0x1b1: {  	[tilespmem:s19], [sflag:$0x3] =	stream.indirect.gather [hbm4b:s2+s16], $0x80, s29, s16, $0xb8;
	[tilespmem:$0x1E800] =	vst v63  }
0x1b2: {  	s30 =	sadd.s32 $0x14300, s26  }
0x1b3: {  	[tilespmem:s20], [sflag:$0x4] =	stream.indirect.gather [hbm4b:s2+s16], $0x80, s30, s16, $0xb8;
	[tilespmem:$0x1E800] =	vst v63  }
0x1b4: {  	_ =	swait.ge [sflag:s21], $0x2000  }
0x1b5: {  	[sflag:s21] =	ssyncset.done $0x0  }
0x1b6: {  	[sflag:s21] =	ssyncadd.s32 $0xFFFFE000  }
0x1b7: {  	_ =	swait.ge [sflag:s22], $0x2000  }
0x1b8: {  	[sflag:s22] =	ssyncset.done $0x0  }
0x1b9: {  	[sflag:s22] =	ssyncadd.s32 $0xFFFFE000  }
0x1ba: {  	_ =	swait.ge [sflag:s23], $0x2000  }
0x1bb: {  	[sflag:s23] =	ssyncset.done $0x0  }
0x1bc: {  	[sflag:s23] =	ssyncadd.s32 $0xFFFFE000  }
0x1bd: {  	_ =	swait.ge [sflag:s24], $0x2000  }
0x1be: {  	[sflag:s24] =	ssyncset.done $0x0  }
0x1bf: {  	s31 =	sadd.s32 $0x14080, s26;
	[sflag:s24] =	ssyncadd.s32 $0xFFFFE000  }
0x1c0: {  	[spmem:s3] =	stream.indirect.scatter.add.f32 [tilespmem:s17], [sflag:$0x5], $0x80, s31, s16, $0xb8;
	[tilespmem:$0x1E800] =	vst v63  }
0x1c1: {  	_ =	swait.ge [sflag:s14], $0x2000  }
0x1c2: {  	[sflag:s14] =	ssyncset.done $0x0  }
0x1c3: {  	s29 =	sadd.s32 $0x14180, s26;
	[sflag:s14] =	ssyncadd.s32 $0xFFFFE000  }
0x1c4: {  	[spmem:s3] =	stream.indirect.scatter.add.f32 [tilespmem:s18], [sflag:$0x5], $0x80, s29, s16, $0xb8;
	[tilespmem:$0x1E800] =	vst v63  }
0x1c5: {  	_ =	swait.ge [sflag:s14], $0x2000  }
0x1c6: {  	[sflag:s14] =	ssyncset.done $0x0  }
0x1c7: {  	s30 =	sadd.s32 $0x14280, s26;
	[sflag:s14] =	ssyncadd.s32 $0xFFFFE000  }
0x1c8: {  	[spmem:s3] =	stream.indirect.scatter.add.f32 [tilespmem:s19], [sflag:$0x5], $0x80, s30, s16, $0xb8;
	[tilespmem:$0x1E800] =	vst v63  }
0x1c9: {  	_ =	swait.ge [sflag:s14], $0x2000  }
0x1ca: {  	[sflag:s14] =	ssyncset.done $0x0  }
0x1cb: {  	s31 =	sadd.s32 $0x14380, s26;
	[sflag:s14] =	ssyncadd.s32 $0xFFFFE000  }
0x1cc: {  	[spmem:s3] =	stream.indirect.scatter.add.f32 [tilespmem:s20], [sflag:$0x5], $0x80, s31, s16, $0xb8;
	[tilespmem:$0x1E800] =	vst v63  }
0x1cd: {  	_ =	swait.ge [sflag:s14], $0x2000  }
0x1ce: {  	s25 =	sadd.s32 $0x1, s25;
	[sflag:s14] =	ssyncset.done $0x0  }
0x1cf: {  	p0 =	sne.s32 s25, s12;
	[sflag:s14] =	ssyncadd.s32 $0xFFFFE000  }
.Ltmp4:
0x1d0: {  	[bflag:$0x0] =	sbarrier.arrive $0xFFFF;
	(pc) =	sbr.rel @p0 .LBB2_1-.Ltmp4, $4  }
0x1d1: {  	[hbm:s11], [sflag:s6] =	dma.local [spmem:s13], $0x2800  }
0x1d2: {  	_ =	swait.ge [sflag:s14], $0x2800  }
0x1d3: {  	[sflag:s14] =	ssyncset.done $0x0  }
0x1d4: {  	[sflag:s14] =	ssyncadd.s32 $0xFFFFD800  }
0x1d5: {  	_ =	sfence.sel $0x180000  }
0x1d6: {  	[bflag:$0x0] =	sbarrier.arrive $0xFFFF  }
0x1d7: {  	p0 =	sne.s32 s0, $0x0;
	_ =	strace $0x9000004A  }
0x1d8: {  	s0 =	sadd.s32 @!p0 $0x100000, s1;
	[bflag:$0x2] =	sbarrier.arrive $0xFFFF  }
0x1d9: {  	[sflag:s0] =	ssyncadd.tile.s32 @!p0 $0x1;
	_ =	shalt  }
.Lfunc_end2:
_tile_overlayer_lowered:
.L_overlay_start_2:
0x1da: {  	(tag) =	ssettag $0x2  }
0x1db: {  	s0 =	rddreg [dreg:$0x0];
	s2 =	stileid.u32  }
0x1dc: {  	s1 =	rddreg [dreg:$0x1];
	p0 =	sne.s32 s2, $0x0  }
0x1dd: {  	s3 =	rddreg [dreg:$0x2];
	[bflag:$0x3] =	sbarrier.arrive $0xFFFF;
	s2 =	simm.s32 @!p0 $0x1C05  }
0x1de: {  	[timem:s3], [sflag:s2] =	dma.local @!p0 [hbm:s0], s1  }
0x1df: {  	s0 =	simm.s32 @!p0 $0x5  }
0x1e0: {  	_ =	swait.ge @!p0 [sflag:s0], s1  }
0x1e1: {  	s1 =	ssub.s32 @!p0 $0x0, s1;
	[sflag:s0] =	ssyncset.done @!p0 $0x0  }
0x1e2: {  	[sflag:s0] =	ssyncadd.s32 @!p0 s1  }
0x1e3: {  	[bflag:$0x3] =	sbarrier.arrive $0xFFFF  }
0x1e4: {  	_ =	shalt  }

// kernel: kernel.14.cloned.1.call-start
scs
__scs_entry_jumppad:
0x0: {  	(pc) =	sbr.rel $0x88, $3  }
0x1: {  	(tag) =	ssettag $0x0;
	lr =	simm.s32 $0x1  }
0x2: {  	[smem:$0x3F95] =	sst lr;
	_ =	strace $0xD0000000  }
0x3: {  	_ = 	snop  }
0x4: {  	_ = 	snop  }
0x5: {  	_ = 	snop  }
0x6: {  	_ = 	snop  }
0x7: {  	_ = 	snop  }
__scs_overlays_trampoline_lowered:
0x8: {  	[smem:$0x3FA4] =	sst s0  }
0x9: {  	[smem:$0x3FA5] =	sst s1  }
0xa: {  	[smem:$0x3FA6] =	sst s2  }
0xb: {  	[smem:$0x3FA7] =	sst s3  }
0xc: {  	[smem:$0x3FA8] =	sst s4  }
0xd: {  	[smem:$0x3FA9] =	sst s5  }
0xe: {  	[smem:$0x3FAA] =	sst s6  }
0xf: {  	[smem:$0x3FAB] =	sst s7  }
0x10: {  	[smem:$0x3FAC] =	sst s8  }
0x11: {  	[smem:$0x3FAD] =	sst s9;
	s0 =	simm.s32 @!p0 $0x0  }
0x12: {  	s1 =	sld [smem:$0x3F93];
	s0 =	simm.s32 @p0 $0x1  }
0x13: {  	[smem:$0x3FAE] =	sst s0;
	s0 =	simm.s32 @!p1 $0x0  }
0x14: {  	s2 =	sld [smem:$0x3F92];
	s0 =	simm.s32 @p1 $0x1  }
0x15: {  	[smem:$0x3FAF] =	sst s0;
	s0 =	simm.s32 @!p2 $0x0  }
0x16: {  	s3 =	sld [smem:$0x3FDB];
	s0 =	simm.s32 @p2 $0x1  }
0x17: {  	s4 =	simm.s32 $0x1BF5;
	[smem:$0x3FB1] =	sst s0  }
0x18: {  	s0 =	sld [smem:$0x3F94];
	_ =	swait.ge [sflag:s4], $0x0  }
0x19: {  	s7 =	sld [smem:$0x3F95]  }
0x1a: {  	s8 =	sadd.s32 $0xFFFFE003, lr  }
0x1b: {  	s9 =	sadd.s32 $0xFFFFFEF7, lr;
	s5 =	simm.s32 $0xFFFFFFFF;
	p2 =	slt.u32 s8, $0xFFFFF086  }
0x1c: {  	p1 =	slt.u32 s9, $0xF7A;
	s5 =	simm.s32 @!p2 $0x0  }
0x1d: {  	s5 =	simm.s32 @p1 $0x1;
	p0 =	seq.s32 s7, s2  }
0x1e: {  	s7 =	smul.u32 @!p0 $0xF7A, s2;
	p2 =	seq.s32 @!p0 s5, $0x0  }
0x1f: {  	s9 =	smul.u32 $0xF7A, s1;
	s8 =	simm.s32 @!p0 $0x1BF5;
	p2 =	por !p2, p0  }
0x20: {  	[sflag:s8] =	ssyncset.s32 @!p0 $0xFFFFF086;
	s6 =	sadd.s32 @!p0 s3, s7;
	s7 =	simm.s32 @!p0 $0x108  }
0x21: {  	s3 =	sadd.s32 s3, s9;
	s6 =	sadd.s32 @!p0 $0x88, s6;
	s7 =	simm.s32 @p2 $0x1082  }
0x22: {  	[simem:s7], [sflag:s8] =	dma.local @!p0 [hbm:s6], $0xF7A  }
0x23: {  	s9 =	sor.u32 $0xD0000000, s2;
	s6 =	simm.s32 $0x108;
	_ =	swait.ge @!p0 [sflag:s8], $0x0  }
0x24: {  	s3 =	sadd.s32 $0x88, s3;
	s6 =	simm.s32 @!p1 $0x1082;
	[sflag:s4] =	ssyncset.s32 $0xFFFFF086  }
0x25: {  	[simem:s6], [sflag:s4] =	dma.local [hbm:s3], $0xF7A  }
0x26: {  	[smem:$0x3F95] =	sst s1;
	(tag) =	ssettag s2;
	_ =	strace s9  }
0x27: {  	s1 =	sld [smem:$0x3FA5]  }
0x28: {  	s2 =	sld [smem:$0x3FA6]  }
0x29: {  	s4 =	sld [smem:$0x3FA8]  }
0x2a: {  	p0 =	seq.s32 s5, $0x0;
	s5 =	sld [smem:$0x3FA9]  }
0x2b: {  	s6 =	sld [smem:$0x3FAA]  }
0x2c: {  	s7 =	sld [smem:$0x3FAB]  }
0x2d: {  	s3 =	simm.s32 $0x108;
	s8 =	sld [smem:$0x3FAC]  }
0x2e: {  	s3 =	simm.s32 @!p0 $0x1082;
	s9 =	sld [smem:$0x3FAD]  }
0x2f: {  	lr =	sadd.s32 s0, s3;
	s0 =	sld [smem:$0x3FA4]  }
0x30: {  	s3 =	sld [smem:$0x3FA7]  }
0x31: {  	[smem:$0x3FB0] =	sst s10  }
0x32: {  	s10 =	sld [smem:$0x3FAE];
	_ =	sdelay $0x3  }
0x33: {  	p0 =	seq.s32 s10, $0x1;
	s10 =	sld [smem:$0x3FB0];
	_ =	sdelay $0x3  }
0x34: {  	[smem:$0x3FB0] =	sst s10  }
0x35: {  	s10 =	sld [smem:$0x3FAF];
	_ =	sdelay $0x3  }
0x36: {  	p1 =	seq.s32 s10, $0x1;
	s10 =	sld [smem:$0x3FB0];
	_ =	sdelay $0x3  }
0x37: {  	[smem:$0x3FB0] =	sst s10  }
0x38: {  	s10 =	sld [smem:$0x3FB1]  }
0x39: {  	_ = 	snop;
	(pc) =	sbr.ind lr, $3  }
0x3a: {  	_ = 	snop  }
0x3b: {  	_ = 	snop  }
0x3c: {  	p2 =	seq.s32 s10, $0x1;
	s10 =	sld [smem:$0x3FB0]  }
0x3d: {  	_ =	shalt  }
0x3e: {  	_ =	shalt  }
0x3f: {  	_ =	shalt  }
0x40: {  	_ =	shalt  }
0x41: {  	_ =	shalt  }
0x42: {  	_ =	shalt  }
0x43: {  	_ =	shalt  }
0x44: {  	_ =	shalt  }
0x45: {  	_ =	shalt  }
0x46: {  	_ =	shalt  }
0x47: {  	_ =	shalt  }
0x48: {  	_ =	shalt  }
0x49: {  	_ =	shalt  }
0x4a: {  	_ =	shalt  }
0x4b: {  	_ =	shalt  }
0x4c: {  	_ =	shalt  }
0x4d: {  	_ =	shalt  }
0x4e: {  	_ =	shalt  }
0x4f: {  	_ =	shalt  }
0x50: {  	_ =	shalt  }
0x51: {  	_ =	shalt  }
0x52: {  	_ =	shalt  }
0x53: {  	_ =	shalt  }
0x54: {  	_ =	shalt  }
0x55: {  	_ =	shalt  }
0x56: {  	_ =	shalt  }
0x57: {  	_ =	shalt  }
0x58: {  	_ =	shalt  }
0x59: {  	_ =	shalt  }
0x5a: {  	_ =	shalt  }
0x5b: {  	_ =	shalt  }
0x5c: {  	_ =	shalt  }
0x5d: {  	_ =	shalt  }
0x5e: {  	_ =	shalt  }
0x5f: {  	_ =	shalt  }
0x60: {  	_ =	shalt  }
0x61: {  	_ =	shalt  }
0x62: {  	_ =	shalt  }
0x63: {  	_ =	shalt  }
0x64: {  	_ =	shalt  }
0x65: {  	_ =	shalt  }
0x66: {  	_ =	shalt  }
0x67: {  	_ =	shalt  }
0x68: {  	_ =	shalt  }
0x69: {  	_ =	shalt  }
0x6a: {  	_ =	shalt  }
0x6b: {  	_ =	shalt  }
0x6c: {  	_ =	shalt  }
0x6d: {  	_ =	shalt  }
0x6e: {  	_ =	shalt  }
0x6f: {  	_ =	shalt  }
0x70: {  	_ =	shalt  }
0x71: {  	_ =	shalt  }
0x72: {  	_ =	shalt  }
0x73: {  	_ =	shalt  }
0x74: {  	_ =	shalt  }
0x75: {  	_ =	shalt  }
0x76: {  	_ =	shalt  }
0x77: {  	_ =	shalt  }
0x78: {  	_ =	shalt  }
0x79: {  	_ =	shalt  }
0x7a: {  	_ =	shalt  }
0x7b: {  	_ =	shalt  }
0x7c: {  	_ =	shalt  }
0x7d: {  	_ =	shalt  }
0x7e: {  	_ =	shalt  }
0x7f: {  	_ =	shalt  }
0x80: {  	_ =	shalt  }
0x81: {  	_ =	shalt  }
0x82: {  	_ =	shalt  }
0x83: {  	_ =	shalt  }
0x84: {  	_ =	shalt  }
0x85: {  	_ =	shalt  }
0x86: {  	_ =	shalt  }
0x87: {  	_ =	shalt  }
.Lfunc_end0:
.L_simem_size_0:
called_computation.2_lowered:
.L_overlay_start_0:
0x88: {  	s2 =	sld [smem:$0x3FD9]  }
0x89: {  	s3 =	sld [smem:$0x3FFE];
	_ =	sdelay $0x1  }
0x8a: {  	s1 =	srdreg.scid  }
0x8b: {  	s0 =	sand.u32 $0x1, s1  }
0x8c: {  	s17 =	sshll.u32 s0, $0xA;
	s2 =	sadd.s32 s3, s2  }
0x8d: {  	s2 =	sadd.s32 s2, s17  }
0x8e: {  	[smem:$0x3FBC] =	sst s2  }
0x8f: {  	_ = 	snop  }
0x90: {  	s2 =	sld [smem:$0x3FD0];
	(tm) =	ssettm $0x1  }
0x91: {  	s18 =	sld [smem:$0x3FFB];
	_ =	sdelay $0x3  }
0x92: {  	_ =	strace s18  }
0x93: {  	s3 =	sld [smem:$0x3FFC];
	_ =	sdelay $0x3  }
0x94: {  	_ =	strace s3  }
0x95: {  	s3 =	sld [smem:$0x3FFD];
	_ =	sdelay $0x3  }
0x96: {  	_ =	strace s3  }
0x97: {  	_ =	strace $0x8FFFFFFF  }
0x98: {  	s19 =	sld [smem:$0x3FDB];
	_ =	sdelay $0x1  }
0x99: {  	s4 =	simm.s32 $_scs_section_size  }
0x9a: {  	s5 =	simm.s32 $_size__tile_overlayer_lowered;
	s6 =	simm.s32 $_tile_overlayer_lowered  }
0x9b: {  	s22 =	simm.s32 $0x1BFF;
	s21 =	sshll.u32 s6, $0x1;
	s3 =	sadd.s32 s4, s19  }
0x9c: {  	s7 =	simm.s32 $0x0;
	s20 =	sshll.u32 s5, $0x1;
	s5 =	sadd.s32 s21, s3  }
0x9d: {  	[timem:s7], [sflag:s22] =	dma.local [hbm:s5], s20  }
0x9e: {  	_ =	swait.ge [sflag:s22], s20  }
0x9f: {  	s4 =	ssub.s32 $0x0, s20;
	[sflag:s22] =	ssyncset.done $0x0  }
0xa0: {  	[sflag:s22] =	ssyncadd.s32 s4;
	_ =	sdelay $0x1  }
0xa1: {  	s23 =	simm.s32 $0x1B8B  }
0xa2: {  	_ =	swait.ge [sflag:s23], $0x1  }
0xa3: {  	[sflag:s23] =	ssyncset.done $0x0  }
0xa4: {  	s25 =	simm.s32 $0x1B8E;
	s24 =	sld [smem:$0x3FFE];
	[sflag:s23] =	ssyncadd.s32 $0xFFFFFFFF  }
0xa5: {  	s26 =	simm.s32 $execute0_lowered;
	[smem:$0x3FD2] =	sst s25  }
0xa6: {  	s5 =	sshll.u32 s26, $0x1;
	_ =	strace $0x8000004C;
	[dreg:$0x1] =	wrdreg $0xFFFFFFFF  }
0xa7: {  	s28 =	simm.s32 $_size_execute0_lowered;
	s3 =	sadd.s32 s3, s5;
	[dreg:$0x0] =	wrdreg $0x0  }
0xa8: {  	s5 =	sshll.u32 s28, $0x1;
	[dreg:$0x2] =	wrdreg s3  }
0xa9: {  	[dreg:$0x3] =	wrdreg s5  }
0xaa: {  	[dreg:$0x4] =	wrdreg $0xC0  }
0xab: {  	_ =	task [dreg:s7], $0x5FFFF  }
0xac: {  	[dreg:$0x1] =	wrdreg $0xFFFFFFFF  }
0xad: {  	[dreg:$0x0] =	wrdreg $0x60  }
0xae: {  	[dreg:$0x2] =	wrdreg s24  }
0xaf: {  	[dreg:$0x3] =	wrdreg s2  }
0xb0: {  	[dreg:$0x4] =	wrdreg $0x0  }
0xb1: {  	[dreg:$0x5] =	wrdreg $0x9  }
0xb2: {  	_ =	task.clear_ibuf [dreg:s7], $0x6FFFF;
	_ =	strace $0x9000004C  }
0xb3: {  	s29 =	simm.s32 $0x9;
	_ =	strace $0x8000004E  }
0xb4: {  	_ =	swait.ge [sflag:s29], $0x1  }
0xb5: {  	[sflag:s29] =	ssyncadd.s32 $0xFFFFFFFF  }
0xb6: {  	_ =	strace $0x9000004E  }
0xb7: {  	_ =	sfence  }
0xb8: {  	s30 =	sld [smem:$0x0];
	_ =	sdelay $0x2  }
0xb9: {  	s31 =	sshll.u32 s1, $0xD;
	s1 =	sshrl.u32 s1, $0x2  }
0xba: {  	s3 =	sand.u32 $0x4000, s31;
	s1 =	sadd.s32 s1, s30  }
0xbb: {  	s0 =	sor.u32 s3, s0;
	s1 =	sshll.u32 s1, $0x11  }
0xbc: {  	s0 =	sor.u32 s1, s0  }
0xbd: {  	s0 =	sadd.s32 $0x8F2B, s0  }
0xbe: {  	[sflag:s0] =	ssyncadd.remote.s32 $0x1  }
0xbf: {  	_ =	sfence.sel $0xFFFF  }
0xc0: {  	[dreg:$0x0] =	wrdreg $0xFFFFFFFF;
	(pc) =	sbr.abs _section_cstart, $3  }
0xc1: {  	[dreg:$0x1] =	wrdreg $0xFFFFFFFF  }
0xc2: {  	_ =	task.clear_ibuf [dreg:s7], $0x2FFFF;
	_ =	strace $0x9FFFFFFF  }
0xc3: {  	(tm) =	ssettm $0x7FFFFFFF  }
tec
execute0_lowered:
.L_overlay_start_1:
0x0: {  	(tag) =	ssettag $0x1  }
0x1: {  	s6 =	rddreg [dreg:$0x0]  }
0x2: {  	s2 =	rddreg [dreg:$0x1]  }
0x3: {  	s0 =	srdreg.scid;
	s3 =	rddreg [dreg:$0x2];
	s4 =	simm.s32 $0x0  }
0x4: {  	s14 =	simm.s32 $0x5;
	s15 =	simm.s32 $0x14000;
	s16 =	simm.s32 $0x40  }
0x5: {  	s17 =	simm.s32 $0x16800;
	s18 =	simm.s32 $0x18800;
	s19 =	simm.s32 $0x1A800  }
0x6: {  	s20 =	simm.s32 $0x1C800;
	s21 =	simm.s32 $0x1;
	s22 =	simm.s32 $0x2  }
0x7: {  	s23 =	simm.s32 $0x3;
	s5 =	sand.u32 $0x1, s0;
	s0 =	stileid.u32  }
0x8: {  	s24 =	simm.s32 $0x4;
	s25 =	simm.s32 $0x0;
	s8 =	smul.u32 $0x14000, s0  }
0x9: {  	[smem:$0x7FF] =	sst s4;
	s1 =	sshll.u32 s5, $0x4;
	s9 =	smul.u32 $0x140000, s5  }
0xa: {  	s28 =	smul.u32 $0x50000, s0;
	s5 =	ssub.s32 $0x2, s5;
	s1 =	sor.u32 s0, s1  }
0xb: {  	s31 =	sshll.u32 s0, $0x6;
	s29 =	sshrl.u32 s5, $0x1;
	s7 =	smul.u32 $0xA000, s1  }
0xc: {  	s1 =	rddreg [dreg:$0x3];
	_ =	strace $0x8000004D;
	s26 =	sshrl.u32 s8, $0x3  }
0xd: {  	s8 =	sadd.s32 s8, s9;
	s30 =	sshrl.u32 s28, $0x2;
	s12 =	ssub.s32 s5, s29  }
0xe: {  	s8 =	sshrl.u32 s8, $0x3;
	s13 =	sadd.s32 s30, s3;
	s12 =	smax.u32 s12, $0x1  }
0xf: {  	s7 =	sshrl.u32 s7, $0x3;
	s11 =	sadd.s32 s8, s6;
	s13 =	sshrl.u32 s13, $0x3  }
0x10: {  	s10 =	sadd.s32 s7, s6;
	s7 =	sadd.s32 s26, s6;
	s6 =	sor.u32 $0x1C05, s31  }
0x11: {  	s11 =	sadd.s32 $0x5C800, s11;
	s5 =	sadd.s32 $0x34800, s7;
	s7 =	sadd.s32 $0xC800, s10  }
0x12: {  	s8 =	sadd.s32 $0xCD00, s10;
	s9 =	sadd.s32 $0xD200, s10;
	s10 =	sadd.s32 $0xD700, s10  }
.LBB2_1:
0x13: {  	[spmem:s13], [sflag:s6] =	dma.local [hbm:s5], $0x2800  }
0x14: {  	_ =	swait.ge [sflag:s14], $0x2800  }
0x15: {  	[sflag:s14] =	ssyncset.done $0x0  }
0x16: {  	[sflag:s14] =	ssyncadd.s32 $0xFFFFD800  }
0x17: {  	[bflag:$0x0] =	sbarrier.arrive $0xFFFF  }
0x18: {  	[tilespmem:s15], [sflag:$0x5] =	stream.linear.gather [hbm4b:s7+s4], $0x2800, $0x38;
	[tilespmem:$0x1E800] =	vst v63  }
0x19: {  	_ =	swait.ge [sflag:s14], $0x2800  }
0x1a: {  	[sflag:s14] =	ssyncset.done $0x0  }
0x1b: {  	s26 =	simm.s32 $0x14000;
	[sflag:s14] =	ssyncadd.s32 $0xFFFFD800  }
0x1c: {  	[tilespmem:s17], [sflag:$0x1] =	stream.indirect.gather [hbm4b:s2+s16], $0x80, s26, s16, $0xb8;
	[tilespmem:$0x1E800] =	vst v63  }
0x1d: {  	s31 =	simm.s32 $0x14100  }
0x1e: {  	[tilespmem:s18], [sflag:$0x2] =	stream.indirect.gather [hbm4b:s2+s16], $0x80, s31, s16, $0xb8;
	[tilespmem:$0x1E800] =	vst v63  }
0x1f: {  	s28 =	simm.s32 $0x14200  }
0x20: {  	[tilespmem:s19], [sflag:$0x3] =	stream.indirect.gather [hbm4b:s2+s16], $0x80, s28, s16, $0xb8;
	[tilespmem:$0x1E800] =	vst v63  }
0x21: {  	s29 =	simm.s32 $0x14300  }
0x22: {  	[tilespmem:s20], [sflag:$0x4] =	stream.indirect.gather [hbm4b:s2+s16], $0x80, s29, s16, $0xb8;
	[tilespmem:$0x1E800] =	vst v63  }
0x23: {  	_ =	swait.ge [sflag:s21], $0x2000  }
0x24: {  	[sflag:s21] =	ssyncset.done $0x0  }
0x25: {  	[sflag:s21] =	ssyncadd.s32 $0xFFFFE000  }
0x26: {  	_ =	swait.ge [sflag:s22], $0x2000  }
0x27: {  	[sflag:s22] =	ssyncset.done $0x0  }
0x28: {  	[sflag:s22] =	ssyncadd.s32 $0xFFFFE000  }
0x29: {  	_ =	swait.ge [sflag:s23], $0x2000  }
0x2a: {  	[sflag:s23] =	ssyncset.done $0x0  }
0x2b: {  	[sflag:s23] =	ssyncadd.s32 $0xFFFFE000  }
0x2c: {  	_ =	swait.ge [sflag:s24], $0x2000  }
0x2d: {  	[sflag:s24] =	ssyncset.done $0x0  }
0x2e: {  	s31 =	simm.s32 $0x14080;
	[sflag:s24] =	ssyncadd.s32 $0xFFFFE000  }
0x2f: {  	[spmem:s3] =	stream.indirect.scatter.add.f32 [tilespmem:s17], [sflag:$0x5], $0x80, s31, s16, $0xb8;
	[tilespmem:$0x1E800] =	vst v63  }
0x30: {  	_ =	swait.ge [sflag:s14], $0x2000  }
0x31: {  	[sflag:s14] =	ssyncset.done $0x0  }
0x32: {  	s28 =	simm.s32 $0x14180;
	[sflag:s14] =	ssyncadd.s32 $0xFFFFE000  }
0x33: {  	[spmem:s3] =	stream.indirect.scatter.add.f32 [tilespmem:s18], [sflag:$0x5], $0x80, s28, s16, $0xb8;
	[tilespmem:$0x1E800] =	vst v63  }
0x34: {  	_ =	swait.ge [sflag:s14], $0x2000  }
0x35: {  	[sflag:s14] =	ssyncset.done $0x0  }
0x36: {  	s29 =	simm.s32 $0x14280;
	[sflag:s14] =	ssyncadd.s32 $0xFFFFE000  }
0x37: {  	[spmem:s3] =	stream.indirect.scatter.add.f32 [tilespmem:s19], [sflag:$0x5], $0x80, s29, s16, $0xb8;
	[tilespmem:$0x1E800] =	vst v63  }
0x38: {  	_ =	swait.ge [sflag:s14], $0x2000  }
0x39: {  	[sflag:s14] =	ssyncset.done $0x0  }
0x3a: {  	s31 =	simm.s32 $0x14380;
	[sflag:s14] =	ssyncadd.s32 $0xFFFFE000  }
0x3b: {  	[spmem:s3] =	stream.indirect.scatter.add.f32 [tilespmem:s20], [sflag:$0x5], $0x80, s31, s16, $0xb8;
	[tilespmem:$0x1E800] =	vst v63  }
0x3c: {  	_ =	swait.ge [sflag:s14], $0x2000  }
0x3d: {  	s30 =	simm.s32 $0x2000;
	s26 =	simm.s32 $0x400;
	[sflag:s14] =	ssyncset.done $0x0  }
.LBB2_2:
0x3e: {  	s31 =	sadd.s32 $0x14000, s26  }
0x3f: {  	[sflag:s14] =	ssyncadd.s32 $0xFFFFE000;
	s29 =	smov.u32 s30;
	s28 =	sadd.s32 $0x1000, s30  }
0x40: {  	[tilespmem:s17], [sflag:$0x1] =	stream.indirect.gather [hbm4b:s2+s16], $0x80, s31, s16, $0xb8;
	[tilespmem:$0x1E800] =	vst v63  }
0x41: {  	p0 =	sne.s32 s30, $0x9000;
	s30 =	sadd.s32 $0x14100, s26  }
0x42: {  	[tilespmem:s18], [sflag:$0x2] =	stream.indirect.gather [hbm4b:s2+s16], $0x80, s30, s16, $0xb8;
	[tilespmem:$0x1E800] =	vst v63  }
0x43: {  	s30 =	sadd.s32 $0x14200, s26  }
0x44: {  	[tilespmem:s19], [sflag:$0x3] =	stream.indirect.gather [hbm4b:s2+s16], $0x80, s30, s16, $0xb8;
	[tilespmem:$0x1E800] =	vst v63  }
0x45: {  	s30 =	sadd.s32 $0x14300, s26  }
0x46: {  	[tilespmem:s20], [sflag:$0x4] =	stream.indirect.gather [hbm4b:s2+s16], $0x80, s30, s16, $0xb8;
	[tilespmem:$0x1E800] =	vst v63  }
0x47: {  	_ =	swait.ge [sflag:s21], $0x2000  }
0x48: {  	[sflag:s21] =	ssyncset.done $0x0  }
0x49: {  	[sflag:s21] =	ssyncadd.s32 $0xFFFFE000  }
0x4a: {  	_ =	swait.ge [sflag:s22], $0x2000  }
0x4b: {  	[sflag:s22] =	ssyncset.done $0x0  }
0x4c: {  	[sflag:s22] =	ssyncadd.s32 $0xFFFFE000  }
0x4d: {  	_ =	swait.ge [sflag:s23], $0x2000  }
0x4e: {  	[sflag:s23] =	ssyncset.done $0x0  }
0x4f: {  	[sflag:s23] =	ssyncadd.s32 $0xFFFFE000  }
0x50: {  	_ =	swait.ge [sflag:s24], $0x2000  }
0x51: {  	[sflag:s24] =	ssyncset.done $0x0  }
0x52: {  	s30 =	sadd.s32 $0x14080, s26;
	[sflag:s24] =	ssyncadd.s32 $0xFFFFE000  }
0x53: {  	[spmem:s3] =	stream.indirect.scatter.add.f32 [tilespmem:s17], [sflag:$0x5], $0x80, s30, s16, $0xb8;
	[tilespmem:$0x1E800] =	vst v63  }
0x54: {  	_ =	swait.ge [sflag:s14], $0x2000  }
0x55: {  	[sflag:s14] =	ssyncset.done $0x0  }
0x56: {  	s30 =	sadd.s32 $0x14180, s26;
	[sflag:s14] =	ssyncadd.s32 $0xFFFFE000  }
0x57: {  	[spmem:s3] =	stream.indirect.scatter.add.f32 [tilespmem:s18], [sflag:$0x5], $0x80, s30, s16, $0xb8;
	[tilespmem:$0x1E800] =	vst v63  }
0x58: {  	_ =	swait.ge [sflag:s14], $0x2000  }
0x59: {  	[sflag:s14] =	ssyncset.done $0x0  }
0x5a: {  	s30 =	sadd.s32 $0x14280, s26;
	[sflag:s14] =	ssyncadd.s32 $0xFFFFE000  }
0x5b: {  	[spmem:s3] =	stream.indirect.scatter.add.f32 [tilespmem:s19], [sflag:$0x5], $0x80, s30, s16, $0xb8;
	[tilespmem:$0x1E800] =	vst v63  }
0x5c: {  	_ =	swait.ge [sflag:s14], $0x2000  }
.Ltmp0:
0x5d: {  	[sflag:s14] =	ssyncset.done $0x0;
	(pc) =	sbr.rel @p0 .LBB2_2-.Ltmp0, $4  }
0x5e: {  	s26 =	sadd.s32 $0x14380, s26;
	[sflag:s14] =	ssyncadd.s32 $0xFFFFE000  }
0x5f: {  	[spmem:s3] =	stream.indirect.scatter.add.f32 [tilespmem:s20], [sflag:$0x5], $0x80, s26, s16, $0xb8;
	[tilespmem:$0x1E800] =	vst v63  }
0x60: {  	_ =	swait.ge [sflag:s14], $0x2000  }
0x61: {  	s30 =	smov.u32 s28;
	s26 =	sshra.s32 s29, $0x2;
	[sflag:s14] =	ssyncset.done $0x0  }
0x62: {  	s28 =	sadd.s32 $0x14000, s26;
	[sflag:s14] =	ssyncadd.s32 $0xFFFFE000  }
0x63: {  	[tilespmem:s17], [sflag:$0x1] =	stream.indirect.gather [hbm4b:s2+s16], $0x80, s28, s16, $0xb8;
	[tilespmem:$0x1E800] =	vst v63  }
0x64: {  	s31 =	sadd.s32 $0x14100, s26  }
0x65: {  	[tilespmem:s18], [sflag:$0x2] =	stream.indirect.gather [hbm4b:s2+s16], $0x80, s31, s16, $0xb8;
	[tilespmem:$0x1E800] =	vst v63  }
0x66: {  	s29 =	sadd.s32 $0x14200, s26  }
0x67: {  	[tilespmem:s19], [sflag:$0x3] =	stream.indirect.gather [hbm4b:s2+s16], $0x80, s29, s16, $0xb8;
	[tilespmem:$0x1E800] =	vst v63  }
0x68: {  	s31 =	sadd.s32 $0x14300, s26  }
0x69: {  	[tilespmem:s20], [sflag:$0x4] =	stream.indirect.gather [hbm4b:s2+s16], $0x80, s31, s16, $0xb8;
	[tilespmem:$0x1E800] =	vst v63  }
0x6a: {  	_ =	swait.ge [sflag:s21], $0x2000  }
0x6b: {  	[sflag:s21] =	ssyncset.done $0x0  }
0x6c: {  	[sflag:s21] =	ssyncadd.s32 $0xFFFFE000  }
0x6d: {  	_ =	swait.ge [sflag:s22], $0x2000  }
0x6e: {  	[sflag:s22] =	ssyncset.done $0x0  }
0x6f: {  	[sflag:s22] =	ssyncadd.s32 $0xFFFFE000  }
0x70: {  	_ =	swait.ge [sflag:s23], $0x2000  }
0x71: {  	[sflag:s23] =	ssyncset.done $0x0  }
0x72: {  	[sflag:s23] =	ssyncadd.s32 $0xFFFFE000  }
0x73: {  	_ =	swait.ge [sflag:s24], $0x2000  }
0x74: {  	[sflag:s24] =	ssyncset.done $0x0  }
0x75: {  	s29 =	sadd.s32 $0x14080, s26;
	[sflag:s24] =	ssyncadd.s32 $0xFFFFE000  }
0x76: {  	[spmem:s3] =	stream.indirect.scatter.add.f32 [tilespmem:s17], [sflag:$0x5], $0x80, s29, s16, $0xb8;
	[tilespmem:$0x1E800] =	vst v63  }
0x77: {  	_ =	swait.ge [sflag:s14], $0x2000  }
0x78: {  	[sflag:s14] =	ssyncset.done $0x0  }
0x79: {  	s31 =	sadd.s32 $0x14180, s26;
	[sflag:s14] =	ssyncadd.s32 $0xFFFFE000  }
0x7a: {  	[spmem:s3] =	stream.indirect.scatter.add.f32 [tilespmem:s18], [sflag:$0x5], $0x80, s31, s16, $0xb8;
	[tilespmem:$0x1E800] =	vst v63  }
0x7b: {  	_ =	swait.ge [sflag:s14], $0x2000  }
0x7c: {  	[sflag:s14] =	ssyncset.done $0x0  }
0x7d: {  	s29 =	sadd.s32 $0x14280, s26;
	[sflag:s14] =	ssyncadd.s32 $0xFFFFE000  }
0x7e: {  	[spmem:s3] =	stream.indirect.scatter.add.f32 [tilespmem:s19], [sflag:$0x5], $0x80, s29, s16, $0xb8;
	[tilespmem:$0x1E800] =	vst v63  }
0x7f: {  	_ =	swait.ge [sflag:s14], $0x2000  }
0x80: {  	[sflag:s14] =	ssyncset.done $0x0  }
0x81: {  	s31 =	sadd.s32 $0x14380, s26;
	[sflag:s14] =	ssyncadd.s32 $0xFFFFE000  }
0x82: {  	[spmem:s3] =	stream.indirect.scatter.add.f32 [tilespmem:s20], [sflag:$0x5], $0x80, s31, s16, $0xb8;
	[tilespmem:$0x1E800] =	vst v63  }
0x83: {  	_ =	swait.ge [sflag:s14], $0x2000  }
0x84: {  	[sflag:s14] =	ssyncset.done $0x0  }
0x85: {  	s28 =	simm.s32 $0x0;
	[sflag:s14] =	ssyncadd.s32 $0xFFFFE000  }
0x86: {  	[tilespmem:s15], [sflag:$0x5] =	stream.linear.gather [hbm4b:s8+s28], $0x2800, $0x38;
	[tilespmem:$0x1E800] =	vst v63  }
0x87: {  	_ =	swait.ge [sflag:s14], $0x2800  }
0x88: {  	[sflag:s14] =	ssyncset.done $0x0  }
0x89: {  	s29 =	simm.s32 $0x14000;
	[sflag:s14] =	ssyncadd.s32 $0xFFFFD800  }
0x8a: {  	[tilespmem:s17], [sflag:$0x1] =	stream.indirect.gather [hbm4b:s2+s16], $0x80, s29, s16, $0xb8;
	[tilespmem:$0x1E800] =	vst v63  }
0x8b: {  	s31 =	simm.s32 $0x14100  }
0x8c: {  	[tilespmem:s18], [sflag:$0x2] =	stream.indirect.gather [hbm4b:s2+s16], $0x80, s31, s16, $0xb8;
	[tilespmem:$0x1E800] =	vst v63  }
0x8d: {  	s28 =	simm.s32 $0x14200  }
0x8e: {  	[tilespmem:s19], [sflag:$0x3] =	stream.indirect.gather [hbm4b:s2+s16], $0x80, s28, s16, $0xb8;
	[tilespmem:$0x1E800] =	vst v63  }
0x8f: {  	s29 =	simm.s32 $0x14300  }
0x90: {  	[tilespmem:s20], [sflag:$0x4] =	stream.indirect.gather [hbm4b:s2+s16], $0x80, s29, s16, $0xb8;
	[tilespmem:$0x1E800] =	vst v63  }
0x91: {  	_ =	swait.ge [sflag:s21], $0x2000  }
0x92: {  	[sflag:s21] =	ssyncset.done $0x0  }
0x93: {  	[sflag:s21] =	ssyncadd.s32 $0xFFFFE000  }
0x94: {  	_ =	swait.ge [sflag:s22], $0x2000  }
0x95: {  	[sflag:s22] =	ssyncset.done $0x0  }
0x96: {  	[sflag:s22] =	ssyncadd.s32 $0xFFFFE000  }
0x97: {  	_ =	swait.ge [sflag:s23], $0x2000  }
0x98: {  	[sflag:s23] =	ssyncset.done $0x0  }
0x99: {  	[sflag:s23] =	ssyncadd.s32 $0xFFFFE000  }
0x9a: {  	_ =	swait.ge [sflag:s24], $0x2000  }
0x9b: {  	[sflag:s24] =	ssyncset.done $0x0  }
0x9c: {  	s31 =	simm.s32 $0x14080;
	[sflag:s24] =	ssyncadd.s32 $0xFFFFE000  }
0x9d: {  	[spmem:s3] =	stream.indirect.scatter.add.f32 [tilespmem:s17], [sflag:$0x5], $0x80, s31, s16, $0xb8;
	[tilespmem:$0x1E800] =	vst v63  }
0x9e: {  	_ =	swait.ge [sflag:s14], $0x2000  }
0x9f: {  	[sflag:s14] =	ssyncset.done $0x0  }
0xa0: {  	s28 =	simm.s32 $0x14180;
	[sflag:s14] =	ssyncadd.s32 $0xFFFFE000  }
0xa1: {  	[spmem:s3] =	stream.indirect.scatter.add.f32 [tilespmem:s18], [sflag:$0x5], $0x80, s28, s16, $0xb8;
	[tilespmem:$0x1E800] =	vst v63  }
0xa2: {  	_ =	swait.ge [sflag:s14], $0x2000  }
0xa3: {  	[sflag:s14] =	ssyncset.done $0x0  }
0xa4: {  	s29 =	simm.s32 $0x14280;
	[sflag:s14] =	ssyncadd.s32 $0xFFFFE000  }
0xa5: {  	[spmem:s3] =	stream.indirect.scatter.add.f32 [tilespmem:s19], [sflag:$0x5], $0x80, s29, s16, $0xb8;
	[tilespmem:$0x1E800] =	vst v63  }
0xa6: {  	_ =	swait.ge [sflag:s14], $0x2000  }
0xa7: {  	[sflag:s14] =	ssyncset.done $0x0  }
0xa8: {  	s31 =	simm.s32 $0x14380;
	[sflag:s14] =	ssyncadd.s32 $0xFFFFE000  }
0xa9: {  	[spmem:s3] =	stream.indirect.scatter.add.f32 [tilespmem:s20], [sflag:$0x5], $0x80, s31, s16, $0xb8;
	[tilespmem:$0x1E800] =	vst v63  }
0xaa: {  	_ =	swait.ge [sflag:s14], $0x2000  }
0xab: {  	s30 =	simm.s32 $0x2000;
	s26 =	simm.s32 $0x400;
	[sflag:s14] =	ssyncset.done $0x0  }
.LBB2_4:
0xac: {  	s31 =	sadd.s32 $0x14000, s26  }
0xad: {  	[sflag:s14] =	ssyncadd.s32 $0xFFFFE000;
	s29 =	smov.u32 s30;
	s28 =	sadd.s32 $0x1000, s30  }
0xae: {  	[tilespmem:s17], [sflag:$0x1] =	stream.indirect.gather [hbm4b:s2+s16], $0x80, s31, s16, $0xb8;
	[tilespmem:$0x1E800] =	vst v63  }
0xaf: {  	p0 =	sne.s32 s30, $0x9000;
	s30 =	sadd.s32 $0x14100, s26  }
0xb0: {  	[tilespmem:s18], [sflag:$0x2] =	stream.indirect.gather [hbm4b:s2+s16], $0x80, s30, s16, $0xb8;
	[tilespmem:$0x1E800] =	vst v63  }
0xb1: {  	s30 =	sadd.s32 $0x14200, s26  }
0xb2: {  	[tilespmem:s19], [sflag:$0x3] =	stream.indirect.gather [hbm4b:s2+s16], $0x80, s30, s16, $0xb8;
	[tilespmem:$0x1E800] =	vst v63  }
0xb3: {  	s30 =	sadd.s32 $0x14300, s26  }
0xb4: {  	[tilespmem:s20], [sflag:$0x4] =	stream.indirect.gather [hbm4b:s2+s16], $0x80, s30, s16, $0xb8;
	[tilespmem:$0x1E800] =	vst v63  }
0xb5: {  	_ =	swait.ge [sflag:s21], $0x2000  }
0xb6: {  	[sflag:s21] =	ssyncset.done $0x0  }
0xb7: {  	[sflag:s21] =	ssyncadd.s32 $0xFFFFE000  }
0xb8: {  	_ =	swait.ge [sflag:s22], $0x2000  }
0xb9: {  	[sflag:s22] =	ssyncset.done $0x0  }
0xba: {  	[sflag:s22] =	ssyncadd.s32 $0xFFFFE000  }
0xbb: {  	_ =	swait.ge [sflag:s23], $0x2000  }
0xbc: {  	[sflag:s23] =	ssyncset.done $0x0  }
0xbd: {  	[sflag:s23] =	ssyncadd.s32 $0xFFFFE000  }
0xbe: {  	_ =	swait.ge [sflag:s24], $0x2000  }
0xbf: {  	[sflag:s24] =	ssyncset.done $0x0  }
0xc0: {  	s30 =	sadd.s32 $0x14080, s26;
	[sflag:s24] =	ssyncadd.s32 $0xFFFFE000  }
0xc1: {  	[spmem:s3] =	stream.indirect.scatter.add.f32 [tilespmem:s17], [sflag:$0x5], $0x80, s30, s16, $0xb8;
	[tilespmem:$0x1E800] =	vst v63  }
0xc2: {  	_ =	swait.ge [sflag:s14], $0x2000  }
0xc3: {  	[sflag:s14] =	ssyncset.done $0x0  }
0xc4: {  	s30 =	sadd.s32 $0x14180, s26;
	[sflag:s14] =	ssyncadd.s32 $0xFFFFE000  }
0xc5: {  	[spmem:s3] =	stream.indirect.scatter.add.f32 [tilespmem:s18], [sflag:$0x5], $0x80, s30, s16, $0xb8;
	[tilespmem:$0x1E800] =	vst v63  }
0xc6: {  	_ =	swait.ge [sflag:s14], $0x2000  }
0xc7: {  	[sflag:s14] =	ssyncset.done $0x0  }
0xc8: {  	s30 =	sadd.s32 $0x14280, s26;
	[sflag:s14] =	ssyncadd.s32 $0xFFFFE000  }
0xc9: {  	[spmem:s3] =	stream.indirect.scatter.add.f32 [tilespmem:s19], [sflag:$0x5], $0x80, s30, s16, $0xb8;
	[tilespmem:$0x1E800] =	vst v63  }
0xca: {  	_ =	swait.ge [sflag:s14], $0x2000  }
.Ltmp1:
0xcb: {  	[sflag:s14] =	ssyncset.done $0x0;
	(pc) =	sbr.rel @p0 .LBB2_4-.Ltmp1, $4  }
0xcc: {  	s26 =	sadd.s32 $0x14380, s26;
	[sflag:s14] =	ssyncadd.s32 $0xFFFFE000  }
0xcd: {  	[spmem:s3] =	stream.indirect.scatter.add.f32 [tilespmem:s20], [sflag:$0x5], $0x80, s26, s16, $0xb8;
	[tilespmem:$0x1E800] =	vst v63  }
0xce: {  	_ =	swait.ge [sflag:s14], $0x2000  }
0xcf: {  	s30 =	smov.u32 s28;
	s26 =	sshra.s32 s29, $0x2;
	[sflag:s14] =	ssyncset.done $0x0  }
0xd0: {  	s28 =	sadd.s32 $0x14000, s26;
	[sflag:s14] =	ssyncadd.s32 $0xFFFFE000  }
0xd1: {  	[tilespmem:s17], [sflag:$0x1] =	stream.indirect.gather [hbm4b:s2+s16], $0x80, s28, s16, $0xb8;
	[tilespmem:$0x1E800] =	vst v63  }
0xd2: {  	s31 =	sadd.s32 $0x14100, s26  }
0xd3: {  	[tilespmem:s18], [sflag:$0x2] =	stream.indirect.gather [hbm4b:s2+s16], $0x80, s31, s16, $0xb8;
	[tilespmem:$0x1E800] =	vst v63  }
0xd4: {  	s29 =	sadd.s32 $0x14200, s26  }
0xd5: {  	[tilespmem:s19], [sflag:$0x3] =	stream.indirect.gather [hbm4b:s2+s16], $0x80, s29, s16, $0xb8;
	[tilespmem:$0x1E800] =	vst v63  }
0xd6: {  	s31 =	sadd.s32 $0x14300, s26  }
0xd7: {  	[tilespmem:s20], [sflag:$0x4] =	stream.indirect.gather [hbm4b:s2+s16], $0x80, s31, s16, $0xb8;
	[tilespmem:$0x1E800] =	vst v63  }
0xd8: {  	_ =	swait.ge [sflag:s21], $0x2000  }
0xd9: {  	[sflag:s21] =	ssyncset.done $0x0  }
0xda: {  	[sflag:s21] =	ssyncadd.s32 $0xFFFFE000  }
0xdb: {  	_ =	swait.ge [sflag:s22], $0x2000  }
0xdc: {  	[sflag:s22] =	ssyncset.done $0x0  }
0xdd: {  	[sflag:s22] =	ssyncadd.s32 $0xFFFFE000  }
0xde: {  	_ =	swait.ge [sflag:s23], $0x2000  }
0xdf: {  	[sflag:s23] =	ssyncset.done $0x0  }
0xe0: {  	[sflag:s23] =	ssyncadd.s32 $0xFFFFE000  }
0xe1: {  	_ =	swait.ge [sflag:s24], $0x2000  }
0xe2: {  	[sflag:s24] =	ssyncset.done $0x0  }
0xe3: {  	s29 =	sadd.s32 $0x14080, s26;
	[sflag:s24] =	ssyncadd.s32 $0xFFFFE000  }
0xe4: {  	[spmem:s3] =	stream.indirect.scatter.add.f32 [tilespmem:s17], [sflag:$0x5], $0x80, s29, s16, $0xb8;
	[tilespmem:$0x1E800] =	vst v63  }
0xe5: {  	_ =	swait.ge [sflag:s14], $0x2000  }
0xe6: {  	[sflag:s14] =	ssyncset.done $0x0  }
0xe7: {  	s31 =	sadd.s32 $0x14180, s26;
	[sflag:s14] =	ssyncadd.s32 $0xFFFFE000  }
0xe8: {  	[spmem:s3] =	stream.indirect.scatter.add.f32 [tilespmem:s18], [sflag:$0x5], $0x80, s31, s16, $0xb8;
	[tilespmem:$0x1E800] =	vst v63  }
0xe9: {  	_ =	swait.ge [sflag:s14], $0x2000  }
0xea: {  	[sflag:s14] =	ssyncset.done $0x0  }
0xeb: {  	s29 =	sadd.s32 $0x14280, s26;
	[sflag:s14] =	ssyncadd.s32 $0xFFFFE000  }
0xec: {  	[spmem:s3] =	stream.indirect.scatter.add.f32 [tilespmem:s19], [sflag:$0x5], $0x80, s29, s16, $0xb8;
	[tilespmem:$0x1E800] =	vst v63  }
0xed: {  	_ =	swait.ge [sflag:s14], $0x2000  }
0xee: {  	[sflag:s14] =	ssyncset.done $0x0  }
0xef: {  	s31 =	sadd.s32 $0x14380, s26;
	[sflag:s14] =	ssyncadd.s32 $0xFFFFE000  }
0xf0: {  	[spmem:s3] =	stream.indirect.scatter.add.f32 [tilespmem:s20], [sflag:$0x5], $0x80, s31, s16, $0xb8;
	[tilespmem:$0x1E800] =	vst v63  }
0xf1: {  	_ =	swait.ge [sflag:s14], $0x2000  }
0xf2: {  	[sflag:s14] =	ssyncset.done $0x0  }
0xf3: {  	s28 =	simm.s32 $0x0;
	[sflag:s14] =	ssyncadd.s32 $0xFFFFE000  }
0xf4: {  	[tilespmem:s15], [sflag:$0x5] =	stream.linear.gather [hbm4b:s9+s28], $0x2800, $0x38;
	[tilespmem:$0x1E800] =	vst v63  }
0xf5: {  	_ =	swait.ge [sflag:s14], $0x2800  }
0xf6: {  	[sflag:s14] =	ssyncset.done $0x0  }
0xf7: {  	s29 =	simm.s32 $0x14000;
	[sflag:s14] =	ssyncadd.s32 $0xFFFFD800  }
0xf8: {  	[tilespmem:s17], [sflag:$0x1] =	stream.indirect.gather [hbm4b:s2+s16], $0x80, s29, s16, $0xb8;
	[tilespmem:$0x1E800] =	vst v63  }
0xf9: {  	s31 =	simm.s32 $0x14100  }
0xfa: {  	[tilespmem:s18], [sflag:$0x2] =	stream.indirect.gather [hbm4b:s2+s16], $0x80, s31, s16, $0xb8;
	[tilespmem:$0x1E800] =	vst v63  }
0xfb: {  	s28 =	simm.s32 $0x14200  }
0xfc: {  	[tilespmem:s19], [sflag:$0x3] =	stream.indirect.gather [hbm4b:s2+s16], $0x80, s28, s16, $0xb8;
	[tilespmem:$0x1E800] =	vst v63  }
0xfd: {  	s29 =	simm.s32 $0x14300  }
0xfe: {  	[tilespmem:s20], [sflag:$0x4] =	stream.indirect.gather [hbm4b:s2+s16], $0x80, s29, s16, $0xb8;
	[tilespmem:$0x1E800] =	vst v63  }
0xff: {  	_ =	swait.ge [sflag:s21], $0x2000  }
0x100: {  	[sflag:s21] =	ssyncset.done $0x0  }
0x101: {  	[sflag:s21] =	ssyncadd.s32 $0xFFFFE000  }
0x102: {  	_ =	swait.ge [sflag:s22], $0x2000  }
0x103: {  	[sflag:s22] =	ssyncset.done $0x0  }
0x104: {  	[sflag:s22] =	ssyncadd.s32 $0xFFFFE000  }
0x105: {  	_ =	swait.ge [sflag:s23], $0x2000  }
0x106: {  	[sflag:s23] =	ssyncset.done $0x0  }
0x107: {  	[sflag:s23] =	ssyncadd.s32 $0xFFFFE000  }
0x108: {  	_ =	swait.ge [sflag:s24], $0x2000  }
0x109: {  	[sflag:s24] =	ssyncset.done $0x0  }
0x10a: {  	s31 =	simm.s32 $0x14080;
	[sflag:s24] =	ssyncadd.s32 $0xFFFFE000  }
0x10b: {  	[spmem:s3] =	stream.indirect.scatter.add.f32 [tilespmem:s17], [sflag:$0x5], $0x80, s31, s16, $0xb8;
	[tilespmem:$0x1E800] =	vst v63  }
0x10c: {  	_ =	swait.ge [sflag:s14], $0x2000  }
0x10d: {  	[sflag:s14] =	ssyncset.done $0x0  }
0x10e: {  	s28 =	simm.s32 $0x14180;
	[sflag:s14] =	ssyncadd.s32 $0xFFFFE000  }
0x10f: {  	[spmem:s3] =	stream.indirect.scatter.add.f32 [tilespmem:s18], [sflag:$0x5], $0x80, s28, s16, $0xb8;
	[tilespmem:$0x1E800] =	vst v63  }
0x110: {  	_ =	swait.ge [sflag:s14], $0x2000  }
0x111: {  	[sflag:s14] =	ssyncset.done $0x0  }
0x112: {  	s29 =	simm.s32 $0x14280;
	[sflag:s14] =	ssyncadd.s32 $0xFFFFE000  }
0x113: {  	[spmem:s3] =	stream.indirect.scatter.add.f32 [tilespmem:s19], [sflag:$0x5], $0x80, s29, s16, $0xb8;
	[tilespmem:$0x1E800] =	vst v63  }
0x114: {  	_ =	swait.ge [sflag:s14], $0x2000  }
0x115: {  	[sflag:s14] =	ssyncset.done $0x0  }
0x116: {  	s31 =	simm.s32 $0x14380;
	[sflag:s14] =	ssyncadd.s32 $0xFFFFE000  }
0x117: {  	[spmem:s3] =	stream.indirect.scatter.add.f32 [tilespmem:s20], [sflag:$0x5], $0x80, s31, s16, $0xb8;
	[tilespmem:$0x1E800] =	vst v63  }
0x118: {  	_ =	swait.ge [sflag:s14], $0x2000  }
0x119: {  	s30 =	simm.s32 $0x2000;
	s26 =	simm.s32 $0x400;
	[sflag:s14] =	ssyncset.done $0x0  }
.LBB2_6:
0x11a: {  	s31 =	sadd.s32 $0x14000, s26  }
0x11b: {  	[sflag:s14] =	ssyncadd.s32 $0xFFFFE000;
	s29 =	smov.u32 s30;
	s28 =	sadd.s32 $0x1000, s30  }
0x11c: {  	[tilespmem:s17], [sflag:$0x1] =	stream.indirect.gather [hbm4b:s2+s16], $0x80, s31, s16, $0xb8;
	[tilespmem:$0x1E800] =	vst v63  }
0x11d: {  	p0 =	sne.s32 s30, $0x9000;
	s30 =	sadd.s32 $0x14100, s26  }
0x11e: {  	[tilespmem:s18], [sflag:$0x2] =	stream.indirect.gather [hbm4b:s2+s16], $0x80, s30, s16, $0xb8;
	[tilespmem:$0x1E800] =	vst v63  }
0x11f: {  	s30 =	sadd.s32 $0x14200, s26  }
0x120: {  	[tilespmem:s19], [sflag:$0x3] =	stream.indirect.gather [hbm4b:s2+s16], $0x80, s30, s16, $0xb8;
	[tilespmem:$0x1E800] =	vst v63  }
0x121: {  	s30 =	sadd.s32 $0x14300, s26  }
0x122: {  	[tilespmem:s20], [sflag:$0x4] =	stream.indirect.gather [hbm4b:s2+s16], $0x80, s30, s16, $0xb8;
	[tilespmem:$0x1E800] =	vst v63  }
0x123: {  	_ =	swait.ge [sflag:s21], $0x2000  }
0x124: {  	[sflag:s21] =	ssyncset.done $0x0  }
0x125: {  	[sflag:s21] =	ssyncadd.s32 $0xFFFFE000  }
0x126: {  	_ =	swait.ge [sflag:s22], $0x2000  }
0x127: {  	[sflag:s22] =	ssyncset.done $0x0  }
0x128: {  	[sflag:s22] =	ssyncadd.s32 $0xFFFFE000  }
0x129: {  	_ =	swait.ge [sflag:s23], $0x2000  }
0x12a: {  	[sflag:s23] =	ssyncset.done $0x0  }
0x12b: {  	[sflag:s23] =	ssyncadd.s32 $0xFFFFE000  }
0x12c: {  	_ =	swait.ge [sflag:s24], $0x2000  }
0x12d: {  	[sflag:s24] =	ssyncset.done $0x0  }
0x12e: {  	s30 =	sadd.s32 $0x14080, s26;
	[sflag:s24] =	ssyncadd.s32 $0xFFFFE000  }
0x12f: {  	[spmem:s3] =	stream.indirect.scatter.add.f32 [tilespmem:s17], [sflag:$0x5], $0x80, s30, s16, $0xb8;
	[tilespmem:$0x1E800] =	vst v63  }
0x130: {  	_ =	swait.ge [sflag:s14], $0x2000  }
0x131: {  	[sflag:s14] =	ssyncset.done $0x0  }
0x132: {  	s30 =	sadd.s32 $0x14180, s26;
	[sflag:s14] =	ssyncadd.s32 $0xFFFFE000  }
0x133: {  	[spmem:s3] =	stream.indirect.scatter.add.f32 [tilespmem:s18], [sflag:$0x5], $0x80, s30, s16, $0xb8;
	[tilespmem:$0x1E800] =	vst v63  }
0x134: {  	_ =	swait.ge [sflag:s14], $0x2000  }
0x135: {  	[sflag:s14] =	ssyncset.done $0x0  }
0x136: {  	s30 =	sadd.s32 $0x14280, s26;
	[sflag:s14] =	ssyncadd.s32 $0xFFFFE000  }
0x137: {  	[spmem:s3] =	stream.indirect.scatter.add.f32 [tilespmem:s19], [sflag:$0x5], $0x80, s30, s16, $0xb8;
	[tilespmem:$0x1E800] =	vst v63  }
0x138: {  	_ =	swait.ge [sflag:s14], $0x2000  }
.Ltmp2:
0x139: {  	[sflag:s14] =	ssyncset.done $0x0;
	(pc) =	sbr.rel @p0 .LBB2_6-.Ltmp2, $4  }
0x13a: {  	s26 =	sadd.s32 $0x14380, s26;
	[sflag:s14] =	ssyncadd.s32 $0xFFFFE000  }
0x13b: {  	[spmem:s3] =	stream.indirect.scatter.add.f32 [tilespmem:s20], [sflag:$0x5], $0x80, s26, s16, $0xb8;
	[tilespmem:$0x1E800] =	vst v63  }
0x13c: {  	_ =	swait.ge [sflag:s14], $0x2000  }
0x13d: {  	s30 =	smov.u32 s28;
	s26 =	sshra.s32 s29, $0x2;
	[sflag:s14] =	ssyncset.done $0x0  }
0x13e: {  	s28 =	sadd.s32 $0x14000, s26;
	[sflag:s14] =	ssyncadd.s32 $0xFFFFE000  }
0x13f: {  	[tilespmem:s17], [sflag:$0x1] =	stream.indirect.gather [hbm4b:s2+s16], $0x80, s28, s16, $0xb8;
	[tilespmem:$0x1E800] =	vst v63  }
0x140: {  	s31 =	sadd.s32 $0x14100, s26  }
0x141: {  	[tilespmem:s18], [sflag:$0x2] =	stream.indirect.gather [hbm4b:s2+s16], $0x80, s31, s16, $0xb8;
	[tilespmem:$0x1E800] =	vst v63  }
0x142: {  	s29 =	sadd.s32 $0x14200, s26  }
0x143: {  	[tilespmem:s19], [sflag:$0x3] =	stream.indirect.gather [hbm4b:s2+s16], $0x80, s29, s16, $0xb8;
	[tilespmem:$0x1E800] =	vst v63  }
0x144: {  	s31 =	sadd.s32 $0x14300, s26  }
0x145: {  	[tilespmem:s20], [sflag:$0x4] =	stream.indirect.gather [hbm4b:s2+s16], $0x80, s31, s16, $0xb8;
	[tilespmem:$0x1E800] =	vst v63  }
0x146: {  	_ =	swait.ge [sflag:s21], $0x2000  }
0x147: {  	[sflag:s21] =	ssyncset.done $0x0  }
0x148: {  	[sflag:s21] =	ssyncadd.s32 $0xFFFFE000  }
0x149: {  	_ =	swait.ge [sflag:s22], $0x2000  }
0x14a: {  	[sflag:s22] =	ssyncset.done $0x0  }
0x14b: {  	[sflag:s22] =	ssyncadd.s32 $0xFFFFE000  }
0x14c: {  	_ =	swait.ge [sflag:s23], $0x2000  }
0x14d: {  	[sflag:s23] =	ssyncset.done $0x0  }
0x14e: {  	[sflag:s23] =	ssyncadd.s32 $0xFFFFE000  }
0x14f: {  	_ =	swait.ge [sflag:s24], $0x2000  }
0x150: {  	[sflag:s24] =	ssyncset.done $0x0  }
0x151: {  	s29 =	sadd.s32 $0x14080, s26;
	[sflag:s24] =	ssyncadd.s32 $0xFFFFE000  }
0x152: {  	[spmem:s3] =	stream.indirect.scatter.add.f32 [tilespmem:s17], [sflag:$0x5], $0x80, s29, s16, $0xb8;
	[tilespmem:$0x1E800] =	vst v63  }
0x153: {  	_ =	swait.ge [sflag:s14], $0x2000  }
0x154: {  	[sflag:s14] =	ssyncset.done $0x0  }
0x155: {  	s31 =	sadd.s32 $0x14180, s26;
	[sflag:s14] =	ssyncadd.s32 $0xFFFFE000  }
0x156: {  	[spmem:s3] =	stream.indirect.scatter.add.f32 [tilespmem:s18], [sflag:$0x5], $0x80, s31, s16, $0xb8;
	[tilespmem:$0x1E800] =	vst v63  }
0x157: {  	_ =	swait.ge [sflag:s14], $0x2000  }
0x158: {  	[sflag:s14] =	ssyncset.done $0x0  }
0x159: {  	s29 =	sadd.s32 $0x14280, s26;
	[sflag:s14] =	ssyncadd.s32 $0xFFFFE000  }
0x15a: {  	[spmem:s3] =	stream.indirect.scatter.add.f32 [tilespmem:s19], [sflag:$0x5], $0x80, s29, s16, $0xb8;
	[tilespmem:$0x1E800] =	vst v63  }
0x15b: {  	_ =	swait.ge [sflag:s14], $0x2000  }
0x15c: {  	[sflag:s14] =	ssyncset.done $0x0  }
0x15d: {  	s31 =	sadd.s32 $0x14380, s26;
	[sflag:s14] =	ssyncadd.s32 $0xFFFFE000  }
0x15e: {  	[spmem:s3] =	stream.indirect.scatter.add.f32 [tilespmem:s20], [sflag:$0x5], $0x80, s31, s16, $0xb8;
	[tilespmem:$0x1E800] =	vst v63  }
0x15f: {  	_ =	swait.ge [sflag:s14], $0x2000  }
0x160: {  	[sflag:s14] =	ssyncset.done $0x0  }
0x161: {  	s28 =	simm.s32 $0x0;
	[sflag:s14] =	ssyncadd.s32 $0xFFFFE000  }
0x162: {  	[tilespmem:s15], [sflag:$0x5] =	stream.linear.gather [hbm4b:s10+s28], $0x2800, $0x38;
	[tilespmem:$0x1E800] =	vst v63  }
0x163: {  	_ =	swait.ge [sflag:s14], $0x2800  }
0x164: {  	[sflag:s14] =	ssyncset.done $0x0  }
0x165: {  	s29 =	simm.s32 $0x14000;
	[sflag:s14] =	ssyncadd.s32 $0xFFFFD800  }
0x166: {  	[tilespmem:s17], [sflag:$0x1] =	stream.indirect.gather [hbm4b:s2+s16], $0x80, s29, s16, $0xb8;
	[tilespmem:$0x1E800] =	vst v63  }
0x167: {  	s31 =	simm.s32 $0x14100  }
0x168: {  	[tilespmem:s18], [sflag:$0x2] =	stream.indirect.gather [hbm4b:s2+s16], $0x80, s31, s16, $0xb8;
	[tilespmem:$0x1E800] =	vst v63  }
0x169: {  	s28 =	simm.s32 $0x14200  }
0x16a: {  	[tilespmem:s19], [sflag:$0x3] =	stream.indirect.gather [hbm4b:s2+s16], $0x80, s28, s16, $0xb8;
	[tilespmem:$0x1E800] =	vst v63  }
0x16b: {  	s29 =	simm.s32 $0x14300  }
0x16c: {  	[tilespmem:s20], [sflag:$0x4] =	stream.indirect.gather [hbm4b:s2+s16], $0x80, s29, s16, $0xb8;
	[tilespmem:$0x1E800] =	vst v63  }
0x16d: {  	_ =	swait.ge [sflag:s21], $0x2000  }
0x16e: {  	[sflag:s21] =	ssyncset.done $0x0  }
0x16f: {  	[sflag:s21] =	ssyncadd.s32 $0xFFFFE000  }
0x170: {  	_ =	swait.ge [sflag:s22], $0x2000  }
0x171: {  	[sflag:s22] =	ssyncset.done $0x0  }
0x172: {  	[sflag:s22] =	ssyncadd.s32 $0xFFFFE000  }
0x173: {  	_ =	swait.ge [sflag:s23], $0x2000  }
0x174: {  	[sflag:s23] =	ssyncset.done $0x0  }
0x175: {  	[sflag:s23] =	ssyncadd.s32 $0xFFFFE000  }
0x176: {  	_ =	swait.ge [sflag:s24], $0x2000  }
0x177: {  	[sflag:s24] =	ssyncset.done $0x0  }
0x178: {  	s31 =	simm.s32 $0x14080;
	[sflag:s24] =	ssyncadd.s32 $0xFFFFE000  }
0x179: {  	[spmem:s3] =	stream.indirect.scatter.add.f32 [tilespmem:s17], [sflag:$0x5], $0x80, s31, s16, $0xb8;
	[tilespmem:$0x1E800] =	vst v63  }
0x17a: {  	_ =	swait.ge [sflag:s14], $0x2000  }
0x17b: {  	[sflag:s14] =	ssyncset.done $0x0  }
0x17c: {  	s28 =	simm.s32 $0x14180;
	[sflag:s14] =	ssyncadd.s32 $0xFFFFE000  }
0x17d: {  	[spmem:s3] =	stream.indirect.scatter.add.f32 [tilespmem:s18], [sflag:$0x5], $0x80, s28, s16, $0xb8;
	[tilespmem:$0x1E800] =	vst v63  }
0x17e: {  	_ =	swait.ge [sflag:s14], $0x2000  }
0x17f: {  	[sflag:s14] =	ssyncset.done $0x0  }
0x180: {  	s29 =	simm.s32 $0x14280;
	[sflag:s14] =	ssyncadd.s32 $0xFFFFE000  }
0x181: {  	[spmem:s3] =	stream.indirect.scatter.add.f32 [tilespmem:s19], [sflag:$0x5], $0x80, s29, s16, $0xb8;
	[tilespmem:$0x1E800] =	vst v63  }
0x182: {  	_ =	swait.ge [sflag:s14], $0x2000  }
0x183: {  	[sflag:s14] =	ssyncset.done $0x0  }
0x184: {  	s31 =	simm.s32 $0x14380;
	[sflag:s14] =	ssyncadd.s32 $0xFFFFE000  }
0x185: {  	[spmem:s3] =	stream.indirect.scatter.add.f32 [tilespmem:s20], [sflag:$0x5], $0x80, s31, s16, $0xb8;
	[tilespmem:$0x1E800] =	vst v63  }
0x186: {  	_ =	swait.ge [sflag:s14], $0x2000  }
0x187: {  	s30 =	simm.s32 $0x2000;
	s26 =	simm.s32 $0x400;
	[sflag:s14] =	ssyncset.done $0x0  }
.LBB2_8:
0x188: {  	s31 =	sadd.s32 $0x14000, s26  }
0x189: {  	[sflag:s14] =	ssyncadd.s32 $0xFFFFE000;
	s29 =	smov.u32 s30;
	s28 =	sadd.s32 $0x1000, s30  }
0x18a: {  	[tilespmem:s17], [sflag:$0x1] =	stream.indirect.gather [hbm4b:s2+s16], $0x80, s31, s16, $0xb8;
	[tilespmem:$0x1E800] =	vst v63  }
0x18b: {  	p0 =	sne.s32 s30, $0x9000;
	s30 =	sadd.s32 $0x14100, s26  }
0x18c: {  	[tilespmem:s18], [sflag:$0x2] =	stream.indirect.gather [hbm4b:s2+s16], $0x80, s30, s16, $0xb8;
	[tilespmem:$0x1E800] =	vst v63  }
0x18d: {  	s30 =	sadd.s32 $0x14200, s26  }
0x18e: {  	[tilespmem:s19], [sflag:$0x3] =	stream.indirect.gather [hbm4b:s2+s16], $0x80, s30, s16, $0xb8;
	[tilespmem:$0x1E800] =	vst v63  }
0x18f: {  	s30 =	sadd.s32 $0x14300, s26  }
0x190: {  	[tilespmem:s20], [sflag:$0x4] =	stream.indirect.gather [hbm4b:s2+s16], $0x80, s30, s16, $0xb8;
	[tilespmem:$0x1E800] =	vst v63  }
0x191: {  	_ =	swait.ge [sflag:s21], $0x2000  }
0x192: {  	[sflag:s21] =	ssyncset.done $0x0  }
0x193: {  	[sflag:s21] =	ssyncadd.s32 $0xFFFFE000  }
0x194: {  	_ =	swait.ge [sflag:s22], $0x2000  }
0x195: {  	[sflag:s22] =	ssyncset.done $0x0  }
0x196: {  	[sflag:s22] =	ssyncadd.s32 $0xFFFFE000  }
0x197: {  	_ =	swait.ge [sflag:s23], $0x2000  }
0x198: {  	[sflag:s23] =	ssyncset.done $0x0  }
0x199: {  	[sflag:s23] =	ssyncadd.s32 $0xFFFFE000  }
0x19a: {  	_ =	swait.ge [sflag:s24], $0x2000  }
0x19b: {  	[sflag:s24] =	ssyncset.done $0x0  }
0x19c: {  	s30 =	sadd.s32 $0x14080, s26;
	[sflag:s24] =	ssyncadd.s32 $0xFFFFE000  }
0x19d: {  	[spmem:s3] =	stream.indirect.scatter.add.f32 [tilespmem:s17], [sflag:$0x5], $0x80, s30, s16, $0xb8;
	[tilespmem:$0x1E800] =	vst v63  }
0x19e: {  	_ =	swait.ge [sflag:s14], $0x2000  }
0x19f: {  	[sflag:s14] =	ssyncset.done $0x0  }
0x1a0: {  	s30 =	sadd.s32 $0x14180, s26;
	[sflag:s14] =	ssyncadd.s32 $0xFFFFE000  }
0x1a1: {  	[spmem:s3] =	stream.indirect.scatter.add.f32 [tilespmem:s18], [sflag:$0x5], $0x80, s30, s16, $0xb8;
	[tilespmem:$0x1E800] =	vst v63  }
0x1a2: {  	_ =	swait.ge [sflag:s14], $0x2000  }
0x1a3: {  	[sflag:s14] =	ssyncset.done $0x0  }
0x1a4: {  	s30 =	sadd.s32 $0x14280, s26;
	[sflag:s14] =	ssyncadd.s32 $0xFFFFE000  }
0x1a5: {  	[spmem:s3] =	stream.indirect.scatter.add.f32 [tilespmem:s19], [sflag:$0x5], $0x80, s30, s16, $0xb8;
	[tilespmem:$0x1E800] =	vst v63  }
0x1a6: {  	_ =	swait.ge [sflag:s14], $0x2000  }
.Ltmp3:
0x1a7: {  	[sflag:s14] =	ssyncset.done $0x0;
	(pc) =	sbr.rel @p0 .LBB2_8-.Ltmp3, $4  }
0x1a8: {  	s26 =	sadd.s32 $0x14380, s26;
	[sflag:s14] =	ssyncadd.s32 $0xFFFFE000  }
0x1a9: {  	[spmem:s3] =	stream.indirect.scatter.add.f32 [tilespmem:s20], [sflag:$0x5], $0x80, s26, s16, $0xb8;
	[tilespmem:$0x1E800] =	vst v63  }
0x1aa: {  	_ =	swait.ge [sflag:s14], $0x2000  }
0x1ab: {  	s30 =	smov.u32 s28;
	s26 =	sshra.s32 s29, $0x2;
	[sflag:s14] =	ssyncset.done $0x0  }
0x1ac: {  	s28 =	sadd.s32 $0x14000, s26;
	[sflag:s14] =	ssyncadd.s32 $0xFFFFE000  }
0x1ad: {  	[tilespmem:s17], [sflag:$0x1] =	stream.indirect.gather [hbm4b:s2+s16], $0x80, s28, s16, $0xb8;
	[tilespmem:$0x1E800] =	vst v63  }
0x1ae: {  	s31 =	sadd.s32 $0x14100, s26  }
0x1af: {  	[tilespmem:s18], [sflag:$0x2] =	stream.indirect.gather [hbm4b:s2+s16], $0x80, s31, s16, $0xb8;
	[tilespmem:$0x1E800] =	vst v63  }
0x1b0: {  	s29 =	sadd.s32 $0x14200, s26  }
0x1b1: {  	[tilespmem:s19], [sflag:$0x3] =	stream.indirect.gather [hbm4b:s2+s16], $0x80, s29, s16, $0xb8;
	[tilespmem:$0x1E800] =	vst v63  }
0x1b2: {  	s30 =	sadd.s32 $0x14300, s26  }
0x1b3: {  	[tilespmem:s20], [sflag:$0x4] =	stream.indirect.gather [hbm4b:s2+s16], $0x80, s30, s16, $0xb8;
	[tilespmem:$0x1E800] =	vst v63  }
0x1b4: {  	_ =	swait.ge [sflag:s21], $0x2000  }
0x1b5: {  	[sflag:s21] =	ssyncset.done $0x0  }
0x1b6: {  	[sflag:s21] =	ssyncadd.s32 $0xFFFFE000  }
0x1b7: {  	_ =	swait.ge [sflag:s22], $0x2000  }
0x1b8: {  	[sflag:s22] =	ssyncset.done $0x0  }
0x1b9: {  	[sflag:s22] =	ssyncadd.s32 $0xFFFFE000  }
0x1ba: {  	_ =	swait.ge [sflag:s23], $0x2000  }
0x1bb: {  	[sflag:s23] =	ssyncset.done $0x0  }
0x1bc: {  	[sflag:s23] =	ssyncadd.s32 $0xFFFFE000  }
0x1bd: {  	_ =	swait.ge [sflag:s24], $0x2000  }
0x1be: {  	[sflag:s24] =	ssyncset.done $0x0  }
0x1bf: {  	s31 =	sadd.s32 $0x14080, s26;
	[sflag:s24] =	ssyncadd.s32 $0xFFFFE000  }
0x1c0: {  	[spmem:s3] =	stream.indirect.scatter.add.f32 [tilespmem:s17], [sflag:$0x5], $0x80, s31, s16, $0xb8;
	[tilespmem:$0x1E800] =	vst v63  }
0x1c1: {  	_ =	swait.ge [sflag:s14], $0x2000  }
0x1c2: {  	[sflag:s14] =	ssyncset.done $0x0  }
0x1c3: {  	s29 =	sadd.s32 $0x14180, s26;
	[sflag:s14] =	ssyncadd.s32 $0xFFFFE000  }
0x1c4: {  	[spmem:s3] =	stream.indirect.scatter.add.f32 [tilespmem:s18], [sflag:$0x5], $0x80, s29, s16, $0xb8;
	[tilespmem:$0x1E800] =	vst v63  }
0x1c5: {  	_ =	swait.ge [sflag:s14], $0x2000  }
0x1c6: {  	[sflag:s14] =	ssyncset.done $0x0  }
0x1c7: {  	s30 =	sadd.s32 $0x14280, s26;
	[sflag:s14] =	ssyncadd.s32 $0xFFFFE000  }
0x1c8: {  	[spmem:s3] =	stream.indirect.scatter.add.f32 [tilespmem:s19], [sflag:$0x5], $0x80, s30, s16, $0xb8;
	[tilespmem:$0x1E800] =	vst v63  }
0x1c9: {  	_ =	swait.ge [sflag:s14], $0x2000  }
0x1ca: {  	[sflag:s14] =	ssyncset.done $0x0  }
0x1cb: {  	s31 =	sadd.s32 $0x14380, s26;
	[sflag:s14] =	ssyncadd.s32 $0xFFFFE000  }
0x1cc: {  	[spmem:s3] =	stream.indirect.scatter.add.f32 [tilespmem:s20], [sflag:$0x5], $0x80, s31, s16, $0xb8;
	[tilespmem:$0x1E800] =	vst v63  }
0x1cd: {  	_ =	swait.ge [sflag:s14], $0x2000  }
0x1ce: {  	s25 =	sadd.s32 $0x1, s25;
	[sflag:s14] =	ssyncset.done $0x0  }
0x1cf: {  	p0 =	sne.s32 s25, s12;
	[sflag:s14] =	ssyncadd.s32 $0xFFFFE000  }
.Ltmp4:
0x1d0: {  	[bflag:$0x0] =	sbarrier.arrive $0xFFFF;
	(pc) =	sbr.rel @p0 .LBB2_1-.Ltmp4, $4  }
0x1d1: {  	[hbm:s11], [sflag:s6] =	dma.local [spmem:s13], $0x2800  }
0x1d2: {  	_ =	swait.ge [sflag:s14], $0x2800  }
0x1d3: {  	[sflag:s14] =	ssyncset.done $0x0  }
0x1d4: {  	[sflag:s14] =	ssyncadd.s32 $0xFFFFD800  }
0x1d5: {  	_ =	sfence.sel $0x180000  }
0x1d6: {  	[bflag:$0x0] =	sbarrier.arrive $0xFFFF  }
0x1d7: {  	p0 =	sne.s32 s0, $0x0;
	_ =	strace $0x9000004D  }
0x1d8: {  	s0 =	sadd.s32 @!p0 $0x100000, s1;
	[bflag:$0x2] =	sbarrier.arrive $0xFFFF  }
0x1d9: {  	[sflag:s0] =	ssyncadd.tile.s32 @!p0 $0x1;
	_ =	shalt  }
.Lfunc_end2:
_tile_overlayer_lowered:
.L_overlay_start_2:
0x1da: {  	(tag) =	ssettag $0x2  }
0x1db: {  	s0 =	rddreg [dreg:$0x0];
	s2 =	stileid.u32  }
0x1dc: {  	s1 =	rddreg [dreg:$0x1];
	p0 =	sne.s32 s2, $0x0  }
0x1dd: {  	s3 =	rddreg [dreg:$0x2];
	[bflag:$0x3] =	sbarrier.arrive $0xFFFF;
	s2 =	simm.s32 @!p0 $0x1C05  }
0x1de: {  	[timem:s3], [sflag:s2] =	dma.local @!p0 [hbm:s0], s1  }
0x1df: {  	s0 =	simm.s32 @!p0 $0x5  }
0x1e0: {  	_ =	swait.ge @!p0 [sflag:s0], s1  }
0x1e1: {  	s1 =	ssub.s32 @!p0 $0x0, s1;
	[sflag:s0] =	ssyncset.done @!p0 $0x0  }
0x1e2: {  	[sflag:s0] =	ssyncadd.s32 @!p0 s1  }
0x1e3: {  	[bflag:$0x3] =	sbarrier.arrive $0xFFFF  }
0x1e4: {  	_ =	shalt  }

// kernel: kernel.8.cloned.1.call-start
scs
__scs_entry_jumppad:
0x0: {  	(pc) =	sbr.rel $0x88, $3  }
0x1: {  	(tag) =	ssettag $0x0;
	lr =	simm.s32 $0x1  }
0x2: {  	[smem:$0x3F95] =	sst lr;
	_ =	strace $0xD0000000  }
0x3: {  	_ = 	snop  }
0x4: {  	_ = 	snop  }
0x5: {  	_ = 	snop  }
0x6: {  	_ = 	snop  }
0x7: {  	_ = 	snop  }
__scs_overlays_trampoline_lowered:
0x8: {  	[smem:$0x3FA4] =	sst s0  }
0x9: {  	[smem:$0x3FA5] =	sst s1  }
0xa: {  	[smem:$0x3FA6] =	sst s2  }
0xb: {  	[smem:$0x3FA7] =	sst s3  }
0xc: {  	[smem:$0x3FA8] =	sst s4  }
0xd: {  	[smem:$0x3FA9] =	sst s5  }
0xe: {  	[smem:$0x3FAA] =	sst s6  }
0xf: {  	[smem:$0x3FAB] =	sst s7  }
0x10: {  	[smem:$0x3FAC] =	sst s8  }
0x11: {  	[smem:$0x3FAD] =	sst s9;
	s0 =	simm.s32 @!p0 $0x0  }
0x12: {  	s1 =	sld [smem:$0x3F93];
	s0 =	simm.s32 @p0 $0x1  }
0x13: {  	[smem:$0x3FAE] =	sst s0;
	s0 =	simm.s32 @!p1 $0x0  }
0x14: {  	s2 =	sld [smem:$0x3F92];
	s0 =	simm.s32 @p1 $0x1  }
0x15: {  	[smem:$0x3FAF] =	sst s0;
	s0 =	simm.s32 @!p2 $0x0  }
0x16: {  	s3 =	sld [smem:$0x3FDB];
	s0 =	simm.s32 @p2 $0x1  }
0x17: {  	s4 =	simm.s32 $0x1BF5;
	[smem:$0x3FB1] =	sst s0  }
0x18: {  	s0 =	sld [smem:$0x3F94];
	_ =	swait.ge [sflag:s4], $0x0  }
0x19: {  	s7 =	sld [smem:$0x3F95]  }
0x1a: {  	s8 =	sadd.s32 $0xFFFFE003, lr  }
0x1b: {  	s9 =	sadd.s32 $0xFFFFFEF7, lr;
	s5 =	simm.s32 $0xFFFFFFFF;
	p2 =	slt.u32 s8, $0xFFFFF086  }
0x1c: {  	p1 =	slt.u32 s9, $0xF7A;
	s5 =	simm.s32 @!p2 $0x0  }
0x1d: {  	s5 =	simm.s32 @p1 $0x1;
	p0 =	seq.s32 s7, s2  }
0x1e: {  	s7 =	smul.u32 @!p0 $0xF7A, s2;
	p2 =	seq.s32 @!p0 s5, $0x0  }
0x1f: {  	s9 =	smul.u32 $0xF7A, s1;
	s8 =	simm.s32 @!p0 $0x1BF5;
	p2 =	por !p2, p0  }
0x20: {  	[sflag:s8] =	ssyncset.s32 @!p0 $0xFFFFF086;
	s6 =	sadd.s32 @!p0 s3, s7;
	s7 =	simm.s32 @!p0 $0x108  }
0x21: {  	s3 =	sadd.s32 s3, s9;
	s6 =	sadd.s32 @!p0 $0x88, s6;
	s7 =	simm.s32 @p2 $0x1082  }
0x22: {  	[simem:s7], [sflag:s8] =	dma.local @!p0 [hbm:s6], $0xF7A  }
0x23: {  	s9 =	sor.u32 $0xD0000000, s2;
	s6 =	simm.s32 $0x108;
	_ =	swait.ge @!p0 [sflag:s8], $0x0  }
0x24: {  	s3 =	sadd.s32 $0x88, s3;
	s6 =	simm.s32 @!p1 $0x1082;
	[sflag:s4] =	ssyncset.s32 $0xFFFFF086  }
0x25: {  	[simem:s6], [sflag:s4] =	dma.local [hbm:s3], $0xF7A  }
0x26: {  	[smem:$0x3F95] =	sst s1;
	(tag) =	ssettag s2;
	_ =	strace s9  }
0x27: {  	s1 =	sld [smem:$0x3FA5]  }
0x28: {  	s2 =	sld [smem:$0x3FA6]  }
0x29: {  	s4 =	sld [smem:$0x3FA8]  }
0x2a: {  	p0 =	seq.s32 s5, $0x0;
	s5 =	sld [smem:$0x3FA9]  }
0x2b: {  	s6 =	sld [smem:$0x3FAA]  }
0x2c: {  	s7 =	sld [smem:$0x3FAB]  }
0x2d: {  	s3 =	simm.s32 $0x108;
	s8 =	sld [smem:$0x3FAC]  }
0x2e: {  	s3 =	simm.s32 @!p0 $0x1082;
	s9 =	sld [smem:$0x3FAD]  }
0x2f: {  	lr =	sadd.s32 s0, s3;
	s0 =	sld [smem:$0x3FA4]  }
0x30: {  	s3 =	sld [smem:$0x3FA7]  }
0x31: {  	[smem:$0x3FB0] =	sst s10  }
0x32: {  	s10 =	sld [smem:$0x3FAE];
	_ =	sdelay $0x3  }
0x33: {  	p0 =	seq.s32 s10, $0x1;
	s10 =	sld [smem:$0x3FB0];
	_ =	sdelay $0x3  }
0x34: {  	[smem:$0x3FB0] =	sst s10  }
0x35: {  	s10 =	sld [smem:$0x3FAF];
	_ =	sdelay $0x3  }
0x36: {  	p1 =	seq.s32 s10, $0x1;
	s10 =	sld [smem:$0x3FB0];
	_ =	sdelay $0x3  }
0x37: {  	[smem:$0x3FB0] =	sst s10  }
0x38: {  	s10 =	sld [smem:$0x3FB1]  }
0x39: {  	_ = 	snop;
	(pc) =	sbr.ind lr, $3  }
0x3a: {  	_ = 	snop  }
0x3b: {  	_ = 	snop  }
0x3c: {  	p2 =	seq.s32 s10, $0x1;
	s10 =	sld [smem:$0x3FB0]  }
0x3d: {  	_ =	shalt  }
0x3e: {  	_ =	shalt  }
0x3f: {  	_ =	shalt  }
0x40: {  	_ =	shalt  }
0x41: {  	_ =	shalt  }
0x42: {  	_ =	shalt  }
0x43: {  	_ =	shalt  }
0x44: {  	_ =	shalt  }
0x45: {  	_ =	shalt  }
0x46: {  	_ =	shalt  }
0x47: {  	_ =	shalt  }
0x48: {  	_ =	shalt  }
0x49: {  	_ =	shalt  }
0x4a: {  	_ =	shalt  }
0x4b: {  	_ =	shalt  }
0x4c: {  	_ =	shalt  }
0x4d: {  	_ =	shalt  }
0x4e: {  	_ =	shalt  }
0x4f: {  	_ =	shalt  }
0x50: {  	_ =	shalt  }
0x51: {  	_ =	shalt  }
0x52: {  	_ =	shalt  }
0x53: {  	_ =	shalt  }
0x54: {  	_ =	shalt  }
0x55: {  	_ =	shalt  }
0x56: {  	_ =	shalt  }
0x57: {  	_ =	shalt  }
0x58: {  	_ =	shalt  }
0x59: {  	_ =	shalt  }
0x5a: {  	_ =	shalt  }
0x5b: {  	_ =	shalt  }
0x5c: {  	_ =	shalt  }
0x5d: {  	_ =	shalt  }
0x5e: {  	_ =	shalt  }
0x5f: {  	_ =	shalt  }
0x60: {  	_ =	shalt  }
0x61: {  	_ =	shalt  }
0x62: {  	_ =	shalt  }
0x63: {  	_ =	shalt  }
0x64: {  	_ =	shalt  }
0x65: {  	_ =	shalt  }
0x66: {  	_ =	shalt  }
0x67: {  	_ =	shalt  }
0x68: {  	_ =	shalt  }
0x69: {  	_ =	shalt  }
0x6a: {  	_ =	shalt  }
0x6b: {  	_ =	shalt  }
0x6c: {  	_ =	shalt  }
0x6d: {  	_ =	shalt  }
0x6e: {  	_ =	shalt  }
0x6f: {  	_ =	shalt  }
0x70: {  	_ =	shalt  }
0x71: {  	_ =	shalt  }
0x72: {  	_ =	shalt  }
0x73: {  	_ =	shalt  }
0x74: {  	_ =	shalt  }
0x75: {  	_ =	shalt  }
0x76: {  	_ =	shalt  }
0x77: {  	_ =	shalt  }
0x78: {  	_ =	shalt  }
0x79: {  	_ =	shalt  }
0x7a: {  	_ =	shalt  }
0x7b: {  	_ =	shalt  }
0x7c: {  	_ =	shalt  }
0x7d: {  	_ =	shalt  }
0x7e: {  	_ =	shalt  }
0x7f: {  	_ =	shalt  }
0x80: {  	_ =	shalt  }
0x81: {  	_ =	shalt  }
0x82: {  	_ =	shalt  }
0x83: {  	_ =	shalt  }
0x84: {  	_ =	shalt  }
0x85: {  	_ =	shalt  }
0x86: {  	_ =	shalt  }
0x87: {  	_ =	shalt  }
.Lfunc_end0:
.L_simem_size_0:
called_computation_lowered:
.L_overlay_start_0:
0x88: {  	s2 =	sld [smem:$0x3FD9]  }
0x89: {  	s3 =	sld [smem:$0x3FFE];
	_ =	sdelay $0x1  }
0x8a: {  	s1 =	srdreg.scid  }
0x8b: {  	s0 =	sand.u32 $0x1, s1  }
0x8c: {  	s17 =	sshll.u32 s0, $0xA;
	s2 =	sadd.s32 s3, s2  }
0x8d: {  	s2 =	sadd.s32 s2, s17  }
0x8e: {  	[smem:$0x3FBC] =	sst s2  }
0x8f: {  	_ = 	snop  }
0x90: {  	s2 =	sld [smem:$0x3FD0];
	(tm) =	ssettm $0x1  }
0x91: {  	s18 =	sld [smem:$0x3FFB];
	_ =	sdelay $0x3  }
0x92: {  	_ =	strace s18  }
0x93: {  	s3 =	sld [smem:$0x3FFC];
	_ =	sdelay $0x3  }
0x94: {  	_ =	strace s3  }
0x95: {  	s3 =	sld [smem:$0x3FFD];
	_ =	sdelay $0x3  }
0x96: {  	_ =	strace s3  }
0x97: {  	_ =	strace $0x8FFFFFFF  }
0x98: {  	s19 =	sld [smem:$0x3FDB];
	_ =	sdelay $0x1  }
0x99: {  	s4 =	simm.s32 $_scs_section_size  }
0x9a: {  	s5 =	simm.s32 $_size__tile_overlayer_lowered;
	s6 =	simm.s32 $_tile_overlayer_lowered  }
0x9b: {  	s22 =	simm.s32 $0x1BFF;
	s21 =	sshll.u32 s6, $0x1;
	s3 =	sadd.s32 s4, s19  }
0x9c: {  	s7 =	simm.s32 $0x0;
	s20 =	sshll.u32 s5, $0x1;
	s5 =	sadd.s32 s21, s3  }
0x9d: {  	[timem:s7], [sflag:s22] =	dma.local [hbm:s5], s20  }
0x9e: {  	_ =	swait.ge [sflag:s22], s20  }
0x9f: {  	s4 =	ssub.s32 $0x0, s20;
	[sflag:s22] =	ssyncset.done $0x0  }
0xa0: {  	[sflag:s22] =	ssyncadd.s32 s4;
	_ =	sdelay $0x1  }
0xa1: {  	s23 =	simm.s32 $0x1B8B  }
0xa2: {  	_ =	swait.ge [sflag:s23], $0x1  }
0xa3: {  	[sflag:s23] =	ssyncset.done $0x0  }
0xa4: {  	s25 =	simm.s32 $0x1B8E;
	s24 =	sld [smem:$0x3FFE];
	[sflag:s23] =	ssyncadd.s32 $0xFFFFFFFF  }
0xa5: {  	s26 =	simm.s32 $execute0_lowered;
	[smem:$0x3FD2] =	sst s25  }
0xa6: {  	s5 =	sshll.u32 s26, $0x1;
	_ =	strace $0x80000046;
	[dreg:$0x1] =	wrdreg $0xFFFFFFFF  }
0xa7: {  	s28 =	simm.s32 $_size_execute0_lowered;
	s3 =	sadd.s32 s3, s5;
	[dreg:$0x0] =	wrdreg $0x0  }
0xa8: {  	s5 =	sshll.u32 s28, $0x1;
	[dreg:$0x2] =	wrdreg s3  }
0xa9: {  	[dreg:$0x3] =	wrdreg s5  }
0xaa: {  	[dreg:$0x4] =	wrdreg $0xC0  }
0xab: {  	_ =	task [dreg:s7], $0x5FFFF  }
0xac: {  	[dreg:$0x1] =	wrdreg $0xFFFFFFFF  }
0xad: {  	[dreg:$0x0] =	wrdreg $0x60  }
0xae: {  	[dreg:$0x2] =	wrdreg s2  }
0xaf: {  	[dreg:$0x3] =	wrdreg s24  }
0xb0: {  	[dreg:$0x4] =	wrdreg $0x0  }
0xb1: {  	[dreg:$0x5] =	wrdreg $0x9  }
0xb2: {  	_ =	task.clear_ibuf [dreg:s7], $0x6FFFF;
	_ =	strace $0x90000046  }
0xb3: {  	s29 =	simm.s32 $0x9;
	_ =	strace $0x80000048  }
0xb4: {  	_ =	swait.ge [sflag:s29], $0x1  }
0xb5: {  	[sflag:s29] =	ssyncadd.s32 $0xFFFFFFFF  }
0xb6: {  	_ =	strace $0x90000048  }
0xb7: {  	_ =	sfence  }
0xb8: {  	s30 =	sld [smem:$0x0];
	_ =	sdelay $0x2  }
0xb9: {  	s31 =	sshll.u32 s1, $0xD;
	s1 =	sshrl.u32 s1, $0x2  }
0xba: {  	s3 =	sand.u32 $0x4000, s31;
	s1 =	sadd.s32 s1, s30  }
0xbb: {  	s0 =	sor.u32 s3, s0;
	s1 =	sshll.u32 s1, $0x11  }
0xbc: {  	s0 =	sor.u32 s1, s0  }
0xbd: {  	s0 =	sadd.s32 $0x8F2B, s0  }
0xbe: {  	[sflag:s0] =	ssyncadd.remote.s32 $0x1  }
0xbf: {  	_ =	sfence.sel $0xFFFF  }
0xc0: {  	[dreg:$0x0] =	wrdreg $0xFFFFFFFF;
	(pc) =	sbr.abs _section_cstart, $3  }
0xc1: {  	[dreg:$0x1] =	wrdreg $0xFFFFFFFF  }
0xc2: {  	_ =	task.clear_ibuf [dreg:s7], $0x2FFFF;
	_ =	strace $0x9FFFFFFF  }
0xc3: {  	(tm) =	ssettm $0x7FFFFFFF  }
tec
execute0_lowered:
.L_overlay_start_1:
0x0: {  	(tag) =	ssettag $0x1  }
0x1: {  	s5 =	rddreg [dreg:$0x0]  }
0x2: {  	s4 =	rddreg [dreg:$0x1]  }
0x3: {  	s1 =	rddreg [dreg:$0x2];
	s2 =	srdreg.scid  }
0x4: {  	s0 =	rddreg [dreg:$0x3];
	s3 =	simm.s32 $0x0;
	s11 =	simm.s32 $0x40  }
0x5: {  	s12 =	simm.s32 $0x7800;
	s6 =	sand.u32 $0x1, s2;
	s2 =	stileid.u32  }
0x6: {  	s13 =	simm.s32 $0x1D800;
	[smem:$0x7FF] =	sst s3;
	s7 =	smul.u32 $0x28000, s6  }
0x7: {  	s14 =	simm.s32 $0x0;
	s8 =	smul.u32 $0x2800, s2;
	_ =	strace $0x80000047  }
0x8: {  	s9 =	sshll.u32 s6, $0x4;
	s30 =	smul.u32 $0x50000, s2;
	s6 =	ssub.s32 $0x2, s6  }
0x9: {  	s29 =	sor.u32 s2, s9;
	s31 =	sshrl.u32 s6, $0x1;
	s7 =	sadd.s32 s8, s7  }
0xa: {  	s8 =	smul.u32 $0xA00, s29;
	s9 =	sshrl.u32 s30, $0x2;
	s7 =	sshrl.u32 s7, $0x3  }
0xb: {  	s10 =	ssub.s32 s6, s31;
	s7 =	sadd.s32 s7, s4;
	s4 =	sadd.s32 s9, s1  }
0xc: {  	s5 =	sadd.s32 s5, s8;
	s8 =	simm.s32 $0x9800;
	s9 =	simm.s32 $0x1  }
0xd: {  	v0 =	vimm.f32 $1.000000000e+00;
	v1 =	vimm.f32 $0.0e+00;
	s6 =	sadd.s32 $0x2800, s7;
	s7 =	smax.u32 s10, $0x1;
	s10 =	simm.s32 $0x2800  }
.LBB2_1:
0xe: {  	s15 =	simm.s32 $0x0  }
.LBB2_2:
0xf: {  	p0 =	sne.s32 s15, $0x7E00  }
.Ltmp0:
0x10: {  	_ = 	snop;
	(pc) =	sbr.rel @p0 .LBB2_2-.Ltmp0, $3  }
0x11: {  	_ =	sdelay $0x1  }
0x12: {  	s16 =	sshra.s32 s15, $0x2  }
0x13: {  	s15 =	sadd.s32 $0x200, s15;
	[tilespmem:s16+$0x7800] =	vst v0  }
0x14: {  	s15 =	simm.s32 $0x200;
	s16 =	simm.s32 $0x0  }
.LBB2_4:
0x15: {  	p0 =	sne.s32 s15, $0x4FE00;
	[tilespmem:s16+$0x9800] =	vst v1;
	s16 =	smov.u32 s15;
	s15 =	sadd.s32 $0x200, s15  }
.Ltmp1:
0x16: {  	(pc) =	sbr.rel @p0 .LBB2_4-.Ltmp1, $2  }
0x17: {  	_ =	sdelay $0x2  }
0x18: {  	s16 =	sshra.s32 s16, $0x2  }
0x19: {  	[tilespmem:s16+$0x9800] =	vst v1  }
0x1a: {  	[spmem:s4] =	stream.linear.scatter [tilespmem:s8], [sflag:$0x1], $0x14000, $0x38;
	v63 =	vld [tilespmem:$0x0]  }
0x1b: {  	_ =	swait.ge [sflag:s9], $0x14000  }
0x1c: {  	[sflag:s9] =	ssyncset.done $0x0  }
0x1d: {  	s15 =	simm.s32 $0x0;
	[sflag:s9] =	ssyncadd.s32 $0xFFFEC000  }
0x1e: {  	[tilespmem:s10], [sflag:$0x1] =	stream.linear.gather [hbm4b:s5+s15], $0x5000, $0x38;
	v63 =	vld [tilespmem:$0x0]  }
0x1f: {  	_ =	swait.ge [sflag:s9], $0x5000  }
0x20: {  	[sflag:s9] =	ssyncset.done $0x0  }
0x21: {  	[sflag:s9] =	ssyncadd.s32 $0xFFFFB000  }
0x22: {  	s31 =	simm.s32 $0x2800;
	[bflag:$0x0] =	sbarrier.arrive $0xFFFF  }
0x23: {  	[spmem:s1] =	stream.indirect.scatter.add.f32 [tilespmem:s12], [sflag:$0x1], $0x10, s31, s11, $0xb8;
	v63 =	vld [tilespmem:$0x0]  }
0x24: {  	s15 =	simm.s32 $0x200;
	_ =	swait.ge [sflag:s9], $0x400  }
.LBB2_6:
0x25: {  	s16 =	sshra.s32 s15, $0x2;
	[sflag:s9] =	ssyncset.done $0x0;
	p0 =	sne.s32 s15, $0x13E00  }
.Ltmp2:
0x26: {  	s16 =	sadd.s32 $0x2800, s16;
	[sflag:s9] =	ssyncadd.s32 $0xFFFFFC00;
	(pc) =	sbr.rel @p0 .LBB2_6-.Ltmp2, $3  }
0x27: {  	[spmem:s1] =	stream.indirect.scatter.add.f32 [tilespmem:s12], [sflag:$0x1], $0x10, s16, s11, $0xb8;
	v63 =	vld [tilespmem:$0x0]  }
0x28: {  	s15 =	sadd.s32 $0x200, s15;
	_ =	sdelay $0x1  }
0x29: {  	_ =	swait.ge [sflag:s9], $0x400  }
0x2a: {  	[sflag:s9] =	ssyncset.done $0x0  }
0x2b: {  	[sflag:s9] =	ssyncadd.s32 $0xFFFFFC00  }
0x2c: {  	[bflag:$0x0] =	sbarrier.arrive $0xFFFF  }
0x2d: {  	[tilespmem:s8], [sflag:$0x1] =	stream.linear.gather [spmem:s4], $0x14000, $0x38;
	v63 =	vld [tilespmem:$0x0]  }
0x2e: {  	_ =	swait.ge [sflag:s9], $0x14000  }
0x2f: {  	[sflag:s9] =	ssyncset.done $0x0  }
0x30: {  	s16 =	simm.s32 $0x0;
	[sflag:s9] =	ssyncadd.s32 $0xFFFEC000  }
0x31: {  	v2 =	vld [tilespmem:s16+$0x9800];
	_ =	sdelay $0x3  }
0x32: {  	s15 =	simm.s32 $0x1D840  }
0x33: {  	[tilespmem:s15+$0xFFFFFFC0] =	vst v2  }
0x34: {  	v2 =	vld [tilespmem:s16+$0x9880];
	_ =	sdelay $0x4  }
0x35: {  	[tilespmem:s15+$0xFFFFFFD0] =	vst v2  }
0x36: {  	v2 =	vld [tilespmem:s16+$0x9900];
	_ =	sdelay $0x4  }
0x37: {  	[tilespmem:s15+$0xFFFFFFE0] =	vst v2  }
0x38: {  	v2 =	vld [tilespmem:s16+$0x9980];
	_ =	sdelay $0x4  }
0x39: {  	[tilespmem:s15+$0xFFFFFFF0] =	vst v2  }
0x3a: {  	v2 =	vld [tilespmem:s16+$0x9A00];
	_ =	sdelay $0x4  }
0x3b: {  	[tilespmem:s15+$0x0] =	vst v2  }
0x3c: {  	v2 =	vld [tilespmem:s16+$0x9A80];
	_ =	sdelay $0x4  }
0x3d: {  	[tilespmem:s15+$0x10] =	vst v2  }
0x3e: {  	v2 =	vld [tilespmem:s16+$0x9B00];
	_ =	sdelay $0x4  }
0x3f: {  	[tilespmem:s15+$0x20] =	vst v2  }
0x40: {  	v2 =	vld [tilespmem:s16+$0x9B80];
	_ =	sdelay $0x4  }
0x41: {  	s17 =	simm.s32 $0x2000;
	s16 =	simm.s32 $0x400;
	[tilespmem:s15+$0x30] =	vst v2  }
.LBB2_8:
0x42: {  	p0 =	sne.s32 s17, $0x4F000;
	v2 =	vld [tilespmem:s16+$0x9800];
	_ =	sdelay $0x3  }
0x43: {  	s15 =	sadd.s32 $0x80, s15  }
0x44: {  	[tilespmem:s15+$0xFFFFFFC0] =	vst v2  }
0x45: {  	v2 =	vld [tilespmem:s16+$0x9880];
	_ =	sdelay $0x4  }
0x46: {  	[tilespmem:s15+$0xFFFFFFD0] =	vst v2  }
0x47: {  	v2 =	vld [tilespmem:s16+$0x9900];
	_ =	sdelay $0x4  }
0x48: {  	[tilespmem:s15+$0xFFFFFFE0] =	vst v2  }
0x49: {  	v2 =	vld [tilespmem:s16+$0x9980];
	_ =	sdelay $0x4  }
0x4a: {  	[tilespmem:s15+$0xFFFFFFF0] =	vst v2  }
0x4b: {  	v2 =	vld [tilespmem:s16+$0x9A00];
	_ =	sdelay $0x4  }
0x4c: {  	[tilespmem:s15+$0x0] =	vst v2  }
0x4d: {  	v2 =	vld [tilespmem:s16+$0x9A80];
	_ =	sdelay $0x4  }
0x4e: {  	[tilespmem:s15+$0x10] =	vst v2  }
0x4f: {  	v2 =	vld [tilespmem:s16+$0x9B00];
	_ =	sdelay $0x4  }
0x50: {  	[tilespmem:s15+$0x20] =	vst v2  }
0x51: {  	v2 =	vld [tilespmem:s16+$0x9B80]  }
.Ltmp3:
0x52: {  	(pc) =	sbr.rel @p0 .LBB2_8-.Ltmp3, $2  }
0x53: {  	_ =	sdelay $0x2  }
0x54: {  	s16 =	sshra.s32 s17, $0x2;
	s17 =	sadd.s32 $0x1000, s17;
	[tilespmem:s15+$0x30] =	vst v2  }
0x55: {  	v2 =	vld [tilespmem:s16+$0x9800];
	_ =	sdelay $0x3  }
0x56: {  	s15 =	sadd.s32 $0x80, s15  }
0x57: {  	[tilespmem:s15+$0xFFFFFFC0] =	vst v2  }
0x58: {  	v2 =	vld [tilespmem:s16+$0x9880];
	_ =	sdelay $0x4  }
0x59: {  	[tilespmem:s15+$0xFFFFFFD0] =	vst v2  }
0x5a: {  	v2 =	vld [tilespmem:s16+$0x9900];
	_ =	sdelay $0x4  }
0x5b: {  	[tilespmem:s15+$0xFFFFFFE0] =	vst v2  }
0x5c: {  	v2 =	vld [tilespmem:s16+$0x9980];
	_ =	sdelay $0x4  }
0x5d: {  	[tilespmem:s15+$0xFFFFFFF0] =	vst v2  }
0x5e: {  	v2 =	vld [tilespmem:s16+$0x9A00];
	_ =	sdelay $0x4  }
0x5f: {  	[tilespmem:s15+$0x0] =	vst v2  }
0x60: {  	v2 =	vld [tilespmem:s16+$0x9A80];
	_ =	sdelay $0x4  }
0x61: {  	[tilespmem:s15+$0x10] =	vst v2  }
0x62: {  	v2 =	vld [tilespmem:s16+$0x9B00];
	_ =	sdelay $0x4  }
0x63: {  	[tilespmem:s15+$0x20] =	vst v2  }
0x64: {  	v2 =	vld [tilespmem:s16+$0x9B80];
	_ =	sdelay $0x2  }
0x65: {  	s14 =	sadd.s32 $0x1, s14  }
0x66: {  	p0 =	sne.s32 s14, s7  }
.Ltmp4:
0x67: {  	[tilespmem:s15+$0x30] =	vst v2;
	(pc) =	sbr.rel @p0 .LBB2_1-.Ltmp4, $4  }
0x68: {  	[hbm4b:s6+s3] =	stream.linear.scatter [tilespmem:s13], [sflag:$0x1], $0x2800, $0x38;
	v63 =	vld [tilespmem:$0x0]  }
0x69: {  	_ =	swait.ge [sflag:s9], $0x2800  }
0x6a: {  	[sflag:s9] =	ssyncset.done $0x0  }
0x6b: {  	[sflag:s9] =	ssyncadd.s32 $0xFFFFD800  }
0x6c: {  	_ =	sfence.sel $0x180000  }
0x6d: {  	[bflag:$0x0] =	sbarrier.arrive $0xFFFF  }
0x6e: {  	p0 =	sne.s32 s2, $0x0;
	_ =	strace $0x90000047  }
0x6f: {  	s0 =	sadd.s32 @!p0 $0x100000, s0;
	[bflag:$0x2] =	sbarrier.arrive $0xFFFF  }
0x70: {  	[sflag:s0] =	ssyncadd.tile.s32 @!p0 $0x1;
	_ =	shalt  }
.Lfunc_end2:
_tile_overlayer_lowered:
.L_overlay_start_2:
0x71: {  	(tag) =	ssettag $0x2  }
0x72: {  	s0 =	rddreg [dreg:$0x0];
	s2 =	stileid.u32  }
0x73: {  	s1 =	rddreg [dreg:$0x1];
	p0 =	sne.s32 s2, $0x0  }
0x74: {  	s3 =	rddreg [dreg:$0x2];
	[bflag:$0x3] =	sbarrier.arrive $0xFFFF;
	s2 =	simm.s32 @!p0 $0x1C01  }
0x75: {  	[timem:s3], [sflag:s2] =	dma.local @!p0 [hbm:s0], s1  }
0x76: {  	s0 =	simm.s32 @!p0 $0x1  }
0x77: {  	_ =	swait.ge @!p0 [sflag:s0], s1  }
0x78: {  	s1 =	ssub.s32 @!p0 $0x0, s1;
	[sflag:s0] =	ssyncset.done @!p0 $0x0  }
0x79: {  	[sflag:s0] =	ssyncadd.s32 @!p0 s1  }
0x7a: {  	[bflag:$0x3] =	sbarrier.arrive $0xFFFF  }
0x7b: {  	_ =	shalt  }

</sc_bundles>
